<compile_context>
chip_gen: v7x
topology: tpu7x:2x2x1
jax: 0.10.2.dev20260603
libtpu: 0.0.44.dev20260713+nightly
codegen_flags: <defaults>
</compile_context>

<pallas_src>
import functools

import jax
import jax.numpy as jnp
from jax import lax
from jax.experimental import pallas as pl
from jax.experimental.pallas import tpu as pltpu
from jax.experimental.pallas import tpu_sc as plsc

_N_TREES = 100
_NUM_LEAVES = 1024
_EMB = 16
_BATCH = 16384

_NC = 2
_NS = 16
_NW = _NC * _NS

_CHUNK = 2048
_BCHUNKS = _BATCH // _CHUNK
_N_UNITS = _N_TREES * _BCHUNKS
_UNITS_PER_W = _N_UNITS // _NW


def _sc_gather(tables, leaves_t):
  mesh = plsc.VectorSubcoreMesh(
      core_axis_name="c", subcore_axis_name="s",
      num_cores=_NC, num_subcores=_NS)

  @functools.partial(
      pl.kernel,
      out_type=jax.ShapeDtypeStruct((_BATCH, _N_TREES * _EMB), jnp.float32),
      mesh=mesh,
      scratch_types=[
          pltpu.VMEM_SHARED((_N_TREES // _NC, _NUM_LEAVES, _EMB), jnp.float32),
          pltpu.VMEM((_CHUNK,), jnp.int32),
          pltpu.VMEM((_CHUNK,), jnp.int32),
          pltpu.VMEM((_CHUNK, _EMB), jnp.float32),
          pltpu.VMEM((_CHUNK, _EMB), jnp.float32),
          pltpu.SemaphoreType.DMA,
          pltpu.SemaphoreType.DMA,
          pltpu.SemaphoreType.DMA,
          pltpu.SemaphoreType.DMA,
          pltpu.SemaphoreType.DMA,
          pltpu.SemaphoreType.DMA,
      ],
      compiler_params=pltpu.CompilerParams(use_tc_tiling_on_sc=False),
  )
  def k(tables_hbm, leaves_hbm, out_hbm,
        table_sh, idx0, idx1, rows0, rows1,
        si0, si1, sg0, sg1, sw0, sw1):
    sid = lax.axis_index("s")
    cid = lax.axis_index("c")
    idx = (idx0, idx1)
    rows = (rows0, rows1)
    si = (si0, si1)
    sg = (sg0, sg1)
    sw = (sw0, sw1)
    tpc = _N_TREES // _NC

    pltpu.sync_copy(
        tables_hbm.at[pl.ds(cid * tpc, tpc),
                      pl.ds(sid * (_NUM_LEAVES // _NS), _NUM_LEAVES // _NS), :],
        table_sh.at[:, pl.ds(sid * (_NUM_LEAVES // _NS), _NUM_LEAVES // _NS), :])
    plsc.subcore_barrier()

    def unit(kk):
      u = sid + _NS * kk
      return u // _BCHUNKS, (u % _BCHUNKS) * _CHUNK

    t0, b0 = unit(0)
    pltpu.async_copy(
        leaves_hbm.at[cid * tpc + t0, pl.ds(b0, _CHUNK)], idx[0], si[0])

    for kk in range(_UNITS_PER_W):
      b = kk & 1
      t, bb = unit(kk)
      tg = cid * tpc + t
      pltpu.make_async_copy(
          leaves_hbm.at[tg, pl.ds(bb, _CHUNK)], idx[b], si[b]).wait()
      if kk >= 2:
        tp, bp = unit(kk - 2)
        pltpu.make_async_copy(
            rows[b],
            out_hbm.at[pl.ds(bp, _CHUNK),
                       pl.ds((cid * tpc + tp) * _EMB, _EMB)],
            sw[b]).wait()
      pltpu.async_copy(table_sh.at[t].at[idx[b]], rows[b], sg[b])
      if kk + 1 < _UNITS_PER_W:
        tn, bn = unit(kk + 1)
        pltpu.async_copy(
            leaves_hbm.at[cid * tpc + tn, pl.ds(bn, _CHUNK)],
            idx[1 - b], si[1 - b])
      pltpu.make_async_copy(
          table_sh.at[t].at[idx[b]], rows[b], sg[b]).wait()
      pltpu.async_copy(
          rows[b],
          out_hbm.at[pl.ds(bb, _CHUNK), pl.ds(tg * _EMB, _EMB)],
          sw[b])

    for kk in (_UNITS_PER_W - 2, _UNITS_PER_W - 1):
      b = kk & 1
      t, bb = unit(kk)
      pltpu.make_async_copy(
          rows[b],
          out_hbm.at[pl.ds(bb, _CHUNK),
                     pl.ds((cid * tpc + t) * _EMB, _EMB)],
          sw[b]).wait()

  return k(tables, leaves_t)


@jax.jit
def kernel(leaves, tables):
  leaves_t = leaves.T
  return _sc_gather(tables, leaves_t)

# --- scband reference (transcript-rebuilt; emitter-appended) ---
"""Pipeline reference for scband-leaf-embedder-17952963297682 (READ-ONLY COPY).

The authoritative reference and input builder live on the scoring server;
editing this copy changes nothing except your own understanding.
"""

import jax, jax.numpy as jnp
import numpy as np

N_TREES = 100
NUM_LEAVES = 1024
EMB_DIM = 16
BATCH = 16384


def setup_inputs(seed: int = 0) -> dict:
    key = jax.random.key(seed)
    k1, k2 = jax.random.split(key)
    leaves = jax.random.randint(k1, (BATCH, N_TREES), 0, NUM_LEAVES, dtype=jnp.int32)
    # xavier_uniform init per table: limit = sqrt(6 / (fan_in + fan_out))
    limit = float(np.sqrt(6.0 / (NUM_LEAVES + EMB_DIM)))
    tables = jax.random.uniform(k2, (N_TREES, NUM_LEAVES, EMB_DIM), dtype=jnp.float32, minval=-limit, maxval=limit)
    return {"leaves": leaves, "tables": tables}


def reference(leaves, tables):
    # Original: zs = [tables[t](leaves[:, t]) for t in range(n_trees)]; cat(zs, -1)
    # Vectorized equivalent: for each (b, t), gather tables[t, leaves[b, t]] -> [B, T, D]
    T = tables.shape[0]
    B = leaves.shape[0]
    t_idx = jnp.arange(T)[None, :]  # [1, T]
    gathered = tables[t_idx, leaves]  # advanced indexing -> [B, T, D]
    # reshape([B, T*D]) is exactly concat of per-tree embeddings along last dim
    return gathered.reshape(B, T * tables.shape[2])

if __name__ == "__main__":
    import jax
    _d = setup_inputs()
    print(jax.jit(kernel)(*tuple(_d.values())))

</pallas_src>

<mosaic_0001>
#map = affine_map<(d0, d1) -> (0, 0, 0)>
#map1 = affine_map<(d0, d1) -> (0, 0)>
module attributes {stable_mosaic.version = 14 : i64} {
  func.func @k(%arg0: i32, %arg1: i32, %arg2: memref<100x1024x16xf32, #tpu.memory_space<hbm>>, %arg3: memref<100x16384xi32, #tpu.memory_space<hbm>>, %arg4: memref<16384x1600xf32, #tpu.memory_space<hbm>>, %arg5: memref<50x1024x16xf32, #tpu.memory_space<vmem_shared>>, %arg6: memref<2048xi32, #tpu.memory_space<vmem>>, %arg7: memref<2048xi32, #tpu.memory_space<vmem>>, %arg8: memref<2048x16xf32, #tpu.memory_space<vmem>>, %arg9: memref<2048x16xf32, #tpu.memory_space<vmem>>, %arg10: memref<!tpu.dma_semaphore, #tpu.memory_space<semaphore_mem>>, %arg11: memref<!tpu.dma_semaphore, #tpu.memory_space<semaphore_mem>>, %arg12: memref<!tpu.dma_semaphore, #tpu.memory_space<semaphore_mem>>, %arg13: memref<!tpu.dma_semaphore, #tpu.memory_space<semaphore_mem>>, %arg14: memref<!tpu.dma_semaphore, #tpu.memory_space<semaphore_mem>>, %arg15: memref<!tpu.dma_semaphore, #tpu.memory_space<semaphore_mem>>) attributes {dimension_semantics = [#tpu.dimension_semantics<core_parallel>, #tpu.dimension_semantics<subcore_parallel>], iteration_bounds = array<i64: 2, 16>, scalar_prefetch = 0 : i64, scratch_operands = 11 : i64, tpu.core_type = #tpu.core_type<sc_vector_subcore>, window_params = [{transform_indices = #map}, {transform_indices = #map1}, {transform_indices = #map1}]} {
    %mul3A = arith.constant 50 : i32
    %mul3A_0 = arith.muli %arg0, %mul3A : i32
    %mul3A_1 = arith.constant 64 : i32
    %mul3A_2 = arith.muli %arg1, %mul3A_1 : i32
    %mul3A_3 = arith.constant 64 : i32
    %mul3A_4 = arith.muli %arg1, %mul3A_3 : i32
    "tpu.region"() ({
      %run_scoped3A = tpu.sem_alloc : memref<!tpu.dma_semaphore, #tpu.memory_space<semaphore_mem>>
      %dma_start3A_4267 = arith.constant 0 : i32
      %dma_start3A_4268 = arith.constant 0 : i32
      %dma_start3A_4269 = tpu.memref_slice %arg5[%dma_start3A_4267, %mul3A_4, %dma_start3A_4268] : memref<50x1024x16xf32, #tpu.memory_space<vmem_shared>> -> memref<50x64x16xf32, #tpu.memory_space<vmem_shared>>
      %dma_start3A_4270 = arith.constant 0 : i32
      %dma_start3A_4271 = tpu.memref_slice %arg2[%mul3A_0, %mul3A_2, %dma_start3A_4270] : memref<100x1024x16xf32, #tpu.memory_space<hbm>> -> memref<50x64x16xf32, #tpu.memory_space<hbm>>
      tpu.enqueue_dma source(%dma_start3A_4271 : memref<50x64x16xf32, #tpu.memory_space<hbm>>) target(%dma_start3A_4269 : memref<50x64x16xf32, #tpu.memory_space<vmem_shared>>) target_semaphore(%run_scoped3A : memref<!tpu.dma_semaphore, #tpu.memory_space<semaphore_mem>>)
      %dma_wait3A_4272 = arith.constant 0 : i32
      %dma_wait3A_4273 = arith.constant 0 : i32
      %dma_wait3A_4274 = tpu.memref_slice %arg5[%dma_wait3A_4272, %mul3A_4, %dma_wait3A_4273] : memref<50x1024x16xf32, #tpu.memory_space<vmem_shared>> -> memref<50x64x16xf32, #tpu.memory_space<vmem_shared>>
      %dma_wait3A_4275 = arith.constant 0 : i32
      %dma_wait3A_4276 = tpu.memref_slice %arg2[%mul3A_0, %mul3A_2, %dma_wait3A_4275] : memref<100x1024x16xf32, #tpu.memory_space<hbm>> -> memref<50x64x16xf32, #tpu.memory_space<hbm>>
      tpu.wait_dma2 semaphore(%run_scoped3A : memref<!tpu.dma_semaphore, #tpu.memory_space<semaphore_mem>>) src(%dma_wait3A_4276 : memref<50x64x16xf32, #tpu.memory_space<hbm>>) dst(%dma_wait3A_4274 : memref<50x64x16xf32, #tpu.memory_space<vmem_shared>>)
      tpu.yield
    }) : () -> ()
    %barrier3A = arith.constant 0 : index
    tpu.barrier barrier_id(%barrier3A)
    %add3A = arith.constant 0 : i32
    %add3A_5 = arith.addi %arg1, %add3A : i32
    %jit3A = arith.constant 8 : i32
    %div3A = arith.divsi %add3A_5, %jit3A : i32
    %sign3A = arith.constant 0 : i32
    %sign3A_6 = arith.cmpi sgt, %add3A_5, %sign3A : i32
    %sign3A_7 = arith.extui %sign3A_6 : i1 to i32
    %sign3A_8 = arith.constant 0 : i32
    %sign3A_9 = arith.cmpi slt, %add3A_5, %sign3A_8 : i32
    %sign3A_10 = arith.extui %sign3A_9 : i1 to i32
    %sign3A_11 = arith.subi %sign3A_7, %sign3A_10 : i32
    %sign3A_12 = arith.constant 0 : i32
    %sign3A_13 = arith.cmpi sgt, %jit3A, %sign3A_12 : i32
    %sign3A_14 = arith.extui %sign3A_13 : i1 to i32
    %sign3A_15 = arith.constant 0 : i32
    %sign3A_16 = arith.cmpi slt, %jit3A, %sign3A_15 : i32
    %sign3A_17 = arith.extui %sign3A_16 : i1 to i32
    %sign3A_18 = arith.subi %sign3A_14, %sign3A_17 : i32
    %ne3A = arith.cmpi ne, %sign3A_11, %sign3A_18 : i32
    %rem3A = arith.remsi %add3A_5, %jit3A : i32
    %ne3A_19 = arith.constant 0 : i32
    %ne3A_20 = arith.cmpi ne, %rem3A, %ne3A_19 : i32
    %and3A = arith.andi %ne3A, %ne3A_20 : i1
    %sub3A = arith.constant 1 : i32
    %sub3A_21 = arith.subi %div3A, %sub3A : i32
    %select_n3A = arith.select %and3A, %sub3A_21, %div3A : i32
    %jit3A_22 = arith.constant 8 : i32
    %eq3A = arith.constant 0 : i32
    %eq3A_23 = arith.cmpi eq, %jit3A_22, %eq3A : i32
    %jit3A_24 = arith.constant 1 : i32
    %select_n3A_25 = arith.select %eq3A_23, %jit3A_24, %jit3A_22 : i32
    %rem3A_26 = arith.remsi %add3A_5, %select_n3A_25 : i32
    %ne3A_27 = arith.constant 0 : i32
    %ne3A_28 = arith.cmpi ne, %rem3A_26, %ne3A_27 : i32
    %lt3A = arith.constant 0 : i32
    %lt3A_29 = arith.cmpi slt, %rem3A_26, %lt3A : i32
    %lt3A_30 = arith.constant 0 : i32
    %lt3A_31 = arith.cmpi slt, %select_n3A_25, %lt3A_30 : i32
    %ne3A_32 = arith.xori %lt3A_29, %lt3A_31 : i1
    %and3A_33 = arith.andi %ne3A_32, %ne3A_28 : i1
    %add3A_34 = arith.addi %rem3A_26, %select_n3A_25 : i32
    %select_n3A_35 = arith.select %and3A_33, %add3A_34, %rem3A_26 : i32
    %mul3A_36 = arith.constant 2048 : i32
    %mul3A_37 = arith.muli %select_n3A_35, %mul3A_36 : i32
    %mul3A_38 = arith.constant 50 : i32
    %mul3A_39 = arith.muli %arg0, %mul3A_38 : i32
    %add3A_40 = arith.addi %mul3A_39, %select_n3A : i32
    %dma_start3A = tpu.memref_slice %arg3[%add3A_40, %mul3A_37] : memref<100x16384xi32, #tpu.memory_space<hbm>> -> memref<1x2048xi32, #tpu.memory_space<hbm>>
    %dma_start3A_41 = tpu.memref_squeeze %dma_start3A : memref<1x2048xi32, #tpu.memory_space<hbm>> -> memref<2048xi32, #tpu.memory_space<hbm>>
    %dma_start3A_42 = tpu.memref_slice %arg3[%add3A_40, %mul3A_37] : memref<100x16384xi32, #tpu.memory_space<hbm>> -> memref<1x2048xi32, #tpu.memory_space<hbm>>
    %dma_start3A_43 = tpu.memref_squeeze %dma_start3A_42 : memref<1x2048xi32, #tpu.memory_space<hbm>> -> memref<2048xi32, #tpu.memory_space<hbm>>
    tpu.enqueue_dma source(%dma_start3A_43 : memref<2048xi32, #tpu.memory_space<hbm>>) target(%arg6 : memref<2048xi32, #tpu.memory_space<vmem>>) target_semaphore(%arg10 : memref<!tpu.dma_semaphore, #tpu.memory_space<semaphore_mem>>)
    %add3A_44 = arith.constant 0 : i32
    %add3A_45 = arith.addi %arg1, %add3A_44 : i32
    %jit3A_46 = arith.constant 8 : i32
    %div3A_47 = arith.divsi %add3A_45, %jit3A_46 : i32
    %sign3A_48 = arith.constant 0 : i32
    %sign3A_49 = arith.cmpi sgt, %add3A_45, %sign3A_48 : i32
    %sign3A_50 = arith.extui %sign3A_49 : i1 to i32
    %sign3A_51 = arith.constant 0 : i32
    %sign3A_52 = arith.cmpi slt, %add3A_45, %sign3A_51 : i32
    %sign3A_53 = arith.extui %sign3A_52 : i1 to i32
    %sign3A_54 = arith.subi %sign3A_50, %sign3A_53 : i32
    %sign3A_55 = arith.constant 0 : i32
    %sign3A_56 = arith.cmpi sgt, %jit3A_46, %sign3A_55 : i32
    %sign3A_57 = arith.extui %sign3A_56 : i1 to i32
    %sign3A_58 = arith.constant 0 : i32
    %sign3A_59 = arith.cmpi slt, %jit3A_46, %sign3A_58 : i32
    %sign3A_60 = arith.extui %sign3A_59 : i1 to i32
    %sign3A_61 = arith.subi %sign3A_57, %sign3A_60 : i32
    %ne3A_62 = arith.cmpi ne, %sign3A_54, %sign3A_61 : i32
    %rem3A_63 = arith.remsi %add3A_45, %jit3A_46 : i32
    %ne3A_64 = arith.constant 0 : i32
    %ne3A_65 = arith.cmpi ne, %rem3A_63, %ne3A_64 : i32
    %and3A_66 = arith.andi %ne3A_62, %ne3A_65 : i1
    %sub3A_67 = arith.constant 1 : i32
    %sub3A_68 = arith.subi %div3A_47, %sub3A_67 : i32
    %select_n3A_69 = arith.select %and3A_66, %sub3A_68, %div3A_47 : i32
    %jit3A_70 = arith.constant 8 : i32
    %eq3A_71 = arith.constant 0 : i32
    %eq3A_72 = arith.cmpi eq, %jit3A_70, %eq3A_71 : i32
    %jit3A_73 = arith.constant 1 : i32
    %select_n3A_74 = arith.select %eq3A_72, %jit3A_73, %jit3A_70 : i32
    %rem3A_75 = arith.remsi %add3A_45, %select_n3A_74 : i32
    %ne3A_76 = arith.constant 0 : i32
    %ne3A_77 = arith.cmpi ne, %rem3A_75, %ne3A_76 : i32
    %lt3A_78 = arith.constant 0 : i32
    %lt3A_79 = arith.cmpi slt, %rem3A_75, %lt3A_78 : i32
    %lt3A_80 = arith.constant 0 : i32
    %lt3A_81 = arith.cmpi slt, %select_n3A_74, %lt3A_80 : i32
    %ne3A_82 = arith.xori %lt3A_79, %lt3A_81 : i1
    %and3A_83 = arith.andi %ne3A_82, %ne3A_77 : i1
    %add3A_84 = arith.addi %rem3A_75, %select_n3A_74 : i32
    %select_n3A_85 = arith.select %and3A_83, %add3A_84, %rem3A_75 : i32
    %mul3A_86 = arith.constant 2048 : i32
    %mul3A_87 = arith.muli %select_n3A_85, %mul3A_86 : i32
    %mul3A_88 = arith.constant 50 : i32
    %mul3A_89 = arith.muli %arg0, %mul3A_88 : i32
    %add3A_90 = arith.addi %mul3A_89, %select_n3A_69 : i32
    %dma_wait3A = tpu.memref_slice %arg3[%add3A_90, %mul3A_87] : memref<100x16384xi32, #tpu.memory_space<hbm>> -> memref<1x2048xi32, #tpu.memory_space<hbm>>
    %dma_wait3A_91 = tpu.memref_squeeze %dma_wait3A : memref<1x2048xi32, #tpu.memory_space<hbm>> -> memref<2048xi32, #tpu.memory_space<hbm>>
    %dma_wait3A_92 = tpu.memref_slice %arg3[%add3A_90, %mul3A_87] : memref<100x16384xi32, #tpu.memory_space<hbm>> -> memref<1x2048xi32, #tpu.memory_space<hbm>>
    %dma_wait3A_93 = tpu.memref_squeeze %dma_wait3A_92 : memref<1x2048xi32, #tpu.memory_space<hbm>> -> memref<2048xi32, #tpu.memory_space<hbm>>
    tpu.wait_dma2 semaphore(%arg10 : memref<!tpu.dma_semaphore, #tpu.memory_space<semaphore_mem>>) src(%dma_wait3A_93 : memref<2048xi32, #tpu.memory_space<hbm>>) dst(%arg6 : memref<2048xi32, #tpu.memory_space<vmem>>)
    %dma_start3A_94 = arith.constant 0 : i32
    %dma_start3A_95 = arith.constant 0 : i32
    %dma_start3A_96 = tpu.memref_slice %arg5[%select_n3A_69, %dma_start3A_94, %dma_start3A_95] : memref<50x1024x16xf32, #tpu.memory_space<vmem_shared>> -> memref<1x1024x16xf32, #tpu.memory_space<vmem_shared>>
    %dma_start3A_97 = tpu.memref_squeeze %dma_start3A_96 : memref<1x1024x16xf32, #tpu.memory_space<vmem_shared>> -> memref<1024x16xf32, #tpu.memory_space<vmem_shared>>
    %dma_start3A_98 = arith.constant 0 : i32
    %dma_start3A_99 = arith.constant 0 : i32
    %dma_start3A_100 = tpu.memref_slice %dma_start3A_97[%dma_start3A_98, %dma_start3A_99] : memref<1024x16xf32, #tpu.memory_space<vmem_shared>> -> memref<1024x16xf32, #tpu.memory_space<vmem_shared>>
    tpu.enqueue_indirect_dma source(%dma_start3A_100 : memref<1024x16xf32, #tpu.memory_space<vmem_shared>>) target(%arg8 : memref<2048x16xf32, #tpu.memory_space<vmem>>) offsets(%arg6 : memref<2048xi32, #tpu.memory_space<vmem>>) semaphore(%arg12 : memref<!tpu.dma_semaphore, #tpu.memory_space<semaphore_mem>>)
    %add3A_101 = arith.constant 16 : i32
    %add3A_102 = arith.addi %arg1, %add3A_101 : i32
    %jit3A_103 = arith.constant 8 : i32
    %div3A_104 = arith.divsi %add3A_102, %jit3A_103 : i32
    %sign3A_105 = arith.constant 0 : i32
    %sign3A_106 = arith.cmpi sgt, %add3A_102, %sign3A_105 : i32
    %sign3A_107 = arith.extui %sign3A_106 : i1 to i32
    %sign3A_108 = arith.constant 0 : i32
    %sign3A_109 = arith.cmpi slt, %add3A_102, %sign3A_108 : i32
    %sign3A_110 = arith.extui %sign3A_109 : i1 to i32
    %sign3A_111 = arith.subi %sign3A_107, %sign3A_110 : i32
    %sign3A_112 = arith.constant 0 : i32
    %sign3A_113 = arith.cmpi sgt, %jit3A_103, %sign3A_112 : i32
    %sign3A_114 = arith.extui %sign3A_113 : i1 to i32
    %sign3A_115 = arith.constant 0 : i32
    %sign3A_116 = arith.cmpi slt, %jit3A_103, %sign3A_115 : i32
    %sign3A_117 = arith.extui %sign3A_116 : i1 to i32
    %sign3A_118 = arith.subi %sign3A_114, %sign3A_117 : i32
    %ne3A_119 = arith.cmpi ne, %sign3A_111, %sign3A_118 : i32
    %rem3A_120 = arith.remsi %add3A_102, %jit3A_103 : i32
    %ne3A_121 = arith.constant 0 : i32
    %ne3A_122 = arith.cmpi ne, %rem3A_120, %ne3A_121 : i32
    %and3A_123 = arith.andi %ne3A_119, %ne3A_122 : i1
    %sub3A_124 = arith.constant 1 : i32
    %sub3A_125 = arith.subi %div3A_104, %sub3A_124 : i32
    %select_n3A_126 = arith.select %and3A_123, %sub3A_125, %div3A_104 : i32
    %jit3A_127 = arith.constant 8 : i32
    %eq3A_128 = arith.constant 0 : i32
    %eq3A_129 = arith.cmpi eq, %jit3A_127, %eq3A_128 : i32
    %jit3A_130 = arith.constant 1 : i32
    %select_n3A_131 = arith.select %eq3A_129, %jit3A_130, %jit3A_127 : i32
    %rem3A_132 = arith.remsi %add3A_102, %select_n3A_131 : i32
    %ne3A_133 = arith.constant 0 : i32
    %ne3A_134 = arith.cmpi ne, %rem3A_132, %ne3A_133 : i32
    %lt3A_135 = arith.constant 0 : i32
    %lt3A_136 = arith.cmpi slt, %rem3A_132, %lt3A_135 : i32
    %lt3A_137 = arith.constant 0 : i32
    %lt3A_138 = arith.cmpi slt, %select_n3A_131, %lt3A_137 : i32
    %ne3A_139 = arith.xori %lt3A_136, %lt3A_138 : i1
    %and3A_140 = arith.andi %ne3A_139, %ne3A_134 : i1
    %add3A_141 = arith.addi %rem3A_132, %select_n3A_131 : i32
    %select_n3A_142 = arith.select %and3A_140, %add3A_141, %rem3A_132 : i32
    %mul3A_143 = arith.constant 2048 : i32
    %mul3A_144 = arith.muli %select_n3A_142, %mul3A_143 : i32
    %mul3A_145 = arith.constant 50 : i32
    %mul3A_146 = arith.muli %arg0, %mul3A_145 : i32
    %add3A_147 = arith.addi %mul3A_146, %select_n3A_126 : i32
    %dma_start3A_148 = tpu.memref_slice %arg3[%add3A_147, %mul3A_144] : memref<100x16384xi32, #tpu.memory_space<hbm>> -> memref<1x2048xi32, #tpu.memory_space<hbm>>
    %dma_start3A_149 = tpu.memref_squeeze %dma_start3A_148 : memref<1x2048xi32, #tpu.memory_space<hbm>> -> memref<2048xi32, #tpu.memory_space<hbm>>
    %dma_start3A_150 = tpu.memref_slice %arg3[%add3A_147, %mul3A_144] : memref<100x16384xi32, #tpu.memory_space<hbm>> -> memref<1x2048xi32, #tpu.memory_space<hbm>>
    %dma_start3A_151 = tpu.memref_squeeze %dma_start3A_150 : memref<1x2048xi32, #tpu.memory_space<hbm>> -> memref<2048xi32, #tpu.memory_space<hbm>>
    tpu.enqueue_dma source(%dma_start3A_151 : memref<2048xi32, #tpu.memory_space<hbm>>) target(%arg7 : memref<2048xi32, #tpu.memory_space<vmem>>) target_semaphore(%arg11 : memref<!tpu.dma_semaphore, #tpu.memory_space<semaphore_mem>>)
    %dma_wait3A_152 = arith.constant 0 : i32
    %dma_wait3A_153 = arith.constant 0 : i32
    %dma_wait3A_154 = tpu.memref_slice %arg5[%select_n3A_69, %dma_wait3A_152, %dma_wait3A_153] : memref<50x1024x16xf32, #tpu.memory_space<vmem_shared>> -> memref<1x1024x16xf32, #tpu.memory_space<vmem_shared>>
    %dma_wait3A_155 = tpu.memref_squeeze %dma_wait3A_154 : memref<1x1024x16xf32, #tpu.memory_space<vmem_shared>> -> memref<1024x16xf32, #tpu.memory_space<vmem_shared>>
    %dma_wait3A_156 = arith.constant 0 : i32
    %dma_wait3A_157 = arith.constant 0 : i32
    %dma_wait3A_158 = tpu.memref_slice %dma_wait3A_155[%dma_wait3A_156, %dma_wait3A_157] : memref<1024x16xf32, #tpu.memory_space<vmem_shared>> -> memref<1024x16xf32, #tpu.memory_space<vmem_shared>>
    tpu.wait_indirect_dma semaphore(%arg12 : memref<!tpu.dma_semaphore, #tpu.memory_space<semaphore_mem>>) src(%dma_wait3A_158 : memref<1024x16xf32, #tpu.memory_space<vmem_shared>>) dst(%arg8 : memref<2048x16xf32, #tpu.memory_space<vmem>>)
    %mul3A_159 = arith.constant 16 : i32
    %mul3A_160 = arith.muli %add3A_90, %mul3A_159 : i32
    %dma_start3A_161 = tpu.memref_slice %arg4[%mul3A_87, %mul3A_160] : memref<16384x1600xf32, #tpu.memory_space<hbm>> -> memref<2048x16xf32, #tpu.memory_space<hbm>>
    %dma_start3A_162 = tpu.memref_slice %arg4[%mul3A_87, %mul3A_160] : memref<16384x1600xf32, #tpu.memory_space<hbm>> -> memref<2048x16xf32, #tpu.memory_space<hbm>>
    tpu.enqueue_dma source(%arg8 : memref<2048x16xf32, #tpu.memory_space<vmem>>) target(%dma_start3A_162 : memref<2048x16xf32, #tpu.memory_space<hbm>>) target_semaphore(%arg14 : memref<!tpu.dma_semaphore, #tpu.memory_space<semaphore_mem>>)
    %add3A_163 = arith.constant 16 : i32
    %add3A_164 = arith.addi %arg1, %add3A_163 : i32
    %jit3A_165 = arith.constant 8 : i32
    %div3A_166 = arith.divsi %add3A_164, %jit3A_165 : i32
    %sign3A_167 = arith.constant 0 : i32
    %sign3A_168 = arith.cmpi sgt, %add3A_164, %sign3A_167 : i32
    %sign3A_169 = arith.extui %sign3A_168 : i1 to i32
    %sign3A_170 = arith.constant 0 : i32
    %sign3A_171 = arith.cmpi slt, %add3A_164, %sign3A_170 : i32
    %sign3A_172 = arith.extui %sign3A_171 : i1 to i32
    %sign3A_173 = arith.subi %sign3A_169, %sign3A_172 : i32
    %sign3A_174 = arith.constant 0 : i32
    %sign3A_175 = arith.cmpi sgt, %jit3A_165, %sign3A_174 : i32
    %sign3A_176 = arith.extui %sign3A_175 : i1 to i32
    %sign3A_177 = arith.constant 0 : i32
    %sign3A_178 = arith.cmpi slt, %jit3A_165, %sign3A_177 : i32
    %sign3A_179 = arith.extui %sign3A_178 : i1 to i32
    %sign3A_180 = arith.subi %sign3A_176, %sign3A_179 : i32
    %ne3A_181 = arith.cmpi ne, %sign3A_173, %sign3A_180 : i32
    %rem3A_182 = arith.remsi %add3A_164, %jit3A_165 : i32
    %ne3A_183 = arith.constant 0 : i32
    %ne3A_184 = arith.cmpi ne, %rem3A_182, %ne3A_183 : i32
    %and3A_185 = arith.andi %ne3A_181, %ne3A_184 : i1
    %sub3A_186 = arith.constant 1 : i32
    %sub3A_187 = arith.subi %div3A_166, %sub3A_186 : i32
    %select_n3A_188 = arith.select %and3A_185, %sub3A_187, %div3A_166 : i32
    %jit3A_189 = arith.constant 8 : i32
    %eq3A_190 = arith.constant 0 : i32
    %eq3A_191 = arith.cmpi eq, %jit3A_189, %eq3A_190 : i32
    %jit3A_192 = arith.constant 1 : i32
    %select_n3A_193 = arith.select %eq3A_191, %jit3A_192, %jit3A_189 : i32
    %rem3A_194 = arith.remsi %add3A_164, %select_n3A_193 : i32
    %ne3A_195 = arith.constant 0 : i32
    %ne3A_196 = arith.cmpi ne, %rem3A_194, %ne3A_195 : i32
    %lt3A_197 = arith.constant 0 : i32
    %lt3A_198 = arith.cmpi slt, %rem3A_194, %lt3A_197 : i32
    %lt3A_199 = arith.constant 0 : i32
    %lt3A_200 = arith.cmpi slt, %select_n3A_193, %lt3A_199 : i32
    %ne3A_201 = arith.xori %lt3A_198, %lt3A_200 : i1
    %and3A_202 = arith.andi %ne3A_201, %ne3A_196 : i1
    %add3A_203 = arith.addi %rem3A_194, %select_n3A_193 : i32
    %select_n3A_204 = arith.select %and3A_202, %add3A_203, %rem3A_194 : i32
    %mul3A_205 = arith.constant 2048 : i32
    %mul3A_206 = arith.muli %select_n3A_204, %mul3A_205 : i32
    %mul3A_207 = arith.constant 50 : i32
    %mul3A_208 = arith.muli %arg0, %mul3A_207 : i32
    %add3A_209 = arith.addi %mul3A_208, %select_n3A_188 : i32
    %dma_wait3A_210 = tpu.memref_slice %arg3[%add3A_209, %mul3A_206] : memref<100x16384xi32, #tpu.memory_space<hbm>> -> memref<1x2048xi32, #tpu.memory_space<hbm>>
    %dma_wait3A_211 = tpu.memref_squeeze %dma_wait3A_210 : memref<1x2048xi32, #tpu.memory_space<hbm>> -> memref<2048xi32, #tpu.memory_space<hbm>>
    %dma_wait3A_212 = tpu.memref_slice %arg3[%add3A_209, %mul3A_206] : memref<100x16384xi32, #tpu.memory_space<hbm>> -> memref<1x2048xi32, #tpu.memory_space<hbm>>
    %dma_wait3A_213 = tpu.memref_squeeze %dma_wait3A_212 : memref<1x2048xi32, #tpu.memory_space<hbm>> -> memref<2048xi32, #tpu.memory_space<hbm>>
    tpu.wait_dma2 semaphore(%arg11 : memref<!tpu.dma_semaphore, #tpu.memory_space<semaphore_mem>>) src(%dma_wait3A_213 : memref<2048xi32, #tpu.memory_space<hbm>>) dst(%arg7 : memref<2048xi32, #tpu.memory_space<vmem>>)
    %dma_start3A_214 = arith.constant 0 : i32
    %dma_start3A_215 = arith.constant 0 : i32
    %dma_start3A_216 = tpu.memref_slice %arg5[%select_n3A_188, %dma_start3A_214, %dma_start3A_215] : memref<50x1024x16xf32, #tpu.memory_space<vmem_shared>> -> memref<1x1024x16xf32, #tpu.memory_space<vmem_shared>>
    %dma_start3A_217 = tpu.memref_squeeze %dma_start3A_216 : memref<1x1024x16xf32, #tpu.memory_space<vmem_shared>> -> memref<1024x16xf32, #tpu.memory_space<vmem_shared>>
    %dma_start3A_218 = arith.constant 0 : i32
    %dma_start3A_219 = arith.constant 0 : i32
    %dma_start3A_220 = tpu.memref_slice %dma_start3A_217[%dma_start3A_218, %dma_start3A_219] : memref<1024x16xf32, #tpu.memory_space<vmem_shared>> -> memref<1024x16xf32, #tpu.memory_space<vmem_shared>>
    tpu.enqueue_indirect_dma source(%dma_start3A_220 : memref<1024x16xf32, #tpu.memory_space<vmem_shared>>) target(%arg9 : memref<2048x16xf32, #tpu.memory_space<vmem>>) offsets(%arg7 : memref<2048xi32, #tpu.memory_space<vmem>>) semaphore(%arg13 : memref<!tpu.dma_semaphore, #tpu.memory_space<semaphore_mem>>)
    %add3A_221 = arith.constant 32 : i32
    %add3A_222 = arith.addi %arg1, %add3A_221 : i32
    %jit3A_223 = arith.constant 8 : i32
    %div3A_224 = arith.divsi %add3A_222, %jit3A_223 : i32
    %sign3A_225 = arith.constant 0 : i32
    %sign3A_226 = arith.cmpi sgt, %add3A_222, %sign3A_225 : i32
    %sign3A_227 = arith.extui %sign3A_226 : i1 to i32
    %sign3A_228 = arith.constant 0 : i32
    %sign3A_229 = arith.cmpi slt, %add3A_222, %sign3A_228 : i32
    %sign3A_230 = arith.extui %sign3A_229 : i1 to i32
    %sign3A_231 = arith.subi %sign3A_227, %sign3A_230 : i32
    %sign3A_232 = arith.constant 0 : i32
    %sign3A_233 = arith.cmpi sgt, %jit3A_223, %sign3A_232 : i32
    %sign3A_234 = arith.extui %sign3A_233 : i1 to i32
    %sign3A_235 = arith.constant 0 : i32
    %sign3A_236 = arith.cmpi slt, %jit3A_223, %sign3A_235 : i32
    %sign3A_237 = arith.extui %sign3A_236 : i1 to i32
    %sign3A_238 = arith.subi %sign3A_234, %sign3A_237 : i32
    %ne3A_239 = arith.cmpi ne, %sign3A_231, %sign3A_238 : i32
    %rem3A_240 = arith.remsi %add3A_222, %jit3A_223 : i32
    %ne3A_241 = arith.constant 0 : i32
    %ne3A_242 = arith.cmpi ne, %rem3A_240, %ne3A_241 : i32
    %and3A_243 = arith.andi %ne3A_239, %ne3A_242 : i1
    %sub3A_244 = arith.constant 1 : i32
    %sub3A_245 = arith.subi %div3A_224, %sub3A_244 : i32
    %select_n3A_246 = arith.select %and3A_243, %sub3A_245, %div3A_224 : i32
    %jit3A_247 = arith.constant 8 : i32
    %eq3A_248 = arith.constant 0 : i32
    %eq3A_249 = arith.cmpi eq, %jit3A_247, %eq3A_248 : i32
    %jit3A_250 = arith.constant 1 : i32
    %select_n3A_251 = arith.select %eq3A_249, %jit3A_250, %jit3A_247 : i32
    %rem3A_252 = arith.remsi %add3A_222, %select_n3A_251 : i32
    %ne3A_253 = arith.constant 0 : i32
    %ne3A_254 = arith.cmpi ne, %rem3A_252, %ne3A_253 : i32
    %lt3A_255 = arith.constant 0 : i32
    %lt3A_256 = arith.cmpi slt, %rem3A_252, %lt3A_255 : i32
    %lt3A_257 = arith.constant 0 : i32
    %lt3A_258 = arith.cmpi slt, %select_n3A_251, %lt3A_257 : i32
    %ne3A_259 = arith.xori %lt3A_256, %lt3A_258 : i1
    %and3A_260 = arith.andi %ne3A_259, %ne3A_254 : i1
    %add3A_261 = arith.addi %rem3A_252, %select_n3A_251 : i32
    %select_n3A_262 = arith.select %and3A_260, %add3A_261, %rem3A_252 : i32
    %mul3A_263 = arith.constant 2048 : i32
    %mul3A_264 = arith.muli %select_n3A_262, %mul3A_263 : i32
    %mul3A_265 = arith.constant 50 : i32
    %mul3A_266 = arith.muli %arg0, %mul3A_265 : i32
    %add3A_267 = arith.addi %mul3A_266, %select_n3A_246 : i32
    %dma_start3A_268 = tpu.memref_slice %arg3[%add3A_267, %mul3A_264] : memref<100x16384xi32, #tpu.memory_space<hbm>> -> memref<1x2048xi32, #tpu.memory_space<hbm>>
    %dma_start3A_269 = tpu.memref_squeeze %dma_start3A_268 : memref<1x2048xi32, #tpu.memory_space<hbm>> -> memref<2048xi32, #tpu.memory_space<hbm>>
    %dma_start3A_270 = tpu.memref_slice %arg3[%add3A_267, %mul3A_264] : memref<100x16384xi32, #tpu.memory_space<hbm>> -> memref<1x2048xi32, #tpu.memory_space<hbm>>
    %dma_start3A_271 = tpu.memref_squeeze %dma_start3A_270 : memref<1x2048xi32, #tpu.memory_space<hbm>> -> memref<2048xi32, #tpu.memory_space<hbm>>
    tpu.enqueue_dma source(%dma_start3A_271 : memref<2048xi32, #tpu.memory_space<hbm>>) target(%arg6 : memref<2048xi32, #tpu.memory_space<vmem>>) target_semaphore(%arg10 : memref<!tpu.dma_semaphore, #tpu.memory_space<semaphore_mem>>)
    %dma_wait3A_272 = arith.constant 0 : i32
    %dma_wait3A_273 = arith.constant 0 : i32
    %dma_wait3A_274 = tpu.memref_slice %arg5[%select_n3A_188, %dma_wait3A_272, %dma_wait3A_273] : memref<50x1024x16xf32, #tpu.memory_space<vmem_shared>> -> memref<1x1024x16xf32, #tpu.memory_space<vmem_shared>>
    %dma_wait3A_275 = tpu.memref_squeeze %dma_wait3A_274 : memref<1x1024x16xf32, #tpu.memory_space<vmem_shared>> -> memref<1024x16xf32, #tpu.memory_space<vmem_shared>>
    %dma_wait3A_276 = arith.constant 0 : i32
    %dma_wait3A_277 = arith.constant 0 : i32
    %dma_wait3A_278 = tpu.memref_slice %dma_wait3A_275[%dma_wait3A_276, %dma_wait3A_277] : memref<1024x16xf32, #tpu.memory_space<vmem_shared>> -> memref<1024x16xf32, #tpu.memory_space<vmem_shared>>
    tpu.wait_indirect_dma semaphore(%arg13 : memref<!tpu.dma_semaphore, #tpu.memory_space<semaphore_mem>>) src(%dma_wait3A_278 : memref<1024x16xf32, #tpu.memory_space<vmem_shared>>) dst(%arg9 : memref<2048x16xf32, #tpu.memory_space<vmem>>)
    %mul3A_279 = arith.constant 16 : i32
    %mul3A_280 = arith.muli %add3A_209, %mul3A_279 : i32
    %dma_start3A_281 = tpu.memref_slice %arg4[%mul3A_206, %mul3A_280] : memref<16384x1600xf32, #tpu.memory_space<hbm>> -> memref<2048x16xf32, #tpu.memory_space<hbm>>
    %dma_start3A_282 = tpu.memref_slice %arg4[%mul3A_206, %mul3A_280] : memref<16384x1600xf32, #tpu.memory_space<hbm>> -> memref<2048x16xf32, #tpu.memory_space<hbm>>
    tpu.enqueue_dma source(%arg9 : memref<2048x16xf32, #tpu.memory_space<vmem>>) target(%dma_start3A_282 : memref<2048x16xf32, #tpu.memory_space<hbm>>) target_semaphore(%arg15 : memref<!tpu.dma_semaphore, #tpu.memory_space<semaphore_mem>>)
    %add3A_283 = arith.constant 32 : i32
    %add3A_284 = arith.addi %arg1, %add3A_283 : i32
    %jit3A_285 = arith.constant 8 : i32
    %div3A_286 = arith.divsi %add3A_284, %jit3A_285 : i32
    %sign3A_287 = arith.constant 0 : i32
    %sign3A_288 = arith.cmpi sgt, %add3A_284, %sign3A_287 : i32
    %sign3A_289 = arith.extui %sign3A_288 : i1 to i32
    %sign3A_290 = arith.constant 0 : i32
    %sign3A_291 = arith.cmpi slt, %add3A_284, %sign3A_290 : i32
    %sign3A_292 = arith.extui %sign3A_291 : i1 to i32
    %sign3A_293 = arith.subi %sign3A_289, %sign3A_292 : i32
    %sign3A_294 = arith.constant 0 : i32
    %sign3A_295 = arith.cmpi sgt, %jit3A_285, %sign3A_294 : i32
    %sign3A_296 = arith.extui %sign3A_295 : i1 to i32
    %sign3A_297 = arith.constant 0 : i32
    %sign3A_298 = arith.cmpi slt, %jit3A_285, %sign3A_297 : i32
    %sign3A_299 = arith.extui %sign3A_298 : i1 to i32
    %sign3A_300 = arith.subi %sign3A_296, %sign3A_299 : i32
    %ne3A_301 = arith.cmpi ne, %sign3A_293, %sign3A_300 : i32
    %rem3A_302 = arith.remsi %add3A_284, %jit3A_285 : i32
    %ne3A_303 = arith.constant 0 : i32
    %ne3A_304 = arith.cmpi ne, %rem3A_302, %ne3A_303 : i32
    %and3A_305 = arith.andi %ne3A_301, %ne3A_304 : i1
    %sub3A_306 = arith.constant 1 : i32
    %sub3A_307 = arith.subi %div3A_286, %sub3A_306 : i32
    %select_n3A_308 = arith.select %and3A_305, %sub3A_307, %div3A_286 : i32
    %jit3A_309 = arith.constant 8 : i32
    %eq3A_310 = arith.constant 0 : i32
    %eq3A_311 = arith.cmpi eq, %jit3A_309, %eq3A_310 : i32
    %jit3A_312 = arith.constant 1 : i32
    %select_n3A_313 = arith.select %eq3A_311, %jit3A_312, %jit3A_309 : i32
    %rem3A_314 = arith.remsi %add3A_284, %select_n3A_313 : i32
    %ne3A_315 = arith.constant 0 : i32
    %ne3A_316 = arith.cmpi ne, %rem3A_314, %ne3A_315 : i32
    %lt3A_317 = arith.constant 0 : i32
    %lt3A_318 = arith.cmpi slt, %rem3A_314, %lt3A_317 : i32
    %lt3A_319 = arith.constant 0 : i32
    %lt3A_320 = arith.cmpi slt, %select_n3A_313, %lt3A_319 : i32
    %ne3A_321 = arith.xori %lt3A_318, %lt3A_320 : i1
    %and3A_322 = arith.andi %ne3A_321, %ne3A_316 : i1
    %add3A_323 = arith.addi %rem3A_314, %select_n3A_313 : i32
    %select_n3A_324 = arith.select %and3A_322, %add3A_323, %rem3A_314 : i32
    %mul3A_325 = arith.constant 2048 : i32
    %mul3A_326 = arith.muli %select_n3A_324, %mul3A_325 : i32
    %mul3A_327 = arith.constant 50 : i32
    %mul3A_328 = arith.muli %arg0, %mul3A_327 : i32
    %add3A_329 = arith.addi %mul3A_328, %select_n3A_308 : i32
    %dma_wait3A_330 = tpu.memref_slice %arg3[%add3A_329, %mul3A_326] : memref<100x16384xi32, #tpu.memory_space<hbm>> -> memref<1x2048xi32, #tpu.memory_space<hbm>>
    %dma_wait3A_331 = tpu.memref_squeeze %dma_wait3A_330 : memref<1x2048xi32, #tpu.memory_space<hbm>> -> memref<2048xi32, #tpu.memory_space<hbm>>
    %dma_wait3A_332 = tpu.memref_slice %arg3[%add3A_329, %mul3A_326] : memref<100x16384xi32, #tpu.memory_space<hbm>> -> memref<1x2048xi32, #tpu.memory_space<hbm>>
    %dma_wait3A_333 = tpu.memref_squeeze %dma_wait3A_332 : memref<1x2048xi32, #tpu.memory_space<hbm>> -> memref<2048xi32, #tpu.memory_space<hbm>>
    tpu.wait_dma2 semaphore(%arg10 : memref<!tpu.dma_semaphore, #tpu.memory_space<semaphore_mem>>) src(%dma_wait3A_333 : memref<2048xi32, #tpu.memory_space<hbm>>) dst(%arg6 : memref<2048xi32, #tpu.memory_space<vmem>>)
    %add3A_334 = arith.constant 0 : i32
    %add3A_335 = arith.addi %arg1, %add3A_334 : i32
    %jit3A_336 = arith.constant 8 : i32
    %div3A_337 = arith.divsi %add3A_335, %jit3A_336 : i32
    %sign3A_338 = arith.constant 0 : i32
    %sign3A_339 = arith.cmpi sgt, %add3A_335, %sign3A_338 : i32
    %sign3A_340 = arith.extui %sign3A_339 : i1 to i32
    %sign3A_341 = arith.constant 0 : i32
    %sign3A_342 = arith.cmpi slt, %add3A_335, %sign3A_341 : i32
    %sign3A_343 = arith.extui %sign3A_342 : i1 to i32
    %sign3A_344 = arith.subi %sign3A_340, %sign3A_343 : i32
    %sign3A_345 = arith.constant 0 : i32
    %sign3A_346 = arith.cmpi sgt, %jit3A_336, %sign3A_345 : i32
    %sign3A_347 = arith.extui %sign3A_346 : i1 to i32
    %sign3A_348 = arith.constant 0 : i32
    %sign3A_349 = arith.cmpi slt, %jit3A_336, %sign3A_348 : i32
    %sign3A_350 = arith.extui %sign3A_349 : i1 to i32
    %sign3A_351 = arith.subi %sign3A_347, %sign3A_350 : i32
    %ne3A_352 = arith.cmpi ne, %sign3A_344, %sign3A_351 : i32
    %rem3A_353 = arith.remsi %add3A_335, %jit3A_336 : i32
    %ne3A_354 = arith.constant 0 : i32
    %ne3A_355 = arith.cmpi ne, %rem3A_353, %ne3A_354 : i32
    %and3A_356 = arith.andi %ne3A_352, %ne3A_355 : i1
    %sub3A_357 = arith.constant 1 : i32
    %sub3A_358 = arith.subi %div3A_337, %sub3A_357 : i32
    %select_n3A_359 = arith.select %and3A_356, %sub3A_358, %div3A_337 : i32
    %jit3A_360 = arith.constant 8 : i32
    %eq3A_361 = arith.constant 0 : i32
    %eq3A_362 = arith.cmpi eq, %jit3A_360, %eq3A_361 : i32
    %jit3A_363 = arith.constant 1 : i32
    %select_n3A_364 = arith.select %eq3A_362, %jit3A_363, %jit3A_360 : i32
    %rem3A_365 = arith.remsi %add3A_335, %select_n3A_364 : i32
    %ne3A_366 = arith.constant 0 : i32
    %ne3A_367 = arith.cmpi ne, %rem3A_365, %ne3A_366 : i32
    %lt3A_368 = arith.constant 0 : i32
    %lt3A_369 = arith.cmpi slt, %rem3A_365, %lt3A_368 : i32
    %lt3A_370 = arith.constant 0 : i32
    %lt3A_371 = arith.cmpi slt, %select_n3A_364, %lt3A_370 : i32
    %ne3A_372 = arith.xori %lt3A_369, %lt3A_371 : i1
    %and3A_373 = arith.andi %ne3A_372, %ne3A_367 : i1
    %add3A_374 = arith.addi %rem3A_365, %select_n3A_364 : i32
    %select_n3A_375 = arith.select %and3A_373, %add3A_374, %rem3A_365 : i32
    %mul3A_376 = arith.constant 2048 : i32
    %mul3A_377 = arith.muli %select_n3A_375, %mul3A_376 : i32
    %mul3A_378 = arith.constant 50 : i32
    %mul3A_379 = arith.muli %arg0, %mul3A_378 : i32
    %add3A_380 = arith.addi %mul3A_379, %select_n3A_359 : i32
    %mul3A_381 = arith.constant 16 : i32
    %mul3A_382 = arith.muli %add3A_380, %mul3A_381 : i32
    %dma_wait3A_383 = tpu.memref_slice %arg4[%mul3A_377, %mul3A_382] : memref<16384x1600xf32, #tpu.memory_space<hbm>> -> memref<2048x16xf32, #tpu.memory_space<hbm>>
    %dma_wait3A_384 = tpu.memref_slice %arg4[%mul3A_377, %mul3A_382] : memref<16384x1600xf32, #tpu.memory_space<hbm>> -> memref<2048x16xf32, #tpu.memory_space<hbm>>
    tpu.wait_dma2 semaphore(%arg14 : memref<!tpu.dma_semaphore, #tpu.memory_space<semaphore_mem>>) src(%arg8 : memref<2048x16xf32, #tpu.memory_space<vmem>>) dst(%dma_wait3A_384 : memref<2048x16xf32, #tpu.memory_space<hbm>>)
    %dma_start3A_385 = arith.constant 0 : i32
    %dma_start3A_386 = arith.constant 0 : i32
    %dma_start3A_387 = tpu.memref_slice %arg5[%select_n3A_308, %dma_start3A_385, %dma_start3A_386] : memref<50x1024x16xf32, #tpu.memory_space<vmem_shared>> -> memref<1x1024x16xf32, #tpu.memory_space<vmem_shared>>
    %dma_start3A_388 = tpu.memref_squeeze %dma_start3A_387 : memref<1x1024x16xf32, #tpu.memory_space<vmem_shared>> -> memref<1024x16xf32, #tpu.memory_space<vmem_shared>>
    %dma_start3A_389 = arith.constant 0 : i32
    %dma_start3A_390 = arith.constant 0 : i32
    %dma_start3A_391 = tpu.memref_slice %dma_start3A_388[%dma_start3A_389, %dma_start3A_390] : memref<1024x16xf32, #tpu.memory_space<vmem_shared>> -> memref<1024x16xf32, #tpu.memory_space<vmem_shared>>
    tpu.enqueue_indirect_dma source(%dma_start3A_391 : memref<1024x16xf32, #tpu.memory_space<vmem_shared>>) target(%arg8 : memref<2048x16xf32, #tpu.memory_space<vmem>>) offsets(%arg6 : memref<2048xi32, #tpu.memory_space<vmem>>) semaphore(%arg12 : memref<!tpu.dma_semaphore, #tpu.memory_space<semaphore_mem>>)
    %add3A_392 = arith.constant 48 : i32
    %add3A_393 = arith.addi %arg1, %add3A_392 : i32
    %jit3A_394 = arith.constant 8 : i32
    %div3A_395 = arith.divsi %add3A_393, %jit3A_394 : i32
    %sign3A_396 = arith.constant 0 : i32
    %sign3A_397 = arith.cmpi sgt, %add3A_393, %sign3A_396 : i32
    %sign3A_398 = arith.extui %sign3A_397 : i1 to i32
    %sign3A_399 = arith.constant 0 : i32
    %sign3A_400 = arith.cmpi slt, %add3A_393, %sign3A_399 : i32
    %sign3A_401 = arith.extui %sign3A_400 : i1 to i32
    %sign3A_402 = arith.subi %sign3A_398, %sign3A_401 : i32
    %sign3A_403 = arith.constant 0 : i32
    %sign3A_404 = arith.cmpi sgt, %jit3A_394, %sign3A_403 : i32
    %sign3A_405 = arith.extui %sign3A_404 : i1 to i32
    %sign3A_406 = arith.constant 0 : i32
    %sign3A_407 = arith.cmpi slt, %jit3A_394, %sign3A_406 : i32
    %sign3A_408 = arith.extui %sign3A_407 : i1 to i32
    %sign3A_409 = arith.subi %sign3A_405, %sign3A_408 : i32
    %ne3A_410 = arith.cmpi ne, %sign3A_402, %sign3A_409 : i32
    %rem3A_411 = arith.remsi %add3A_393, %jit3A_394 : i32
    %ne3A_412 = arith.constant 0 : i32
    %ne3A_413 = arith.cmpi ne, %rem3A_411, %ne3A_412 : i32
    %and3A_414 = arith.andi %ne3A_410, %ne3A_413 : i1
    %sub3A_415 = arith.constant 1 : i32
    %sub3A_416 = arith.subi %div3A_395, %sub3A_415 : i32
    %select_n3A_417 = arith.select %and3A_414, %sub3A_416, %div3A_395 : i32
    %jit3A_418 = arith.constant 8 : i32
    %eq3A_419 = arith.constant 0 : i32
    %eq3A_420 = arith.cmpi eq, %jit3A_418, %eq3A_419 : i32
    %jit3A_421 = arith.constant 1 : i32
    %select_n3A_422 = arith.select %eq3A_420, %jit3A_421, %jit3A_418 : i32
    %rem3A_423 = arith.remsi %add3A_393, %select_n3A_422 : i32
    %ne3A_424 = arith.constant 0 : i32
    %ne3A_425 = arith.cmpi ne, %rem3A_423, %ne3A_424 : i32
    %lt3A_426 = arith.constant 0 : i32
    %lt3A_427 = arith.cmpi slt, %rem3A_423, %lt3A_426 : i32
    %lt3A_428 = arith.constant 0 : i32
    %lt3A_429 = arith.cmpi slt, %select_n3A_422, %lt3A_428 : i32
    %ne3A_430 = arith.xori %lt3A_427, %lt3A_429 : i1
    %and3A_431 = arith.andi %ne3A_430, %ne3A_425 : i1
    %add3A_432 = arith.addi %rem3A_423, %select_n3A_422 : i32
    %select_n3A_433 = arith.select %and3A_431, %add3A_432, %rem3A_423 : i32
    %mul3A_434 = arith.constant 2048 : i32
    %mul3A_435 = arith.muli %select_n3A_433, %mul3A_434 : i32
    %mul3A_436 = arith.constant 50 : i32
    %mul3A_437 = arith.muli %arg0, %mul3A_436 : i32
    %add3A_438 = arith.addi %mul3A_437, %select_n3A_417 : i32
    %dma_start3A_439 = tpu.memref_slice %arg3[%add3A_438, %mul3A_435] : memref<100x16384xi32, #tpu.memory_space<hbm>> -> memref<1x2048xi32, #tpu.memory_space<hbm>>
    %dma_start3A_440 = tpu.memref_squeeze %dma_start3A_439 : memref<1x2048xi32, #tpu.memory_space<hbm>> -> memref<2048xi32, #tpu.memory_space<hbm>>
    %dma_start3A_441 = tpu.memref_slice %arg3[%add3A_438, %mul3A_435] : memref<100x16384xi32, #tpu.memory_space<hbm>> -> memref<1x2048xi32, #tpu.memory_space<hbm>>
    %dma_start3A_442 = tpu.memref_squeeze %dma_start3A_441 : memref<1x2048xi32, #tpu.memory_space<hbm>> -> memref<2048xi32, #tpu.memory_space<hbm>>
    tpu.enqueue_dma source(%dma_start3A_442 : memref<2048xi32, #tpu.memory_space<hbm>>) target(%arg7 : memref<2048xi32, #tpu.memory_space<vmem>>) target_semaphore(%arg11 : memref<!tpu.dma_semaphore, #tpu.memory_space<semaphore_mem>>)
    %dma_wait3A_443 = arith.constant 0 : i32
    %dma_wait3A_444 = arith.constant 0 : i32
    %dma_wait3A_445 = tpu.memref_slice %arg5[%select_n3A_308, %dma_wait3A_443, %dma_wait3A_444] : memref<50x1024x16xf32, #tpu.memory_space<vmem_shared>> -> memref<1x1024x16xf32, #tpu.memory_space<vmem_shared>>
    %dma_wait3A_446 = tpu.memref_squeeze %dma_wait3A_445 : memref<1x1024x16xf32, #tpu.memory_space<vmem_shared>> -> memref<1024x16xf32, #tpu.memory_space<vmem_shared>>
    %dma_wait3A_447 = arith.constant 0 : i32
    %dma_wait3A_448 = arith.constant 0 : i32
    %dma_wait3A_449 = tpu.memref_slice %dma_wait3A_446[%dma_wait3A_447, %dma_wait3A_448] : memref<1024x16xf32, #tpu.memory_space<vmem_shared>> -> memref<1024x16xf32, #tpu.memory_space<vmem_shared>>
    tpu.wait_indirect_dma semaphore(%arg12 : memref<!tpu.dma_semaphore, #tpu.memory_space<semaphore_mem>>) src(%dma_wait3A_449 : memref<1024x16xf32, #tpu.memory_space<vmem_shared>>) dst(%arg8 : memref<2048x16xf32, #tpu.memory_space<vmem>>)
    %mul3A_450 = arith.constant 16 : i32
    %mul3A_451 = arith.muli %add3A_329, %mul3A_450 : i32
    %dma_start3A_452 = tpu.memref_slice %arg4[%mul3A_326, %mul3A_451] : memref<16384x1600xf32, #tpu.memory_space<hbm>> -> memref<2048x16xf32, #tpu.memory_space<hbm>>
    %dma_start3A_453 = tpu.memref_slice %arg4[%mul3A_326, %mul3A_451] : memref<16384x1600xf32, #tpu.memory_space<hbm>> -> memref<2048x16xf32, #tpu.memory_space<hbm>>
    tpu.enqueue_dma source(%arg8 : memref<2048x16xf32, #tpu.memory_space<vmem>>) target(%dma_start3A_453 : memref<2048x16xf32, #tpu.memory_space<hbm>>) target_semaphore(%arg14 : memref<!tpu.dma_semaphore, #tpu.memory_space<semaphore_mem>>)
    %add3A_454 = arith.constant 48 : i32
    %add3A_455 = arith.addi %arg1, %add3A_454 : i32
    %jit3A_456 = arith.constant 8 : i32
    %div3A_457 = arith.divsi %add3A_455, %jit3A_456 : i32
    %sign3A_458 = arith.constant 0 : i32
    %sign3A_459 = arith.cmpi sgt, %add3A_455, %sign3A_458 : i32
    %sign3A_460 = arith.extui %sign3A_459 : i1 to i32
    %sign3A_461 = arith.constant 0 : i32
    %sign3A_462 = arith.cmpi slt, %add3A_455, %sign3A_461 : i32
    %sign3A_463 = arith.extui %sign3A_462 : i1 to i32
    %sign3A_464 = arith.subi %sign3A_460, %sign3A_463 : i32
    %sign3A_465 = arith.constant 0 : i32
    %sign3A_466 = arith.cmpi sgt, %jit3A_456, %sign3A_465 : i32
    %sign3A_467 = arith.extui %sign3A_466 : i1 to i32
    %sign3A_468 = arith.constant 0 : i32
    %sign3A_469 = arith.cmpi slt, %jit3A_456, %sign3A_468 : i32
    %sign3A_470 = arith.extui %sign3A_469 : i1 to i32
    %sign3A_471 = arith.subi %sign3A_467, %sign3A_470 : i32
    %ne3A_472 = arith.cmpi ne, %sign3A_464, %sign3A_471 : i32
    %rem3A_473 = arith.remsi %add3A_455, %jit3A_456 : i32
    %ne3A_474 = arith.constant 0 : i32
    %ne3A_475 = arith.cmpi ne, %rem3A_473, %ne3A_474 : i32
    %and3A_476 = arith.andi %ne3A_472, %ne3A_475 : i1
    %sub3A_477 = arith.constant 1 : i32
    %sub3A_478 = arith.subi %div3A_457, %sub3A_477 : i32
    %select_n3A_479 = arith.select %and3A_476, %sub3A_478, %div3A_457 : i32
    %jit3A_480 = arith.constant 8 : i32
    %eq3A_481 = arith.constant 0 : i32
    %eq3A_482 = arith.cmpi eq, %jit3A_480, %eq3A_481 : i32
    %jit3A_483 = arith.constant 1 : i32
    %select_n3A_484 = arith.select %eq3A_482, %jit3A_483, %jit3A_480 : i32
    %rem3A_485 = arith.remsi %add3A_455, %select_n3A_484 : i32
    %ne3A_486 = arith.constant 0 : i32
    %ne3A_487 = arith.cmpi ne, %rem3A_485, %ne3A_486 : i32
    %lt3A_488 = arith.constant 0 : i32
    %lt3A_489 = arith.cmpi slt, %rem3A_485, %lt3A_488 : i32
    %lt3A_490 = arith.constant 0 : i32
    %lt3A_491 = arith.cmpi slt, %select_n3A_484, %lt3A_490 : i32
    %ne3A_492 = arith.xori %lt3A_489, %lt3A_491 : i1
    %and3A_493 = arith.andi %ne3A_492, %ne3A_487 : i1
    %add3A_494 = arith.addi %rem3A_485, %select_n3A_484 : i32
    %select_n3A_495 = arith.select %and3A_493, %add3A_494, %rem3A_485 : i32
    %mul3A_496 = arith.constant 2048 : i32
    %mul3A_497 = arith.muli %select_n3A_495, %mul3A_496 : i32
    %mul3A_498 = arith.constant 50 : i32
    %mul3A_499 = arith.muli %arg0, %mul3A_498 : i32
    %add3A_500 = arith.addi %mul3A_499, %select_n3A_479 : i32
    %dma_wait3A_501 = tpu.memref_slice %arg3[%add3A_500, %mul3A_497] : memref<100x16384xi32, #tpu.memory_space<hbm>> -> memref<1x2048xi32, #tpu.memory_space<hbm>>
    %dma_wait3A_502 = tpu.memref_squeeze %dma_wait3A_501 : memref<1x2048xi32, #tpu.memory_space<hbm>> -> memref<2048xi32, #tpu.memory_space<hbm>>
    %dma_wait3A_503 = tpu.memref_slice %arg3[%add3A_500, %mul3A_497] : memref<100x16384xi32, #tpu.memory_space<hbm>> -> memref<1x2048xi32, #tpu.memory_space<hbm>>
    %dma_wait3A_504 = tpu.memref_squeeze %dma_wait3A_503 : memref<1x2048xi32, #tpu.memory_space<hbm>> -> memref<2048xi32, #tpu.memory_space<hbm>>
    tpu.wait_dma2 semaphore(%arg11 : memref<!tpu.dma_semaphore, #tpu.memory_space<semaphore_mem>>) src(%dma_wait3A_504 : memref<2048xi32, #tpu.memory_space<hbm>>) dst(%arg7 : memref<2048xi32, #tpu.memory_space<vmem>>)
    %add3A_505 = arith.constant 16 : i32
    %add3A_506 = arith.addi %arg1, %add3A_505 : i32
    %jit3A_507 = arith.constant 8 : i32
    %div3A_508 = arith.divsi %add3A_506, %jit3A_507 : i32
    %sign3A_509 = arith.constant 0 : i32
    %sign3A_510 = arith.cmpi sgt, %add3A_506, %sign3A_509 : i32
    %sign3A_511 = arith.extui %sign3A_510 : i1 to i32
    %sign3A_512 = arith.constant 0 : i32
    %sign3A_513 = arith.cmpi slt, %add3A_506, %sign3A_512 : i32
    %sign3A_514 = arith.extui %sign3A_513 : i1 to i32
    %sign3A_515 = arith.subi %sign3A_511, %sign3A_514 : i32
    %sign3A_516 = arith.constant 0 : i32
    %sign3A_517 = arith.cmpi sgt, %jit3A_507, %sign3A_516 : i32
    %sign3A_518 = arith.extui %sign3A_517 : i1 to i32
    %sign3A_519 = arith.constant 0 : i32
    %sign3A_520 = arith.cmpi slt, %jit3A_507, %sign3A_519 : i32
    %sign3A_521 = arith.extui %sign3A_520 : i1 to i32
    %sign3A_522 = arith.subi %sign3A_518, %sign3A_521 : i32
    %ne3A_523 = arith.cmpi ne, %sign3A_515, %sign3A_522 : i32
    %rem3A_524 = arith.remsi %add3A_506, %jit3A_507 : i32
    %ne3A_525 = arith.constant 0 : i32
    %ne3A_526 = arith.cmpi ne, %rem3A_524, %ne3A_525 : i32
    %and3A_527 = arith.andi %ne3A_523, %ne3A_526 : i1
    %sub3A_528 = arith.constant 1 : i32
    %sub3A_529 = arith.subi %div3A_508, %sub3A_528 : i32
    %select_n3A_530 = arith.select %and3A_527, %sub3A_529, %div3A_508 : i32
    %jit3A_531 = arith.constant 8 : i32
    %eq3A_532 = arith.constant 0 : i32
    %eq3A_533 = arith.cmpi eq, %jit3A_531, %eq3A_532 : i32
    %jit3A_534 = arith.constant 1 : i32
    %select_n3A_535 = arith.select %eq3A_533, %jit3A_534, %jit3A_531 : i32
    %rem3A_536 = arith.remsi %add3A_506, %select_n3A_535 : i32
    %ne3A_537 = arith.constant 0 : i32
    %ne3A_538 = arith.cmpi ne, %rem3A_536, %ne3A_537 : i32
    %lt3A_539 = arith.constant 0 : i32
    %lt3A_540 = arith.cmpi slt, %rem3A_536, %lt3A_539 : i32
    %lt3A_541 = arith.constant 0 : i32
    %lt3A_542 = arith.cmpi slt, %select_n3A_535, %lt3A_541 : i32
    %ne3A_543 = arith.xori %lt3A_540, %lt3A_542 : i1
    %and3A_544 = arith.andi %ne3A_543, %ne3A_538 : i1
    %add3A_545 = arith.addi %rem3A_536, %select_n3A_535 : i32
    %select_n3A_546 = arith.select %and3A_544, %add3A_545, %rem3A_536 : i32
    %mul3A_547 = arith.constant 2048 : i32
    %mul3A_548 = arith.muli %select_n3A_546, %mul3A_547 : i32
    %mul3A_549 = arith.constant 50 : i32
    %mul3A_550 = arith.muli %arg0, %mul3A_549 : i32
    %add3A_551 = arith.addi %mul3A_550, %select_n3A_530 : i32
    %mul3A_552 = arith.constant 16 : i32
    %mul3A_553 = arith.muli %add3A_551, %mul3A_552 : i32
    %dma_wait3A_554 = tpu.memref_slice %arg4[%mul3A_548, %mul3A_553] : memref<16384x1600xf32, #tpu.memory_space<hbm>> -> memref<2048x16xf32, #tpu.memory_space<hbm>>
    %dma_wait3A_555 = tpu.memref_slice %arg4[%mul3A_548, %mul3A_553] : memref<16384x1600xf32, #tpu.memory_space<hbm>> -> memref<2048x16xf32, #tpu.memory_space<hbm>>
    tpu.wait_dma2 semaphore(%arg15 : memref<!tpu.dma_semaphore, #tpu.memory_space<semaphore_mem>>) src(%arg9 : memref<2048x16xf32, #tpu.memory_space<vmem>>) dst(%dma_wait3A_555 : memref<2048x16xf32, #tpu.memory_space<hbm>>)
    %dma_start3A_556 = arith.constant 0 : i32
    %dma_start3A_557 = arith.constant 0 : i32
    %dma_start3A_558 = tpu.memref_slice %arg5[%select_n3A_479, %dma_start3A_556, %dma_start3A_557] : memref<50x1024x16xf32, #tpu.memory_space<vmem_shared>> -> memref<1x1024x16xf32, #tpu.memory_space<vmem_shared>>
    %dma_start3A_559 = tpu.memref_squeeze %dma_start3A_558 : memref<1x1024x16xf32, #tpu.memory_space<vmem_shared>> -> memref<1024x16xf32, #tpu.memory_space<vmem_shared>>
    %dma_start3A_560 = arith.constant 0 : i32
    %dma_start3A_561 = arith.constant 0 : i32
    %dma_start3A_562 = tpu.memref_slice %dma_start3A_559[%dma_start3A_560, %dma_start3A_561] : memref<1024x16xf32, #tpu.memory_space<vmem_shared>> -> memref<1024x16xf32, #tpu.memory_space<vmem_shared>>
    tpu.enqueue_indirect_dma source(%dma_start3A_562 : memref<1024x16xf32, #tpu.memory_space<vmem_shared>>) target(%arg9 : memref<2048x16xf32, #tpu.memory_space<vmem>>) offsets(%arg7 : memref<2048xi32, #tpu.memory_space<vmem>>) semaphore(%arg13 : memref<!tpu.dma_semaphore, #tpu.memory_space<semaphore_mem>>)
    %add3A_563 = arith.constant 64 : i32
    %add3A_564 = arith.addi %arg1, %add3A_563 : i32
    %jit3A_565 = arith.constant 8 : i32
    %div3A_566 = arith.divsi %add3A_564, %jit3A_565 : i32
    %sign3A_567 = arith.constant 0 : i32
    %sign3A_568 = arith.cmpi sgt, %add3A_564, %sign3A_567 : i32
    %sign3A_569 = arith.extui %sign3A_568 : i1 to i32
    %sign3A_570 = arith.constant 0 : i32
    %sign3A_571 = arith.cmpi slt, %add3A_564, %sign3A_570 : i32
    %sign3A_572 = arith.extui %sign3A_571 : i1 to i32
    %sign3A_573 = arith.subi %sign3A_569, %sign3A_572 : i32
    %sign3A_574 = arith.constant 0 : i32
    %sign3A_575 = arith.cmpi sgt, %jit3A_565, %sign3A_574 : i32
    %sign3A_576 = arith.extui %sign3A_575 : i1 to i32
    %sign3A_577 = arith.constant 0 : i32
    %sign3A_578 = arith.cmpi slt, %jit3A_565, %sign3A_577 : i32
    %sign3A_579 = arith.extui %sign3A_578 : i1 to i32
    %sign3A_580 = arith.subi %sign3A_576, %sign3A_579 : i32
    %ne3A_581 = arith.cmpi ne, %sign3A_573, %sign3A_580 : i32
    %rem3A_582 = arith.remsi %add3A_564, %jit3A_565 : i32
    %ne3A_583 = arith.constant 0 : i32
    %ne3A_584 = arith.cmpi ne, %rem3A_582, %ne3A_583 : i32
    %and3A_585 = arith.andi %ne3A_581, %ne3A_584 : i1
    %sub3A_586 = arith.constant 1 : i32
    %sub3A_587 = arith.subi %div3A_566, %sub3A_586 : i32
    %select_n3A_588 = arith.select %and3A_585, %sub3A_587, %div3A_566 : i32
    %jit3A_589 = arith.constant 8 : i32
    %eq3A_590 = arith.constant 0 : i32
    %eq3A_591 = arith.cmpi eq, %jit3A_589, %eq3A_590 : i32
    %jit3A_592 = arith.constant 1 : i32
    %select_n3A_593 = arith.select %eq3A_591, %jit3A_592, %jit3A_589 : i32
    %rem3A_594 = arith.remsi %add3A_564, %select_n3A_593 : i32
    %ne3A_595 = arith.constant 0 : i32
    %ne3A_596 = arith.cmpi ne, %rem3A_594, %ne3A_595 : i32
    %lt3A_597 = arith.constant 0 : i32
    %lt3A_598 = arith.cmpi slt, %rem3A_594, %lt3A_597 : i32
    %lt3A_599 = arith.constant 0 : i32
    %lt3A_600 = arith.cmpi slt, %select_n3A_593, %lt3A_599 : i32
    %ne3A_601 = arith.xori %lt3A_598, %lt3A_600 : i1
    %and3A_602 = arith.andi %ne3A_601, %ne3A_596 : i1
    %add3A_603 = arith.addi %rem3A_594, %select_n3A_593 : i32
    %select_n3A_604 = arith.select %and3A_602, %add3A_603, %rem3A_594 : i32
    %mul3A_605 = arith.constant 2048 : i32
    %mul3A_606 = arith.muli %select_n3A_604, %mul3A_605 : i32
    %mul3A_607 = arith.constant 50 : i32
    %mul3A_608 = arith.muli %arg0, %mul3A_607 : i32
    %add3A_609 = arith.addi %mul3A_608, %select_n3A_588 : i32
    %dma_start3A_610 = tpu.memref_slice %arg3[%add3A_609, %mul3A_606] : memref<100x16384xi32, #tpu.memory_space<hbm>> -> memref<1x2048xi32, #tpu.memory_space<hbm>>
    %dma_start3A_611 = tpu.memref_squeeze %dma_start3A_610 : memref<1x2048xi32, #tpu.memory_space<hbm>> -> memref<2048xi32, #tpu.memory_space<hbm>>
    %dma_start3A_612 = tpu.memref_slice %arg3[%add3A_609, %mul3A_606] : memref<100x16384xi32, #tpu.memory_space<hbm>> -> memref<1x2048xi32, #tpu.memory_space<hbm>>
    %dma_start3A_613 = tpu.memref_squeeze %dma_start3A_612 : memref<1x2048xi32, #tpu.memory_space<hbm>> -> memref<2048xi32, #tpu.memory_space<hbm>>
    tpu.enqueue_dma source(%dma_start3A_613 : memref<2048xi32, #tpu.memory_space<hbm>>) target(%arg6 : memref<2048xi32, #tpu.memory_space<vmem>>) target_semaphore(%arg10 : memref<!tpu.dma_semaphore, #tpu.memory_space<semaphore_mem>>)
    %dma_wait3A_614 = arith.constant 0 : i32
    %dma_wait3A_615 = arith.constant 0 : i32
    %dma_wait3A_616 = tpu.memref_slice %arg5[%select_n3A_479, %dma_wait3A_614, %dma_wait3A_615] : memref<50x1024x16xf32, #tpu.memory_space<vmem_shared>> -> memref<1x1024x16xf32, #tpu.memory_space<vmem_shared>>
    %dma_wait3A_617 = tpu.memref_squeeze %dma_wait3A_616 : memref<1x1024x16xf32, #tpu.memory_space<vmem_shared>> -> memref<1024x16xf32, #tpu.memory_space<vmem_shared>>
    %dma_wait3A_618 = arith.constant 0 : i32
    %dma_wait3A_619 = arith.constant 0 : i32
    %dma_wait3A_620 = tpu.memref_slice %dma_wait3A_617[%dma_wait3A_618, %dma_wait3A_619] : memref<1024x16xf32, #tpu.memory_space<vmem_shared>> -> memref<1024x16xf32, #tpu.memory_space<vmem_shared>>
    tpu.wait_indirect_dma semaphore(%arg13 : memref<!tpu.dma_semaphore, #tpu.memory_space<semaphore_mem>>) src(%dma_wait3A_620 : memref<1024x16xf32, #tpu.memory_space<vmem_shared>>) dst(%arg9 : memref<2048x16xf32, #tpu.memory_space<vmem>>)
    %mul3A_621 = arith.constant 16 : i32
    %mul3A_622 = arith.muli %add3A_500, %mul3A_621 : i32
    %dma_start3A_623 = tpu.memref_slice %arg4[%mul3A_497, %mul3A_622] : memref<16384x1600xf32, #tpu.memory_space<hbm>> -> memref<2048x16xf32, #tpu.memory_space<hbm>>
    %dma_start3A_624 = tpu.memref_slice %arg4[%mul3A_497, %mul3A_622] : memref<16384x1600xf32, #tpu.memory_space<hbm>> -> memref<2048x16xf32, #tpu.memory_space<hbm>>
    tpu.enqueue_dma source(%arg9 : memref<2048x16xf32, #tpu.memory_space<vmem>>) target(%dma_start3A_624 : memref<2048x16xf32, #tpu.memory_space<hbm>>) target_semaphore(%arg15 : memref<!tpu.dma_semaphore, #tpu.memory_space<semaphore_mem>>)
    %add3A_625 = arith.constant 64 : i32
    %add3A_626 = arith.addi %arg1, %add3A_625 : i32
    %jit3A_627 = arith.constant 8 : i32
    %div3A_628 = arith.divsi %add3A_626, %jit3A_627 : i32
    %sign3A_629 = arith.constant 0 : i32
    %sign3A_630 = arith.cmpi sgt, %add3A_626, %sign3A_629 : i32
    %sign3A_631 = arith.extui %sign3A_630 : i1 to i32
    %sign3A_632 = arith.constant 0 : i32
    %sign3A_633 = arith.cmpi slt, %add3A_626, %sign3A_632 : i32
    %sign3A_634 = arith.extui %sign3A_633 : i1 to i32
    %sign3A_635 = arith.subi %sign3A_631, %sign3A_634 : i32
    %sign3A_636 = arith.constant 0 : i32
    %sign3A_637 = arith.cmpi sgt, %jit3A_627, %sign3A_636 : i32
    %sign3A_638 = arith.extui %sign3A_637 : i1 to i32
    %sign3A_639 = arith.constant 0 : i32
    %sign3A_640 = arith.cmpi slt, %jit3A_627, %sign3A_639 : i32
    %sign3A_641 = arith.extui %sign3A_640 : i1 to i32
    %sign3A_642 = arith.subi %sign3A_638, %sign3A_641 : i32
    %ne3A_643 = arith.cmpi ne, %sign3A_635, %sign3A_642 : i32
    %rem3A_644 = arith.remsi %add3A_626, %jit3A_627 : i32
    %ne3A_645 = arith.constant 0 : i32
    %ne3A_646 = arith.cmpi ne, %rem3A_644, %ne3A_645 : i32
    %and3A_647 = arith.andi %ne3A_643, %ne3A_646 : i1
    %sub3A_648 = arith.constant 1 : i32
    %sub3A_649 = arith.subi %div3A_628, %sub3A_648 : i32
    %select_n3A_650 = arith.select %and3A_647, %sub3A_649, %div3A_628 : i32
    %jit3A_651 = arith.constant 8 : i32
    %eq3A_652 = arith.constant 0 : i32
    %eq3A_653 = arith.cmpi eq, %jit3A_651, %eq3A_652 : i32
    %jit3A_654 = arith.constant 1 : i32
    %select_n3A_655 = arith.select %eq3A_653, %jit3A_654, %jit3A_651 : i32
    %rem3A_656 = arith.remsi %add3A_626, %select_n3A_655 : i32
    %ne3A_657 = arith.constant 0 : i32
    %ne3A_658 = arith.cmpi ne, %rem3A_656, %ne3A_657 : i32
    %lt3A_659 = arith.constant 0 : i32
    %lt3A_660 = arith.cmpi slt, %rem3A_656, %lt3A_659 : i32
    %lt3A_661 = arith.constant 0 : i32
    %lt3A_662 = arith.cmpi slt, %select_n3A_655, %lt3A_661 : i32
    %ne3A_663 = arith.xori %lt3A_660, %lt3A_662 : i1
    %and3A_664 = arith.andi %ne3A_663, %ne3A_658 : i1
    %add3A_665 = arith.addi %rem3A_656, %select_n3A_655 : i32
    %select_n3A_666 = arith.select %and3A_664, %add3A_665, %rem3A_656 : i32
    %mul3A_667 = arith.constant 2048 : i32
    %mul3A_668 = arith.muli %select_n3A_666, %mul3A_667 : i32
    %mul3A_669 = arith.constant 50 : i32
    %mul3A_670 = arith.muli %arg0, %mul3A_669 : i32
    %add3A_671 = arith.addi %mul3A_670, %select_n3A_650 : i32
    %dma_wait3A_672 = tpu.memref_slice %arg3[%add3A_671, %mul3A_668] : memref<100x16384xi32, #tpu.memory_space<hbm>> -> memref<1x2048xi32, #tpu.memory_space<hbm>>
    %dma_wait3A_673 = tpu.memref_squeeze %dma_wait3A_672 : memref<1x2048xi32, #tpu.memory_space<hbm>> -> memref<2048xi32, #tpu.memory_space<hbm>>
    %dma_wait3A_674 = tpu.memref_slice %arg3[%add3A_671, %mul3A_668] : memref<100x16384xi32, #tpu.memory_space<hbm>> -> memref<1x2048xi32, #tpu.memory_space<hbm>>
    %dma_wait3A_675 = tpu.memref_squeeze %dma_wait3A_674 : memref<1x2048xi32, #tpu.memory_space<hbm>> -> memref<2048xi32, #tpu.memory_space<hbm>>
    tpu.wait_dma2 semaphore(%arg10 : memref<!tpu.dma_semaphore, #tpu.memory_space<semaphore_mem>>) src(%dma_wait3A_675 : memref<2048xi32, #tpu.memory_space<hbm>>) dst(%arg6 : memref<2048xi32, #tpu.memory_space<vmem>>)
    %add3A_676 = arith.constant 32 : i32
    %add3A_677 = arith.addi %arg1, %add3A_676 : i32
    %jit3A_678 = arith.constant 8 : i32
    %div3A_679 = arith.divsi %add3A_677, %jit3A_678 : i32
    %sign3A_680 = arith.constant 0 : i32
    %sign3A_681 = arith.cmpi sgt, %add3A_677, %sign3A_680 : i32
    %sign3A_682 = arith.extui %sign3A_681 : i1 to i32
    %sign3A_683 = arith.constant 0 : i32
    %sign3A_684 = arith.cmpi slt, %add3A_677, %sign3A_683 : i32
    %sign3A_685 = arith.extui %sign3A_684 : i1 to i32
    %sign3A_686 = arith.subi %sign3A_682, %sign3A_685 : i32
    %sign3A_687 = arith.constant 0 : i32
    %sign3A_688 = arith.cmpi sgt, %jit3A_678, %sign3A_687 : i32
    %sign3A_689 = arith.extui %sign3A_688 : i1 to i32
    %sign3A_690 = arith.constant 0 : i32
    %sign3A_691 = arith.cmpi slt, %jit3A_678, %sign3A_690 : i32
    %sign3A_692 = arith.extui %sign3A_691 : i1 to i32
    %sign3A_693 = arith.subi %sign3A_689, %sign3A_692 : i32
    %ne3A_694 = arith.cmpi ne, %sign3A_686, %sign3A_693 : i32
    %rem3A_695 = arith.remsi %add3A_677, %jit3A_678 : i32
    %ne3A_696 = arith.constant 0 : i32
    %ne3A_697 = arith.cmpi ne, %rem3A_695, %ne3A_696 : i32
    %and3A_698 = arith.andi %ne3A_694, %ne3A_697 : i1
    %sub3A_699 = arith.constant 1 : i32
    %sub3A_700 = arith.subi %div3A_679, %sub3A_699 : i32
    %select_n3A_701 = arith.select %and3A_698, %sub3A_700, %div3A_679 : i32
    %jit3A_702 = arith.constant 8 : i32
    %eq3A_703 = arith.constant 0 : i32
    %eq3A_704 = arith.cmpi eq, %jit3A_702, %eq3A_703 : i32
    %jit3A_705 = arith.constant 1 : i32
    %select_n3A_706 = arith.select %eq3A_704, %jit3A_705, %jit3A_702 : i32
    %rem3A_707 = arith.remsi %add3A_677, %select_n3A_706 : i32
    %ne3A_708 = arith.constant 0 : i32
    %ne3A_709 = arith.cmpi ne, %rem3A_707, %ne3A_708 : i32
    %lt3A_710 = arith.constant 0 : i32
    %lt3A_711 = arith.cmpi slt, %rem3A_707, %lt3A_710 : i32
    %lt3A_712 = arith.constant 0 : i32
    %lt3A_713 = arith.cmpi slt, %select_n3A_706, %lt3A_712 : i32
    %ne3A_714 = arith.xori %lt3A_711, %lt3A_713 : i1
    %and3A_715 = arith.andi %ne3A_714, %ne3A_709 : i1
    %add3A_716 = arith.addi %rem3A_707, %select_n3A_706 : i32
    %select_n3A_717 = arith.select %and3A_715, %add3A_716, %rem3A_707 : i32
    %mul3A_718 = arith.constant 2048 : i32
    %mul3A_719 = arith.muli %select_n3A_717, %mul3A_718 : i32
    %mul3A_720 = arith.constant 50 : i32
    %mul3A_721 = arith.muli %arg0, %mul3A_720 : i32
    %add3A_722 = arith.addi %mul3A_721, %select_n3A_701 : i32
    %mul3A_723 = arith.constant 16 : i32
    %mul3A_724 = arith.muli %add3A_722, %mul3A_723 : i32
    %dma_wait3A_725 = tpu.memref_slice %arg4[%mul3A_719, %mul3A_724] : memref<16384x1600xf32, #tpu.memory_space<hbm>> -> memref<2048x16xf32, #tpu.memory_space<hbm>>
    %dma_wait3A_726 = tpu.memref_slice %arg4[%mul3A_719, %mul3A_724] : memref<16384x1600xf32, #tpu.memory_space<hbm>> -> memref<2048x16xf32, #tpu.memory_space<hbm>>
    tpu.wait_dma2 semaphore(%arg14 : memref<!tpu.dma_semaphore, #tpu.memory_space<semaphore_mem>>) src(%arg8 : memref<2048x16xf32, #tpu.memory_space<vmem>>) dst(%dma_wait3A_726 : memref<2048x16xf32, #tpu.memory_space<hbm>>)
    %dma_start3A_727 = arith.constant 0 : i32
    %dma_start3A_728 = arith.constant 0 : i32
    %dma_start3A_729 = tpu.memref_slice %arg5[%select_n3A_650, %dma_start3A_727, %dma_start3A_728] : memref<50x1024x16xf32, #tpu.memory_space<vmem_shared>> -> memref<1x1024x16xf32, #tpu.memory_space<vmem_shared>>
    %dma_start3A_730 = tpu.memref_squeeze %dma_start3A_729 : memref<1x1024x16xf32, #tpu.memory_space<vmem_shared>> -> memref<1024x16xf32, #tpu.memory_space<vmem_shared>>
    %dma_start3A_731 = arith.constant 0 : i32
    %dma_start3A_732 = arith.constant 0 : i32
    %dma_start3A_733 = tpu.memref_slice %dma_start3A_730[%dma_start3A_731, %dma_start3A_732] : memref<1024x16xf32, #tpu.memory_space<vmem_shared>> -> memref<1024x16xf32, #tpu.memory_space<vmem_shared>>
    tpu.enqueue_indirect_dma source(%dma_start3A_733 : memref<1024x16xf32, #tpu.memory_space<vmem_shared>>) target(%arg8 : memref<2048x16xf32, #tpu.memory_space<vmem>>) offsets(%arg6 : memref<2048xi32, #tpu.memory_space<vmem>>) semaphore(%arg12 : memref<!tpu.dma_semaphore, #tpu.memory_space<semaphore_mem>>)
    %add3A_734 = arith.constant 80 : i32
    %add3A_735 = arith.addi %arg1, %add3A_734 : i32
    %jit3A_736 = arith.constant 8 : i32
    %div3A_737 = arith.divsi %add3A_735, %jit3A_736 : i32
    %sign3A_738 = arith.constant 0 : i32
    %sign3A_739 = arith.cmpi sgt, %add3A_735, %sign3A_738 : i32
    %sign3A_740 = arith.extui %sign3A_739 : i1 to i32
    %sign3A_741 = arith.constant 0 : i32
    %sign3A_742 = arith.cmpi slt, %add3A_735, %sign3A_741 : i32
    %sign3A_743 = arith.extui %sign3A_742 : i1 to i32
    %sign3A_744 = arith.subi %sign3A_740, %sign3A_743 : i32
    %sign3A_745 = arith.constant 0 : i32
    %sign3A_746 = arith.cmpi sgt, %jit3A_736, %sign3A_745 : i32
    %sign3A_747 = arith.extui %sign3A_746 : i1 to i32
    %sign3A_748 = arith.constant 0 : i32
    %sign3A_749 = arith.cmpi slt, %jit3A_736, %sign3A_748 : i32
    %sign3A_750 = arith.extui %sign3A_749 : i1 to i32
    %sign3A_751 = arith.subi %sign3A_747, %sign3A_750 : i32
    %ne3A_752 = arith.cmpi ne, %sign3A_744, %sign3A_751 : i32
    %rem3A_753 = arith.remsi %add3A_735, %jit3A_736 : i32
    %ne3A_754 = arith.constant 0 : i32
    %ne3A_755 = arith.cmpi ne, %rem3A_753, %ne3A_754 : i32
    %and3A_756 = arith.andi %ne3A_752, %ne3A_755 : i1
    %sub3A_757 = arith.constant 1 : i32
    %sub3A_758 = arith.subi %div3A_737, %sub3A_757 : i32
    %select_n3A_759 = arith.select %and3A_756, %sub3A_758, %div3A_737 : i32
    %jit3A_760 = arith.constant 8 : i32
    %eq3A_761 = arith.constant 0 : i32
    %eq3A_762 = arith.cmpi eq, %jit3A_760, %eq3A_761 : i32
    %jit3A_763 = arith.constant 1 : i32
    %select_n3A_764 = arith.select %eq3A_762, %jit3A_763, %jit3A_760 : i32
    %rem3A_765 = arith.remsi %add3A_735, %select_n3A_764 : i32
    %ne3A_766 = arith.constant 0 : i32
    %ne3A_767 = arith.cmpi ne, %rem3A_765, %ne3A_766 : i32
    %lt3A_768 = arith.constant 0 : i32
    %lt3A_769 = arith.cmpi slt, %rem3A_765, %lt3A_768 : i32
    %lt3A_770 = arith.constant 0 : i32
    %lt3A_771 = arith.cmpi slt, %select_n3A_764, %lt3A_770 : i32
    %ne3A_772 = arith.xori %lt3A_769, %lt3A_771 : i1
    %and3A_773 = arith.andi %ne3A_772, %ne3A_767 : i1
    %add3A_774 = arith.addi %rem3A_765, %select_n3A_764 : i32
    %select_n3A_775 = arith.select %and3A_773, %add3A_774, %rem3A_765 : i32
    %mul3A_776 = arith.constant 2048 : i32
    %mul3A_777 = arith.muli %select_n3A_775, %mul3A_776 : i32
    %mul3A_778 = arith.constant 50 : i32
    %mul3A_779 = arith.muli %arg0, %mul3A_778 : i32
    %add3A_780 = arith.addi %mul3A_779, %select_n3A_759 : i32
    %dma_start3A_781 = tpu.memref_slice %arg3[%add3A_780, %mul3A_777] : memref<100x16384xi32, #tpu.memory_space<hbm>> -> memref<1x2048xi32, #tpu.memory_space<hbm>>
    %dma_start3A_782 = tpu.memref_squeeze %dma_start3A_781 : memref<1x2048xi32, #tpu.memory_space<hbm>> -> memref<2048xi32, #tpu.memory_space<hbm>>
    %dma_start3A_783 = tpu.memref_slice %arg3[%add3A_780, %mul3A_777] : memref<100x16384xi32, #tpu.memory_space<hbm>> -> memref<1x2048xi32, #tpu.memory_space<hbm>>
    %dma_start3A_784 = tpu.memref_squeeze %dma_start3A_783 : memref<1x2048xi32, #tpu.memory_space<hbm>> -> memref<2048xi32, #tpu.memory_space<hbm>>
    tpu.enqueue_dma source(%dma_start3A_784 : memref<2048xi32, #tpu.memory_space<hbm>>) target(%arg7 : memref<2048xi32, #tpu.memory_space<vmem>>) target_semaphore(%arg11 : memref<!tpu.dma_semaphore, #tpu.memory_space<semaphore_mem>>)
    %dma_wait3A_785 = arith.constant 0 : i32
    %dma_wait3A_786 = arith.constant 0 : i32
    %dma_wait3A_787 = tpu.memref_slice %arg5[%select_n3A_650, %dma_wait3A_785, %dma_wait3A_786] : memref<50x1024x16xf32, #tpu.memory_space<vmem_shared>> -> memref<1x1024x16xf32, #tpu.memory_space<vmem_shared>>
    %dma_wait3A_788 = tpu.memref_squeeze %dma_wait3A_787 : memref<1x1024x16xf32, #tpu.memory_space<vmem_shared>> -> memref<1024x16xf32, #tpu.memory_space<vmem_shared>>
    %dma_wait3A_789 = arith.constant 0 : i32
    %dma_wait3A_790 = arith.constant 0 : i32
    %dma_wait3A_791 = tpu.memref_slice %dma_wait3A_788[%dma_wait3A_789, %dma_wait3A_790] : memref<1024x16xf32, #tpu.memory_space<vmem_shared>> -> memref<1024x16xf32, #tpu.memory_space<vmem_shared>>
    tpu.wait_indirect_dma semaphore(%arg12 : memref<!tpu.dma_semaphore, #tpu.memory_space<semaphore_mem>>) src(%dma_wait3A_791 : memref<1024x16xf32, #tpu.memory_space<vmem_shared>>) dst(%arg8 : memref<2048x16xf32, #tpu.memory_space<vmem>>)
    %mul3A_792 = arith.constant 16 : i32
    %mul3A_793 = arith.muli %add3A_671, %mul3A_792 : i32
    %dma_start3A_794 = tpu.memref_slice %arg4[%mul3A_668, %mul3A_793] : memref<16384x1600xf32, #tpu.memory_space<hbm>> -> memref<2048x16xf32, #tpu.memory_space<hbm>>
    %dma_start3A_795 = tpu.memref_slice %arg4[%mul3A_668, %mul3A_793] : memref<16384x1600xf32, #tpu.memory_space<hbm>> -> memref<2048x16xf32, #tpu.memory_space<hbm>>
    tpu.enqueue_dma source(%arg8 : memref<2048x16xf32, #tpu.memory_space<vmem>>) target(%dma_start3A_795 : memref<2048x16xf32, #tpu.memory_space<hbm>>) target_semaphore(%arg14 : memref<!tpu.dma_semaphore, #tpu.memory_space<semaphore_mem>>)
    %add3A_796 = arith.constant 80 : i32
    %add3A_797 = arith.addi %arg1, %add3A_796 : i32
    %jit3A_798 = arith.constant 8 : i32
    %div3A_799 = arith.divsi %add3A_797, %jit3A_798 : i32
    %sign3A_800 = arith.constant 0 : i32
    %sign3A_801 = arith.cmpi sgt, %add3A_797, %sign3A_800 : i32
    %sign3A_802 = arith.extui %sign3A_801 : i1 to i32
    %sign3A_803 = arith.constant 0 : i32
    %sign3A_804 = arith.cmpi slt, %add3A_797, %sign3A_803 : i32
    %sign3A_805 = arith.extui %sign3A_804 : i1 to i32
    %sign3A_806 = arith.subi %sign3A_802, %sign3A_805 : i32
    %sign3A_807 = arith.constant 0 : i32
    %sign3A_808 = arith.cmpi sgt, %jit3A_798, %sign3A_807 : i32
    %sign3A_809 = arith.extui %sign3A_808 : i1 to i32
    %sign3A_810 = arith.constant 0 : i32
    %sign3A_811 = arith.cmpi slt, %jit3A_798, %sign3A_810 : i32
    %sign3A_812 = arith.extui %sign3A_811 : i1 to i32
    %sign3A_813 = arith.subi %sign3A_809, %sign3A_812 : i32
    %ne3A_814 = arith.cmpi ne, %sign3A_806, %sign3A_813 : i32
    %rem3A_815 = arith.remsi %add3A_797, %jit3A_798 : i32
    %ne3A_816 = arith.constant 0 : i32
    %ne3A_817 = arith.cmpi ne, %rem3A_815, %ne3A_816 : i32
    %and3A_818 = arith.andi %ne3A_814, %ne3A_817 : i1
    %sub3A_819 = arith.constant 1 : i32
    %sub3A_820 = arith.subi %div3A_799, %sub3A_819 : i32
    %select_n3A_821 = arith.select %and3A_818, %sub3A_820, %div3A_799 : i32
    %jit3A_822 = arith.constant 8 : i32
    %eq3A_823 = arith.constant 0 : i32
    %eq3A_824 = arith.cmpi eq, %jit3A_822, %eq3A_823 : i32
    %jit3A_825 = arith.constant 1 : i32
    %select_n3A_826 = arith.select %eq3A_824, %jit3A_825, %jit3A_822 : i32
    %rem3A_827 = arith.remsi %add3A_797, %select_n3A_826 : i32
    %ne3A_828 = arith.constant 0 : i32
    %ne3A_829 = arith.cmpi ne, %rem3A_827, %ne3A_828 : i32
    %lt3A_830 = arith.constant 0 : i32
    %lt3A_831 = arith.cmpi slt, %rem3A_827, %lt3A_830 : i32
    %lt3A_832 = arith.constant 0 : i32
    %lt3A_833 = arith.cmpi slt, %select_n3A_826, %lt3A_832 : i32
    %ne3A_834 = arith.xori %lt3A_831, %lt3A_833 : i1
    %and3A_835 = arith.andi %ne3A_834, %ne3A_829 : i1
    %add3A_836 = arith.addi %rem3A_827, %select_n3A_826 : i32
    %select_n3A_837 = arith.select %and3A_835, %add3A_836, %rem3A_827 : i32
    %mul3A_838 = arith.constant 2048 : i32
    %mul3A_839 = arith.muli %select_n3A_837, %mul3A_838 : i32
    %mul3A_840 = arith.constant 50 : i32
    %mul3A_841 = arith.muli %arg0, %mul3A_840 : i32
    %add3A_842 = arith.addi %mul3A_841, %select_n3A_821 : i32
    %dma_wait3A_843 = tpu.memref_slice %arg3[%add3A_842, %mul3A_839] : memref<100x16384xi32, #tpu.memory_space<hbm>> -> memref<1x2048xi32, #tpu.memory_space<hbm>>
    %dma_wait3A_844 = tpu.memref_squeeze %dma_wait3A_843 : memref<1x2048xi32, #tpu.memory_space<hbm>> -> memref<2048xi32, #tpu.memory_space<hbm>>
    %dma_wait3A_845 = tpu.memref_slice %arg3[%add3A_842, %mul3A_839] : memref<100x16384xi32, #tpu.memory_space<hbm>> -> memref<1x2048xi32, #tpu.memory_space<hbm>>
    %dma_wait3A_846 = tpu.memref_squeeze %dma_wait3A_845 : memref<1x2048xi32, #tpu.memory_space<hbm>> -> memref<2048xi32, #tpu.memory_space<hbm>>
    tpu.wait_dma2 semaphore(%arg11 : memref<!tpu.dma_semaphore, #tpu.memory_space<semaphore_mem>>) src(%dma_wait3A_846 : memref<2048xi32, #tpu.memory_space<hbm>>) dst(%arg7 : memref<2048xi32, #tpu.memory_space<vmem>>)
    %add3A_847 = arith.constant 48 : i32
    %add3A_848 = arith.addi %arg1, %add3A_847 : i32
    %jit3A_849 = arith.constant 8 : i32
    %div3A_850 = arith.divsi %add3A_848, %jit3A_849 : i32
    %sign3A_851 = arith.constant 0 : i32
    %sign3A_852 = arith.cmpi sgt, %add3A_848, %sign3A_851 : i32
    %sign3A_853 = arith.extui %sign3A_852 : i1 to i32
    %sign3A_854 = arith.constant 0 : i32
    %sign3A_855 = arith.cmpi slt, %add3A_848, %sign3A_854 : i32
    %sign3A_856 = arith.extui %sign3A_855 : i1 to i32
    %sign3A_857 = arith.subi %sign3A_853, %sign3A_856 : i32
    %sign3A_858 = arith.constant 0 : i32
    %sign3A_859 = arith.cmpi sgt, %jit3A_849, %sign3A_858 : i32
    %sign3A_860 = arith.extui %sign3A_859 : i1 to i32
    %sign3A_861 = arith.constant 0 : i32
    %sign3A_862 = arith.cmpi slt, %jit3A_849, %sign3A_861 : i32
    %sign3A_863 = arith.extui %sign3A_862 : i1 to i32
    %sign3A_864 = arith.subi %sign3A_860, %sign3A_863 : i32
    %ne3A_865 = arith.cmpi ne, %sign3A_857, %sign3A_864 : i32
    %rem3A_866 = arith.remsi %add3A_848, %jit3A_849 : i32
    %ne3A_867 = arith.constant 0 : i32
    %ne3A_868 = arith.cmpi ne, %rem3A_866, %ne3A_867 : i32
    %and3A_869 = arith.andi %ne3A_865, %ne3A_868 : i1
    %sub3A_870 = arith.constant 1 : i32
    %sub3A_871 = arith.subi %div3A_850, %sub3A_870 : i32
    %select_n3A_872 = arith.select %and3A_869, %sub3A_871, %div3A_850 : i32
    %jit3A_873 = arith.constant 8 : i32
    %eq3A_874 = arith.constant 0 : i32
    %eq3A_875 = arith.cmpi eq, %jit3A_873, %eq3A_874 : i32
    %jit3A_876 = arith.constant 1 : i32
    %select_n3A_877 = arith.select %eq3A_875, %jit3A_876, %jit3A_873 : i32
    %rem3A_878 = arith.remsi %add3A_848, %select_n3A_877 : i32
    %ne3A_879 = arith.constant 0 : i32
    %ne3A_880 = arith.cmpi ne, %rem3A_878, %ne3A_879 : i32
    %lt3A_881 = arith.constant 0 : i32
    %lt3A_882 = arith.cmpi slt, %rem3A_878, %lt3A_881 : i32
    %lt3A_883 = arith.constant 0 : i32
    %lt3A_884 = arith.cmpi slt, %select_n3A_877, %lt3A_883 : i32
    %ne3A_885 = arith.xori %lt3A_882, %lt3A_884 : i1
    %and3A_886 = arith.andi %ne3A_885, %ne3A_880 : i1
    %add3A_887 = arith.addi %rem3A_878, %select_n3A_877 : i32
    %select_n3A_888 = arith.select %and3A_886, %add3A_887, %rem3A_878 : i32
    %mul3A_889 = arith.constant 2048 : i32
    %mul3A_890 = arith.muli %select_n3A_888, %mul3A_889 : i32
    %mul3A_891 = arith.constant 50 : i32
    %mul3A_892 = arith.muli %arg0, %mul3A_891 : i32
    %add3A_893 = arith.addi %mul3A_892, %select_n3A_872 : i32
    %mul3A_894 = arith.constant 16 : i32
    %mul3A_895 = arith.muli %add3A_893, %mul3A_894 : i32
    %dma_wait3A_896 = tpu.memref_slice %arg4[%mul3A_890, %mul3A_895] : memref<16384x1600xf32, #tpu.memory_space<hbm>> -> memref<2048x16xf32, #tpu.memory_space<hbm>>
    %dma_wait3A_897 = tpu.memref_slice %arg4[%mul3A_890, %mul3A_895] : memref<16384x1600xf32, #tpu.memory_space<hbm>> -> memref<2048x16xf32, #tpu.memory_space<hbm>>
    tpu.wait_dma2 semaphore(%arg15 : memref<!tpu.dma_semaphore, #tpu.memory_space<semaphore_mem>>) src(%arg9 : memref<2048x16xf32, #tpu.memory_space<vmem>>) dst(%dma_wait3A_897 : memref<2048x16xf32, #tpu.memory_space<hbm>>)
    %dma_start3A_898 = arith.constant 0 : i32
    %dma_start3A_899 = arith.constant 0 : i32
    %dma_start3A_900 = tpu.memref_slice %arg5[%select_n3A_821, %dma_start3A_898, %dma_start3A_899] : memref<50x1024x16xf32, #tpu.memory_space<vmem_shared>> -> memref<1x1024x16xf32, #tpu.memory_space<vmem_shared>>
    %dma_start3A_901 = tpu.memref_squeeze %dma_start3A_900 : memref<1x1024x16xf32, #tpu.memory_space<vmem_shared>> -> memref<1024x16xf32, #tpu.memory_space<vmem_shared>>
    %dma_start3A_902 = arith.constant 0 : i32
    %dma_start3A_903 = arith.constant 0 : i32
    %dma_start3A_904 = tpu.memref_slice %dma_start3A_901[%dma_start3A_902, %dma_start3A_903] : memref<1024x16xf32, #tpu.memory_space<vmem_shared>> -> memref<1024x16xf32, #tpu.memory_space<vmem_shared>>
    tpu.enqueue_indirect_dma source(%dma_start3A_904 : memref<1024x16xf32, #tpu.memory_space<vmem_shared>>) target(%arg9 : memref<2048x16xf32, #tpu.memory_space<vmem>>) offsets(%arg7 : memref<2048xi32, #tpu.memory_space<vmem>>) semaphore(%arg13 : memref<!tpu.dma_semaphore, #tpu.memory_space<semaphore_mem>>)
    %add3A_905 = arith.constant 96 : i32
    %add3A_906 = arith.addi %arg1, %add3A_905 : i32
    %jit3A_907 = arith.constant 8 : i32
    %div3A_908 = arith.divsi %add3A_906, %jit3A_907 : i32
    %sign3A_909 = arith.constant 0 : i32
    %sign3A_910 = arith.cmpi sgt, %add3A_906, %sign3A_909 : i32
    %sign3A_911 = arith.extui %sign3A_910 : i1 to i32
    %sign3A_912 = arith.constant 0 : i32
    %sign3A_913 = arith.cmpi slt, %add3A_906, %sign3A_912 : i32
    %sign3A_914 = arith.extui %sign3A_913 : i1 to i32
    %sign3A_915 = arith.subi %sign3A_911, %sign3A_914 : i32
    %sign3A_916 = arith.constant 0 : i32
    %sign3A_917 = arith.cmpi sgt, %jit3A_907, %sign3A_916 : i32
    %sign3A_918 = arith.extui %sign3A_917 : i1 to i32
    %sign3A_919 = arith.constant 0 : i32
    %sign3A_920 = arith.cmpi slt, %jit3A_907, %sign3A_919 : i32
    %sign3A_921 = arith.extui %sign3A_920 : i1 to i32
    %sign3A_922 = arith.subi %sign3A_918, %sign3A_921 : i32
    %ne3A_923 = arith.cmpi ne, %sign3A_915, %sign3A_922 : i32
    %rem3A_924 = arith.remsi %add3A_906, %jit3A_907 : i32
    %ne3A_925 = arith.constant 0 : i32
    %ne3A_926 = arith.cmpi ne, %rem3A_924, %ne3A_925 : i32
    %and3A_927 = arith.andi %ne3A_923, %ne3A_926 : i1
    %sub3A_928 = arith.constant 1 : i32
    %sub3A_929 = arith.subi %div3A_908, %sub3A_928 : i32
    %select_n3A_930 = arith.select %and3A_927, %sub3A_929, %div3A_908 : i32
    %jit3A_931 = arith.constant 8 : i32
    %eq3A_932 = arith.constant 0 : i32
    %eq3A_933 = arith.cmpi eq, %jit3A_931, %eq3A_932 : i32
    %jit3A_934 = arith.constant 1 : i32
    %select_n3A_935 = arith.select %eq3A_933, %jit3A_934, %jit3A_931 : i32
    %rem3A_936 = arith.remsi %add3A_906, %select_n3A_935 : i32
    %ne3A_937 = arith.constant 0 : i32
    %ne3A_938 = arith.cmpi ne, %rem3A_936, %ne3A_937 : i32
    %lt3A_939 = arith.constant 0 : i32
    %lt3A_940 = arith.cmpi slt, %rem3A_936, %lt3A_939 : i32
    %lt3A_941 = arith.constant 0 : i32
    %lt3A_942 = arith.cmpi slt, %select_n3A_935, %lt3A_941 : i32
    %ne3A_943 = arith.xori %lt3A_940, %lt3A_942 : i1
    %and3A_944 = arith.andi %ne3A_943, %ne3A_938 : i1
    %add3A_945 = arith.addi %rem3A_936, %select_n3A_935 : i32
    %select_n3A_946 = arith.select %and3A_944, %add3A_945, %rem3A_936 : i32
    %mul3A_947 = arith.constant 2048 : i32
    %mul3A_948 = arith.muli %select_n3A_946, %mul3A_947 : i32
    %mul3A_949 = arith.constant 50 : i32
    %mul3A_950 = arith.muli %arg0, %mul3A_949 : i32
    %add3A_951 = arith.addi %mul3A_950, %select_n3A_930 : i32
    %dma_start3A_952 = tpu.memref_slice %arg3[%add3A_951, %mul3A_948] : memref<100x16384xi32, #tpu.memory_space<hbm>> -> memref<1x2048xi32, #tpu.memory_space<hbm>>
    %dma_start3A_953 = tpu.memref_squeeze %dma_start3A_952 : memref<1x2048xi32, #tpu.memory_space<hbm>> -> memref<2048xi32, #tpu.memory_space<hbm>>
    %dma_start3A_954 = tpu.memref_slice %arg3[%add3A_951, %mul3A_948] : memref<100x16384xi32, #tpu.memory_space<hbm>> -> memref<1x2048xi32, #tpu.memory_space<hbm>>
    %dma_start3A_955 = tpu.memref_squeeze %dma_start3A_954 : memref<1x2048xi32, #tpu.memory_space<hbm>> -> memref<2048xi32, #tpu.memory_space<hbm>>
    tpu.enqueue_dma source(%dma_start3A_955 : memref<2048xi32, #tpu.memory_space<hbm>>) target(%arg6 : memref<2048xi32, #tpu.memory_space<vmem>>) target_semaphore(%arg10 : memref<!tpu.dma_semaphore, #tpu.memory_space<semaphore_mem>>)
    %dma_wait3A_956 = arith.constant 0 : i32
    %dma_wait3A_957 = arith.constant 0 : i32
    %dma_wait3A_958 = tpu.memref_slice %arg5[%select_n3A_821, %dma_wait3A_956, %dma_wait3A_957] : memref<50x1024x16xf32, #tpu.memory_space<vmem_shared>> -> memref<1x1024x16xf32, #tpu.memory_space<vmem_shared>>
    %dma_wait3A_959 = tpu.memref_squeeze %dma_wait3A_958 : memref<1x1024x16xf32, #tpu.memory_space<vmem_shared>> -> memref<1024x16xf32, #tpu.memory_space<vmem_shared>>
    %dma_wait3A_960 = arith.constant 0 : i32
    %dma_wait3A_961 = arith.constant 0 : i32
    %dma_wait3A_962 = tpu.memref_slice %dma_wait3A_959[%dma_wait3A_960, %dma_wait3A_961] : memref<1024x16xf32, #tpu.memory_space<vmem_shared>> -> memref<1024x16xf32, #tpu.memory_space<vmem_shared>>
    tpu.wait_indirect_dma semaphore(%arg13 : memref<!tpu.dma_semaphore, #tpu.memory_space<semaphore_mem>>) src(%dma_wait3A_962 : memref<1024x16xf32, #tpu.memory_space<vmem_shared>>) dst(%arg9 : memref<2048x16xf32, #tpu.memory_space<vmem>>)
    %mul3A_963 = arith.constant 16 : i32
    %mul3A_964 = arith.muli %add3A_842, %mul3A_963 : i32
    %dma_start3A_965 = tpu.memref_slice %arg4[%mul3A_839, %mul3A_964] : memref<16384x1600xf32, #tpu.memory_space<hbm>> -> memref<2048x16xf32, #tpu.memory_space<hbm>>
    %dma_start3A_966 = tpu.memref_slice %arg4[%mul3A_839, %mul3A_964] : memref<16384x1600xf32, #tpu.memory_space<hbm>> -> memref<2048x16xf32, #tpu.memory_space<hbm>>
    tpu.enqueue_dma source(%arg9 : memref<2048x16xf32, #tpu.memory_space<vmem>>) target(%dma_start3A_966 : memref<2048x16xf32, #tpu.memory_space<hbm>>) target_semaphore(%arg15 : memref<!tpu.dma_semaphore, #tpu.memory_space<semaphore_mem>>)
    %add3A_967 = arith.constant 96 : i32
    %add3A_968 = arith.addi %arg1, %add3A_967 : i32
    %jit3A_969 = arith.constant 8 : i32
    %div3A_970 = arith.divsi %add3A_968, %jit3A_969 : i32
    %sign3A_971 = arith.constant 0 : i32
    %sign3A_972 = arith.cmpi sgt, %add3A_968, %sign3A_971 : i32
    %sign3A_973 = arith.extui %sign3A_972 : i1 to i32
    %sign3A_974 = arith.constant 0 : i32
    %sign3A_975 = arith.cmpi slt, %add3A_968, %sign3A_974 : i32
    %sign3A_976 = arith.extui %sign3A_975 : i1 to i32
    %sign3A_977 = arith.subi %sign3A_973, %sign3A_976 : i32
    %sign3A_978 = arith.constant 0 : i32
    %sign3A_979 = arith.cmpi sgt, %jit3A_969, %sign3A_978 : i32
    %sign3A_980 = arith.extui %sign3A_979 : i1 to i32
    %sign3A_981 = arith.constant 0 : i32
    %sign3A_982 = arith.cmpi slt, %jit3A_969, %sign3A_981 : i32
    %sign3A_983 = arith.extui %sign3A_982 : i1 to i32
    %sign3A_984 = arith.subi %sign3A_980, %sign3A_983 : i32
    %ne3A_985 = arith.cmpi ne, %sign3A_977, %sign3A_984 : i32
    %rem3A_986 = arith.remsi %add3A_968, %jit3A_969 : i32
    %ne3A_987 = arith.constant 0 : i32
    %ne3A_988 = arith.cmpi ne, %rem3A_986, %ne3A_987 : i32
    %and3A_989 = arith.andi %ne3A_985, %ne3A_988 : i1
    %sub3A_990 = arith.constant 1 : i32
    %sub3A_991 = arith.subi %div3A_970, %sub3A_990 : i32
    %select_n3A_992 = arith.select %and3A_989, %sub3A_991, %div3A_970 : i32
    %jit3A_993 = arith.constant 8 : i32
    %eq3A_994 = arith.constant 0 : i32
    %eq3A_995 = arith.cmpi eq, %jit3A_993, %eq3A_994 : i32
    %jit3A_996 = arith.constant 1 : i32
    %select_n3A_997 = arith.select %eq3A_995, %jit3A_996, %jit3A_993 : i32
    %rem3A_998 = arith.remsi %add3A_968, %select_n3A_997 : i32
    %ne3A_999 = arith.constant 0 : i32
    %ne3A_1000 = arith.cmpi ne, %rem3A_998, %ne3A_999 : i32
    %lt3A_1001 = arith.constant 0 : i32
    %lt3A_1002 = arith.cmpi slt, %rem3A_998, %lt3A_1001 : i32
    %lt3A_1003 = arith.constant 0 : i32
    %lt3A_1004 = arith.cmpi slt, %select_n3A_997, %lt3A_1003 : i32
    %ne3A_1005 = arith.xori %lt3A_1002, %lt3A_1004 : i1
    %and3A_1006 = arith.andi %ne3A_1005, %ne3A_1000 : i1
    %add3A_1007 = arith.addi %rem3A_998, %select_n3A_997 : i32
    %select_n3A_1008 = arith.select %and3A_1006, %add3A_1007, %rem3A_998 : i32
    %mul3A_1009 = arith.constant 2048 : i32
    %mul3A_1010 = arith.muli %select_n3A_1008, %mul3A_1009 : i32
    %mul3A_1011 = arith.constant 50 : i32
    %mul3A_1012 = arith.muli %arg0, %mul3A_1011 : i32
    %add3A_1013 = arith.addi %mul3A_1012, %select_n3A_992 : i32
    %dma_wait3A_1014 = tpu.memref_slice %arg3[%add3A_1013, %mul3A_1010] : memref<100x16384xi32, #tpu.memory_space<hbm>> -> memref<1x2048xi32, #tpu.memory_space<hbm>>
    %dma_wait3A_1015 = tpu.memref_squeeze %dma_wait3A_1014 : memref<1x2048xi32, #tpu.memory_space<hbm>> -> memref<2048xi32, #tpu.memory_space<hbm>>
    %dma_wait3A_1016 = tpu.memref_slice %arg3[%add3A_1013, %mul3A_1010] : memref<100x16384xi32, #tpu.memory_space<hbm>> -> memref<1x2048xi32, #tpu.memory_space<hbm>>
    %dma_wait3A_1017 = tpu.memref_squeeze %dma_wait3A_1016 : memref<1x2048xi32, #tpu.memory_space<hbm>> -> memref<2048xi32, #tpu.memory_space<hbm>>
    tpu.wait_dma2 semaphore(%arg10 : memref<!tpu.dma_semaphore, #tpu.memory_space<semaphore_mem>>) src(%dma_wait3A_1017 : memref<2048xi32, #tpu.memory_space<hbm>>) dst(%arg6 : memref<2048xi32, #tpu.memory_space<vmem>>)
    %add3A_1018 = arith.constant 64 : i32
    %add3A_1019 = arith.addi %arg1, %add3A_1018 : i32
    %jit3A_1020 = arith.constant 8 : i32
    %div3A_1021 = arith.divsi %add3A_1019, %jit3A_1020 : i32
    %sign3A_1022 = arith.constant 0 : i32
    %sign3A_1023 = arith.cmpi sgt, %add3A_1019, %sign3A_1022 : i32
    %sign3A_1024 = arith.extui %sign3A_1023 : i1 to i32
    %sign3A_1025 = arith.constant 0 : i32
    %sign3A_1026 = arith.cmpi slt, %add3A_1019, %sign3A_1025 : i32
    %sign3A_1027 = arith.extui %sign3A_1026 : i1 to i32
    %sign3A_1028 = arith.subi %sign3A_1024, %sign3A_1027 : i32
    %sign3A_1029 = arith.constant 0 : i32
    %sign3A_1030 = arith.cmpi sgt, %jit3A_1020, %sign3A_1029 : i32
    %sign3A_1031 = arith.extui %sign3A_1030 : i1 to i32
    %sign3A_1032 = arith.constant 0 : i32
    %sign3A_1033 = arith.cmpi slt, %jit3A_1020, %sign3A_1032 : i32
    %sign3A_1034 = arith.extui %sign3A_1033 : i1 to i32
    %sign3A_1035 = arith.subi %sign3A_1031, %sign3A_1034 : i32
    %ne3A_1036 = arith.cmpi ne, %sign3A_1028, %sign3A_1035 : i32
    %rem3A_1037 = arith.remsi %add3A_1019, %jit3A_1020 : i32
    %ne3A_1038 = arith.constant 0 : i32
    %ne3A_1039 = arith.cmpi ne, %rem3A_1037, %ne3A_1038 : i32
    %and3A_1040 = arith.andi %ne3A_1036, %ne3A_1039 : i1
    %sub3A_1041 = arith.constant 1 : i32
    %sub3A_1042 = arith.subi %div3A_1021, %sub3A_1041 : i32
    %select_n3A_1043 = arith.select %and3A_1040, %sub3A_1042, %div3A_1021 : i32
    %jit3A_1044 = arith.constant 8 : i32
    %eq3A_1045 = arith.constant 0 : i32
    %eq3A_1046 = arith.cmpi eq, %jit3A_1044, %eq3A_1045 : i32
    %jit3A_1047 = arith.constant 1 : i32
    %select_n3A_1048 = arith.select %eq3A_1046, %jit3A_1047, %jit3A_1044 : i32
    %rem3A_1049 = arith.remsi %add3A_1019, %select_n3A_1048 : i32
    %ne3A_1050 = arith.constant 0 : i32
    %ne3A_1051 = arith.cmpi ne, %rem3A_1049, %ne3A_1050 : i32
    %lt3A_1052 = arith.constant 0 : i32
    %lt3A_1053 = arith.cmpi slt, %rem3A_1049, %lt3A_1052 : i32
    %lt3A_1054 = arith.constant 0 : i32
    %lt3A_1055 = arith.cmpi slt, %select_n3A_1048, %lt3A_1054 : i32
    %ne3A_1056 = arith.xori %lt3A_1053, %lt3A_1055 : i1
    %and3A_1057 = arith.andi %ne3A_1056, %ne3A_1051 : i1
    %add3A_1058 = arith.addi %rem3A_1049, %select_n3A_1048 : i32
    %select_n3A_1059 = arith.select %and3A_1057, %add3A_1058, %rem3A_1049 : i32
    %mul3A_1060 = arith.constant 2048 : i32
    %mul3A_1061 = arith.muli %select_n3A_1059, %mul3A_1060 : i32
    %mul3A_1062 = arith.constant 50 : i32
    %mul3A_1063 = arith.muli %arg0, %mul3A_1062 : i32
    %add3A_1064 = arith.addi %mul3A_1063, %select_n3A_1043 : i32
    %mul3A_1065 = arith.constant 16 : i32
    %mul3A_1066 = arith.muli %add3A_1064, %mul3A_1065 : i32
    %dma_wait3A_1067 = tpu.memref_slice %arg4[%mul3A_1061, %mul3A_1066] : memref<16384x1600xf32, #tpu.memory_space<hbm>> -> memref<2048x16xf32, #tpu.memory_space<hbm>>
    %dma_wait3A_1068 = tpu.memref_slice %arg4[%mul3A_1061, %mul3A_1066] : memref<16384x1600xf32, #tpu.memory_space<hbm>> -> memref<2048x16xf32, #tpu.memory_space<hbm>>
    tpu.wait_dma2 semaphore(%arg14 : memref<!tpu.dma_semaphore, #tpu.memory_space<semaphore_mem>>) src(%arg8 : memref<2048x16xf32, #tpu.memory_space<vmem>>) dst(%dma_wait3A_1068 : memref<2048x16xf32, #tpu.memory_space<hbm>>)
    %dma_start3A_1069 = arith.constant 0 : i32
    %dma_start3A_1070 = arith.constant 0 : i32
    %dma_start3A_1071 = tpu.memref_slice %arg5[%select_n3A_992, %dma_start3A_1069, %dma_start3A_1070] : memref<50x1024x16xf32, #tpu.memory_space<vmem_shared>> -> memref<1x1024x16xf32, #tpu.memory_space<vmem_shared>>
    %dma_start3A_1072 = tpu.memref_squeeze %dma_start3A_1071 : memref<1x1024x16xf32, #tpu.memory_space<vmem_shared>> -> memref<1024x16xf32, #tpu.memory_space<vmem_shared>>
    %dma_start3A_1073 = arith.constant 0 : i32
    %dma_start3A_1074 = arith.constant 0 : i32
    %dma_start3A_1075 = tpu.memref_slice %dma_start3A_1072[%dma_start3A_1073, %dma_start3A_1074] : memref<1024x16xf32, #tpu.memory_space<vmem_shared>> -> memref<1024x16xf32, #tpu.memory_space<vmem_shared>>
    tpu.enqueue_indirect_dma source(%dma_start3A_1075 : memref<1024x16xf32, #tpu.memory_space<vmem_shared>>) target(%arg8 : memref<2048x16xf32, #tpu.memory_space<vmem>>) offsets(%arg6 : memref<2048xi32, #tpu.memory_space<vmem>>) semaphore(%arg12 : memref<!tpu.dma_semaphore, #tpu.memory_space<semaphore_mem>>)
    %add3A_1076 = arith.constant 112 : i32
    %add3A_1077 = arith.addi %arg1, %add3A_1076 : i32
    %jit3A_1078 = arith.constant 8 : i32
    %div3A_1079 = arith.divsi %add3A_1077, %jit3A_1078 : i32
    %sign3A_1080 = arith.constant 0 : i32
    %sign3A_1081 = arith.cmpi sgt, %add3A_1077, %sign3A_1080 : i32
    %sign3A_1082 = arith.extui %sign3A_1081 : i1 to i32
    %sign3A_1083 = arith.constant 0 : i32
    %sign3A_1084 = arith.cmpi slt, %add3A_1077, %sign3A_1083 : i32
    %sign3A_1085 = arith.extui %sign3A_1084 : i1 to i32
    %sign3A_1086 = arith.subi %sign3A_1082, %sign3A_1085 : i32
    %sign3A_1087 = arith.constant 0 : i32
    %sign3A_1088 = arith.cmpi sgt, %jit3A_1078, %sign3A_1087 : i32
    %sign3A_1089 = arith.extui %sign3A_1088 : i1 to i32
    %sign3A_1090 = arith.constant 0 : i32
    %sign3A_1091 = arith.cmpi slt, %jit3A_1078, %sign3A_1090 : i32
    %sign3A_1092 = arith.extui %sign3A_1091 : i1 to i32
    %sign3A_1093 = arith.subi %sign3A_1089, %sign3A_1092 : i32
    %ne3A_1094 = arith.cmpi ne, %sign3A_1086, %sign3A_1093 : i32
    %rem3A_1095 = arith.remsi %add3A_1077, %jit3A_1078 : i32
    %ne3A_1096 = arith.constant 0 : i32
    %ne3A_1097 = arith.cmpi ne, %rem3A_1095, %ne3A_1096 : i32
    %and3A_1098 = arith.andi %ne3A_1094, %ne3A_1097 : i1
    %sub3A_1099 = arith.constant 1 : i32
    %sub3A_1100 = arith.subi %div3A_1079, %sub3A_1099 : i32
    %select_n3A_1101 = arith.select %and3A_1098, %sub3A_1100, %div3A_1079 : i32
    %jit3A_1102 = arith.constant 8 : i32
    %eq3A_1103 = arith.constant 0 : i32
    %eq3A_1104 = arith.cmpi eq, %jit3A_1102, %eq3A_1103 : i32
    %jit3A_1105 = arith.constant 1 : i32
    %select_n3A_1106 = arith.select %eq3A_1104, %jit3A_1105, %jit3A_1102 : i32
    %rem3A_1107 = arith.remsi %add3A_1077, %select_n3A_1106 : i32
    %ne3A_1108 = arith.constant 0 : i32
    %ne3A_1109 = arith.cmpi ne, %rem3A_1107, %ne3A_1108 : i32
    %lt3A_1110 = arith.constant 0 : i32
    %lt3A_1111 = arith.cmpi slt, %rem3A_1107, %lt3A_1110 : i32
    %lt3A_1112 = arith.constant 0 : i32
    %lt3A_1113 = arith.cmpi slt, %select_n3A_1106, %lt3A_1112 : i32
    %ne3A_1114 = arith.xori %lt3A_1111, %lt3A_1113 : i1
    %and3A_1115 = arith.andi %ne3A_1114, %ne3A_1109 : i1
    %add3A_1116 = arith.addi %rem3A_1107, %select_n3A_1106 : i32
    %select_n3A_1117 = arith.select %and3A_1115, %add3A_1116, %rem3A_1107 : i32
    %mul3A_1118 = arith.constant 2048 : i32
    %mul3A_1119 = arith.muli %select_n3A_1117, %mul3A_1118 : i32
    %mul3A_1120 = arith.constant 50 : i32
    %mul3A_1121 = arith.muli %arg0, %mul3A_1120 : i32
    %add3A_1122 = arith.addi %mul3A_1121, %select_n3A_1101 : i32
    %dma_start3A_1123 = tpu.memref_slice %arg3[%add3A_1122, %mul3A_1119] : memref<100x16384xi32, #tpu.memory_space<hbm>> -> memref<1x2048xi32, #tpu.memory_space<hbm>>
    %dma_start3A_1124 = tpu.memref_squeeze %dma_start3A_1123 : memref<1x2048xi32, #tpu.memory_space<hbm>> -> memref<2048xi32, #tpu.memory_space<hbm>>
    %dma_start3A_1125 = tpu.memref_slice %arg3[%add3A_1122, %mul3A_1119] : memref<100x16384xi32, #tpu.memory_space<hbm>> -> memref<1x2048xi32, #tpu.memory_space<hbm>>
    %dma_start3A_1126 = tpu.memref_squeeze %dma_start3A_1125 : memref<1x2048xi32, #tpu.memory_space<hbm>> -> memref<2048xi32, #tpu.memory_space<hbm>>
    tpu.enqueue_dma source(%dma_start3A_1126 : memref<2048xi32, #tpu.memory_space<hbm>>) target(%arg7 : memref<2048xi32, #tpu.memory_space<vmem>>) target_semaphore(%arg11 : memref<!tpu.dma_semaphore, #tpu.memory_space<semaphore_mem>>)
    %dma_wait3A_1127 = arith.constant 0 : i32
    %dma_wait3A_1128 = arith.constant 0 : i32
    %dma_wait3A_1129 = tpu.memref_slice %arg5[%select_n3A_992, %dma_wait3A_1127, %dma_wait3A_1128] : memref<50x1024x16xf32, #tpu.memory_space<vmem_shared>> -> memref<1x1024x16xf32, #tpu.memory_space<vmem_shared>>
    %dma_wait3A_1130 = tpu.memref_squeeze %dma_wait3A_1129 : memref<1x1024x16xf32, #tpu.memory_space<vmem_shared>> -> memref<1024x16xf32, #tpu.memory_space<vmem_shared>>
    %dma_wait3A_1131 = arith.constant 0 : i32
    %dma_wait3A_1132 = arith.constant 0 : i32
    %dma_wait3A_1133 = tpu.memref_slice %dma_wait3A_1130[%dma_wait3A_1131, %dma_wait3A_1132] : memref<1024x16xf32, #tpu.memory_space<vmem_shared>> -> memref<1024x16xf32, #tpu.memory_space<vmem_shared>>
    tpu.wait_indirect_dma semaphore(%arg12 : memref<!tpu.dma_semaphore, #tpu.memory_space<semaphore_mem>>) src(%dma_wait3A_1133 : memref<1024x16xf32, #tpu.memory_space<vmem_shared>>) dst(%arg8 : memref<2048x16xf32, #tpu.memory_space<vmem>>)
    %mul3A_1134 = arith.constant 16 : i32
    %mul3A_1135 = arith.muli %add3A_1013, %mul3A_1134 : i32
    %dma_start3A_1136 = tpu.memref_slice %arg4[%mul3A_1010, %mul3A_1135] : memref<16384x1600xf32, #tpu.memory_space<hbm>> -> memref<2048x16xf32, #tpu.memory_space<hbm>>
    %dma_start3A_1137 = tpu.memref_slice %arg4[%mul3A_1010, %mul3A_1135] : memref<16384x1600xf32, #tpu.memory_space<hbm>> -> memref<2048x16xf32, #tpu.memory_space<hbm>>
    tpu.enqueue_dma source(%arg8 : memref<2048x16xf32, #tpu.memory_space<vmem>>) target(%dma_start3A_1137 : memref<2048x16xf32, #tpu.memory_space<hbm>>) target_semaphore(%arg14 : memref<!tpu.dma_semaphore, #tpu.memory_space<semaphore_mem>>)
    %add3A_1138 = arith.constant 112 : i32
    %add3A_1139 = arith.addi %arg1, %add3A_1138 : i32
    %jit3A_1140 = arith.constant 8 : i32
    %div3A_1141 = arith.divsi %add3A_1139, %jit3A_1140 : i32
    %sign3A_1142 = arith.constant 0 : i32
    %sign3A_1143 = arith.cmpi sgt, %add3A_1139, %sign3A_1142 : i32
    %sign3A_1144 = arith.extui %sign3A_1143 : i1 to i32
    %sign3A_1145 = arith.constant 0 : i32
    %sign3A_1146 = arith.cmpi slt, %add3A_1139, %sign3A_1145 : i32
    %sign3A_1147 = arith.extui %sign3A_1146 : i1 to i32
    %sign3A_1148 = arith.subi %sign3A_1144, %sign3A_1147 : i32
    %sign3A_1149 = arith.constant 0 : i32
    %sign3A_1150 = arith.cmpi sgt, %jit3A_1140, %sign3A_1149 : i32
    %sign3A_1151 = arith.extui %sign3A_1150 : i1 to i32
    %sign3A_1152 = arith.constant 0 : i32
    %sign3A_1153 = arith.cmpi slt, %jit3A_1140, %sign3A_1152 : i32
    %sign3A_1154 = arith.extui %sign3A_1153 : i1 to i32
    %sign3A_1155 = arith.subi %sign3A_1151, %sign3A_1154 : i32
    %ne3A_1156 = arith.cmpi ne, %sign3A_1148, %sign3A_1155 : i32
    %rem3A_1157 = arith.remsi %add3A_1139, %jit3A_1140 : i32
    %ne3A_1158 = arith.constant 0 : i32
    %ne3A_1159 = arith.cmpi ne, %rem3A_1157, %ne3A_1158 : i32
    %and3A_1160 = arith.andi %ne3A_1156, %ne3A_1159 : i1
    %sub3A_1161 = arith.constant 1 : i32
    %sub3A_1162 = arith.subi %div3A_1141, %sub3A_1161 : i32
    %select_n3A_1163 = arith.select %and3A_1160, %sub3A_1162, %div3A_1141 : i32
    %jit3A_1164 = arith.constant 8 : i32
    %eq3A_1165 = arith.constant 0 : i32
    %eq3A_1166 = arith.cmpi eq, %jit3A_1164, %eq3A_1165 : i32
    %jit3A_1167 = arith.constant 1 : i32
    %select_n3A_1168 = arith.select %eq3A_1166, %jit3A_1167, %jit3A_1164 : i32
    %rem3A_1169 = arith.remsi %add3A_1139, %select_n3A_1168 : i32
    %ne3A_1170 = arith.constant 0 : i32
    %ne3A_1171 = arith.cmpi ne, %rem3A_1169, %ne3A_1170 : i32
    %lt3A_1172 = arith.constant 0 : i32
    %lt3A_1173 = arith.cmpi slt, %rem3A_1169, %lt3A_1172 : i32
    %lt3A_1174 = arith.constant 0 : i32
    %lt3A_1175 = arith.cmpi slt, %select_n3A_1168, %lt3A_1174 : i32
    %ne3A_1176 = arith.xori %lt3A_1173, %lt3A_1175 : i1
    %and3A_1177 = arith.andi %ne3A_1176, %ne3A_1171 : i1
    %add3A_1178 = arith.addi %rem3A_1169, %select_n3A_1168 : i32
    %select_n3A_1179 = arith.select %and3A_1177, %add3A_1178, %rem3A_1169 : i32
    %mul3A_1180 = arith.constant 2048 : i32
    %mul3A_1181 = arith.muli %select_n3A_1179, %mul3A_1180 : i32
    %mul3A_1182 = arith.constant 50 : i32
    %mul3A_1183 = arith.muli %arg0, %mul3A_1182 : i32
    %add3A_1184 = arith.addi %mul3A_1183, %select_n3A_1163 : i32
    %dma_wait3A_1185 = tpu.memref_slice %arg3[%add3A_1184, %mul3A_1181] : memref<100x16384xi32, #tpu.memory_space<hbm>> -> memref<1x2048xi32, #tpu.memory_space<hbm>>
    %dma_wait3A_1186 = tpu.memref_squeeze %dma_wait3A_1185 : memref<1x2048xi32, #tpu.memory_space<hbm>> -> memref<2048xi32, #tpu.memory_space<hbm>>
    %dma_wait3A_1187 = tpu.memref_slice %arg3[%add3A_1184, %mul3A_1181] : memref<100x16384xi32, #tpu.memory_space<hbm>> -> memref<1x2048xi32, #tpu.memory_space<hbm>>
    %dma_wait3A_1188 = tpu.memref_squeeze %dma_wait3A_1187 : memref<1x2048xi32, #tpu.memory_space<hbm>> -> memref<2048xi32, #tpu.memory_space<hbm>>
    tpu.wait_dma2 semaphore(%arg11 : memref<!tpu.dma_semaphore, #tpu.memory_space<semaphore_mem>>) src(%dma_wait3A_1188 : memref<2048xi32, #tpu.memory_space<hbm>>) dst(%arg7 : memref<2048xi32, #tpu.memory_space<vmem>>)
    %add3A_1189 = arith.constant 80 : i32
    %add3A_1190 = arith.addi %arg1, %add3A_1189 : i32
    %jit3A_1191 = arith.constant 8 : i32
    %div3A_1192 = arith.divsi %add3A_1190, %jit3A_1191 : i32
    %sign3A_1193 = arith.constant 0 : i32
    %sign3A_1194 = arith.cmpi sgt, %add3A_1190, %sign3A_1193 : i32
    %sign3A_1195 = arith.extui %sign3A_1194 : i1 to i32
    %sign3A_1196 = arith.constant 0 : i32
    %sign3A_1197 = arith.cmpi slt, %add3A_1190, %sign3A_1196 : i32
    %sign3A_1198 = arith.extui %sign3A_1197 : i1 to i32
    %sign3A_1199 = arith.subi %sign3A_1195, %sign3A_1198 : i32
    %sign3A_1200 = arith.constant 0 : i32
    %sign3A_1201 = arith.cmpi sgt, %jit3A_1191, %sign3A_1200 : i32
    %sign3A_1202 = arith.extui %sign3A_1201 : i1 to i32
    %sign3A_1203 = arith.constant 0 : i32
    %sign3A_1204 = arith.cmpi slt, %jit3A_1191, %sign3A_1203 : i32
    %sign3A_1205 = arith.extui %sign3A_1204 : i1 to i32
    %sign3A_1206 = arith.subi %sign3A_1202, %sign3A_1205 : i32
    %ne3A_1207 = arith.cmpi ne, %sign3A_1199, %sign3A_1206 : i32
    %rem3A_1208 = arith.remsi %add3A_1190, %jit3A_1191 : i32
    %ne3A_1209 = arith.constant 0 : i32
    %ne3A_1210 = arith.cmpi ne, %rem3A_1208, %ne3A_1209 : i32
    %and3A_1211 = arith.andi %ne3A_1207, %ne3A_1210 : i1
    %sub3A_1212 = arith.constant 1 : i32
    %sub3A_1213 = arith.subi %div3A_1192, %sub3A_1212 : i32
    %select_n3A_1214 = arith.select %and3A_1211, %sub3A_1213, %div3A_1192 : i32
    %jit3A_1215 = arith.constant 8 : i32
    %eq3A_1216 = arith.constant 0 : i32
    %eq3A_1217 = arith.cmpi eq, %jit3A_1215, %eq3A_1216 : i32
    %jit3A_1218 = arith.constant 1 : i32
    %select_n3A_1219 = arith.select %eq3A_1217, %jit3A_1218, %jit3A_1215 : i32
    %rem3A_1220 = arith.remsi %add3A_1190, %select_n3A_1219 : i32
    %ne3A_1221 = arith.constant 0 : i32
    %ne3A_1222 = arith.cmpi ne, %rem3A_1220, %ne3A_1221 : i32
    %lt3A_1223 = arith.constant 0 : i32
    %lt3A_1224 = arith.cmpi slt, %rem3A_1220, %lt3A_1223 : i32
    %lt3A_1225 = arith.constant 0 : i32
    %lt3A_1226 = arith.cmpi slt, %select_n3A_1219, %lt3A_1225 : i32
    %ne3A_1227 = arith.xori %lt3A_1224, %lt3A_1226 : i1
    %and3A_1228 = arith.andi %ne3A_1227, %ne3A_1222 : i1
    %add3A_1229 = arith.addi %rem3A_1220, %select_n3A_1219 : i32
    %select_n3A_1230 = arith.select %and3A_1228, %add3A_1229, %rem3A_1220 : i32
    %mul3A_1231 = arith.constant 2048 : i32
    %mul3A_1232 = arith.muli %select_n3A_1230, %mul3A_1231 : i32
    %mul3A_1233 = arith.constant 50 : i32
    %mul3A_1234 = arith.muli %arg0, %mul3A_1233 : i32
    %add3A_1235 = arith.addi %mul3A_1234, %select_n3A_1214 : i32
    %mul3A_1236 = arith.constant 16 : i32
    %mul3A_1237 = arith.muli %add3A_1235, %mul3A_1236 : i32
    %dma_wait3A_1238 = tpu.memref_slice %arg4[%mul3A_1232, %mul3A_1237] : memref<16384x1600xf32, #tpu.memory_space<hbm>> -> memref<2048x16xf32, #tpu.memory_space<hbm>>
    %dma_wait3A_1239 = tpu.memref_slice %arg4[%mul3A_1232, %mul3A_1237] : memref<16384x1600xf32, #tpu.memory_space<hbm>> -> memref<2048x16xf32, #tpu.memory_space<hbm>>
    tpu.wait_dma2 semaphore(%arg15 : memref<!tpu.dma_semaphore, #tpu.memory_space<semaphore_mem>>) src(%arg9 : memref<2048x16xf32, #tpu.memory_space<vmem>>) dst(%dma_wait3A_1239 : memref<2048x16xf32, #tpu.memory_space<hbm>>)
    %dma_start3A_1240 = arith.constant 0 : i32
    %dma_start3A_1241 = arith.constant 0 : i32
    %dma_start3A_1242 = tpu.memref_slice %arg5[%select_n3A_1163, %dma_start3A_1240, %dma_start3A_1241] : memref<50x1024x16xf32, #tpu.memory_space<vmem_shared>> -> memref<1x1024x16xf32, #tpu.memory_space<vmem_shared>>
    %dma_start3A_1243 = tpu.memref_squeeze %dma_start3A_1242 : memref<1x1024x16xf32, #tpu.memory_space<vmem_shared>> -> memref<1024x16xf32, #tpu.memory_space<vmem_shared>>
    %dma_start3A_1244 = arith.constant 0 : i32
    %dma_start3A_1245 = arith.constant 0 : i32
    %dma_start3A_1246 = tpu.memref_slice %dma_start3A_1243[%dma_start3A_1244, %dma_start3A_1245] : memref<1024x16xf32, #tpu.memory_space<vmem_shared>> -> memref<1024x16xf32, #tpu.memory_space<vmem_shared>>
    tpu.enqueue_indirect_dma source(%dma_start3A_1246 : memref<1024x16xf32, #tpu.memory_space<vmem_shared>>) target(%arg9 : memref<2048x16xf32, #tpu.memory_space<vmem>>) offsets(%arg7 : memref<2048xi32, #tpu.memory_space<vmem>>) semaphore(%arg13 : memref<!tpu.dma_semaphore, #tpu.memory_space<semaphore_mem>>)
    %add3A_1247 = arith.constant 128 : i32
    %add3A_1248 = arith.addi %arg1, %add3A_1247 : i32
    %jit3A_1249 = arith.constant 8 : i32
    %div3A_1250 = arith.divsi %add3A_1248, %jit3A_1249 : i32
    %sign3A_1251 = arith.constant 0 : i32
    %sign3A_1252 = arith.cmpi sgt, %add3A_1248, %sign3A_1251 : i32
    %sign3A_1253 = arith.extui %sign3A_1252 : i1 to i32
    %sign3A_1254 = arith.constant 0 : i32
    %sign3A_1255 = arith.cmpi slt, %add3A_1248, %sign3A_1254 : i32
    %sign3A_1256 = arith.extui %sign3A_1255 : i1 to i32
    %sign3A_1257 = arith.subi %sign3A_1253, %sign3A_1256 : i32
    %sign3A_1258 = arith.constant 0 : i32
    %sign3A_1259 = arith.cmpi sgt, %jit3A_1249, %sign3A_1258 : i32
    %sign3A_1260 = arith.extui %sign3A_1259 : i1 to i32
    %sign3A_1261 = arith.constant 0 : i32
    %sign3A_1262 = arith.cmpi slt, %jit3A_1249, %sign3A_1261 : i32
    %sign3A_1263 = arith.extui %sign3A_1262 : i1 to i32
    %sign3A_1264 = arith.subi %sign3A_1260, %sign3A_1263 : i32
    %ne3A_1265 = arith.cmpi ne, %sign3A_1257, %sign3A_1264 : i32
    %rem3A_1266 = arith.remsi %add3A_1248, %jit3A_1249 : i32
    %ne3A_1267 = arith.constant 0 : i32
    %ne3A_1268 = arith.cmpi ne, %rem3A_1266, %ne3A_1267 : i32
    %and3A_1269 = arith.andi %ne3A_1265, %ne3A_1268 : i1
    %sub3A_1270 = arith.constant 1 : i32
    %sub3A_1271 = arith.subi %div3A_1250, %sub3A_1270 : i32
    %select_n3A_1272 = arith.select %and3A_1269, %sub3A_1271, %div3A_1250 : i32
    %jit3A_1273 = arith.constant 8 : i32
    %eq3A_1274 = arith.constant 0 : i32
    %eq3A_1275 = arith.cmpi eq, %jit3A_1273, %eq3A_1274 : i32
    %jit3A_1276 = arith.constant 1 : i32
    %select_n3A_1277 = arith.select %eq3A_1275, %jit3A_1276, %jit3A_1273 : i32
    %rem3A_1278 = arith.remsi %add3A_1248, %select_n3A_1277 : i32
    %ne3A_1279 = arith.constant 0 : i32
    %ne3A_1280 = arith.cmpi ne, %rem3A_1278, %ne3A_1279 : i32
    %lt3A_1281 = arith.constant 0 : i32
    %lt3A_1282 = arith.cmpi slt, %rem3A_1278, %lt3A_1281 : i32
    %lt3A_1283 = arith.constant 0 : i32
    %lt3A_1284 = arith.cmpi slt, %select_n3A_1277, %lt3A_1283 : i32
    %ne3A_1285 = arith.xori %lt3A_1282, %lt3A_1284 : i1
    %and3A_1286 = arith.andi %ne3A_1285, %ne3A_1280 : i1
    %add3A_1287 = arith.addi %rem3A_1278, %select_n3A_1277 : i32
    %select_n3A_1288 = arith.select %and3A_1286, %add3A_1287, %rem3A_1278 : i32
    %mul3A_1289 = arith.constant 2048 : i32
    %mul3A_1290 = arith.muli %select_n3A_1288, %mul3A_1289 : i32
    %mul3A_1291 = arith.constant 50 : i32
    %mul3A_1292 = arith.muli %arg0, %mul3A_1291 : i32
    %add3A_1293 = arith.addi %mul3A_1292, %select_n3A_1272 : i32
    %dma_start3A_1294 = tpu.memref_slice %arg3[%add3A_1293, %mul3A_1290] : memref<100x16384xi32, #tpu.memory_space<hbm>> -> memref<1x2048xi32, #tpu.memory_space<hbm>>
    %dma_start3A_1295 = tpu.memref_squeeze %dma_start3A_1294 : memref<1x2048xi32, #tpu.memory_space<hbm>> -> memref<2048xi32, #tpu.memory_space<hbm>>
    %dma_start3A_1296 = tpu.memref_slice %arg3[%add3A_1293, %mul3A_1290] : memref<100x16384xi32, #tpu.memory_space<hbm>> -> memref<1x2048xi32, #tpu.memory_space<hbm>>
    %dma_start3A_1297 = tpu.memref_squeeze %dma_start3A_1296 : memref<1x2048xi32, #tpu.memory_space<hbm>> -> memref<2048xi32, #tpu.memory_space<hbm>>
    tpu.enqueue_dma source(%dma_start3A_1297 : memref<2048xi32, #tpu.memory_space<hbm>>) target(%arg6 : memref<2048xi32, #tpu.memory_space<vmem>>) target_semaphore(%arg10 : memref<!tpu.dma_semaphore, #tpu.memory_space<semaphore_mem>>)
    %dma_wait3A_1298 = arith.constant 0 : i32
    %dma_wait3A_1299 = arith.constant 0 : i32
    %dma_wait3A_1300 = tpu.memref_slice %arg5[%select_n3A_1163, %dma_wait3A_1298, %dma_wait3A_1299] : memref<50x1024x16xf32, #tpu.memory_space<vmem_shared>> -> memref<1x1024x16xf32, #tpu.memory_space<vmem_shared>>
    %dma_wait3A_1301 = tpu.memref_squeeze %dma_wait3A_1300 : memref<1x1024x16xf32, #tpu.memory_space<vmem_shared>> -> memref<1024x16xf32, #tpu.memory_space<vmem_shared>>
    %dma_wait3A_1302 = arith.constant 0 : i32
    %dma_wait3A_1303 = arith.constant 0 : i32
    %dma_wait3A_1304 = tpu.memref_slice %dma_wait3A_1301[%dma_wait3A_1302, %dma_wait3A_1303] : memref<1024x16xf32, #tpu.memory_space<vmem_shared>> -> memref<1024x16xf32, #tpu.memory_space<vmem_shared>>
    tpu.wait_indirect_dma semaphore(%arg13 : memref<!tpu.dma_semaphore, #tpu.memory_space<semaphore_mem>>) src(%dma_wait3A_1304 : memref<1024x16xf32, #tpu.memory_space<vmem_shared>>) dst(%arg9 : memref<2048x16xf32, #tpu.memory_space<vmem>>)
    %mul3A_1305 = arith.constant 16 : i32
    %mul3A_1306 = arith.muli %add3A_1184, %mul3A_1305 : i32
    %dma_start3A_1307 = tpu.memref_slice %arg4[%mul3A_1181, %mul3A_1306] : memref<16384x1600xf32, #tpu.memory_space<hbm>> -> memref<2048x16xf32, #tpu.memory_space<hbm>>
    %dma_start3A_1308 = tpu.memref_slice %arg4[%mul3A_1181, %mul3A_1306] : memref<16384x1600xf32, #tpu.memory_space<hbm>> -> memref<2048x16xf32, #tpu.memory_space<hbm>>
    tpu.enqueue_dma source(%arg9 : memref<2048x16xf32, #tpu.memory_space<vmem>>) target(%dma_start3A_1308 : memref<2048x16xf32, #tpu.memory_space<hbm>>) target_semaphore(%arg15 : memref<!tpu.dma_semaphore, #tpu.memory_space<semaphore_mem>>)
    %add3A_1309 = arith.constant 128 : i32
    %add3A_1310 = arith.addi %arg1, %add3A_1309 : i32
    %jit3A_1311 = arith.constant 8 : i32
    %div3A_1312 = arith.divsi %add3A_1310, %jit3A_1311 : i32
    %sign3A_1313 = arith.constant 0 : i32
    %sign3A_1314 = arith.cmpi sgt, %add3A_1310, %sign3A_1313 : i32
    %sign3A_1315 = arith.extui %sign3A_1314 : i1 to i32
    %sign3A_1316 = arith.constant 0 : i32
    %sign3A_1317 = arith.cmpi slt, %add3A_1310, %sign3A_1316 : i32
    %sign3A_1318 = arith.extui %sign3A_1317 : i1 to i32
    %sign3A_1319 = arith.subi %sign3A_1315, %sign3A_1318 : i32
    %sign3A_1320 = arith.constant 0 : i32
    %sign3A_1321 = arith.cmpi sgt, %jit3A_1311, %sign3A_1320 : i32
    %sign3A_1322 = arith.extui %sign3A_1321 : i1 to i32
    %sign3A_1323 = arith.constant 0 : i32
    %sign3A_1324 = arith.cmpi slt, %jit3A_1311, %sign3A_1323 : i32
    %sign3A_1325 = arith.extui %sign3A_1324 : i1 to i32
    %sign3A_1326 = arith.subi %sign3A_1322, %sign3A_1325 : i32
    %ne3A_1327 = arith.cmpi ne, %sign3A_1319, %sign3A_1326 : i32
    %rem3A_1328 = arith.remsi %add3A_1310, %jit3A_1311 : i32
    %ne3A_1329 = arith.constant 0 : i32
    %ne3A_1330 = arith.cmpi ne, %rem3A_1328, %ne3A_1329 : i32
    %and3A_1331 = arith.andi %ne3A_1327, %ne3A_1330 : i1
    %sub3A_1332 = arith.constant 1 : i32
    %sub3A_1333 = arith.subi %div3A_1312, %sub3A_1332 : i32
    %select_n3A_1334 = arith.select %and3A_1331, %sub3A_1333, %div3A_1312 : i32
    %jit3A_1335 = arith.constant 8 : i32
    %eq3A_1336 = arith.constant 0 : i32
    %eq3A_1337 = arith.cmpi eq, %jit3A_1335, %eq3A_1336 : i32
    %jit3A_1338 = arith.constant 1 : i32
    %select_n3A_1339 = arith.select %eq3A_1337, %jit3A_1338, %jit3A_1335 : i32
    %rem3A_1340 = arith.remsi %add3A_1310, %select_n3A_1339 : i32
    %ne3A_1341 = arith.constant 0 : i32
    %ne3A_1342 = arith.cmpi ne, %rem3A_1340, %ne3A_1341 : i32
    %lt3A_1343 = arith.constant 0 : i32
    %lt3A_1344 = arith.cmpi slt, %rem3A_1340, %lt3A_1343 : i32
    %lt3A_1345 = arith.constant 0 : i32
    %lt3A_1346 = arith.cmpi slt, %select_n3A_1339, %lt3A_1345 : i32
    %ne3A_1347 = arith.xori %lt3A_1344, %lt3A_1346 : i1
    %and3A_1348 = arith.andi %ne3A_1347, %ne3A_1342 : i1
    %add3A_1349 = arith.addi %rem3A_1340, %select_n3A_1339 : i32
    %select_n3A_1350 = arith.select %and3A_1348, %add3A_1349, %rem3A_1340 : i32
    %mul3A_1351 = arith.constant 2048 : i32
    %mul3A_1352 = arith.muli %select_n3A_1350, %mul3A_1351 : i32
    %mul3A_1353 = arith.constant 50 : i32
    %mul3A_1354 = arith.muli %arg0, %mul3A_1353 : i32
    %add3A_1355 = arith.addi %mul3A_1354, %select_n3A_1334 : i32
    %dma_wait3A_1356 = tpu.memref_slice %arg3[%add3A_1355, %mul3A_1352] : memref<100x16384xi32, #tpu.memory_space<hbm>> -> memref<1x2048xi32, #tpu.memory_space<hbm>>
    %dma_wait3A_1357 = tpu.memref_squeeze %dma_wait3A_1356 : memref<1x2048xi32, #tpu.memory_space<hbm>> -> memref<2048xi32, #tpu.memory_space<hbm>>
    %dma_wait3A_1358 = tpu.memref_slice %arg3[%add3A_1355, %mul3A_1352] : memref<100x16384xi32, #tpu.memory_space<hbm>> -> memref<1x2048xi32, #tpu.memory_space<hbm>>
    %dma_wait3A_1359 = tpu.memref_squeeze %dma_wait3A_1358 : memref<1x2048xi32, #tpu.memory_space<hbm>> -> memref<2048xi32, #tpu.memory_space<hbm>>
    tpu.wait_dma2 semaphore(%arg10 : memref<!tpu.dma_semaphore, #tpu.memory_space<semaphore_mem>>) src(%dma_wait3A_1359 : memref<2048xi32, #tpu.memory_space<hbm>>) dst(%arg6 : memref<2048xi32, #tpu.memory_space<vmem>>)
    %add3A_1360 = arith.constant 96 : i32
    %add3A_1361 = arith.addi %arg1, %add3A_1360 : i32
    %jit3A_1362 = arith.constant 8 : i32
    %div3A_1363 = arith.divsi %add3A_1361, %jit3A_1362 : i32
    %sign3A_1364 = arith.constant 0 : i32
    %sign3A_1365 = arith.cmpi sgt, %add3A_1361, %sign3A_1364 : i32
    %sign3A_1366 = arith.extui %sign3A_1365 : i1 to i32
    %sign3A_1367 = arith.constant 0 : i32
    %sign3A_1368 = arith.cmpi slt, %add3A_1361, %sign3A_1367 : i32
    %sign3A_1369 = arith.extui %sign3A_1368 : i1 to i32
    %sign3A_1370 = arith.subi %sign3A_1366, %sign3A_1369 : i32
    %sign3A_1371 = arith.constant 0 : i32
    %sign3A_1372 = arith.cmpi sgt, %jit3A_1362, %sign3A_1371 : i32
    %sign3A_1373 = arith.extui %sign3A_1372 : i1 to i32
    %sign3A_1374 = arith.constant 0 : i32
    %sign3A_1375 = arith.cmpi slt, %jit3A_1362, %sign3A_1374 : i32
    %sign3A_1376 = arith.extui %sign3A_1375 : i1 to i32
    %sign3A_1377 = arith.subi %sign3A_1373, %sign3A_1376 : i32
    %ne3A_1378 = arith.cmpi ne, %sign3A_1370, %sign3A_1377 : i32
    %rem3A_1379 = arith.remsi %add3A_1361, %jit3A_1362 : i32
    %ne3A_1380 = arith.constant 0 : i32
    %ne3A_1381 = arith.cmpi ne, %rem3A_1379, %ne3A_1380 : i32
    %and3A_1382 = arith.andi %ne3A_1378, %ne3A_1381 : i1
    %sub3A_1383 = arith.constant 1 : i32
    %sub3A_1384 = arith.subi %div3A_1363, %sub3A_1383 : i32
    %select_n3A_1385 = arith.select %and3A_1382, %sub3A_1384, %div3A_1363 : i32
    %jit3A_1386 = arith.constant 8 : i32
    %eq3A_1387 = arith.constant 0 : i32
    %eq3A_1388 = arith.cmpi eq, %jit3A_1386, %eq3A_1387 : i32
    %jit3A_1389 = arith.constant 1 : i32
    %select_n3A_1390 = arith.select %eq3A_1388, %jit3A_1389, %jit3A_1386 : i32
    %rem3A_1391 = arith.remsi %add3A_1361, %select_n3A_1390 : i32
    %ne3A_1392 = arith.constant 0 : i32
    %ne3A_1393 = arith.cmpi ne, %rem3A_1391, %ne3A_1392 : i32
    %lt3A_1394 = arith.constant 0 : i32
    %lt3A_1395 = arith.cmpi slt, %rem3A_1391, %lt3A_1394 : i32
    %lt3A_1396 = arith.constant 0 : i32
    %lt3A_1397 = arith.cmpi slt, %select_n3A_1390, %lt3A_1396 : i32
    %ne3A_1398 = arith.xori %lt3A_1395, %lt3A_1397 : i1
    %and3A_1399 = arith.andi %ne3A_1398, %ne3A_1393 : i1
    %add3A_1400 = arith.addi %rem3A_1391, %select_n3A_1390 : i32
    %select_n3A_1401 = arith.select %and3A_1399, %add3A_1400, %rem3A_1391 : i32
    %mul3A_1402 = arith.constant 2048 : i32
    %mul3A_1403 = arith.muli %select_n3A_1401, %mul3A_1402 : i32
    %mul3A_1404 = arith.constant 50 : i32
    %mul3A_1405 = arith.muli %arg0, %mul3A_1404 : i32
    %add3A_1406 = arith.addi %mul3A_1405, %select_n3A_1385 : i32
    %mul3A_1407 = arith.constant 16 : i32
    %mul3A_1408 = arith.muli %add3A_1406, %mul3A_1407 : i32
    %dma_wait3A_1409 = tpu.memref_slice %arg4[%mul3A_1403, %mul3A_1408] : memref<16384x1600xf32, #tpu.memory_space<hbm>> -> memref<2048x16xf32, #tpu.memory_space<hbm>>
    %dma_wait3A_1410 = tpu.memref_slice %arg4[%mul3A_1403, %mul3A_1408] : memref<16384x1600xf32, #tpu.memory_space<hbm>> -> memref<2048x16xf32, #tpu.memory_space<hbm>>
    tpu.wait_dma2 semaphore(%arg14 : memref<!tpu.dma_semaphore, #tpu.memory_space<semaphore_mem>>) src(%arg8 : memref<2048x16xf32, #tpu.memory_space<vmem>>) dst(%dma_wait3A_1410 : memref<2048x16xf32, #tpu.memory_space<hbm>>)
    %dma_start3A_1411 = arith.constant 0 : i32
    %dma_start3A_1412 = arith.constant 0 : i32
    %dma_start3A_1413 = tpu.memref_slice %arg5[%select_n3A_1334, %dma_start3A_1411, %dma_start3A_1412] : memref<50x1024x16xf32, #tpu.memory_space<vmem_shared>> -> memref<1x1024x16xf32, #tpu.memory_space<vmem_shared>>
    %dma_start3A_1414 = tpu.memref_squeeze %dma_start3A_1413 : memref<1x1024x16xf32, #tpu.memory_space<vmem_shared>> -> memref<1024x16xf32, #tpu.memory_space<vmem_shared>>
    %dma_start3A_1415 = arith.constant 0 : i32
    %dma_start3A_1416 = arith.constant 0 : i32
    %dma_start3A_1417 = tpu.memref_slice %dma_start3A_1414[%dma_start3A_1415, %dma_start3A_1416] : memref<1024x16xf32, #tpu.memory_space<vmem_shared>> -> memref<1024x16xf32, #tpu.memory_space<vmem_shared>>
    tpu.enqueue_indirect_dma source(%dma_start3A_1417 : memref<1024x16xf32, #tpu.memory_space<vmem_shared>>) target(%arg8 : memref<2048x16xf32, #tpu.memory_space<vmem>>) offsets(%arg6 : memref<2048xi32, #tpu.memory_space<vmem>>) semaphore(%arg12 : memref<!tpu.dma_semaphore, #tpu.memory_space<semaphore_mem>>)
    %add3A_1418 = arith.constant 144 : i32
    %add3A_1419 = arith.addi %arg1, %add3A_1418 : i32
    %jit3A_1420 = arith.constant 8 : i32
    %div3A_1421 = arith.divsi %add3A_1419, %jit3A_1420 : i32
    %sign3A_1422 = arith.constant 0 : i32
    %sign3A_1423 = arith.cmpi sgt, %add3A_1419, %sign3A_1422 : i32
    %sign3A_1424 = arith.extui %sign3A_1423 : i1 to i32
    %sign3A_1425 = arith.constant 0 : i32
    %sign3A_1426 = arith.cmpi slt, %add3A_1419, %sign3A_1425 : i32
    %sign3A_1427 = arith.extui %sign3A_1426 : i1 to i32
    %sign3A_1428 = arith.subi %sign3A_1424, %sign3A_1427 : i32
    %sign3A_1429 = arith.constant 0 : i32
    %sign3A_1430 = arith.cmpi sgt, %jit3A_1420, %sign3A_1429 : i32
    %sign3A_1431 = arith.extui %sign3A_1430 : i1 to i32
    %sign3A_1432 = arith.constant 0 : i32
    %sign3A_1433 = arith.cmpi slt, %jit3A_1420, %sign3A_1432 : i32
    %sign3A_1434 = arith.extui %sign3A_1433 : i1 to i32
    %sign3A_1435 = arith.subi %sign3A_1431, %sign3A_1434 : i32
    %ne3A_1436 = arith.cmpi ne, %sign3A_1428, %sign3A_1435 : i32
    %rem3A_1437 = arith.remsi %add3A_1419, %jit3A_1420 : i32
    %ne3A_1438 = arith.constant 0 : i32
    %ne3A_1439 = arith.cmpi ne, %rem3A_1437, %ne3A_1438 : i32
    %and3A_1440 = arith.andi %ne3A_1436, %ne3A_1439 : i1
    %sub3A_1441 = arith.constant 1 : i32
    %sub3A_1442 = arith.subi %div3A_1421, %sub3A_1441 : i32
    %select_n3A_1443 = arith.select %and3A_1440, %sub3A_1442, %div3A_1421 : i32
    %jit3A_1444 = arith.constant 8 : i32
    %eq3A_1445 = arith.constant 0 : i32
    %eq3A_1446 = arith.cmpi eq, %jit3A_1444, %eq3A_1445 : i32
    %jit3A_1447 = arith.constant 1 : i32
    %select_n3A_1448 = arith.select %eq3A_1446, %jit3A_1447, %jit3A_1444 : i32
    %rem3A_1449 = arith.remsi %add3A_1419, %select_n3A_1448 : i32
    %ne3A_1450 = arith.constant 0 : i32
    %ne3A_1451 = arith.cmpi ne, %rem3A_1449, %ne3A_1450 : i32
    %lt3A_1452 = arith.constant 0 : i32
    %lt3A_1453 = arith.cmpi slt, %rem3A_1449, %lt3A_1452 : i32
    %lt3A_1454 = arith.constant 0 : i32
    %lt3A_1455 = arith.cmpi slt, %select_n3A_1448, %lt3A_1454 : i32
    %ne3A_1456 = arith.xori %lt3A_1453, %lt3A_1455 : i1
    %and3A_1457 = arith.andi %ne3A_1456, %ne3A_1451 : i1
    %add3A_1458 = arith.addi %rem3A_1449, %select_n3A_1448 : i32
    %select_n3A_1459 = arith.select %and3A_1457, %add3A_1458, %rem3A_1449 : i32
    %mul3A_1460 = arith.constant 2048 : i32
    %mul3A_1461 = arith.muli %select_n3A_1459, %mul3A_1460 : i32
    %mul3A_1462 = arith.constant 50 : i32
    %mul3A_1463 = arith.muli %arg0, %mul3A_1462 : i32
    %add3A_1464 = arith.addi %mul3A_1463, %select_n3A_1443 : i32
    %dma_start3A_1465 = tpu.memref_slice %arg3[%add3A_1464, %mul3A_1461] : memref<100x16384xi32, #tpu.memory_space<hbm>> -> memref<1x2048xi32, #tpu.memory_space<hbm>>
    %dma_start3A_1466 = tpu.memref_squeeze %dma_start3A_1465 : memref<1x2048xi32, #tpu.memory_space<hbm>> -> memref<2048xi32, #tpu.memory_space<hbm>>
    %dma_start3A_1467 = tpu.memref_slice %arg3[%add3A_1464, %mul3A_1461] : memref<100x16384xi32, #tpu.memory_space<hbm>> -> memref<1x2048xi32, #tpu.memory_space<hbm>>
    %dma_start3A_1468 = tpu.memref_squeeze %dma_start3A_1467 : memref<1x2048xi32, #tpu.memory_space<hbm>> -> memref<2048xi32, #tpu.memory_space<hbm>>
    tpu.enqueue_dma source(%dma_start3A_1468 : memref<2048xi32, #tpu.memory_space<hbm>>) target(%arg7 : memref<2048xi32, #tpu.memory_space<vmem>>) target_semaphore(%arg11 : memref<!tpu.dma_semaphore, #tpu.memory_space<semaphore_mem>>)
    %dma_wait3A_1469 = arith.constant 0 : i32
    %dma_wait3A_1470 = arith.constant 0 : i32
    %dma_wait3A_1471 = tpu.memref_slice %arg5[%select_n3A_1334, %dma_wait3A_1469, %dma_wait3A_1470] : memref<50x1024x16xf32, #tpu.memory_space<vmem_shared>> -> memref<1x1024x16xf32, #tpu.memory_space<vmem_shared>>
    %dma_wait3A_1472 = tpu.memref_squeeze %dma_wait3A_1471 : memref<1x1024x16xf32, #tpu.memory_space<vmem_shared>> -> memref<1024x16xf32, #tpu.memory_space<vmem_shared>>
    %dma_wait3A_1473 = arith.constant 0 : i32
    %dma_wait3A_1474 = arith.constant 0 : i32
    %dma_wait3A_1475 = tpu.memref_slice %dma_wait3A_1472[%dma_wait3A_1473, %dma_wait3A_1474] : memref<1024x16xf32, #tpu.memory_space<vmem_shared>> -> memref<1024x16xf32, #tpu.memory_space<vmem_shared>>
    tpu.wait_indirect_dma semaphore(%arg12 : memref<!tpu.dma_semaphore, #tpu.memory_space<semaphore_mem>>) src(%dma_wait3A_1475 : memref<1024x16xf32, #tpu.memory_space<vmem_shared>>) dst(%arg8 : memref<2048x16xf32, #tpu.memory_space<vmem>>)
    %mul3A_1476 = arith.constant 16 : i32
    %mul3A_1477 = arith.muli %add3A_1355, %mul3A_1476 : i32
    %dma_start3A_1478 = tpu.memref_slice %arg4[%mul3A_1352, %mul3A_1477] : memref<16384x1600xf32, #tpu.memory_space<hbm>> -> memref<2048x16xf32, #tpu.memory_space<hbm>>
    %dma_start3A_1479 = tpu.memref_slice %arg4[%mul3A_1352, %mul3A_1477] : memref<16384x1600xf32, #tpu.memory_space<hbm>> -> memref<2048x16xf32, #tpu.memory_space<hbm>>
    tpu.enqueue_dma source(%arg8 : memref<2048x16xf32, #tpu.memory_space<vmem>>) target(%dma_start3A_1479 : memref<2048x16xf32, #tpu.memory_space<hbm>>) target_semaphore(%arg14 : memref<!tpu.dma_semaphore, #tpu.memory_space<semaphore_mem>>)
    %add3A_1480 = arith.constant 144 : i32
    %add3A_1481 = arith.addi %arg1, %add3A_1480 : i32
    %jit3A_1482 = arith.constant 8 : i32
    %div3A_1483 = arith.divsi %add3A_1481, %jit3A_1482 : i32
    %sign3A_1484 = arith.constant 0 : i32
    %sign3A_1485 = arith.cmpi sgt, %add3A_1481, %sign3A_1484 : i32
    %sign3A_1486 = arith.extui %sign3A_1485 : i1 to i32
    %sign3A_1487 = arith.constant 0 : i32
    %sign3A_1488 = arith.cmpi slt, %add3A_1481, %sign3A_1487 : i32
    %sign3A_1489 = arith.extui %sign3A_1488 : i1 to i32
    %sign3A_1490 = arith.subi %sign3A_1486, %sign3A_1489 : i32
    %sign3A_1491 = arith.constant 0 : i32
    %sign3A_1492 = arith.cmpi sgt, %jit3A_1482, %sign3A_1491 : i32
    %sign3A_1493 = arith.extui %sign3A_1492 : i1 to i32
    %sign3A_1494 = arith.constant 0 : i32
    %sign3A_1495 = arith.cmpi slt, %jit3A_1482, %sign3A_1494 : i32
    %sign3A_1496 = arith.extui %sign3A_1495 : i1 to i32
    %sign3A_1497 = arith.subi %sign3A_1493, %sign3A_1496 : i32
    %ne3A_1498 = arith.cmpi ne, %sign3A_1490, %sign3A_1497 : i32
    %rem3A_1499 = arith.remsi %add3A_1481, %jit3A_1482 : i32
    %ne3A_1500 = arith.constant 0 : i32
    %ne3A_1501 = arith.cmpi ne, %rem3A_1499, %ne3A_1500 : i32
    %and3A_1502 = arith.andi %ne3A_1498, %ne3A_1501 : i1
    %sub3A_1503 = arith.constant 1 : i32
    %sub3A_1504 = arith.subi %div3A_1483, %sub3A_1503 : i32
    %select_n3A_1505 = arith.select %and3A_1502, %sub3A_1504, %div3A_1483 : i32
    %jit3A_1506 = arith.constant 8 : i32
    %eq3A_1507 = arith.constant 0 : i32
    %eq3A_1508 = arith.cmpi eq, %jit3A_1506, %eq3A_1507 : i32
    %jit3A_1509 = arith.constant 1 : i32
    %select_n3A_1510 = arith.select %eq3A_1508, %jit3A_1509, %jit3A_1506 : i32
    %rem3A_1511 = arith.remsi %add3A_1481, %select_n3A_1510 : i32
    %ne3A_1512 = arith.constant 0 : i32
    %ne3A_1513 = arith.cmpi ne, %rem3A_1511, %ne3A_1512 : i32
    %lt3A_1514 = arith.constant 0 : i32
    %lt3A_1515 = arith.cmpi slt, %rem3A_1511, %lt3A_1514 : i32
    %lt3A_1516 = arith.constant 0 : i32
    %lt3A_1517 = arith.cmpi slt, %select_n3A_1510, %lt3A_1516 : i32
    %ne3A_1518 = arith.xori %lt3A_1515, %lt3A_1517 : i1
    %and3A_1519 = arith.andi %ne3A_1518, %ne3A_1513 : i1
    %add3A_1520 = arith.addi %rem3A_1511, %select_n3A_1510 : i32
    %select_n3A_1521 = arith.select %and3A_1519, %add3A_1520, %rem3A_1511 : i32
    %mul3A_1522 = arith.constant 2048 : i32
    %mul3A_1523 = arith.muli %select_n3A_1521, %mul3A_1522 : i32
    %mul3A_1524 = arith.constant 50 : i32
    %mul3A_1525 = arith.muli %arg0, %mul3A_1524 : i32
    %add3A_1526 = arith.addi %mul3A_1525, %select_n3A_1505 : i32
    %dma_wait3A_1527 = tpu.memref_slice %arg3[%add3A_1526, %mul3A_1523] : memref<100x16384xi32, #tpu.memory_space<hbm>> -> memref<1x2048xi32, #tpu.memory_space<hbm>>
    %dma_wait3A_1528 = tpu.memref_squeeze %dma_wait3A_1527 : memref<1x2048xi32, #tpu.memory_space<hbm>> -> memref<2048xi32, #tpu.memory_space<hbm>>
    %dma_wait3A_1529 = tpu.memref_slice %arg3[%add3A_1526, %mul3A_1523] : memref<100x16384xi32, #tpu.memory_space<hbm>> -> memref<1x2048xi32, #tpu.memory_space<hbm>>
    %dma_wait3A_1530 = tpu.memref_squeeze %dma_wait3A_1529 : memref<1x2048xi32, #tpu.memory_space<hbm>> -> memref<2048xi32, #tpu.memory_space<hbm>>
    tpu.wait_dma2 semaphore(%arg11 : memref<!tpu.dma_semaphore, #tpu.memory_space<semaphore_mem>>) src(%dma_wait3A_1530 : memref<2048xi32, #tpu.memory_space<hbm>>) dst(%arg7 : memref<2048xi32, #tpu.memory_space<vmem>>)
    %add3A_1531 = arith.constant 112 : i32
    %add3A_1532 = arith.addi %arg1, %add3A_1531 : i32
    %jit3A_1533 = arith.constant 8 : i32
    %div3A_1534 = arith.divsi %add3A_1532, %jit3A_1533 : i32
    %sign3A_1535 = arith.constant 0 : i32
    %sign3A_1536 = arith.cmpi sgt, %add3A_1532, %sign3A_1535 : i32
    %sign3A_1537 = arith.extui %sign3A_1536 : i1 to i32
    %sign3A_1538 = arith.constant 0 : i32
    %sign3A_1539 = arith.cmpi slt, %add3A_1532, %sign3A_1538 : i32
    %sign3A_1540 = arith.extui %sign3A_1539 : i1 to i32
    %sign3A_1541 = arith.subi %sign3A_1537, %sign3A_1540 : i32
    %sign3A_1542 = arith.constant 0 : i32
    %sign3A_1543 = arith.cmpi sgt, %jit3A_1533, %sign3A_1542 : i32
    %sign3A_1544 = arith.extui %sign3A_1543 : i1 to i32
    %sign3A_1545 = arith.constant 0 : i32
    %sign3A_1546 = arith.cmpi slt, %jit3A_1533, %sign3A_1545 : i32
    %sign3A_1547 = arith.extui %sign3A_1546 : i1 to i32
    %sign3A_1548 = arith.subi %sign3A_1544, %sign3A_1547 : i32
    %ne3A_1549 = arith.cmpi ne, %sign3A_1541, %sign3A_1548 : i32
    %rem3A_1550 = arith.remsi %add3A_1532, %jit3A_1533 : i32
    %ne3A_1551 = arith.constant 0 : i32
    %ne3A_1552 = arith.cmpi ne, %rem3A_1550, %ne3A_1551 : i32
    %and3A_1553 = arith.andi %ne3A_1549, %ne3A_1552 : i1
    %sub3A_1554 = arith.constant 1 : i32
    %sub3A_1555 = arith.subi %div3A_1534, %sub3A_1554 : i32
    %select_n3A_1556 = arith.select %and3A_1553, %sub3A_1555, %div3A_1534 : i32
    %jit3A_1557 = arith.constant 8 : i32
    %eq3A_1558 = arith.constant 0 : i32
    %eq3A_1559 = arith.cmpi eq, %jit3A_1557, %eq3A_1558 : i32
    %jit3A_1560 = arith.constant 1 : i32
    %select_n3A_1561 = arith.select %eq3A_1559, %jit3A_1560, %jit3A_1557 : i32
    %rem3A_1562 = arith.remsi %add3A_1532, %select_n3A_1561 : i32
    %ne3A_1563 = arith.constant 0 : i32
    %ne3A_1564 = arith.cmpi ne, %rem3A_1562, %ne3A_1563 : i32
    %lt3A_1565 = arith.constant 0 : i32
    %lt3A_1566 = arith.cmpi slt, %rem3A_1562, %lt3A_1565 : i32
    %lt3A_1567 = arith.constant 0 : i32
    %lt3A_1568 = arith.cmpi slt, %select_n3A_1561, %lt3A_1567 : i32
    %ne3A_1569 = arith.xori %lt3A_1566, %lt3A_1568 : i1
    %and3A_1570 = arith.andi %ne3A_1569, %ne3A_1564 : i1
    %add3A_1571 = arith.addi %rem3A_1562, %select_n3A_1561 : i32
    %select_n3A_1572 = arith.select %and3A_1570, %add3A_1571, %rem3A_1562 : i32
    %mul3A_1573 = arith.constant 2048 : i32
    %mul3A_1574 = arith.muli %select_n3A_1572, %mul3A_1573 : i32
    %mul3A_1575 = arith.constant 50 : i32
    %mul3A_1576 = arith.muli %arg0, %mul3A_1575 : i32
    %add3A_1577 = arith.addi %mul3A_1576, %select_n3A_1556 : i32
    %mul3A_1578 = arith.constant 16 : i32
    %mul3A_1579 = arith.muli %add3A_1577, %mul3A_1578 : i32
    %dma_wait3A_1580 = tpu.memref_slice %arg4[%mul3A_1574, %mul3A_1579] : memref<16384x1600xf32, #tpu.memory_space<hbm>> -> memref<2048x16xf32, #tpu.memory_space<hbm>>
    %dma_wait3A_1581 = tpu.memref_slice %arg4[%mul3A_1574, %mul3A_1579] : memref<16384x1600xf32, #tpu.memory_space<hbm>> -> memref<2048x16xf32, #tpu.memory_space<hbm>>
    tpu.wait_dma2 semaphore(%arg15 : memref<!tpu.dma_semaphore, #tpu.memory_space<semaphore_mem>>) src(%arg9 : memref<2048x16xf32, #tpu.memory_space<vmem>>) dst(%dma_wait3A_1581 : memref<2048x16xf32, #tpu.memory_space<hbm>>)
    %dma_start3A_1582 = arith.constant 0 : i32
    %dma_start3A_1583 = arith.constant 0 : i32
    %dma_start3A_1584 = tpu.memref_slice %arg5[%select_n3A_1505, %dma_start3A_1582, %dma_start3A_1583] : memref<50x1024x16xf32, #tpu.memory_space<vmem_shared>> -> memref<1x1024x16xf32, #tpu.memory_space<vmem_shared>>
    %dma_start3A_1585 = tpu.memref_squeeze %dma_start3A_1584 : memref<1x1024x16xf32, #tpu.memory_space<vmem_shared>> -> memref<1024x16xf32, #tpu.memory_space<vmem_shared>>
    %dma_start3A_1586 = arith.constant 0 : i32
    %dma_start3A_1587 = arith.constant 0 : i32
    %dma_start3A_1588 = tpu.memref_slice %dma_start3A_1585[%dma_start3A_1586, %dma_start3A_1587] : memref<1024x16xf32, #tpu.memory_space<vmem_shared>> -> memref<1024x16xf32, #tpu.memory_space<vmem_shared>>
    tpu.enqueue_indirect_dma source(%dma_start3A_1588 : memref<1024x16xf32, #tpu.memory_space<vmem_shared>>) target(%arg9 : memref<2048x16xf32, #tpu.memory_space<vmem>>) offsets(%arg7 : memref<2048xi32, #tpu.memory_space<vmem>>) semaphore(%arg13 : memref<!tpu.dma_semaphore, #tpu.memory_space<semaphore_mem>>)
    %add3A_1589 = arith.constant 160 : i32
    %add3A_1590 = arith.addi %arg1, %add3A_1589 : i32
    %jit3A_1591 = arith.constant 8 : i32
    %div3A_1592 = arith.divsi %add3A_1590, %jit3A_1591 : i32
    %sign3A_1593 = arith.constant 0 : i32
    %sign3A_1594 = arith.cmpi sgt, %add3A_1590, %sign3A_1593 : i32
    %sign3A_1595 = arith.extui %sign3A_1594 : i1 to i32
    %sign3A_1596 = arith.constant 0 : i32
    %sign3A_1597 = arith.cmpi slt, %add3A_1590, %sign3A_1596 : i32
    %sign3A_1598 = arith.extui %sign3A_1597 : i1 to i32
    %sign3A_1599 = arith.subi %sign3A_1595, %sign3A_1598 : i32
    %sign3A_1600 = arith.constant 0 : i32
    %sign3A_1601 = arith.cmpi sgt, %jit3A_1591, %sign3A_1600 : i32
    %sign3A_1602 = arith.extui %sign3A_1601 : i1 to i32
    %sign3A_1603 = arith.constant 0 : i32
    %sign3A_1604 = arith.cmpi slt, %jit3A_1591, %sign3A_1603 : i32
    %sign3A_1605 = arith.extui %sign3A_1604 : i1 to i32
    %sign3A_1606 = arith.subi %sign3A_1602, %sign3A_1605 : i32
    %ne3A_1607 = arith.cmpi ne, %sign3A_1599, %sign3A_1606 : i32
    %rem3A_1608 = arith.remsi %add3A_1590, %jit3A_1591 : i32
    %ne3A_1609 = arith.constant 0 : i32
    %ne3A_1610 = arith.cmpi ne, %rem3A_1608, %ne3A_1609 : i32
    %and3A_1611 = arith.andi %ne3A_1607, %ne3A_1610 : i1
    %sub3A_1612 = arith.constant 1 : i32
    %sub3A_1613 = arith.subi %div3A_1592, %sub3A_1612 : i32
    %select_n3A_1614 = arith.select %and3A_1611, %sub3A_1613, %div3A_1592 : i32
    %jit3A_1615 = arith.constant 8 : i32
    %eq3A_1616 = arith.constant 0 : i32
    %eq3A_1617 = arith.cmpi eq, %jit3A_1615, %eq3A_1616 : i32
    %jit3A_1618 = arith.constant 1 : i32
    %select_n3A_1619 = arith.select %eq3A_1617, %jit3A_1618, %jit3A_1615 : i32
    %rem3A_1620 = arith.remsi %add3A_1590, %select_n3A_1619 : i32
    %ne3A_1621 = arith.constant 0 : i32
    %ne3A_1622 = arith.cmpi ne, %rem3A_1620, %ne3A_1621 : i32
    %lt3A_1623 = arith.constant 0 : i32
    %lt3A_1624 = arith.cmpi slt, %rem3A_1620, %lt3A_1623 : i32
    %lt3A_1625 = arith.constant 0 : i32
    %lt3A_1626 = arith.cmpi slt, %select_n3A_1619, %lt3A_1625 : i32
    %ne3A_1627 = arith.xori %lt3A_1624, %lt3A_1626 : i1
    %and3A_1628 = arith.andi %ne3A_1627, %ne3A_1622 : i1
    %add3A_1629 = arith.addi %rem3A_1620, %select_n3A_1619 : i32
    %select_n3A_1630 = arith.select %and3A_1628, %add3A_1629, %rem3A_1620 : i32
    %mul3A_1631 = arith.constant 2048 : i32
    %mul3A_1632 = arith.muli %select_n3A_1630, %mul3A_1631 : i32
    %mul3A_1633 = arith.constant 50 : i32
    %mul3A_1634 = arith.muli %arg0, %mul3A_1633 : i32
    %add3A_1635 = arith.addi %mul3A_1634, %select_n3A_1614 : i32
    %dma_start3A_1636 = tpu.memref_slice %arg3[%add3A_1635, %mul3A_1632] : memref<100x16384xi32, #tpu.memory_space<hbm>> -> memref<1x2048xi32, #tpu.memory_space<hbm>>
    %dma_start3A_1637 = tpu.memref_squeeze %dma_start3A_1636 : memref<1x2048xi32, #tpu.memory_space<hbm>> -> memref<2048xi32, #tpu.memory_space<hbm>>
    %dma_start3A_1638 = tpu.memref_slice %arg3[%add3A_1635, %mul3A_1632] : memref<100x16384xi32, #tpu.memory_space<hbm>> -> memref<1x2048xi32, #tpu.memory_space<hbm>>
    %dma_start3A_1639 = tpu.memref_squeeze %dma_start3A_1638 : memref<1x2048xi32, #tpu.memory_space<hbm>> -> memref<2048xi32, #tpu.memory_space<hbm>>
    tpu.enqueue_dma source(%dma_start3A_1639 : memref<2048xi32, #tpu.memory_space<hbm>>) target(%arg6 : memref<2048xi32, #tpu.memory_space<vmem>>) target_semaphore(%arg10 : memref<!tpu.dma_semaphore, #tpu.memory_space<semaphore_mem>>)
    %dma_wait3A_1640 = arith.constant 0 : i32
    %dma_wait3A_1641 = arith.constant 0 : i32
    %dma_wait3A_1642 = tpu.memref_slice %arg5[%select_n3A_1505, %dma_wait3A_1640, %dma_wait3A_1641] : memref<50x1024x16xf32, #tpu.memory_space<vmem_shared>> -> memref<1x1024x16xf32, #tpu.memory_space<vmem_shared>>
    %dma_wait3A_1643 = tpu.memref_squeeze %dma_wait3A_1642 : memref<1x1024x16xf32, #tpu.memory_space<vmem_shared>> -> memref<1024x16xf32, #tpu.memory_space<vmem_shared>>
    %dma_wait3A_1644 = arith.constant 0 : i32
    %dma_wait3A_1645 = arith.constant 0 : i32
    %dma_wait3A_1646 = tpu.memref_slice %dma_wait3A_1643[%dma_wait3A_1644, %dma_wait3A_1645] : memref<1024x16xf32, #tpu.memory_space<vmem_shared>> -> memref<1024x16xf32, #tpu.memory_space<vmem_shared>>
    tpu.wait_indirect_dma semaphore(%arg13 : memref<!tpu.dma_semaphore, #tpu.memory_space<semaphore_mem>>) src(%dma_wait3A_1646 : memref<1024x16xf32, #tpu.memory_space<vmem_shared>>) dst(%arg9 : memref<2048x16xf32, #tpu.memory_space<vmem>>)
    %mul3A_1647 = arith.constant 16 : i32
    %mul3A_1648 = arith.muli %add3A_1526, %mul3A_1647 : i32
    %dma_start3A_1649 = tpu.memref_slice %arg4[%mul3A_1523, %mul3A_1648] : memref<16384x1600xf32, #tpu.memory_space<hbm>> -> memref<2048x16xf32, #tpu.memory_space<hbm>>
    %dma_start3A_1650 = tpu.memref_slice %arg4[%mul3A_1523, %mul3A_1648] : memref<16384x1600xf32, #tpu.memory_space<hbm>> -> memref<2048x16xf32, #tpu.memory_space<hbm>>
    tpu.enqueue_dma source(%arg9 : memref<2048x16xf32, #tpu.memory_space<vmem>>) target(%dma_start3A_1650 : memref<2048x16xf32, #tpu.memory_space<hbm>>) target_semaphore(%arg15 : memref<!tpu.dma_semaphore, #tpu.memory_space<semaphore_mem>>)
    %add3A_1651 = arith.constant 160 : i32
    %add3A_1652 = arith.addi %arg1, %add3A_1651 : i32
    %jit3A_1653 = arith.constant 8 : i32
    %div3A_1654 = arith.divsi %add3A_1652, %jit3A_1653 : i32
    %sign3A_1655 = arith.constant 0 : i32
    %sign3A_1656 = arith.cmpi sgt, %add3A_1652, %sign3A_1655 : i32
    %sign3A_1657 = arith.extui %sign3A_1656 : i1 to i32
    %sign3A_1658 = arith.constant 0 : i32
    %sign3A_1659 = arith.cmpi slt, %add3A_1652, %sign3A_1658 : i32
    %sign3A_1660 = arith.extui %sign3A_1659 : i1 to i32
    %sign3A_1661 = arith.subi %sign3A_1657, %sign3A_1660 : i32
    %sign3A_1662 = arith.constant 0 : i32
    %sign3A_1663 = arith.cmpi sgt, %jit3A_1653, %sign3A_1662 : i32
    %sign3A_1664 = arith.extui %sign3A_1663 : i1 to i32
    %sign3A_1665 = arith.constant 0 : i32
    %sign3A_1666 = arith.cmpi slt, %jit3A_1653, %sign3A_1665 : i32
    %sign3A_1667 = arith.extui %sign3A_1666 : i1 to i32
    %sign3A_1668 = arith.subi %sign3A_1664, %sign3A_1667 : i32
    %ne3A_1669 = arith.cmpi ne, %sign3A_1661, %sign3A_1668 : i32
    %rem3A_1670 = arith.remsi %add3A_1652, %jit3A_1653 : i32
    %ne3A_1671 = arith.constant 0 : i32
    %ne3A_1672 = arith.cmpi ne, %rem3A_1670, %ne3A_1671 : i32
    %and3A_1673 = arith.andi %ne3A_1669, %ne3A_1672 : i1
    %sub3A_1674 = arith.constant 1 : i32
    %sub3A_1675 = arith.subi %div3A_1654, %sub3A_1674 : i32
    %select_n3A_1676 = arith.select %and3A_1673, %sub3A_1675, %div3A_1654 : i32
    %jit3A_1677 = arith.constant 8 : i32
    %eq3A_1678 = arith.constant 0 : i32
    %eq3A_1679 = arith.cmpi eq, %jit3A_1677, %eq3A_1678 : i32
    %jit3A_1680 = arith.constant 1 : i32
    %select_n3A_1681 = arith.select %eq3A_1679, %jit3A_1680, %jit3A_1677 : i32
    %rem3A_1682 = arith.remsi %add3A_1652, %select_n3A_1681 : i32
    %ne3A_1683 = arith.constant 0 : i32
    %ne3A_1684 = arith.cmpi ne, %rem3A_1682, %ne3A_1683 : i32
    %lt3A_1685 = arith.constant 0 : i32
    %lt3A_1686 = arith.cmpi slt, %rem3A_1682, %lt3A_1685 : i32
    %lt3A_1687 = arith.constant 0 : i32
    %lt3A_1688 = arith.cmpi slt, %select_n3A_1681, %lt3A_1687 : i32
    %ne3A_1689 = arith.xori %lt3A_1686, %lt3A_1688 : i1
    %and3A_1690 = arith.andi %ne3A_1689, %ne3A_1684 : i1
    %add3A_1691 = arith.addi %rem3A_1682, %select_n3A_1681 : i32
    %select_n3A_1692 = arith.select %and3A_1690, %add3A_1691, %rem3A_1682 : i32
    %mul3A_1693 = arith.constant 2048 : i32
    %mul3A_1694 = arith.muli %select_n3A_1692, %mul3A_1693 : i32
    %mul3A_1695 = arith.constant 50 : i32
    %mul3A_1696 = arith.muli %arg0, %mul3A_1695 : i32
    %add3A_1697 = arith.addi %mul3A_1696, %select_n3A_1676 : i32
    %dma_wait3A_1698 = tpu.memref_slice %arg3[%add3A_1697, %mul3A_1694] : memref<100x16384xi32, #tpu.memory_space<hbm>> -> memref<1x2048xi32, #tpu.memory_space<hbm>>
    %dma_wait3A_1699 = tpu.memref_squeeze %dma_wait3A_1698 : memref<1x2048xi32, #tpu.memory_space<hbm>> -> memref<2048xi32, #tpu.memory_space<hbm>>
    %dma_wait3A_1700 = tpu.memref_slice %arg3[%add3A_1697, %mul3A_1694] : memref<100x16384xi32, #tpu.memory_space<hbm>> -> memref<1x2048xi32, #tpu.memory_space<hbm>>
    %dma_wait3A_1701 = tpu.memref_squeeze %dma_wait3A_1700 : memref<1x2048xi32, #tpu.memory_space<hbm>> -> memref<2048xi32, #tpu.memory_space<hbm>>
    tpu.wait_dma2 semaphore(%arg10 : memref<!tpu.dma_semaphore, #tpu.memory_space<semaphore_mem>>) src(%dma_wait3A_1701 : memref<2048xi32, #tpu.memory_space<hbm>>) dst(%arg6 : memref<2048xi32, #tpu.memory_space<vmem>>)
    %add3A_1702 = arith.constant 128 : i32
    %add3A_1703 = arith.addi %arg1, %add3A_1702 : i32
    %jit3A_1704 = arith.constant 8 : i32
    %div3A_1705 = arith.divsi %add3A_1703, %jit3A_1704 : i32
    %sign3A_1706 = arith.constant 0 : i32
    %sign3A_1707 = arith.cmpi sgt, %add3A_1703, %sign3A_1706 : i32
    %sign3A_1708 = arith.extui %sign3A_1707 : i1 to i32
    %sign3A_1709 = arith.constant 0 : i32
    %sign3A_1710 = arith.cmpi slt, %add3A_1703, %sign3A_1709 : i32
    %sign3A_1711 = arith.extui %sign3A_1710 : i1 to i32
    %sign3A_1712 = arith.subi %sign3A_1708, %sign3A_1711 : i32
    %sign3A_1713 = arith.constant 0 : i32
    %sign3A_1714 = arith.cmpi sgt, %jit3A_1704, %sign3A_1713 : i32
    %sign3A_1715 = arith.extui %sign3A_1714 : i1 to i32
    %sign3A_1716 = arith.constant 0 : i32
    %sign3A_1717 = arith.cmpi slt, %jit3A_1704, %sign3A_1716 : i32
    %sign3A_1718 = arith.extui %sign3A_1717 : i1 to i32
    %sign3A_1719 = arith.subi %sign3A_1715, %sign3A_1718 : i32
    %ne3A_1720 = arith.cmpi ne, %sign3A_1712, %sign3A_1719 : i32
    %rem3A_1721 = arith.remsi %add3A_1703, %jit3A_1704 : i32
    %ne3A_1722 = arith.constant 0 : i32
    %ne3A_1723 = arith.cmpi ne, %rem3A_1721, %ne3A_1722 : i32
    %and3A_1724 = arith.andi %ne3A_1720, %ne3A_1723 : i1
    %sub3A_1725 = arith.constant 1 : i32
    %sub3A_1726 = arith.subi %div3A_1705, %sub3A_1725 : i32
    %select_n3A_1727 = arith.select %and3A_1724, %sub3A_1726, %div3A_1705 : i32
    %jit3A_1728 = arith.constant 8 : i32
    %eq3A_1729 = arith.constant 0 : i32
    %eq3A_1730 = arith.cmpi eq, %jit3A_1728, %eq3A_1729 : i32
    %jit3A_1731 = arith.constant 1 : i32
    %select_n3A_1732 = arith.select %eq3A_1730, %jit3A_1731, %jit3A_1728 : i32
    %rem3A_1733 = arith.remsi %add3A_1703, %select_n3A_1732 : i32
    %ne3A_1734 = arith.constant 0 : i32
    %ne3A_1735 = arith.cmpi ne, %rem3A_1733, %ne3A_1734 : i32
    %lt3A_1736 = arith.constant 0 : i32
    %lt3A_1737 = arith.cmpi slt, %rem3A_1733, %lt3A_1736 : i32
    %lt3A_1738 = arith.constant 0 : i32
    %lt3A_1739 = arith.cmpi slt, %select_n3A_1732, %lt3A_1738 : i32
    %ne3A_1740 = arith.xori %lt3A_1737, %lt3A_1739 : i1
    %and3A_1741 = arith.andi %ne3A_1740, %ne3A_1735 : i1
    %add3A_1742 = arith.addi %rem3A_1733, %select_n3A_1732 : i32
    %select_n3A_1743 = arith.select %and3A_1741, %add3A_1742, %rem3A_1733 : i32
    %mul3A_1744 = arith.constant 2048 : i32
    %mul3A_1745 = arith.muli %select_n3A_1743, %mul3A_1744 : i32
    %mul3A_1746 = arith.constant 50 : i32
    %mul3A_1747 = arith.muli %arg0, %mul3A_1746 : i32
    %add3A_1748 = arith.addi %mul3A_1747, %select_n3A_1727 : i32
    %mul3A_1749 = arith.constant 16 : i32
    %mul3A_1750 = arith.muli %add3A_1748, %mul3A_1749 : i32
    %dma_wait3A_1751 = tpu.memref_slice %arg4[%mul3A_1745, %mul3A_1750] : memref<16384x1600xf32, #tpu.memory_space<hbm>> -> memref<2048x16xf32, #tpu.memory_space<hbm>>
    %dma_wait3A_1752 = tpu.memref_slice %arg4[%mul3A_1745, %mul3A_1750] : memref<16384x1600xf32, #tpu.memory_space<hbm>> -> memref<2048x16xf32, #tpu.memory_space<hbm>>
    tpu.wait_dma2 semaphore(%arg14 : memref<!tpu.dma_semaphore, #tpu.memory_space<semaphore_mem>>) src(%arg8 : memref<2048x16xf32, #tpu.memory_space<vmem>>) dst(%dma_wait3A_1752 : memref<2048x16xf32, #tpu.memory_space<hbm>>)
    %dma_start3A_1753 = arith.constant 0 : i32
    %dma_start3A_1754 = arith.constant 0 : i32
    %dma_start3A_1755 = tpu.memref_slice %arg5[%select_n3A_1676, %dma_start3A_1753, %dma_start3A_1754] : memref<50x1024x16xf32, #tpu.memory_space<vmem_shared>> -> memref<1x1024x16xf32, #tpu.memory_space<vmem_shared>>
    %dma_start3A_1756 = tpu.memref_squeeze %dma_start3A_1755 : memref<1x1024x16xf32, #tpu.memory_space<vmem_shared>> -> memref<1024x16xf32, #tpu.memory_space<vmem_shared>>
    %dma_start3A_1757 = arith.constant 0 : i32
    %dma_start3A_1758 = arith.constant 0 : i32
    %dma_start3A_1759 = tpu.memref_slice %dma_start3A_1756[%dma_start3A_1757, %dma_start3A_1758] : memref<1024x16xf32, #tpu.memory_space<vmem_shared>> -> memref<1024x16xf32, #tpu.memory_space<vmem_shared>>
    tpu.enqueue_indirect_dma source(%dma_start3A_1759 : memref<1024x16xf32, #tpu.memory_space<vmem_shared>>) target(%arg8 : memref<2048x16xf32, #tpu.memory_space<vmem>>) offsets(%arg6 : memref<2048xi32, #tpu.memory_space<vmem>>) semaphore(%arg12 : memref<!tpu.dma_semaphore, #tpu.memory_space<semaphore_mem>>)
    %add3A_1760 = arith.constant 176 : i32
    %add3A_1761 = arith.addi %arg1, %add3A_1760 : i32
    %jit3A_1762 = arith.constant 8 : i32
    %div3A_1763 = arith.divsi %add3A_1761, %jit3A_1762 : i32
    %sign3A_1764 = arith.constant 0 : i32
    %sign3A_1765 = arith.cmpi sgt, %add3A_1761, %sign3A_1764 : i32
    %sign3A_1766 = arith.extui %sign3A_1765 : i1 to i32
    %sign3A_1767 = arith.constant 0 : i32
    %sign3A_1768 = arith.cmpi slt, %add3A_1761, %sign3A_1767 : i32
    %sign3A_1769 = arith.extui %sign3A_1768 : i1 to i32
    %sign3A_1770 = arith.subi %sign3A_1766, %sign3A_1769 : i32
    %sign3A_1771 = arith.constant 0 : i32
    %sign3A_1772 = arith.cmpi sgt, %jit3A_1762, %sign3A_1771 : i32
    %sign3A_1773 = arith.extui %sign3A_1772 : i1 to i32
    %sign3A_1774 = arith.constant 0 : i32
    %sign3A_1775 = arith.cmpi slt, %jit3A_1762, %sign3A_1774 : i32
    %sign3A_1776 = arith.extui %sign3A_1775 : i1 to i32
    %sign3A_1777 = arith.subi %sign3A_1773, %sign3A_1776 : i32
    %ne3A_1778 = arith.cmpi ne, %sign3A_1770, %sign3A_1777 : i32
    %rem3A_1779 = arith.remsi %add3A_1761, %jit3A_1762 : i32
    %ne3A_1780 = arith.constant 0 : i32
    %ne3A_1781 = arith.cmpi ne, %rem3A_1779, %ne3A_1780 : i32
    %and3A_1782 = arith.andi %ne3A_1778, %ne3A_1781 : i1
    %sub3A_1783 = arith.constant 1 : i32
    %sub3A_1784 = arith.subi %div3A_1763, %sub3A_1783 : i32
    %select_n3A_1785 = arith.select %and3A_1782, %sub3A_1784, %div3A_1763 : i32
    %jit3A_1786 = arith.constant 8 : i32
    %eq3A_1787 = arith.constant 0 : i32
    %eq3A_1788 = arith.cmpi eq, %jit3A_1786, %eq3A_1787 : i32
    %jit3A_1789 = arith.constant 1 : i32
    %select_n3A_1790 = arith.select %eq3A_1788, %jit3A_1789, %jit3A_1786 : i32
    %rem3A_1791 = arith.remsi %add3A_1761, %select_n3A_1790 : i32
    %ne3A_1792 = arith.constant 0 : i32
    %ne3A_1793 = arith.cmpi ne, %rem3A_1791, %ne3A_1792 : i32
    %lt3A_1794 = arith.constant 0 : i32
    %lt3A_1795 = arith.cmpi slt, %rem3A_1791, %lt3A_1794 : i32
    %lt3A_1796 = arith.constant 0 : i32
    %lt3A_1797 = arith.cmpi slt, %select_n3A_1790, %lt3A_1796 : i32
    %ne3A_1798 = arith.xori %lt3A_1795, %lt3A_1797 : i1
    %and3A_1799 = arith.andi %ne3A_1798, %ne3A_1793 : i1
    %add3A_1800 = arith.addi %rem3A_1791, %select_n3A_1790 : i32
    %select_n3A_1801 = arith.select %and3A_1799, %add3A_1800, %rem3A_1791 : i32
    %mul3A_1802 = arith.constant 2048 : i32
    %mul3A_1803 = arith.muli %select_n3A_1801, %mul3A_1802 : i32
    %mul3A_1804 = arith.constant 50 : i32
    %mul3A_1805 = arith.muli %arg0, %mul3A_1804 : i32
    %add3A_1806 = arith.addi %mul3A_1805, %select_n3A_1785 : i32
    %dma_start3A_1807 = tpu.memref_slice %arg3[%add3A_1806, %mul3A_1803] : memref<100x16384xi32, #tpu.memory_space<hbm>> -> memref<1x2048xi32, #tpu.memory_space<hbm>>
    %dma_start3A_1808 = tpu.memref_squeeze %dma_start3A_1807 : memref<1x2048xi32, #tpu.memory_space<hbm>> -> memref<2048xi32, #tpu.memory_space<hbm>>
    %dma_start3A_1809 = tpu.memref_slice %arg3[%add3A_1806, %mul3A_1803] : memref<100x16384xi32, #tpu.memory_space<hbm>> -> memref<1x2048xi32, #tpu.memory_space<hbm>>
    %dma_start3A_1810 = tpu.memref_squeeze %dma_start3A_1809 : memref<1x2048xi32, #tpu.memory_space<hbm>> -> memref<2048xi32, #tpu.memory_space<hbm>>
    tpu.enqueue_dma source(%dma_start3A_1810 : memref<2048xi32, #tpu.memory_space<hbm>>) target(%arg7 : memref<2048xi32, #tpu.memory_space<vmem>>) target_semaphore(%arg11 : memref<!tpu.dma_semaphore, #tpu.memory_space<semaphore_mem>>)
    %dma_wait3A_1811 = arith.constant 0 : i32
    %dma_wait3A_1812 = arith.constant 0 : i32
    %dma_wait3A_1813 = tpu.memref_slice %arg5[%select_n3A_1676, %dma_wait3A_1811, %dma_wait3A_1812] : memref<50x1024x16xf32, #tpu.memory_space<vmem_shared>> -> memref<1x1024x16xf32, #tpu.memory_space<vmem_shared>>
    %dma_wait3A_1814 = tpu.memref_squeeze %dma_wait3A_1813 : memref<1x1024x16xf32, #tpu.memory_space<vmem_shared>> -> memref<1024x16xf32, #tpu.memory_space<vmem_shared>>
    %dma_wait3A_1815 = arith.constant 0 : i32
    %dma_wait3A_1816 = arith.constant 0 : i32
    %dma_wait3A_1817 = tpu.memref_slice %dma_wait3A_1814[%dma_wait3A_1815, %dma_wait3A_1816] : memref<1024x16xf32, #tpu.memory_space<vmem_shared>> -> memref<1024x16xf32, #tpu.memory_space<vmem_shared>>
    tpu.wait_indirect_dma semaphore(%arg12 : memref<!tpu.dma_semaphore, #tpu.memory_space<semaphore_mem>>) src(%dma_wait3A_1817 : memref<1024x16xf32, #tpu.memory_space<vmem_shared>>) dst(%arg8 : memref<2048x16xf32, #tpu.memory_space<vmem>>)
    %mul3A_1818 = arith.constant 16 : i32
    %mul3A_1819 = arith.muli %add3A_1697, %mul3A_1818 : i32
    %dma_start3A_1820 = tpu.memref_slice %arg4[%mul3A_1694, %mul3A_1819] : memref<16384x1600xf32, #tpu.memory_space<hbm>> -> memref<2048x16xf32, #tpu.memory_space<hbm>>
    %dma_start3A_1821 = tpu.memref_slice %arg4[%mul3A_1694, %mul3A_1819] : memref<16384x1600xf32, #tpu.memory_space<hbm>> -> memref<2048x16xf32, #tpu.memory_space<hbm>>
    tpu.enqueue_dma source(%arg8 : memref<2048x16xf32, #tpu.memory_space<vmem>>) target(%dma_start3A_1821 : memref<2048x16xf32, #tpu.memory_space<hbm>>) target_semaphore(%arg14 : memref<!tpu.dma_semaphore, #tpu.memory_space<semaphore_mem>>)
    %add3A_1822 = arith.constant 176 : i32
    %add3A_1823 = arith.addi %arg1, %add3A_1822 : i32
    %jit3A_1824 = arith.constant 8 : i32
    %div3A_1825 = arith.divsi %add3A_1823, %jit3A_1824 : i32
    %sign3A_1826 = arith.constant 0 : i32
    %sign3A_1827 = arith.cmpi sgt, %add3A_1823, %sign3A_1826 : i32
    %sign3A_1828 = arith.extui %sign3A_1827 : i1 to i32
    %sign3A_1829 = arith.constant 0 : i32
    %sign3A_1830 = arith.cmpi slt, %add3A_1823, %sign3A_1829 : i32
    %sign3A_1831 = arith.extui %sign3A_1830 : i1 to i32
    %sign3A_1832 = arith.subi %sign3A_1828, %sign3A_1831 : i32
    %sign3A_1833 = arith.constant 0 : i32
    %sign3A_1834 = arith.cmpi sgt, %jit3A_1824, %sign3A_1833 : i32
    %sign3A_1835 = arith.extui %sign3A_1834 : i1 to i32
    %sign3A_1836 = arith.constant 0 : i32
    %sign3A_1837 = arith.cmpi slt, %jit3A_1824, %sign3A_1836 : i32
    %sign3A_1838 = arith.extui %sign3A_1837 : i1 to i32
    %sign3A_1839 = arith.subi %sign3A_1835, %sign3A_1838 : i32
    %ne3A_1840 = arith.cmpi ne, %sign3A_1832, %sign3A_1839 : i32
    %rem3A_1841 = arith.remsi %add3A_1823, %jit3A_1824 : i32
    %ne3A_1842 = arith.constant 0 : i32
    %ne3A_1843 = arith.cmpi ne, %rem3A_1841, %ne3A_1842 : i32
    %and3A_1844 = arith.andi %ne3A_1840, %ne3A_1843 : i1
    %sub3A_1845 = arith.constant 1 : i32
    %sub3A_1846 = arith.subi %div3A_1825, %sub3A_1845 : i32
    %select_n3A_1847 = arith.select %and3A_1844, %sub3A_1846, %div3A_1825 : i32
    %jit3A_1848 = arith.constant 8 : i32
    %eq3A_1849 = arith.constant 0 : i32
    %eq3A_1850 = arith.cmpi eq, %jit3A_1848, %eq3A_1849 : i32
    %jit3A_1851 = arith.constant 1 : i32
    %select_n3A_1852 = arith.select %eq3A_1850, %jit3A_1851, %jit3A_1848 : i32
    %rem3A_1853 = arith.remsi %add3A_1823, %select_n3A_1852 : i32
    %ne3A_1854 = arith.constant 0 : i32
    %ne3A_1855 = arith.cmpi ne, %rem3A_1853, %ne3A_1854 : i32
    %lt3A_1856 = arith.constant 0 : i32
    %lt3A_1857 = arith.cmpi slt, %rem3A_1853, %lt3A_1856 : i32
    %lt3A_1858 = arith.constant 0 : i32
    %lt3A_1859 = arith.cmpi slt, %select_n3A_1852, %lt3A_1858 : i32
    %ne3A_1860 = arith.xori %lt3A_1857, %lt3A_1859 : i1
    %and3A_1861 = arith.andi %ne3A_1860, %ne3A_1855 : i1
    %add3A_1862 = arith.addi %rem3A_1853, %select_n3A_1852 : i32
    %select_n3A_1863 = arith.select %and3A_1861, %add3A_1862, %rem3A_1853 : i32
    %mul3A_1864 = arith.constant 2048 : i32
    %mul3A_1865 = arith.muli %select_n3A_1863, %mul3A_1864 : i32
    %mul3A_1866 = arith.constant 50 : i32
    %mul3A_1867 = arith.muli %arg0, %mul3A_1866 : i32
    %add3A_1868 = arith.addi %mul3A_1867, %select_n3A_1847 : i32
    %dma_wait3A_1869 = tpu.memref_slice %arg3[%add3A_1868, %mul3A_1865] : memref<100x16384xi32, #tpu.memory_space<hbm>> -> memref<1x2048xi32, #tpu.memory_space<hbm>>
    %dma_wait3A_1870 = tpu.memref_squeeze %dma_wait3A_1869 : memref<1x2048xi32, #tpu.memory_space<hbm>> -> memref<2048xi32, #tpu.memory_space<hbm>>
    %dma_wait3A_1871 = tpu.memref_slice %arg3[%add3A_1868, %mul3A_1865] : memref<100x16384xi32, #tpu.memory_space<hbm>> -> memref<1x2048xi32, #tpu.memory_space<hbm>>
    %dma_wait3A_1872 = tpu.memref_squeeze %dma_wait3A_1871 : memref<1x2048xi32, #tpu.memory_space<hbm>> -> memref<2048xi32, #tpu.memory_space<hbm>>
    tpu.wait_dma2 semaphore(%arg11 : memref<!tpu.dma_semaphore, #tpu.memory_space<semaphore_mem>>) src(%dma_wait3A_1872 : memref<2048xi32, #tpu.memory_space<hbm>>) dst(%arg7 : memref<2048xi32, #tpu.memory_space<vmem>>)
    %add3A_1873 = arith.constant 144 : i32
    %add3A_1874 = arith.addi %arg1, %add3A_1873 : i32
    %jit3A_1875 = arith.constant 8 : i32
    %div3A_1876 = arith.divsi %add3A_1874, %jit3A_1875 : i32
    %sign3A_1877 = arith.constant 0 : i32
    %sign3A_1878 = arith.cmpi sgt, %add3A_1874, %sign3A_1877 : i32
    %sign3A_1879 = arith.extui %sign3A_1878 : i1 to i32
    %sign3A_1880 = arith.constant 0 : i32
    %sign3A_1881 = arith.cmpi slt, %add3A_1874, %sign3A_1880 : i32
    %sign3A_1882 = arith.extui %sign3A_1881 : i1 to i32
    %sign3A_1883 = arith.subi %sign3A_1879, %sign3A_1882 : i32
    %sign3A_1884 = arith.constant 0 : i32
    %sign3A_1885 = arith.cmpi sgt, %jit3A_1875, %sign3A_1884 : i32
    %sign3A_1886 = arith.extui %sign3A_1885 : i1 to i32
    %sign3A_1887 = arith.constant 0 : i32
    %sign3A_1888 = arith.cmpi slt, %jit3A_1875, %sign3A_1887 : i32
    %sign3A_1889 = arith.extui %sign3A_1888 : i1 to i32
    %sign3A_1890 = arith.subi %sign3A_1886, %sign3A_1889 : i32
    %ne3A_1891 = arith.cmpi ne, %sign3A_1883, %sign3A_1890 : i32
    %rem3A_1892 = arith.remsi %add3A_1874, %jit3A_1875 : i32
    %ne3A_1893 = arith.constant 0 : i32
    %ne3A_1894 = arith.cmpi ne, %rem3A_1892, %ne3A_1893 : i32
    %and3A_1895 = arith.andi %ne3A_1891, %ne3A_1894 : i1
    %sub3A_1896 = arith.constant 1 : i32
    %sub3A_1897 = arith.subi %div3A_1876, %sub3A_1896 : i32
    %select_n3A_1898 = arith.select %and3A_1895, %sub3A_1897, %div3A_1876 : i32
    %jit3A_1899 = arith.constant 8 : i32
    %eq3A_1900 = arith.constant 0 : i32
    %eq3A_1901 = arith.cmpi eq, %jit3A_1899, %eq3A_1900 : i32
    %jit3A_1902 = arith.constant 1 : i32
    %select_n3A_1903 = arith.select %eq3A_1901, %jit3A_1902, %jit3A_1899 : i32
    %rem3A_1904 = arith.remsi %add3A_1874, %select_n3A_1903 : i32
    %ne3A_1905 = arith.constant 0 : i32
    %ne3A_1906 = arith.cmpi ne, %rem3A_1904, %ne3A_1905 : i32
    %lt3A_1907 = arith.constant 0 : i32
    %lt3A_1908 = arith.cmpi slt, %rem3A_1904, %lt3A_1907 : i32
    %lt3A_1909 = arith.constant 0 : i32
    %lt3A_1910 = arith.cmpi slt, %select_n3A_1903, %lt3A_1909 : i32
    %ne3A_1911 = arith.xori %lt3A_1908, %lt3A_1910 : i1
    %and3A_1912 = arith.andi %ne3A_1911, %ne3A_1906 : i1
    %add3A_1913 = arith.addi %rem3A_1904, %select_n3A_1903 : i32
    %select_n3A_1914 = arith.select %and3A_1912, %add3A_1913, %rem3A_1904 : i32
    %mul3A_1915 = arith.constant 2048 : i32
    %mul3A_1916 = arith.muli %select_n3A_1914, %mul3A_1915 : i32
    %mul3A_1917 = arith.constant 50 : i32
    %mul3A_1918 = arith.muli %arg0, %mul3A_1917 : i32
    %add3A_1919 = arith.addi %mul3A_1918, %select_n3A_1898 : i32
    %mul3A_1920 = arith.constant 16 : i32
    %mul3A_1921 = arith.muli %add3A_1919, %mul3A_1920 : i32
    %dma_wait3A_1922 = tpu.memref_slice %arg4[%mul3A_1916, %mul3A_1921] : memref<16384x1600xf32, #tpu.memory_space<hbm>> -> memref<2048x16xf32, #tpu.memory_space<hbm>>
    %dma_wait3A_1923 = tpu.memref_slice %arg4[%mul3A_1916, %mul3A_1921] : memref<16384x1600xf32, #tpu.memory_space<hbm>> -> memref<2048x16xf32, #tpu.memory_space<hbm>>
    tpu.wait_dma2 semaphore(%arg15 : memref<!tpu.dma_semaphore, #tpu.memory_space<semaphore_mem>>) src(%arg9 : memref<2048x16xf32, #tpu.memory_space<vmem>>) dst(%dma_wait3A_1923 : memref<2048x16xf32, #tpu.memory_space<hbm>>)
    %dma_start3A_1924 = arith.constant 0 : i32
    %dma_start3A_1925 = arith.constant 0 : i32
    %dma_start3A_1926 = tpu.memref_slice %arg5[%select_n3A_1847, %dma_start3A_1924, %dma_start3A_1925] : memref<50x1024x16xf32, #tpu.memory_space<vmem_shared>> -> memref<1x1024x16xf32, #tpu.memory_space<vmem_shared>>
    %dma_start3A_1927 = tpu.memref_squeeze %dma_start3A_1926 : memref<1x1024x16xf32, #tpu.memory_space<vmem_shared>> -> memref<1024x16xf32, #tpu.memory_space<vmem_shared>>
    %dma_start3A_1928 = arith.constant 0 : i32
    %dma_start3A_1929 = arith.constant 0 : i32
    %dma_start3A_1930 = tpu.memref_slice %dma_start3A_1927[%dma_start3A_1928, %dma_start3A_1929] : memref<1024x16xf32, #tpu.memory_space<vmem_shared>> -> memref<1024x16xf32, #tpu.memory_space<vmem_shared>>
    tpu.enqueue_indirect_dma source(%dma_start3A_1930 : memref<1024x16xf32, #tpu.memory_space<vmem_shared>>) target(%arg9 : memref<2048x16xf32, #tpu.memory_space<vmem>>) offsets(%arg7 : memref<2048xi32, #tpu.memory_space<vmem>>) semaphore(%arg13 : memref<!tpu.dma_semaphore, #tpu.memory_space<semaphore_mem>>)
    %add3A_1931 = arith.constant 192 : i32
    %add3A_1932 = arith.addi %arg1, %add3A_1931 : i32
    %jit3A_1933 = arith.constant 8 : i32
    %div3A_1934 = arith.divsi %add3A_1932, %jit3A_1933 : i32
    %sign3A_1935 = arith.constant 0 : i32
    %sign3A_1936 = arith.cmpi sgt, %add3A_1932, %sign3A_1935 : i32
    %sign3A_1937 = arith.extui %sign3A_1936 : i1 to i32
    %sign3A_1938 = arith.constant 0 : i32
    %sign3A_1939 = arith.cmpi slt, %add3A_1932, %sign3A_1938 : i32
    %sign3A_1940 = arith.extui %sign3A_1939 : i1 to i32
    %sign3A_1941 = arith.subi %sign3A_1937, %sign3A_1940 : i32
    %sign3A_1942 = arith.constant 0 : i32
    %sign3A_1943 = arith.cmpi sgt, %jit3A_1933, %sign3A_1942 : i32
    %sign3A_1944 = arith.extui %sign3A_1943 : i1 to i32
    %sign3A_1945 = arith.constant 0 : i32
    %sign3A_1946 = arith.cmpi slt, %jit3A_1933, %sign3A_1945 : i32
    %sign3A_1947 = arith.extui %sign3A_1946 : i1 to i32
    %sign3A_1948 = arith.subi %sign3A_1944, %sign3A_1947 : i32
    %ne3A_1949 = arith.cmpi ne, %sign3A_1941, %sign3A_1948 : i32
    %rem3A_1950 = arith.remsi %add3A_1932, %jit3A_1933 : i32
    %ne3A_1951 = arith.constant 0 : i32
    %ne3A_1952 = arith.cmpi ne, %rem3A_1950, %ne3A_1951 : i32
    %and3A_1953 = arith.andi %ne3A_1949, %ne3A_1952 : i1
    %sub3A_1954 = arith.constant 1 : i32
    %sub3A_1955 = arith.subi %div3A_1934, %sub3A_1954 : i32
    %select_n3A_1956 = arith.select %and3A_1953, %sub3A_1955, %div3A_1934 : i32
    %jit3A_1957 = arith.constant 8 : i32
    %eq3A_1958 = arith.constant 0 : i32
    %eq3A_1959 = arith.cmpi eq, %jit3A_1957, %eq3A_1958 : i32
    %jit3A_1960 = arith.constant 1 : i32
    %select_n3A_1961 = arith.select %eq3A_1959, %jit3A_1960, %jit3A_1957 : i32
    %rem3A_1962 = arith.remsi %add3A_1932, %select_n3A_1961 : i32
    %ne3A_1963 = arith.constant 0 : i32
    %ne3A_1964 = arith.cmpi ne, %rem3A_1962, %ne3A_1963 : i32
    %lt3A_1965 = arith.constant 0 : i32
    %lt3A_1966 = arith.cmpi slt, %rem3A_1962, %lt3A_1965 : i32
    %lt3A_1967 = arith.constant 0 : i32
    %lt3A_1968 = arith.cmpi slt, %select_n3A_1961, %lt3A_1967 : i32
    %ne3A_1969 = arith.xori %lt3A_1966, %lt3A_1968 : i1
    %and3A_1970 = arith.andi %ne3A_1969, %ne3A_1964 : i1
    %add3A_1971 = arith.addi %rem3A_1962, %select_n3A_1961 : i32
    %select_n3A_1972 = arith.select %and3A_1970, %add3A_1971, %rem3A_1962 : i32
    %mul3A_1973 = arith.constant 2048 : i32
    %mul3A_1974 = arith.muli %select_n3A_1972, %mul3A_1973 : i32
    %mul3A_1975 = arith.constant 50 : i32
    %mul3A_1976 = arith.muli %arg0, %mul3A_1975 : i32
    %add3A_1977 = arith.addi %mul3A_1976, %select_n3A_1956 : i32
    %dma_start3A_1978 = tpu.memref_slice %arg3[%add3A_1977, %mul3A_1974] : memref<100x16384xi32, #tpu.memory_space<hbm>> -> memref<1x2048xi32, #tpu.memory_space<hbm>>
    %dma_start3A_1979 = tpu.memref_squeeze %dma_start3A_1978 : memref<1x2048xi32, #tpu.memory_space<hbm>> -> memref<2048xi32, #tpu.memory_space<hbm>>
    %dma_start3A_1980 = tpu.memref_slice %arg3[%add3A_1977, %mul3A_1974] : memref<100x16384xi32, #tpu.memory_space<hbm>> -> memref<1x2048xi32, #tpu.memory_space<hbm>>
    %dma_start3A_1981 = tpu.memref_squeeze %dma_start3A_1980 : memref<1x2048xi32, #tpu.memory_space<hbm>> -> memref<2048xi32, #tpu.memory_space<hbm>>
    tpu.enqueue_dma source(%dma_start3A_1981 : memref<2048xi32, #tpu.memory_space<hbm>>) target(%arg6 : memref<2048xi32, #tpu.memory_space<vmem>>) target_semaphore(%arg10 : memref<!tpu.dma_semaphore, #tpu.memory_space<semaphore_mem>>)
    %dma_wait3A_1982 = arith.constant 0 : i32
    %dma_wait3A_1983 = arith.constant 0 : i32
    %dma_wait3A_1984 = tpu.memref_slice %arg5[%select_n3A_1847, %dma_wait3A_1982, %dma_wait3A_1983] : memref<50x1024x16xf32, #tpu.memory_space<vmem_shared>> -> memref<1x1024x16xf32, #tpu.memory_space<vmem_shared>>
    %dma_wait3A_1985 = tpu.memref_squeeze %dma_wait3A_1984 : memref<1x1024x16xf32, #tpu.memory_space<vmem_shared>> -> memref<1024x16xf32, #tpu.memory_space<vmem_shared>>
    %dma_wait3A_1986 = arith.constant 0 : i32
    %dma_wait3A_1987 = arith.constant 0 : i32
    %dma_wait3A_1988 = tpu.memref_slice %dma_wait3A_1985[%dma_wait3A_1986, %dma_wait3A_1987] : memref<1024x16xf32, #tpu.memory_space<vmem_shared>> -> memref<1024x16xf32, #tpu.memory_space<vmem_shared>>
    tpu.wait_indirect_dma semaphore(%arg13 : memref<!tpu.dma_semaphore, #tpu.memory_space<semaphore_mem>>) src(%dma_wait3A_1988 : memref<1024x16xf32, #tpu.memory_space<vmem_shared>>) dst(%arg9 : memref<2048x16xf32, #tpu.memory_space<vmem>>)
    %mul3A_1989 = arith.constant 16 : i32
    %mul3A_1990 = arith.muli %add3A_1868, %mul3A_1989 : i32
    %dma_start3A_1991 = tpu.memref_slice %arg4[%mul3A_1865, %mul3A_1990] : memref<16384x1600xf32, #tpu.memory_space<hbm>> -> memref<2048x16xf32, #tpu.memory_space<hbm>>
    %dma_start3A_1992 = tpu.memref_slice %arg4[%mul3A_1865, %mul3A_1990] : memref<16384x1600xf32, #tpu.memory_space<hbm>> -> memref<2048x16xf32, #tpu.memory_space<hbm>>
    tpu.enqueue_dma source(%arg9 : memref<2048x16xf32, #tpu.memory_space<vmem>>) target(%dma_start3A_1992 : memref<2048x16xf32, #tpu.memory_space<hbm>>) target_semaphore(%arg15 : memref<!tpu.dma_semaphore, #tpu.memory_space<semaphore_mem>>)
    %add3A_1993 = arith.constant 192 : i32
    %add3A_1994 = arith.addi %arg1, %add3A_1993 : i32
    %jit3A_1995 = arith.constant 8 : i32
    %div3A_1996 = arith.divsi %add3A_1994, %jit3A_1995 : i32
    %sign3A_1997 = arith.constant 0 : i32
    %sign3A_1998 = arith.cmpi sgt, %add3A_1994, %sign3A_1997 : i32
    %sign3A_1999 = arith.extui %sign3A_1998 : i1 to i32
    %sign3A_2000 = arith.constant 0 : i32
    %sign3A_2001 = arith.cmpi slt, %add3A_1994, %sign3A_2000 : i32
    %sign3A_2002 = arith.extui %sign3A_2001 : i1 to i32
    %sign3A_2003 = arith.subi %sign3A_1999, %sign3A_2002 : i32
    %sign3A_2004 = arith.constant 0 : i32
    %sign3A_2005 = arith.cmpi sgt, %jit3A_1995, %sign3A_2004 : i32
    %sign3A_2006 = arith.extui %sign3A_2005 : i1 to i32
    %sign3A_2007 = arith.constant 0 : i32
    %sign3A_2008 = arith.cmpi slt, %jit3A_1995, %sign3A_2007 : i32
    %sign3A_2009 = arith.extui %sign3A_2008 : i1 to i32
    %sign3A_2010 = arith.subi %sign3A_2006, %sign3A_2009 : i32
    %ne3A_2011 = arith.cmpi ne, %sign3A_2003, %sign3A_2010 : i32
    %rem3A_2012 = arith.remsi %add3A_1994, %jit3A_1995 : i32
    %ne3A_2013 = arith.constant 0 : i32
    %ne3A_2014 = arith.cmpi ne, %rem3A_2012, %ne3A_2013 : i32
    %and3A_2015 = arith.andi %ne3A_2011, %ne3A_2014 : i1
    %sub3A_2016 = arith.constant 1 : i32
    %sub3A_2017 = arith.subi %div3A_1996, %sub3A_2016 : i32
    %select_n3A_2018 = arith.select %and3A_2015, %sub3A_2017, %div3A_1996 : i32
    %jit3A_2019 = arith.constant 8 : i32
    %eq3A_2020 = arith.constant 0 : i32
    %eq3A_2021 = arith.cmpi eq, %jit3A_2019, %eq3A_2020 : i32
    %jit3A_2022 = arith.constant 1 : i32
    %select_n3A_2023 = arith.select %eq3A_2021, %jit3A_2022, %jit3A_2019 : i32
    %rem3A_2024 = arith.remsi %add3A_1994, %select_n3A_2023 : i32
    %ne3A_2025 = arith.constant 0 : i32
    %ne3A_2026 = arith.cmpi ne, %rem3A_2024, %ne3A_2025 : i32
    %lt3A_2027 = arith.constant 0 : i32
    %lt3A_2028 = arith.cmpi slt, %rem3A_2024, %lt3A_2027 : i32
    %lt3A_2029 = arith.constant 0 : i32
    %lt3A_2030 = arith.cmpi slt, %select_n3A_2023, %lt3A_2029 : i32
    %ne3A_2031 = arith.xori %lt3A_2028, %lt3A_2030 : i1
    %and3A_2032 = arith.andi %ne3A_2031, %ne3A_2026 : i1
    %add3A_2033 = arith.addi %rem3A_2024, %select_n3A_2023 : i32
    %select_n3A_2034 = arith.select %and3A_2032, %add3A_2033, %rem3A_2024 : i32
    %mul3A_2035 = arith.constant 2048 : i32
    %mul3A_2036 = arith.muli %select_n3A_2034, %mul3A_2035 : i32
    %mul3A_2037 = arith.constant 50 : i32
    %mul3A_2038 = arith.muli %arg0, %mul3A_2037 : i32
    %add3A_2039 = arith.addi %mul3A_2038, %select_n3A_2018 : i32
    %dma_wait3A_2040 = tpu.memref_slice %arg3[%add3A_2039, %mul3A_2036] : memref<100x16384xi32, #tpu.memory_space<hbm>> -> memref<1x2048xi32, #tpu.memory_space<hbm>>
    %dma_wait3A_2041 = tpu.memref_squeeze %dma_wait3A_2040 : memref<1x2048xi32, #tpu.memory_space<hbm>> -> memref<2048xi32, #tpu.memory_space<hbm>>
    %dma_wait3A_2042 = tpu.memref_slice %arg3[%add3A_2039, %mul3A_2036] : memref<100x16384xi32, #tpu.memory_space<hbm>> -> memref<1x2048xi32, #tpu.memory_space<hbm>>
    %dma_wait3A_2043 = tpu.memref_squeeze %dma_wait3A_2042 : memref<1x2048xi32, #tpu.memory_space<hbm>> -> memref<2048xi32, #tpu.memory_space<hbm>>
    tpu.wait_dma2 semaphore(%arg10 : memref<!tpu.dma_semaphore, #tpu.memory_space<semaphore_mem>>) src(%dma_wait3A_2043 : memref<2048xi32, #tpu.memory_space<hbm>>) dst(%arg6 : memref<2048xi32, #tpu.memory_space<vmem>>)
    %add3A_2044 = arith.constant 160 : i32
    %add3A_2045 = arith.addi %arg1, %add3A_2044 : i32
    %jit3A_2046 = arith.constant 8 : i32
    %div3A_2047 = arith.divsi %add3A_2045, %jit3A_2046 : i32
    %sign3A_2048 = arith.constant 0 : i32
    %sign3A_2049 = arith.cmpi sgt, %add3A_2045, %sign3A_2048 : i32
    %sign3A_2050 = arith.extui %sign3A_2049 : i1 to i32
    %sign3A_2051 = arith.constant 0 : i32
    %sign3A_2052 = arith.cmpi slt, %add3A_2045, %sign3A_2051 : i32
    %sign3A_2053 = arith.extui %sign3A_2052 : i1 to i32
    %sign3A_2054 = arith.subi %sign3A_2050, %sign3A_2053 : i32
    %sign3A_2055 = arith.constant 0 : i32
    %sign3A_2056 = arith.cmpi sgt, %jit3A_2046, %sign3A_2055 : i32
    %sign3A_2057 = arith.extui %sign3A_2056 : i1 to i32
    %sign3A_2058 = arith.constant 0 : i32
    %sign3A_2059 = arith.cmpi slt, %jit3A_2046, %sign3A_2058 : i32
    %sign3A_2060 = arith.extui %sign3A_2059 : i1 to i32
    %sign3A_2061 = arith.subi %sign3A_2057, %sign3A_2060 : i32
    %ne3A_2062 = arith.cmpi ne, %sign3A_2054, %sign3A_2061 : i32
    %rem3A_2063 = arith.remsi %add3A_2045, %jit3A_2046 : i32
    %ne3A_2064 = arith.constant 0 : i32
    %ne3A_2065 = arith.cmpi ne, %rem3A_2063, %ne3A_2064 : i32
    %and3A_2066 = arith.andi %ne3A_2062, %ne3A_2065 : i1
    %sub3A_2067 = arith.constant 1 : i32
    %sub3A_2068 = arith.subi %div3A_2047, %sub3A_2067 : i32
    %select_n3A_2069 = arith.select %and3A_2066, %sub3A_2068, %div3A_2047 : i32
    %jit3A_2070 = arith.constant 8 : i32
    %eq3A_2071 = arith.constant 0 : i32
    %eq3A_2072 = arith.cmpi eq, %jit3A_2070, %eq3A_2071 : i32
    %jit3A_2073 = arith.constant 1 : i32
    %select_n3A_2074 = arith.select %eq3A_2072, %jit3A_2073, %jit3A_2070 : i32
    %rem3A_2075 = arith.remsi %add3A_2045, %select_n3A_2074 : i32
    %ne3A_2076 = arith.constant 0 : i32
    %ne3A_2077 = arith.cmpi ne, %rem3A_2075, %ne3A_2076 : i32
    %lt3A_2078 = arith.constant 0 : i32
    %lt3A_2079 = arith.cmpi slt, %rem3A_2075, %lt3A_2078 : i32
    %lt3A_2080 = arith.constant 0 : i32
    %lt3A_2081 = arith.cmpi slt, %select_n3A_2074, %lt3A_2080 : i32
    %ne3A_2082 = arith.xori %lt3A_2079, %lt3A_2081 : i1
    %and3A_2083 = arith.andi %ne3A_2082, %ne3A_2077 : i1
    %add3A_2084 = arith.addi %rem3A_2075, %select_n3A_2074 : i32
    %select_n3A_2085 = arith.select %and3A_2083, %add3A_2084, %rem3A_2075 : i32
    %mul3A_2086 = arith.constant 2048 : i32
    %mul3A_2087 = arith.muli %select_n3A_2085, %mul3A_2086 : i32
    %mul3A_2088 = arith.constant 50 : i32
    %mul3A_2089 = arith.muli %arg0, %mul3A_2088 : i32
    %add3A_2090 = arith.addi %mul3A_2089, %select_n3A_2069 : i32
    %mul3A_2091 = arith.constant 16 : i32
    %mul3A_2092 = arith.muli %add3A_2090, %mul3A_2091 : i32
    %dma_wait3A_2093 = tpu.memref_slice %arg4[%mul3A_2087, %mul3A_2092] : memref<16384x1600xf32, #tpu.memory_space<hbm>> -> memref<2048x16xf32, #tpu.memory_space<hbm>>
    %dma_wait3A_2094 = tpu.memref_slice %arg4[%mul3A_2087, %mul3A_2092] : memref<16384x1600xf32, #tpu.memory_space<hbm>> -> memref<2048x16xf32, #tpu.memory_space<hbm>>
    tpu.wait_dma2 semaphore(%arg14 : memref<!tpu.dma_semaphore, #tpu.memory_space<semaphore_mem>>) src(%arg8 : memref<2048x16xf32, #tpu.memory_space<vmem>>) dst(%dma_wait3A_2094 : memref<2048x16xf32, #tpu.memory_space<hbm>>)
    %dma_start3A_2095 = arith.constant 0 : i32
    %dma_start3A_2096 = arith.constant 0 : i32
    %dma_start3A_2097 = tpu.memref_slice %arg5[%select_n3A_2018, %dma_start3A_2095, %dma_start3A_2096] : memref<50x1024x16xf32, #tpu.memory_space<vmem_shared>> -> memref<1x1024x16xf32, #tpu.memory_space<vmem_shared>>
    %dma_start3A_2098 = tpu.memref_squeeze %dma_start3A_2097 : memref<1x1024x16xf32, #tpu.memory_space<vmem_shared>> -> memref<1024x16xf32, #tpu.memory_space<vmem_shared>>
    %dma_start3A_2099 = arith.constant 0 : i32
    %dma_start3A_2100 = arith.constant 0 : i32
    %dma_start3A_2101 = tpu.memref_slice %dma_start3A_2098[%dma_start3A_2099, %dma_start3A_2100] : memref<1024x16xf32, #tpu.memory_space<vmem_shared>> -> memref<1024x16xf32, #tpu.memory_space<vmem_shared>>
    tpu.enqueue_indirect_dma source(%dma_start3A_2101 : memref<1024x16xf32, #tpu.memory_space<vmem_shared>>) target(%arg8 : memref<2048x16xf32, #tpu.memory_space<vmem>>) offsets(%arg6 : memref<2048xi32, #tpu.memory_space<vmem>>) semaphore(%arg12 : memref<!tpu.dma_semaphore, #tpu.memory_space<semaphore_mem>>)
    %add3A_2102 = arith.constant 208 : i32
    %add3A_2103 = arith.addi %arg1, %add3A_2102 : i32
    %jit3A_2104 = arith.constant 8 : i32
    %div3A_2105 = arith.divsi %add3A_2103, %jit3A_2104 : i32
    %sign3A_2106 = arith.constant 0 : i32
    %sign3A_2107 = arith.cmpi sgt, %add3A_2103, %sign3A_2106 : i32
    %sign3A_2108 = arith.extui %sign3A_2107 : i1 to i32
    %sign3A_2109 = arith.constant 0 : i32
    %sign3A_2110 = arith.cmpi slt, %add3A_2103, %sign3A_2109 : i32
    %sign3A_2111 = arith.extui %sign3A_2110 : i1 to i32
    %sign3A_2112 = arith.subi %sign3A_2108, %sign3A_2111 : i32
    %sign3A_2113 = arith.constant 0 : i32
    %sign3A_2114 = arith.cmpi sgt, %jit3A_2104, %sign3A_2113 : i32
    %sign3A_2115 = arith.extui %sign3A_2114 : i1 to i32
    %sign3A_2116 = arith.constant 0 : i32
    %sign3A_2117 = arith.cmpi slt, %jit3A_2104, %sign3A_2116 : i32
    %sign3A_2118 = arith.extui %sign3A_2117 : i1 to i32
    %sign3A_2119 = arith.subi %sign3A_2115, %sign3A_2118 : i32
    %ne3A_2120 = arith.cmpi ne, %sign3A_2112, %sign3A_2119 : i32
    %rem3A_2121 = arith.remsi %add3A_2103, %jit3A_2104 : i32
    %ne3A_2122 = arith.constant 0 : i32
    %ne3A_2123 = arith.cmpi ne, %rem3A_2121, %ne3A_2122 : i32
    %and3A_2124 = arith.andi %ne3A_2120, %ne3A_2123 : i1
    %sub3A_2125 = arith.constant 1 : i32
    %sub3A_2126 = arith.subi %div3A_2105, %sub3A_2125 : i32
    %select_n3A_2127 = arith.select %and3A_2124, %sub3A_2126, %div3A_2105 : i32
    %jit3A_2128 = arith.constant 8 : i32
    %eq3A_2129 = arith.constant 0 : i32
    %eq3A_2130 = arith.cmpi eq, %jit3A_2128, %eq3A_2129 : i32
    %jit3A_2131 = arith.constant 1 : i32
    %select_n3A_2132 = arith.select %eq3A_2130, %jit3A_2131, %jit3A_2128 : i32
    %rem3A_2133 = arith.remsi %add3A_2103, %select_n3A_2132 : i32
    %ne3A_2134 = arith.constant 0 : i32
    %ne3A_2135 = arith.cmpi ne, %rem3A_2133, %ne3A_2134 : i32
    %lt3A_2136 = arith.constant 0 : i32
    %lt3A_2137 = arith.cmpi slt, %rem3A_2133, %lt3A_2136 : i32
    %lt3A_2138 = arith.constant 0 : i32
    %lt3A_2139 = arith.cmpi slt, %select_n3A_2132, %lt3A_2138 : i32
    %ne3A_2140 = arith.xori %lt3A_2137, %lt3A_2139 : i1
    %and3A_2141 = arith.andi %ne3A_2140, %ne3A_2135 : i1
    %add3A_2142 = arith.addi %rem3A_2133, %select_n3A_2132 : i32
    %select_n3A_2143 = arith.select %and3A_2141, %add3A_2142, %rem3A_2133 : i32
    %mul3A_2144 = arith.constant 2048 : i32
    %mul3A_2145 = arith.muli %select_n3A_2143, %mul3A_2144 : i32
    %mul3A_2146 = arith.constant 50 : i32
    %mul3A_2147 = arith.muli %arg0, %mul3A_2146 : i32
    %add3A_2148 = arith.addi %mul3A_2147, %select_n3A_2127 : i32
    %dma_start3A_2149 = tpu.memref_slice %arg3[%add3A_2148, %mul3A_2145] : memref<100x16384xi32, #tpu.memory_space<hbm>> -> memref<1x2048xi32, #tpu.memory_space<hbm>>
    %dma_start3A_2150 = tpu.memref_squeeze %dma_start3A_2149 : memref<1x2048xi32, #tpu.memory_space<hbm>> -> memref<2048xi32, #tpu.memory_space<hbm>>
    %dma_start3A_2151 = tpu.memref_slice %arg3[%add3A_2148, %mul3A_2145] : memref<100x16384xi32, #tpu.memory_space<hbm>> -> memref<1x2048xi32, #tpu.memory_space<hbm>>
    %dma_start3A_2152 = tpu.memref_squeeze %dma_start3A_2151 : memref<1x2048xi32, #tpu.memory_space<hbm>> -> memref<2048xi32, #tpu.memory_space<hbm>>
    tpu.enqueue_dma source(%dma_start3A_2152 : memref<2048xi32, #tpu.memory_space<hbm>>) target(%arg7 : memref<2048xi32, #tpu.memory_space<vmem>>) target_semaphore(%arg11 : memref<!tpu.dma_semaphore, #tpu.memory_space<semaphore_mem>>)
    %dma_wait3A_2153 = arith.constant 0 : i32
    %dma_wait3A_2154 = arith.constant 0 : i32
    %dma_wait3A_2155 = tpu.memref_slice %arg5[%select_n3A_2018, %dma_wait3A_2153, %dma_wait3A_2154] : memref<50x1024x16xf32, #tpu.memory_space<vmem_shared>> -> memref<1x1024x16xf32, #tpu.memory_space<vmem_shared>>
    %dma_wait3A_2156 = tpu.memref_squeeze %dma_wait3A_2155 : memref<1x1024x16xf32, #tpu.memory_space<vmem_shared>> -> memref<1024x16xf32, #tpu.memory_space<vmem_shared>>
    %dma_wait3A_2157 = arith.constant 0 : i32
    %dma_wait3A_2158 = arith.constant 0 : i32
    %dma_wait3A_2159 = tpu.memref_slice %dma_wait3A_2156[%dma_wait3A_2157, %dma_wait3A_2158] : memref<1024x16xf32, #tpu.memory_space<vmem_shared>> -> memref<1024x16xf32, #tpu.memory_space<vmem_shared>>
    tpu.wait_indirect_dma semaphore(%arg12 : memref<!tpu.dma_semaphore, #tpu.memory_space<semaphore_mem>>) src(%dma_wait3A_2159 : memref<1024x16xf32, #tpu.memory_space<vmem_shared>>) dst(%arg8 : memref<2048x16xf32, #tpu.memory_space<vmem>>)
    %mul3A_2160 = arith.constant 16 : i32
    %mul3A_2161 = arith.muli %add3A_2039, %mul3A_2160 : i32
    %dma_start3A_2162 = tpu.memref_slice %arg4[%mul3A_2036, %mul3A_2161] : memref<16384x1600xf32, #tpu.memory_space<hbm>> -> memref<2048x16xf32, #tpu.memory_space<hbm>>
    %dma_start3A_2163 = tpu.memref_slice %arg4[%mul3A_2036, %mul3A_2161] : memref<16384x1600xf32, #tpu.memory_space<hbm>> -> memref<2048x16xf32, #tpu.memory_space<hbm>>
    tpu.enqueue_dma source(%arg8 : memref<2048x16xf32, #tpu.memory_space<vmem>>) target(%dma_start3A_2163 : memref<2048x16xf32, #tpu.memory_space<hbm>>) target_semaphore(%arg14 : memref<!tpu.dma_semaphore, #tpu.memory_space<semaphore_mem>>)
    %add3A_2164 = arith.constant 208 : i32
    %add3A_2165 = arith.addi %arg1, %add3A_2164 : i32
    %jit3A_2166 = arith.constant 8 : i32
    %div3A_2167 = arith.divsi %add3A_2165, %jit3A_2166 : i32
    %sign3A_2168 = arith.constant 0 : i32
    %sign3A_2169 = arith.cmpi sgt, %add3A_2165, %sign3A_2168 : i32
    %sign3A_2170 = arith.extui %sign3A_2169 : i1 to i32
    %sign3A_2171 = arith.constant 0 : i32
    %sign3A_2172 = arith.cmpi slt, %add3A_2165, %sign3A_2171 : i32
    %sign3A_2173 = arith.extui %sign3A_2172 : i1 to i32
    %sign3A_2174 = arith.subi %sign3A_2170, %sign3A_2173 : i32
    %sign3A_2175 = arith.constant 0 : i32
    %sign3A_2176 = arith.cmpi sgt, %jit3A_2166, %sign3A_2175 : i32
    %sign3A_2177 = arith.extui %sign3A_2176 : i1 to i32
    %sign3A_2178 = arith.constant 0 : i32
    %sign3A_2179 = arith.cmpi slt, %jit3A_2166, %sign3A_2178 : i32
    %sign3A_2180 = arith.extui %sign3A_2179 : i1 to i32
    %sign3A_2181 = arith.subi %sign3A_2177, %sign3A_2180 : i32
    %ne3A_2182 = arith.cmpi ne, %sign3A_2174, %sign3A_2181 : i32
    %rem3A_2183 = arith.remsi %add3A_2165, %jit3A_2166 : i32
    %ne3A_2184 = arith.constant 0 : i32
    %ne3A_2185 = arith.cmpi ne, %rem3A_2183, %ne3A_2184 : i32
    %and3A_2186 = arith.andi %ne3A_2182, %ne3A_2185 : i1
    %sub3A_2187 = arith.constant 1 : i32
    %sub3A_2188 = arith.subi %div3A_2167, %sub3A_2187 : i32
    %select_n3A_2189 = arith.select %and3A_2186, %sub3A_2188, %div3A_2167 : i32
    %jit3A_2190 = arith.constant 8 : i32
    %eq3A_2191 = arith.constant 0 : i32
    %eq3A_2192 = arith.cmpi eq, %jit3A_2190, %eq3A_2191 : i32
    %jit3A_2193 = arith.constant 1 : i32
    %select_n3A_2194 = arith.select %eq3A_2192, %jit3A_2193, %jit3A_2190 : i32
    %rem3A_2195 = arith.remsi %add3A_2165, %select_n3A_2194 : i32
    %ne3A_2196 = arith.constant 0 : i32
    %ne3A_2197 = arith.cmpi ne, %rem3A_2195, %ne3A_2196 : i32
    %lt3A_2198 = arith.constant 0 : i32
    %lt3A_2199 = arith.cmpi slt, %rem3A_2195, %lt3A_2198 : i32
    %lt3A_2200 = arith.constant 0 : i32
    %lt3A_2201 = arith.cmpi slt, %select_n3A_2194, %lt3A_2200 : i32
    %ne3A_2202 = arith.xori %lt3A_2199, %lt3A_2201 : i1
    %and3A_2203 = arith.andi %ne3A_2202, %ne3A_2197 : i1
    %add3A_2204 = arith.addi %rem3A_2195, %select_n3A_2194 : i32
    %select_n3A_2205 = arith.select %and3A_2203, %add3A_2204, %rem3A_2195 : i32
    %mul3A_2206 = arith.constant 2048 : i32
    %mul3A_2207 = arith.muli %select_n3A_2205, %mul3A_2206 : i32
    %mul3A_2208 = arith.constant 50 : i32
    %mul3A_2209 = arith.muli %arg0, %mul3A_2208 : i32
    %add3A_2210 = arith.addi %mul3A_2209, %select_n3A_2189 : i32
    %dma_wait3A_2211 = tpu.memref_slice %arg3[%add3A_2210, %mul3A_2207] : memref<100x16384xi32, #tpu.memory_space<hbm>> -> memref<1x2048xi32, #tpu.memory_space<hbm>>
    %dma_wait3A_2212 = tpu.memref_squeeze %dma_wait3A_2211 : memref<1x2048xi32, #tpu.memory_space<hbm>> -> memref<2048xi32, #tpu.memory_space<hbm>>
    %dma_wait3A_2213 = tpu.memref_slice %arg3[%add3A_2210, %mul3A_2207] : memref<100x16384xi32, #tpu.memory_space<hbm>> -> memref<1x2048xi32, #tpu.memory_space<hbm>>
    %dma_wait3A_2214 = tpu.memref_squeeze %dma_wait3A_2213 : memref<1x2048xi32, #tpu.memory_space<hbm>> -> memref<2048xi32, #tpu.memory_space<hbm>>
    tpu.wait_dma2 semaphore(%arg11 : memref<!tpu.dma_semaphore, #tpu.memory_space<semaphore_mem>>) src(%dma_wait3A_2214 : memref<2048xi32, #tpu.memory_space<hbm>>) dst(%arg7 : memref<2048xi32, #tpu.memory_space<vmem>>)
    %add3A_2215 = arith.constant 176 : i32
    %add3A_2216 = arith.addi %arg1, %add3A_2215 : i32
    %jit3A_2217 = arith.constant 8 : i32
    %div3A_2218 = arith.divsi %add3A_2216, %jit3A_2217 : i32
    %sign3A_2219 = arith.constant 0 : i32
    %sign3A_2220 = arith.cmpi sgt, %add3A_2216, %sign3A_2219 : i32
    %sign3A_2221 = arith.extui %sign3A_2220 : i1 to i32
    %sign3A_2222 = arith.constant 0 : i32
    %sign3A_2223 = arith.cmpi slt, %add3A_2216, %sign3A_2222 : i32
    %sign3A_2224 = arith.extui %sign3A_2223 : i1 to i32
    %sign3A_2225 = arith.subi %sign3A_2221, %sign3A_2224 : i32
    %sign3A_2226 = arith.constant 0 : i32
    %sign3A_2227 = arith.cmpi sgt, %jit3A_2217, %sign3A_2226 : i32
    %sign3A_2228 = arith.extui %sign3A_2227 : i1 to i32
    %sign3A_2229 = arith.constant 0 : i32
    %sign3A_2230 = arith.cmpi slt, %jit3A_2217, %sign3A_2229 : i32
    %sign3A_2231 = arith.extui %sign3A_2230 : i1 to i32
    %sign3A_2232 = arith.subi %sign3A_2228, %sign3A_2231 : i32
    %ne3A_2233 = arith.cmpi ne, %sign3A_2225, %sign3A_2232 : i32
    %rem3A_2234 = arith.remsi %add3A_2216, %jit3A_2217 : i32
    %ne3A_2235 = arith.constant 0 : i32
    %ne3A_2236 = arith.cmpi ne, %rem3A_2234, %ne3A_2235 : i32
    %and3A_2237 = arith.andi %ne3A_2233, %ne3A_2236 : i1
    %sub3A_2238 = arith.constant 1 : i32
    %sub3A_2239 = arith.subi %div3A_2218, %sub3A_2238 : i32
    %select_n3A_2240 = arith.select %and3A_2237, %sub3A_2239, %div3A_2218 : i32
    %jit3A_2241 = arith.constant 8 : i32
    %eq3A_2242 = arith.constant 0 : i32
    %eq3A_2243 = arith.cmpi eq, %jit3A_2241, %eq3A_2242 : i32
    %jit3A_2244 = arith.constant 1 : i32
    %select_n3A_2245 = arith.select %eq3A_2243, %jit3A_2244, %jit3A_2241 : i32
    %rem3A_2246 = arith.remsi %add3A_2216, %select_n3A_2245 : i32
    %ne3A_2247 = arith.constant 0 : i32
    %ne3A_2248 = arith.cmpi ne, %rem3A_2246, %ne3A_2247 : i32
    %lt3A_2249 = arith.constant 0 : i32
    %lt3A_2250 = arith.cmpi slt, %rem3A_2246, %lt3A_2249 : i32
    %lt3A_2251 = arith.constant 0 : i32
    %lt3A_2252 = arith.cmpi slt, %select_n3A_2245, %lt3A_2251 : i32
    %ne3A_2253 = arith.xori %lt3A_2250, %lt3A_2252 : i1
    %and3A_2254 = arith.andi %ne3A_2253, %ne3A_2248 : i1
    %add3A_2255 = arith.addi %rem3A_2246, %select_n3A_2245 : i32
    %select_n3A_2256 = arith.select %and3A_2254, %add3A_2255, %rem3A_2246 : i32
    %mul3A_2257 = arith.constant 2048 : i32
    %mul3A_2258 = arith.muli %select_n3A_2256, %mul3A_2257 : i32
    %mul3A_2259 = arith.constant 50 : i32
    %mul3A_2260 = arith.muli %arg0, %mul3A_2259 : i32
    %add3A_2261 = arith.addi %mul3A_2260, %select_n3A_2240 : i32
    %mul3A_2262 = arith.constant 16 : i32
    %mul3A_2263 = arith.muli %add3A_2261, %mul3A_2262 : i32
    %dma_wait3A_2264 = tpu.memref_slice %arg4[%mul3A_2258, %mul3A_2263] : memref<16384x1600xf32, #tpu.memory_space<hbm>> -> memref<2048x16xf32, #tpu.memory_space<hbm>>
    %dma_wait3A_2265 = tpu.memref_slice %arg4[%mul3A_2258, %mul3A_2263] : memref<16384x1600xf32, #tpu.memory_space<hbm>> -> memref<2048x16xf32, #tpu.memory_space<hbm>>
    tpu.wait_dma2 semaphore(%arg15 : memref<!tpu.dma_semaphore, #tpu.memory_space<semaphore_mem>>) src(%arg9 : memref<2048x16xf32, #tpu.memory_space<vmem>>) dst(%dma_wait3A_2265 : memref<2048x16xf32, #tpu.memory_space<hbm>>)
    %dma_start3A_2266 = arith.constant 0 : i32
    %dma_start3A_2267 = arith.constant 0 : i32
    %dma_start3A_2268 = tpu.memref_slice %arg5[%select_n3A_2189, %dma_start3A_2266, %dma_start3A_2267] : memref<50x1024x16xf32, #tpu.memory_space<vmem_shared>> -> memref<1x1024x16xf32, #tpu.memory_space<vmem_shared>>
    %dma_start3A_2269 = tpu.memref_squeeze %dma_start3A_2268 : memref<1x1024x16xf32, #tpu.memory_space<vmem_shared>> -> memref<1024x16xf32, #tpu.memory_space<vmem_shared>>
    %dma_start3A_2270 = arith.constant 0 : i32
    %dma_start3A_2271 = arith.constant 0 : i32
    %dma_start3A_2272 = tpu.memref_slice %dma_start3A_2269[%dma_start3A_2270, %dma_start3A_2271] : memref<1024x16xf32, #tpu.memory_space<vmem_shared>> -> memref<1024x16xf32, #tpu.memory_space<vmem_shared>>
    tpu.enqueue_indirect_dma source(%dma_start3A_2272 : memref<1024x16xf32, #tpu.memory_space<vmem_shared>>) target(%arg9 : memref<2048x16xf32, #tpu.memory_space<vmem>>) offsets(%arg7 : memref<2048xi32, #tpu.memory_space<vmem>>) semaphore(%arg13 : memref<!tpu.dma_semaphore, #tpu.memory_space<semaphore_mem>>)
    %add3A_2273 = arith.constant 224 : i32
    %add3A_2274 = arith.addi %arg1, %add3A_2273 : i32
    %jit3A_2275 = arith.constant 8 : i32
    %div3A_2276 = arith.divsi %add3A_2274, %jit3A_2275 : i32
    %sign3A_2277 = arith.constant 0 : i32
    %sign3A_2278 = arith.cmpi sgt, %add3A_2274, %sign3A_2277 : i32
    %sign3A_2279 = arith.extui %sign3A_2278 : i1 to i32
    %sign3A_2280 = arith.constant 0 : i32
    %sign3A_2281 = arith.cmpi slt, %add3A_2274, %sign3A_2280 : i32
    %sign3A_2282 = arith.extui %sign3A_2281 : i1 to i32
    %sign3A_2283 = arith.subi %sign3A_2279, %sign3A_2282 : i32
    %sign3A_2284 = arith.constant 0 : i32
    %sign3A_2285 = arith.cmpi sgt, %jit3A_2275, %sign3A_2284 : i32
    %sign3A_2286 = arith.extui %sign3A_2285 : i1 to i32
    %sign3A_2287 = arith.constant 0 : i32
    %sign3A_2288 = arith.cmpi slt, %jit3A_2275, %sign3A_2287 : i32
    %sign3A_2289 = arith.extui %sign3A_2288 : i1 to i32
    %sign3A_2290 = arith.subi %sign3A_2286, %sign3A_2289 : i32
    %ne3A_2291 = arith.cmpi ne, %sign3A_2283, %sign3A_2290 : i32
    %rem3A_2292 = arith.remsi %add3A_2274, %jit3A_2275 : i32
    %ne3A_2293 = arith.constant 0 : i32
    %ne3A_2294 = arith.cmpi ne, %rem3A_2292, %ne3A_2293 : i32
    %and3A_2295 = arith.andi %ne3A_2291, %ne3A_2294 : i1
    %sub3A_2296 = arith.constant 1 : i32
    %sub3A_2297 = arith.subi %div3A_2276, %sub3A_2296 : i32
    %select_n3A_2298 = arith.select %and3A_2295, %sub3A_2297, %div3A_2276 : i32
    %jit3A_2299 = arith.constant 8 : i32
    %eq3A_2300 = arith.constant 0 : i32
    %eq3A_2301 = arith.cmpi eq, %jit3A_2299, %eq3A_2300 : i32
    %jit3A_2302 = arith.constant 1 : i32
    %select_n3A_2303 = arith.select %eq3A_2301, %jit3A_2302, %jit3A_2299 : i32
    %rem3A_2304 = arith.remsi %add3A_2274, %select_n3A_2303 : i32
    %ne3A_2305 = arith.constant 0 : i32
    %ne3A_2306 = arith.cmpi ne, %rem3A_2304, %ne3A_2305 : i32
    %lt3A_2307 = arith.constant 0 : i32
    %lt3A_2308 = arith.cmpi slt, %rem3A_2304, %lt3A_2307 : i32
    %lt3A_2309 = arith.constant 0 : i32
    %lt3A_2310 = arith.cmpi slt, %select_n3A_2303, %lt3A_2309 : i32
    %ne3A_2311 = arith.xori %lt3A_2308, %lt3A_2310 : i1
    %and3A_2312 = arith.andi %ne3A_2311, %ne3A_2306 : i1
    %add3A_2313 = arith.addi %rem3A_2304, %select_n3A_2303 : i32
    %select_n3A_2314 = arith.select %and3A_2312, %add3A_2313, %rem3A_2304 : i32
    %mul3A_2315 = arith.constant 2048 : i32
    %mul3A_2316 = arith.muli %select_n3A_2314, %mul3A_2315 : i32
    %mul3A_2317 = arith.constant 50 : i32
    %mul3A_2318 = arith.muli %arg0, %mul3A_2317 : i32
    %add3A_2319 = arith.addi %mul3A_2318, %select_n3A_2298 : i32
    %dma_start3A_2320 = tpu.memref_slice %arg3[%add3A_2319, %mul3A_2316] : memref<100x16384xi32, #tpu.memory_space<hbm>> -> memref<1x2048xi32, #tpu.memory_space<hbm>>
    %dma_start3A_2321 = tpu.memref_squeeze %dma_start3A_2320 : memref<1x2048xi32, #tpu.memory_space<hbm>> -> memref<2048xi32, #tpu.memory_space<hbm>>
    %dma_start3A_2322 = tpu.memref_slice %arg3[%add3A_2319, %mul3A_2316] : memref<100x16384xi32, #tpu.memory_space<hbm>> -> memref<1x2048xi32, #tpu.memory_space<hbm>>
    %dma_start3A_2323 = tpu.memref_squeeze %dma_start3A_2322 : memref<1x2048xi32, #tpu.memory_space<hbm>> -> memref<2048xi32, #tpu.memory_space<hbm>>
    tpu.enqueue_dma source(%dma_start3A_2323 : memref<2048xi32, #tpu.memory_space<hbm>>) target(%arg6 : memref<2048xi32, #tpu.memory_space<vmem>>) target_semaphore(%arg10 : memref<!tpu.dma_semaphore, #tpu.memory_space<semaphore_mem>>)
    %dma_wait3A_2324 = arith.constant 0 : i32
    %dma_wait3A_2325 = arith.constant 0 : i32
    %dma_wait3A_2326 = tpu.memref_slice %arg5[%select_n3A_2189, %dma_wait3A_2324, %dma_wait3A_2325] : memref<50x1024x16xf32, #tpu.memory_space<vmem_shared>> -> memref<1x1024x16xf32, #tpu.memory_space<vmem_shared>>
    %dma_wait3A_2327 = tpu.memref_squeeze %dma_wait3A_2326 : memref<1x1024x16xf32, #tpu.memory_space<vmem_shared>> -> memref<1024x16xf32, #tpu.memory_space<vmem_shared>>
    %dma_wait3A_2328 = arith.constant 0 : i32
    %dma_wait3A_2329 = arith.constant 0 : i32
    %dma_wait3A_2330 = tpu.memref_slice %dma_wait3A_2327[%dma_wait3A_2328, %dma_wait3A_2329] : memref<1024x16xf32, #tpu.memory_space<vmem_shared>> -> memref<1024x16xf32, #tpu.memory_space<vmem_shared>>
    tpu.wait_indirect_dma semaphore(%arg13 : memref<!tpu.dma_semaphore, #tpu.memory_space<semaphore_mem>>) src(%dma_wait3A_2330 : memref<1024x16xf32, #tpu.memory_space<vmem_shared>>) dst(%arg9 : memref<2048x16xf32, #tpu.memory_space<vmem>>)
    %mul3A_2331 = arith.constant 16 : i32
    %mul3A_2332 = arith.muli %add3A_2210, %mul3A_2331 : i32
    %dma_start3A_2333 = tpu.memref_slice %arg4[%mul3A_2207, %mul3A_2332] : memref<16384x1600xf32, #tpu.memory_space<hbm>> -> memref<2048x16xf32, #tpu.memory_space<hbm>>
    %dma_start3A_2334 = tpu.memref_slice %arg4[%mul3A_2207, %mul3A_2332] : memref<16384x1600xf32, #tpu.memory_space<hbm>> -> memref<2048x16xf32, #tpu.memory_space<hbm>>
    tpu.enqueue_dma source(%arg9 : memref<2048x16xf32, #tpu.memory_space<vmem>>) target(%dma_start3A_2334 : memref<2048x16xf32, #tpu.memory_space<hbm>>) target_semaphore(%arg15 : memref<!tpu.dma_semaphore, #tpu.memory_space<semaphore_mem>>)
    %add3A_2335 = arith.constant 224 : i32
    %add3A_2336 = arith.addi %arg1, %add3A_2335 : i32
    %jit3A_2337 = arith.constant 8 : i32
    %div3A_2338 = arith.divsi %add3A_2336, %jit3A_2337 : i32
    %sign3A_2339 = arith.constant 0 : i32
    %sign3A_2340 = arith.cmpi sgt, %add3A_2336, %sign3A_2339 : i32
    %sign3A_2341 = arith.extui %sign3A_2340 : i1 to i32
    %sign3A_2342 = arith.constant 0 : i32
    %sign3A_2343 = arith.cmpi slt, %add3A_2336, %sign3A_2342 : i32
    %sign3A_2344 = arith.extui %sign3A_2343 : i1 to i32
    %sign3A_2345 = arith.subi %sign3A_2341, %sign3A_2344 : i32
    %sign3A_2346 = arith.constant 0 : i32
    %sign3A_2347 = arith.cmpi sgt, %jit3A_2337, %sign3A_2346 : i32
    %sign3A_2348 = arith.extui %sign3A_2347 : i1 to i32
    %sign3A_2349 = arith.constant 0 : i32
    %sign3A_2350 = arith.cmpi slt, %jit3A_2337, %sign3A_2349 : i32
    %sign3A_2351 = arith.extui %sign3A_2350 : i1 to i32
    %sign3A_2352 = arith.subi %sign3A_2348, %sign3A_2351 : i32
    %ne3A_2353 = arith.cmpi ne, %sign3A_2345, %sign3A_2352 : i32
    %rem3A_2354 = arith.remsi %add3A_2336, %jit3A_2337 : i32
    %ne3A_2355 = arith.constant 0 : i32
    %ne3A_2356 = arith.cmpi ne, %rem3A_2354, %ne3A_2355 : i32
    %and3A_2357 = arith.andi %ne3A_2353, %ne3A_2356 : i1
    %sub3A_2358 = arith.constant 1 : i32
    %sub3A_2359 = arith.subi %div3A_2338, %sub3A_2358 : i32
    %select_n3A_2360 = arith.select %and3A_2357, %sub3A_2359, %div3A_2338 : i32
    %jit3A_2361 = arith.constant 8 : i32
    %eq3A_2362 = arith.constant 0 : i32
    %eq3A_2363 = arith.cmpi eq, %jit3A_2361, %eq3A_2362 : i32
    %jit3A_2364 = arith.constant 1 : i32
    %select_n3A_2365 = arith.select %eq3A_2363, %jit3A_2364, %jit3A_2361 : i32
    %rem3A_2366 = arith.remsi %add3A_2336, %select_n3A_2365 : i32
    %ne3A_2367 = arith.constant 0 : i32
    %ne3A_2368 = arith.cmpi ne, %rem3A_2366, %ne3A_2367 : i32
    %lt3A_2369 = arith.constant 0 : i32
    %lt3A_2370 = arith.cmpi slt, %rem3A_2366, %lt3A_2369 : i32
    %lt3A_2371 = arith.constant 0 : i32
    %lt3A_2372 = arith.cmpi slt, %select_n3A_2365, %lt3A_2371 : i32
    %ne3A_2373 = arith.xori %lt3A_2370, %lt3A_2372 : i1
    %and3A_2374 = arith.andi %ne3A_2373, %ne3A_2368 : i1
    %add3A_2375 = arith.addi %rem3A_2366, %select_n3A_2365 : i32
    %select_n3A_2376 = arith.select %and3A_2374, %add3A_2375, %rem3A_2366 : i32
    %mul3A_2377 = arith.constant 2048 : i32
    %mul3A_2378 = arith.muli %select_n3A_2376, %mul3A_2377 : i32
    %mul3A_2379 = arith.constant 50 : i32
    %mul3A_2380 = arith.muli %arg0, %mul3A_2379 : i32
    %add3A_2381 = arith.addi %mul3A_2380, %select_n3A_2360 : i32
    %dma_wait3A_2382 = tpu.memref_slice %arg3[%add3A_2381, %mul3A_2378] : memref<100x16384xi32, #tpu.memory_space<hbm>> -> memref<1x2048xi32, #tpu.memory_space<hbm>>
    %dma_wait3A_2383 = tpu.memref_squeeze %dma_wait3A_2382 : memref<1x2048xi32, #tpu.memory_space<hbm>> -> memref<2048xi32, #tpu.memory_space<hbm>>
    %dma_wait3A_2384 = tpu.memref_slice %arg3[%add3A_2381, %mul3A_2378] : memref<100x16384xi32, #tpu.memory_space<hbm>> -> memref<1x2048xi32, #tpu.memory_space<hbm>>
    %dma_wait3A_2385 = tpu.memref_squeeze %dma_wait3A_2384 : memref<1x2048xi32, #tpu.memory_space<hbm>> -> memref<2048xi32, #tpu.memory_space<hbm>>
    tpu.wait_dma2 semaphore(%arg10 : memref<!tpu.dma_semaphore, #tpu.memory_space<semaphore_mem>>) src(%dma_wait3A_2385 : memref<2048xi32, #tpu.memory_space<hbm>>) dst(%arg6 : memref<2048xi32, #tpu.memory_space<vmem>>)
    %add3A_2386 = arith.constant 192 : i32
    %add3A_2387 = arith.addi %arg1, %add3A_2386 : i32
    %jit3A_2388 = arith.constant 8 : i32
    %div3A_2389 = arith.divsi %add3A_2387, %jit3A_2388 : i32
    %sign3A_2390 = arith.constant 0 : i32
    %sign3A_2391 = arith.cmpi sgt, %add3A_2387, %sign3A_2390 : i32
    %sign3A_2392 = arith.extui %sign3A_2391 : i1 to i32
    %sign3A_2393 = arith.constant 0 : i32
    %sign3A_2394 = arith.cmpi slt, %add3A_2387, %sign3A_2393 : i32
    %sign3A_2395 = arith.extui %sign3A_2394 : i1 to i32
    %sign3A_2396 = arith.subi %sign3A_2392, %sign3A_2395 : i32
    %sign3A_2397 = arith.constant 0 : i32
    %sign3A_2398 = arith.cmpi sgt, %jit3A_2388, %sign3A_2397 : i32
    %sign3A_2399 = arith.extui %sign3A_2398 : i1 to i32
    %sign3A_2400 = arith.constant 0 : i32
    %sign3A_2401 = arith.cmpi slt, %jit3A_2388, %sign3A_2400 : i32
    %sign3A_2402 = arith.extui %sign3A_2401 : i1 to i32
    %sign3A_2403 = arith.subi %sign3A_2399, %sign3A_2402 : i32
    %ne3A_2404 = arith.cmpi ne, %sign3A_2396, %sign3A_2403 : i32
    %rem3A_2405 = arith.remsi %add3A_2387, %jit3A_2388 : i32
    %ne3A_2406 = arith.constant 0 : i32
    %ne3A_2407 = arith.cmpi ne, %rem3A_2405, %ne3A_2406 : i32
    %and3A_2408 = arith.andi %ne3A_2404, %ne3A_2407 : i1
    %sub3A_2409 = arith.constant 1 : i32
    %sub3A_2410 = arith.subi %div3A_2389, %sub3A_2409 : i32
    %select_n3A_2411 = arith.select %and3A_2408, %sub3A_2410, %div3A_2389 : i32
    %jit3A_2412 = arith.constant 8 : i32
    %eq3A_2413 = arith.constant 0 : i32
    %eq3A_2414 = arith.cmpi eq, %jit3A_2412, %eq3A_2413 : i32
    %jit3A_2415 = arith.constant 1 : i32
    %select_n3A_2416 = arith.select %eq3A_2414, %jit3A_2415, %jit3A_2412 : i32
    %rem3A_2417 = arith.remsi %add3A_2387, %select_n3A_2416 : i32
    %ne3A_2418 = arith.constant 0 : i32
    %ne3A_2419 = arith.cmpi ne, %rem3A_2417, %ne3A_2418 : i32
    %lt3A_2420 = arith.constant 0 : i32
    %lt3A_2421 = arith.cmpi slt, %rem3A_2417, %lt3A_2420 : i32
    %lt3A_2422 = arith.constant 0 : i32
    %lt3A_2423 = arith.cmpi slt, %select_n3A_2416, %lt3A_2422 : i32
    %ne3A_2424 = arith.xori %lt3A_2421, %lt3A_2423 : i1
    %and3A_2425 = arith.andi %ne3A_2424, %ne3A_2419 : i1
    %add3A_2426 = arith.addi %rem3A_2417, %select_n3A_2416 : i32
    %select_n3A_2427 = arith.select %and3A_2425, %add3A_2426, %rem3A_2417 : i32
    %mul3A_2428 = arith.constant 2048 : i32
    %mul3A_2429 = arith.muli %select_n3A_2427, %mul3A_2428 : i32
    %mul3A_2430 = arith.constant 50 : i32
    %mul3A_2431 = arith.muli %arg0, %mul3A_2430 : i32
    %add3A_2432 = arith.addi %mul3A_2431, %select_n3A_2411 : i32
    %mul3A_2433 = arith.constant 16 : i32
    %mul3A_2434 = arith.muli %add3A_2432, %mul3A_2433 : i32
    %dma_wait3A_2435 = tpu.memref_slice %arg4[%mul3A_2429, %mul3A_2434] : memref<16384x1600xf32, #tpu.memory_space<hbm>> -> memref<2048x16xf32, #tpu.memory_space<hbm>>
    %dma_wait3A_2436 = tpu.memref_slice %arg4[%mul3A_2429, %mul3A_2434] : memref<16384x1600xf32, #tpu.memory_space<hbm>> -> memref<2048x16xf32, #tpu.memory_space<hbm>>
    tpu.wait_dma2 semaphore(%arg14 : memref<!tpu.dma_semaphore, #tpu.memory_space<semaphore_mem>>) src(%arg8 : memref<2048x16xf32, #tpu.memory_space<vmem>>) dst(%dma_wait3A_2436 : memref<2048x16xf32, #tpu.memory_space<hbm>>)
    %dma_start3A_2437 = arith.constant 0 : i32
    %dma_start3A_2438 = arith.constant 0 : i32
    %dma_start3A_2439 = tpu.memref_slice %arg5[%select_n3A_2360, %dma_start3A_2437, %dma_start3A_2438] : memref<50x1024x16xf32, #tpu.memory_space<vmem_shared>> -> memref<1x1024x16xf32, #tpu.memory_space<vmem_shared>>
    %dma_start3A_2440 = tpu.memref_squeeze %dma_start3A_2439 : memref<1x1024x16xf32, #tpu.memory_space<vmem_shared>> -> memref<1024x16xf32, #tpu.memory_space<vmem_shared>>
    %dma_start3A_2441 = arith.constant 0 : i32
    %dma_start3A_2442 = arith.constant 0 : i32
    %dma_start3A_2443 = tpu.memref_slice %dma_start3A_2440[%dma_start3A_2441, %dma_start3A_2442] : memref<1024x16xf32, #tpu.memory_space<vmem_shared>> -> memref<1024x16xf32, #tpu.memory_space<vmem_shared>>
    tpu.enqueue_indirect_dma source(%dma_start3A_2443 : memref<1024x16xf32, #tpu.memory_space<vmem_shared>>) target(%arg8 : memref<2048x16xf32, #tpu.memory_space<vmem>>) offsets(%arg6 : memref<2048xi32, #tpu.memory_space<vmem>>) semaphore(%arg12 : memref<!tpu.dma_semaphore, #tpu.memory_space<semaphore_mem>>)
    %add3A_2444 = arith.constant 240 : i32
    %add3A_2445 = arith.addi %arg1, %add3A_2444 : i32
    %jit3A_2446 = arith.constant 8 : i32
    %div3A_2447 = arith.divsi %add3A_2445, %jit3A_2446 : i32
    %sign3A_2448 = arith.constant 0 : i32
    %sign3A_2449 = arith.cmpi sgt, %add3A_2445, %sign3A_2448 : i32
    %sign3A_2450 = arith.extui %sign3A_2449 : i1 to i32
    %sign3A_2451 = arith.constant 0 : i32
    %sign3A_2452 = arith.cmpi slt, %add3A_2445, %sign3A_2451 : i32
    %sign3A_2453 = arith.extui %sign3A_2452 : i1 to i32
    %sign3A_2454 = arith.subi %sign3A_2450, %sign3A_2453 : i32
    %sign3A_2455 = arith.constant 0 : i32
    %sign3A_2456 = arith.cmpi sgt, %jit3A_2446, %sign3A_2455 : i32
    %sign3A_2457 = arith.extui %sign3A_2456 : i1 to i32
    %sign3A_2458 = arith.constant 0 : i32
    %sign3A_2459 = arith.cmpi slt, %jit3A_2446, %sign3A_2458 : i32
    %sign3A_2460 = arith.extui %sign3A_2459 : i1 to i32
    %sign3A_2461 = arith.subi %sign3A_2457, %sign3A_2460 : i32
    %ne3A_2462 = arith.cmpi ne, %sign3A_2454, %sign3A_2461 : i32
    %rem3A_2463 = arith.remsi %add3A_2445, %jit3A_2446 : i32
    %ne3A_2464 = arith.constant 0 : i32
    %ne3A_2465 = arith.cmpi ne, %rem3A_2463, %ne3A_2464 : i32
    %and3A_2466 = arith.andi %ne3A_2462, %ne3A_2465 : i1
    %sub3A_2467 = arith.constant 1 : i32
    %sub3A_2468 = arith.subi %div3A_2447, %sub3A_2467 : i32
    %select_n3A_2469 = arith.select %and3A_2466, %sub3A_2468, %div3A_2447 : i32
    %jit3A_2470 = arith.constant 8 : i32
    %eq3A_2471 = arith.constant 0 : i32
    %eq3A_2472 = arith.cmpi eq, %jit3A_2470, %eq3A_2471 : i32
    %jit3A_2473 = arith.constant 1 : i32
    %select_n3A_2474 = arith.select %eq3A_2472, %jit3A_2473, %jit3A_2470 : i32
    %rem3A_2475 = arith.remsi %add3A_2445, %select_n3A_2474 : i32
    %ne3A_2476 = arith.constant 0 : i32
    %ne3A_2477 = arith.cmpi ne, %rem3A_2475, %ne3A_2476 : i32
    %lt3A_2478 = arith.constant 0 : i32
    %lt3A_2479 = arith.cmpi slt, %rem3A_2475, %lt3A_2478 : i32
    %lt3A_2480 = arith.constant 0 : i32
    %lt3A_2481 = arith.cmpi slt, %select_n3A_2474, %lt3A_2480 : i32
    %ne3A_2482 = arith.xori %lt3A_2479, %lt3A_2481 : i1
    %and3A_2483 = arith.andi %ne3A_2482, %ne3A_2477 : i1
    %add3A_2484 = arith.addi %rem3A_2475, %select_n3A_2474 : i32
    %select_n3A_2485 = arith.select %and3A_2483, %add3A_2484, %rem3A_2475 : i32
    %mul3A_2486 = arith.constant 2048 : i32
    %mul3A_2487 = arith.muli %select_n3A_2485, %mul3A_2486 : i32
    %mul3A_2488 = arith.constant 50 : i32
    %mul3A_2489 = arith.muli %arg0, %mul3A_2488 : i32
    %add3A_2490 = arith.addi %mul3A_2489, %select_n3A_2469 : i32
    %dma_start3A_2491 = tpu.memref_slice %arg3[%add3A_2490, %mul3A_2487] : memref<100x16384xi32, #tpu.memory_space<hbm>> -> memref<1x2048xi32, #tpu.memory_space<hbm>>
    %dma_start3A_2492 = tpu.memref_squeeze %dma_start3A_2491 : memref<1x2048xi32, #tpu.memory_space<hbm>> -> memref<2048xi32, #tpu.memory_space<hbm>>
    %dma_start3A_2493 = tpu.memref_slice %arg3[%add3A_2490, %mul3A_2487] : memref<100x16384xi32, #tpu.memory_space<hbm>> -> memref<1x2048xi32, #tpu.memory_space<hbm>>
    %dma_start3A_2494 = tpu.memref_squeeze %dma_start3A_2493 : memref<1x2048xi32, #tpu.memory_space<hbm>> -> memref<2048xi32, #tpu.memory_space<hbm>>
    tpu.enqueue_dma source(%dma_start3A_2494 : memref<2048xi32, #tpu.memory_space<hbm>>) target(%arg7 : memref<2048xi32, #tpu.memory_space<vmem>>) target_semaphore(%arg11 : memref<!tpu.dma_semaphore, #tpu.memory_space<semaphore_mem>>)
    %dma_wait3A_2495 = arith.constant 0 : i32
    %dma_wait3A_2496 = arith.constant 0 : i32
    %dma_wait3A_2497 = tpu.memref_slice %arg5[%select_n3A_2360, %dma_wait3A_2495, %dma_wait3A_2496] : memref<50x1024x16xf32, #tpu.memory_space<vmem_shared>> -> memref<1x1024x16xf32, #tpu.memory_space<vmem_shared>>
    %dma_wait3A_2498 = tpu.memref_squeeze %dma_wait3A_2497 : memref<1x1024x16xf32, #tpu.memory_space<vmem_shared>> -> memref<1024x16xf32, #tpu.memory_space<vmem_shared>>
    %dma_wait3A_2499 = arith.constant 0 : i32
    %dma_wait3A_2500 = arith.constant 0 : i32
    %dma_wait3A_2501 = tpu.memref_slice %dma_wait3A_2498[%dma_wait3A_2499, %dma_wait3A_2500] : memref<1024x16xf32, #tpu.memory_space<vmem_shared>> -> memref<1024x16xf32, #tpu.memory_space<vmem_shared>>
    tpu.wait_indirect_dma semaphore(%arg12 : memref<!tpu.dma_semaphore, #tpu.memory_space<semaphore_mem>>) src(%dma_wait3A_2501 : memref<1024x16xf32, #tpu.memory_space<vmem_shared>>) dst(%arg8 : memref<2048x16xf32, #tpu.memory_space<vmem>>)
    %mul3A_2502 = arith.constant 16 : i32
    %mul3A_2503 = arith.muli %add3A_2381, %mul3A_2502 : i32
    %dma_start3A_2504 = tpu.memref_slice %arg4[%mul3A_2378, %mul3A_2503] : memref<16384x1600xf32, #tpu.memory_space<hbm>> -> memref<2048x16xf32, #tpu.memory_space<hbm>>
    %dma_start3A_2505 = tpu.memref_slice %arg4[%mul3A_2378, %mul3A_2503] : memref<16384x1600xf32, #tpu.memory_space<hbm>> -> memref<2048x16xf32, #tpu.memory_space<hbm>>
    tpu.enqueue_dma source(%arg8 : memref<2048x16xf32, #tpu.memory_space<vmem>>) target(%dma_start3A_2505 : memref<2048x16xf32, #tpu.memory_space<hbm>>) target_semaphore(%arg14 : memref<!tpu.dma_semaphore, #tpu.memory_space<semaphore_mem>>)
    %add3A_2506 = arith.constant 240 : i32
    %add3A_2507 = arith.addi %arg1, %add3A_2506 : i32
    %jit3A_2508 = arith.constant 8 : i32
    %div3A_2509 = arith.divsi %add3A_2507, %jit3A_2508 : i32
    %sign3A_2510 = arith.constant 0 : i32
    %sign3A_2511 = arith.cmpi sgt, %add3A_2507, %sign3A_2510 : i32
    %sign3A_2512 = arith.extui %sign3A_2511 : i1 to i32
    %sign3A_2513 = arith.constant 0 : i32
    %sign3A_2514 = arith.cmpi slt, %add3A_2507, %sign3A_2513 : i32
    %sign3A_2515 = arith.extui %sign3A_2514 : i1 to i32
    %sign3A_2516 = arith.subi %sign3A_2512, %sign3A_2515 : i32
    %sign3A_2517 = arith.constant 0 : i32
    %sign3A_2518 = arith.cmpi sgt, %jit3A_2508, %sign3A_2517 : i32
    %sign3A_2519 = arith.extui %sign3A_2518 : i1 to i32
    %sign3A_2520 = arith.constant 0 : i32
    %sign3A_2521 = arith.cmpi slt, %jit3A_2508, %sign3A_2520 : i32
    %sign3A_2522 = arith.extui %sign3A_2521 : i1 to i32
    %sign3A_2523 = arith.subi %sign3A_2519, %sign3A_2522 : i32
    %ne3A_2524 = arith.cmpi ne, %sign3A_2516, %sign3A_2523 : i32
    %rem3A_2525 = arith.remsi %add3A_2507, %jit3A_2508 : i32
    %ne3A_2526 = arith.constant 0 : i32
    %ne3A_2527 = arith.cmpi ne, %rem3A_2525, %ne3A_2526 : i32
    %and3A_2528 = arith.andi %ne3A_2524, %ne3A_2527 : i1
    %sub3A_2529 = arith.constant 1 : i32
    %sub3A_2530 = arith.subi %div3A_2509, %sub3A_2529 : i32
    %select_n3A_2531 = arith.select %and3A_2528, %sub3A_2530, %div3A_2509 : i32
    %jit3A_2532 = arith.constant 8 : i32
    %eq3A_2533 = arith.constant 0 : i32
    %eq3A_2534 = arith.cmpi eq, %jit3A_2532, %eq3A_2533 : i32
    %jit3A_2535 = arith.constant 1 : i32
    %select_n3A_2536 = arith.select %eq3A_2534, %jit3A_2535, %jit3A_2532 : i32
    %rem3A_2537 = arith.remsi %add3A_2507, %select_n3A_2536 : i32
    %ne3A_2538 = arith.constant 0 : i32
    %ne3A_2539 = arith.cmpi ne, %rem3A_2537, %ne3A_2538 : i32
    %lt3A_2540 = arith.constant 0 : i32
    %lt3A_2541 = arith.cmpi slt, %rem3A_2537, %lt3A_2540 : i32
    %lt3A_2542 = arith.constant 0 : i32
    %lt3A_2543 = arith.cmpi slt, %select_n3A_2536, %lt3A_2542 : i32
    %ne3A_2544 = arith.xori %lt3A_2541, %lt3A_2543 : i1
    %and3A_2545 = arith.andi %ne3A_2544, %ne3A_2539 : i1
    %add3A_2546 = arith.addi %rem3A_2537, %select_n3A_2536 : i32
    %select_n3A_2547 = arith.select %and3A_2545, %add3A_2546, %rem3A_2537 : i32
    %mul3A_2548 = arith.constant 2048 : i32
    %mul3A_2549 = arith.muli %select_n3A_2547, %mul3A_2548 : i32
    %mul3A_2550 = arith.constant 50 : i32
    %mul3A_2551 = arith.muli %arg0, %mul3A_2550 : i32
    %add3A_2552 = arith.addi %mul3A_2551, %select_n3A_2531 : i32
    %dma_wait3A_2553 = tpu.memref_slice %arg3[%add3A_2552, %mul3A_2549] : memref<100x16384xi32, #tpu.memory_space<hbm>> -> memref<1x2048xi32, #tpu.memory_space<hbm>>
    %dma_wait3A_2554 = tpu.memref_squeeze %dma_wait3A_2553 : memref<1x2048xi32, #tpu.memory_space<hbm>> -> memref<2048xi32, #tpu.memory_space<hbm>>
    %dma_wait3A_2555 = tpu.memref_slice %arg3[%add3A_2552, %mul3A_2549] : memref<100x16384xi32, #tpu.memory_space<hbm>> -> memref<1x2048xi32, #tpu.memory_space<hbm>>
    %dma_wait3A_2556 = tpu.memref_squeeze %dma_wait3A_2555 : memref<1x2048xi32, #tpu.memory_space<hbm>> -> memref<2048xi32, #tpu.memory_space<hbm>>
    tpu.wait_dma2 semaphore(%arg11 : memref<!tpu.dma_semaphore, #tpu.memory_space<semaphore_mem>>) src(%dma_wait3A_2556 : memref<2048xi32, #tpu.memory_space<hbm>>) dst(%arg7 : memref<2048xi32, #tpu.memory_space<vmem>>)
    %add3A_2557 = arith.constant 208 : i32
    %add3A_2558 = arith.addi %arg1, %add3A_2557 : i32
    %jit3A_2559 = arith.constant 8 : i32
    %div3A_2560 = arith.divsi %add3A_2558, %jit3A_2559 : i32
    %sign3A_2561 = arith.constant 0 : i32
    %sign3A_2562 = arith.cmpi sgt, %add3A_2558, %sign3A_2561 : i32
    %sign3A_2563 = arith.extui %sign3A_2562 : i1 to i32
    %sign3A_2564 = arith.constant 0 : i32
    %sign3A_2565 = arith.cmpi slt, %add3A_2558, %sign3A_2564 : i32
    %sign3A_2566 = arith.extui %sign3A_2565 : i1 to i32
    %sign3A_2567 = arith.subi %sign3A_2563, %sign3A_2566 : i32
    %sign3A_2568 = arith.constant 0 : i32
    %sign3A_2569 = arith.cmpi sgt, %jit3A_2559, %sign3A_2568 : i32
    %sign3A_2570 = arith.extui %sign3A_2569 : i1 to i32
    %sign3A_2571 = arith.constant 0 : i32
    %sign3A_2572 = arith.cmpi slt, %jit3A_2559, %sign3A_2571 : i32
    %sign3A_2573 = arith.extui %sign3A_2572 : i1 to i32
    %sign3A_2574 = arith.subi %sign3A_2570, %sign3A_2573 : i32
    %ne3A_2575 = arith.cmpi ne, %sign3A_2567, %sign3A_2574 : i32
    %rem3A_2576 = arith.remsi %add3A_2558, %jit3A_2559 : i32
    %ne3A_2577 = arith.constant 0 : i32
    %ne3A_2578 = arith.cmpi ne, %rem3A_2576, %ne3A_2577 : i32
    %and3A_2579 = arith.andi %ne3A_2575, %ne3A_2578 : i1
    %sub3A_2580 = arith.constant 1 : i32
    %sub3A_2581 = arith.subi %div3A_2560, %sub3A_2580 : i32
    %select_n3A_2582 = arith.select %and3A_2579, %sub3A_2581, %div3A_2560 : i32
    %jit3A_2583 = arith.constant 8 : i32
    %eq3A_2584 = arith.constant 0 : i32
    %eq3A_2585 = arith.cmpi eq, %jit3A_2583, %eq3A_2584 : i32
    %jit3A_2586 = arith.constant 1 : i32
    %select_n3A_2587 = arith.select %eq3A_2585, %jit3A_2586, %jit3A_2583 : i32
    %rem3A_2588 = arith.remsi %add3A_2558, %select_n3A_2587 : i32
    %ne3A_2589 = arith.constant 0 : i32
    %ne3A_2590 = arith.cmpi ne, %rem3A_2588, %ne3A_2589 : i32
    %lt3A_2591 = arith.constant 0 : i32
    %lt3A_2592 = arith.cmpi slt, %rem3A_2588, %lt3A_2591 : i32
    %lt3A_2593 = arith.constant 0 : i32
    %lt3A_2594 = arith.cmpi slt, %select_n3A_2587, %lt3A_2593 : i32
    %ne3A_2595 = arith.xori %lt3A_2592, %lt3A_2594 : i1
    %and3A_2596 = arith.andi %ne3A_2595, %ne3A_2590 : i1
    %add3A_2597 = arith.addi %rem3A_2588, %select_n3A_2587 : i32
    %select_n3A_2598 = arith.select %and3A_2596, %add3A_2597, %rem3A_2588 : i32
    %mul3A_2599 = arith.constant 2048 : i32
    %mul3A_2600 = arith.muli %select_n3A_2598, %mul3A_2599 : i32
    %mul3A_2601 = arith.constant 50 : i32
    %mul3A_2602 = arith.muli %arg0, %mul3A_2601 : i32
    %add3A_2603 = arith.addi %mul3A_2602, %select_n3A_2582 : i32
    %mul3A_2604 = arith.constant 16 : i32
    %mul3A_2605 = arith.muli %add3A_2603, %mul3A_2604 : i32
    %dma_wait3A_2606 = tpu.memref_slice %arg4[%mul3A_2600, %mul3A_2605] : memref<16384x1600xf32, #tpu.memory_space<hbm>> -> memref<2048x16xf32, #tpu.memory_space<hbm>>
    %dma_wait3A_2607 = tpu.memref_slice %arg4[%mul3A_2600, %mul3A_2605] : memref<16384x1600xf32, #tpu.memory_space<hbm>> -> memref<2048x16xf32, #tpu.memory_space<hbm>>
    tpu.wait_dma2 semaphore(%arg15 : memref<!tpu.dma_semaphore, #tpu.memory_space<semaphore_mem>>) src(%arg9 : memref<2048x16xf32, #tpu.memory_space<vmem>>) dst(%dma_wait3A_2607 : memref<2048x16xf32, #tpu.memory_space<hbm>>)
    %dma_start3A_2608 = arith.constant 0 : i32
    %dma_start3A_2609 = arith.constant 0 : i32
    %dma_start3A_2610 = tpu.memref_slice %arg5[%select_n3A_2531, %dma_start3A_2608, %dma_start3A_2609] : memref<50x1024x16xf32, #tpu.memory_space<vmem_shared>> -> memref<1x1024x16xf32, #tpu.memory_space<vmem_shared>>
    %dma_start3A_2611 = tpu.memref_squeeze %dma_start3A_2610 : memref<1x1024x16xf32, #tpu.memory_space<vmem_shared>> -> memref<1024x16xf32, #tpu.memory_space<vmem_shared>>
    %dma_start3A_2612 = arith.constant 0 : i32
    %dma_start3A_2613 = arith.constant 0 : i32
    %dma_start3A_2614 = tpu.memref_slice %dma_start3A_2611[%dma_start3A_2612, %dma_start3A_2613] : memref<1024x16xf32, #tpu.memory_space<vmem_shared>> -> memref<1024x16xf32, #tpu.memory_space<vmem_shared>>
    tpu.enqueue_indirect_dma source(%dma_start3A_2614 : memref<1024x16xf32, #tpu.memory_space<vmem_shared>>) target(%arg9 : memref<2048x16xf32, #tpu.memory_space<vmem>>) offsets(%arg7 : memref<2048xi32, #tpu.memory_space<vmem>>) semaphore(%arg13 : memref<!tpu.dma_semaphore, #tpu.memory_space<semaphore_mem>>)
    %add3A_2615 = arith.constant 256 : i32
    %add3A_2616 = arith.addi %arg1, %add3A_2615 : i32
    %jit3A_2617 = arith.constant 8 : i32
    %div3A_2618 = arith.divsi %add3A_2616, %jit3A_2617 : i32
    %sign3A_2619 = arith.constant 0 : i32
    %sign3A_2620 = arith.cmpi sgt, %add3A_2616, %sign3A_2619 : i32
    %sign3A_2621 = arith.extui %sign3A_2620 : i1 to i32
    %sign3A_2622 = arith.constant 0 : i32
    %sign3A_2623 = arith.cmpi slt, %add3A_2616, %sign3A_2622 : i32
    %sign3A_2624 = arith.extui %sign3A_2623 : i1 to i32
    %sign3A_2625 = arith.subi %sign3A_2621, %sign3A_2624 : i32
    %sign3A_2626 = arith.constant 0 : i32
    %sign3A_2627 = arith.cmpi sgt, %jit3A_2617, %sign3A_2626 : i32
    %sign3A_2628 = arith.extui %sign3A_2627 : i1 to i32
    %sign3A_2629 = arith.constant 0 : i32
    %sign3A_2630 = arith.cmpi slt, %jit3A_2617, %sign3A_2629 : i32
    %sign3A_2631 = arith.extui %sign3A_2630 : i1 to i32
    %sign3A_2632 = arith.subi %sign3A_2628, %sign3A_2631 : i32
    %ne3A_2633 = arith.cmpi ne, %sign3A_2625, %sign3A_2632 : i32
    %rem3A_2634 = arith.remsi %add3A_2616, %jit3A_2617 : i32
    %ne3A_2635 = arith.constant 0 : i32
    %ne3A_2636 = arith.cmpi ne, %rem3A_2634, %ne3A_2635 : i32
    %and3A_2637 = arith.andi %ne3A_2633, %ne3A_2636 : i1
    %sub3A_2638 = arith.constant 1 : i32
    %sub3A_2639 = arith.subi %div3A_2618, %sub3A_2638 : i32
    %select_n3A_2640 = arith.select %and3A_2637, %sub3A_2639, %div3A_2618 : i32
    %jit3A_2641 = arith.constant 8 : i32
    %eq3A_2642 = arith.constant 0 : i32
    %eq3A_2643 = arith.cmpi eq, %jit3A_2641, %eq3A_2642 : i32
    %jit3A_2644 = arith.constant 1 : i32
    %select_n3A_2645 = arith.select %eq3A_2643, %jit3A_2644, %jit3A_2641 : i32
    %rem3A_2646 = arith.remsi %add3A_2616, %select_n3A_2645 : i32
    %ne3A_2647 = arith.constant 0 : i32
    %ne3A_2648 = arith.cmpi ne, %rem3A_2646, %ne3A_2647 : i32
    %lt3A_2649 = arith.constant 0 : i32
    %lt3A_2650 = arith.cmpi slt, %rem3A_2646, %lt3A_2649 : i32
    %lt3A_2651 = arith.constant 0 : i32
    %lt3A_2652 = arith.cmpi slt, %select_n3A_2645, %lt3A_2651 : i32
    %ne3A_2653 = arith.xori %lt3A_2650, %lt3A_2652 : i1
    %and3A_2654 = arith.andi %ne3A_2653, %ne3A_2648 : i1
    %add3A_2655 = arith.addi %rem3A_2646, %select_n3A_2645 : i32
    %select_n3A_2656 = arith.select %and3A_2654, %add3A_2655, %rem3A_2646 : i32
    %mul3A_2657 = arith.constant 2048 : i32
    %mul3A_2658 = arith.muli %select_n3A_2656, %mul3A_2657 : i32
    %mul3A_2659 = arith.constant 50 : i32
    %mul3A_2660 = arith.muli %arg0, %mul3A_2659 : i32
    %add3A_2661 = arith.addi %mul3A_2660, %select_n3A_2640 : i32
    %dma_start3A_2662 = tpu.memref_slice %arg3[%add3A_2661, %mul3A_2658] : memref<100x16384xi32, #tpu.memory_space<hbm>> -> memref<1x2048xi32, #tpu.memory_space<hbm>>
    %dma_start3A_2663 = tpu.memref_squeeze %dma_start3A_2662 : memref<1x2048xi32, #tpu.memory_space<hbm>> -> memref<2048xi32, #tpu.memory_space<hbm>>
    %dma_start3A_2664 = tpu.memref_slice %arg3[%add3A_2661, %mul3A_2658] : memref<100x16384xi32, #tpu.memory_space<hbm>> -> memref<1x2048xi32, #tpu.memory_space<hbm>>
    %dma_start3A_2665 = tpu.memref_squeeze %dma_start3A_2664 : memref<1x2048xi32, #tpu.memory_space<hbm>> -> memref<2048xi32, #tpu.memory_space<hbm>>
    tpu.enqueue_dma source(%dma_start3A_2665 : memref<2048xi32, #tpu.memory_space<hbm>>) target(%arg6 : memref<2048xi32, #tpu.memory_space<vmem>>) target_semaphore(%arg10 : memref<!tpu.dma_semaphore, #tpu.memory_space<semaphore_mem>>)
    %dma_wait3A_2666 = arith.constant 0 : i32
    %dma_wait3A_2667 = arith.constant 0 : i32
    %dma_wait3A_2668 = tpu.memref_slice %arg5[%select_n3A_2531, %dma_wait3A_2666, %dma_wait3A_2667] : memref<50x1024x16xf32, #tpu.memory_space<vmem_shared>> -> memref<1x1024x16xf32, #tpu.memory_space<vmem_shared>>
    %dma_wait3A_2669 = tpu.memref_squeeze %dma_wait3A_2668 : memref<1x1024x16xf32, #tpu.memory_space<vmem_shared>> -> memref<1024x16xf32, #tpu.memory_space<vmem_shared>>
    %dma_wait3A_2670 = arith.constant 0 : i32
    %dma_wait3A_2671 = arith.constant 0 : i32
    %dma_wait3A_2672 = tpu.memref_slice %dma_wait3A_2669[%dma_wait3A_2670, %dma_wait3A_2671] : memref<1024x16xf32, #tpu.memory_space<vmem_shared>> -> memref<1024x16xf32, #tpu.memory_space<vmem_shared>>
    tpu.wait_indirect_dma semaphore(%arg13 : memref<!tpu.dma_semaphore, #tpu.memory_space<semaphore_mem>>) src(%dma_wait3A_2672 : memref<1024x16xf32, #tpu.memory_space<vmem_shared>>) dst(%arg9 : memref<2048x16xf32, #tpu.memory_space<vmem>>)
    %mul3A_2673 = arith.constant 16 : i32
    %mul3A_2674 = arith.muli %add3A_2552, %mul3A_2673 : i32
    %dma_start3A_2675 = tpu.memref_slice %arg4[%mul3A_2549, %mul3A_2674] : memref<16384x1600xf32, #tpu.memory_space<hbm>> -> memref<2048x16xf32, #tpu.memory_space<hbm>>
    %dma_start3A_2676 = tpu.memref_slice %arg4[%mul3A_2549, %mul3A_2674] : memref<16384x1600xf32, #tpu.memory_space<hbm>> -> memref<2048x16xf32, #tpu.memory_space<hbm>>
    tpu.enqueue_dma source(%arg9 : memref<2048x16xf32, #tpu.memory_space<vmem>>) target(%dma_start3A_2676 : memref<2048x16xf32, #tpu.memory_space<hbm>>) target_semaphore(%arg15 : memref<!tpu.dma_semaphore, #tpu.memory_space<semaphore_mem>>)
    %add3A_2677 = arith.constant 256 : i32
    %add3A_2678 = arith.addi %arg1, %add3A_2677 : i32
    %jit3A_2679 = arith.constant 8 : i32
    %div3A_2680 = arith.divsi %add3A_2678, %jit3A_2679 : i32
    %sign3A_2681 = arith.constant 0 : i32
    %sign3A_2682 = arith.cmpi sgt, %add3A_2678, %sign3A_2681 : i32
    %sign3A_2683 = arith.extui %sign3A_2682 : i1 to i32
    %sign3A_2684 = arith.constant 0 : i32
    %sign3A_2685 = arith.cmpi slt, %add3A_2678, %sign3A_2684 : i32
    %sign3A_2686 = arith.extui %sign3A_2685 : i1 to i32
    %sign3A_2687 = arith.subi %sign3A_2683, %sign3A_2686 : i32
    %sign3A_2688 = arith.constant 0 : i32
    %sign3A_2689 = arith.cmpi sgt, %jit3A_2679, %sign3A_2688 : i32
    %sign3A_2690 = arith.extui %sign3A_2689 : i1 to i32
    %sign3A_2691 = arith.constant 0 : i32
    %sign3A_2692 = arith.cmpi slt, %jit3A_2679, %sign3A_2691 : i32
    %sign3A_2693 = arith.extui %sign3A_2692 : i1 to i32
    %sign3A_2694 = arith.subi %sign3A_2690, %sign3A_2693 : i32
    %ne3A_2695 = arith.cmpi ne, %sign3A_2687, %sign3A_2694 : i32
    %rem3A_2696 = arith.remsi %add3A_2678, %jit3A_2679 : i32
    %ne3A_2697 = arith.constant 0 : i32
    %ne3A_2698 = arith.cmpi ne, %rem3A_2696, %ne3A_2697 : i32
    %and3A_2699 = arith.andi %ne3A_2695, %ne3A_2698 : i1
    %sub3A_2700 = arith.constant 1 : i32
    %sub3A_2701 = arith.subi %div3A_2680, %sub3A_2700 : i32
    %select_n3A_2702 = arith.select %and3A_2699, %sub3A_2701, %div3A_2680 : i32
    %jit3A_2703 = arith.constant 8 : i32
    %eq3A_2704 = arith.constant 0 : i32
    %eq3A_2705 = arith.cmpi eq, %jit3A_2703, %eq3A_2704 : i32
    %jit3A_2706 = arith.constant 1 : i32
    %select_n3A_2707 = arith.select %eq3A_2705, %jit3A_2706, %jit3A_2703 : i32
    %rem3A_2708 = arith.remsi %add3A_2678, %select_n3A_2707 : i32
    %ne3A_2709 = arith.constant 0 : i32
    %ne3A_2710 = arith.cmpi ne, %rem3A_2708, %ne3A_2709 : i32
    %lt3A_2711 = arith.constant 0 : i32
    %lt3A_2712 = arith.cmpi slt, %rem3A_2708, %lt3A_2711 : i32
    %lt3A_2713 = arith.constant 0 : i32
    %lt3A_2714 = arith.cmpi slt, %select_n3A_2707, %lt3A_2713 : i32
    %ne3A_2715 = arith.xori %lt3A_2712, %lt3A_2714 : i1
    %and3A_2716 = arith.andi %ne3A_2715, %ne3A_2710 : i1
    %add3A_2717 = arith.addi %rem3A_2708, %select_n3A_2707 : i32
    %select_n3A_2718 = arith.select %and3A_2716, %add3A_2717, %rem3A_2708 : i32
    %mul3A_2719 = arith.constant 2048 : i32
    %mul3A_2720 = arith.muli %select_n3A_2718, %mul3A_2719 : i32
    %mul3A_2721 = arith.constant 50 : i32
    %mul3A_2722 = arith.muli %arg0, %mul3A_2721 : i32
    %add3A_2723 = arith.addi %mul3A_2722, %select_n3A_2702 : i32
    %dma_wait3A_2724 = tpu.memref_slice %arg3[%add3A_2723, %mul3A_2720] : memref<100x16384xi32, #tpu.memory_space<hbm>> -> memref<1x2048xi32, #tpu.memory_space<hbm>>
    %dma_wait3A_2725 = tpu.memref_squeeze %dma_wait3A_2724 : memref<1x2048xi32, #tpu.memory_space<hbm>> -> memref<2048xi32, #tpu.memory_space<hbm>>
    %dma_wait3A_2726 = tpu.memref_slice %arg3[%add3A_2723, %mul3A_2720] : memref<100x16384xi32, #tpu.memory_space<hbm>> -> memref<1x2048xi32, #tpu.memory_space<hbm>>
    %dma_wait3A_2727 = tpu.memref_squeeze %dma_wait3A_2726 : memref<1x2048xi32, #tpu.memory_space<hbm>> -> memref<2048xi32, #tpu.memory_space<hbm>>
    tpu.wait_dma2 semaphore(%arg10 : memref<!tpu.dma_semaphore, #tpu.memory_space<semaphore_mem>>) src(%dma_wait3A_2727 : memref<2048xi32, #tpu.memory_space<hbm>>) dst(%arg6 : memref<2048xi32, #tpu.memory_space<vmem>>)
    %add3A_2728 = arith.constant 224 : i32
    %add3A_2729 = arith.addi %arg1, %add3A_2728 : i32
    %jit3A_2730 = arith.constant 8 : i32
    %div3A_2731 = arith.divsi %add3A_2729, %jit3A_2730 : i32
    %sign3A_2732 = arith.constant 0 : i32
    %sign3A_2733 = arith.cmpi sgt, %add3A_2729, %sign3A_2732 : i32
    %sign3A_2734 = arith.extui %sign3A_2733 : i1 to i32
    %sign3A_2735 = arith.constant 0 : i32
    %sign3A_2736 = arith.cmpi slt, %add3A_2729, %sign3A_2735 : i32
    %sign3A_2737 = arith.extui %sign3A_2736 : i1 to i32
    %sign3A_2738 = arith.subi %sign3A_2734, %sign3A_2737 : i32
    %sign3A_2739 = arith.constant 0 : i32
    %sign3A_2740 = arith.cmpi sgt, %jit3A_2730, %sign3A_2739 : i32
    %sign3A_2741 = arith.extui %sign3A_2740 : i1 to i32
    %sign3A_2742 = arith.constant 0 : i32
    %sign3A_2743 = arith.cmpi slt, %jit3A_2730, %sign3A_2742 : i32
    %sign3A_2744 = arith.extui %sign3A_2743 : i1 to i32
    %sign3A_2745 = arith.subi %sign3A_2741, %sign3A_2744 : i32
    %ne3A_2746 = arith.cmpi ne, %sign3A_2738, %sign3A_2745 : i32
    %rem3A_2747 = arith.remsi %add3A_2729, %jit3A_2730 : i32
    %ne3A_2748 = arith.constant 0 : i32
    %ne3A_2749 = arith.cmpi ne, %rem3A_2747, %ne3A_2748 : i32
    %and3A_2750 = arith.andi %ne3A_2746, %ne3A_2749 : i1
    %sub3A_2751 = arith.constant 1 : i32
    %sub3A_2752 = arith.subi %div3A_2731, %sub3A_2751 : i32
    %select_n3A_2753 = arith.select %and3A_2750, %sub3A_2752, %div3A_2731 : i32
    %jit3A_2754 = arith.constant 8 : i32
    %eq3A_2755 = arith.constant 0 : i32
    %eq3A_2756 = arith.cmpi eq, %jit3A_2754, %eq3A_2755 : i32
    %jit3A_2757 = arith.constant 1 : i32
    %select_n3A_2758 = arith.select %eq3A_2756, %jit3A_2757, %jit3A_2754 : i32
    %rem3A_2759 = arith.remsi %add3A_2729, %select_n3A_2758 : i32
    %ne3A_2760 = arith.constant 0 : i32
    %ne3A_2761 = arith.cmpi ne, %rem3A_2759, %ne3A_2760 : i32
    %lt3A_2762 = arith.constant 0 : i32
    %lt3A_2763 = arith.cmpi slt, %rem3A_2759, %lt3A_2762 : i32
    %lt3A_2764 = arith.constant 0 : i32
    %lt3A_2765 = arith.cmpi slt, %select_n3A_2758, %lt3A_2764 : i32
    %ne3A_2766 = arith.xori %lt3A_2763, %lt3A_2765 : i1
    %and3A_2767 = arith.andi %ne3A_2766, %ne3A_2761 : i1
    %add3A_2768 = arith.addi %rem3A_2759, %select_n3A_2758 : i32
    %select_n3A_2769 = arith.select %and3A_2767, %add3A_2768, %rem3A_2759 : i32
    %mul3A_2770 = arith.constant 2048 : i32
    %mul3A_2771 = arith.muli %select_n3A_2769, %mul3A_2770 : i32
    %mul3A_2772 = arith.constant 50 : i32
    %mul3A_2773 = arith.muli %arg0, %mul3A_2772 : i32
    %add3A_2774 = arith.addi %mul3A_2773, %select_n3A_2753 : i32
    %mul3A_2775 = arith.constant 16 : i32
    %mul3A_2776 = arith.muli %add3A_2774, %mul3A_2775 : i32
    %dma_wait3A_2777 = tpu.memref_slice %arg4[%mul3A_2771, %mul3A_2776] : memref<16384x1600xf32, #tpu.memory_space<hbm>> -> memref<2048x16xf32, #tpu.memory_space<hbm>>
    %dma_wait3A_2778 = tpu.memref_slice %arg4[%mul3A_2771, %mul3A_2776] : memref<16384x1600xf32, #tpu.memory_space<hbm>> -> memref<2048x16xf32, #tpu.memory_space<hbm>>
    tpu.wait_dma2 semaphore(%arg14 : memref<!tpu.dma_semaphore, #tpu.memory_space<semaphore_mem>>) src(%arg8 : memref<2048x16xf32, #tpu.memory_space<vmem>>) dst(%dma_wait3A_2778 : memref<2048x16xf32, #tpu.memory_space<hbm>>)
    %dma_start3A_2779 = arith.constant 0 : i32
    %dma_start3A_2780 = arith.constant 0 : i32
    %dma_start3A_2781 = tpu.memref_slice %arg5[%select_n3A_2702, %dma_start3A_2779, %dma_start3A_2780] : memref<50x1024x16xf32, #tpu.memory_space<vmem_shared>> -> memref<1x1024x16xf32, #tpu.memory_space<vmem_shared>>
    %dma_start3A_2782 = tpu.memref_squeeze %dma_start3A_2781 : memref<1x1024x16xf32, #tpu.memory_space<vmem_shared>> -> memref<1024x16xf32, #tpu.memory_space<vmem_shared>>
    %dma_start3A_2783 = arith.constant 0 : i32
    %dma_start3A_2784 = arith.constant 0 : i32
    %dma_start3A_2785 = tpu.memref_slice %dma_start3A_2782[%dma_start3A_2783, %dma_start3A_2784] : memref<1024x16xf32, #tpu.memory_space<vmem_shared>> -> memref<1024x16xf32, #tpu.memory_space<vmem_shared>>
    tpu.enqueue_indirect_dma source(%dma_start3A_2785 : memref<1024x16xf32, #tpu.memory_space<vmem_shared>>) target(%arg8 : memref<2048x16xf32, #tpu.memory_space<vmem>>) offsets(%arg6 : memref<2048xi32, #tpu.memory_space<vmem>>) semaphore(%arg12 : memref<!tpu.dma_semaphore, #tpu.memory_space<semaphore_mem>>)
    %add3A_2786 = arith.constant 272 : i32
    %add3A_2787 = arith.addi %arg1, %add3A_2786 : i32
    %jit3A_2788 = arith.constant 8 : i32
    %div3A_2789 = arith.divsi %add3A_2787, %jit3A_2788 : i32
    %sign3A_2790 = arith.constant 0 : i32
    %sign3A_2791 = arith.cmpi sgt, %add3A_2787, %sign3A_2790 : i32
    %sign3A_2792 = arith.extui %sign3A_2791 : i1 to i32
    %sign3A_2793 = arith.constant 0 : i32
    %sign3A_2794 = arith.cmpi slt, %add3A_2787, %sign3A_2793 : i32
    %sign3A_2795 = arith.extui %sign3A_2794 : i1 to i32
    %sign3A_2796 = arith.subi %sign3A_2792, %sign3A_2795 : i32
    %sign3A_2797 = arith.constant 0 : i32
    %sign3A_2798 = arith.cmpi sgt, %jit3A_2788, %sign3A_2797 : i32
    %sign3A_2799 = arith.extui %sign3A_2798 : i1 to i32
    %sign3A_2800 = arith.constant 0 : i32
    %sign3A_2801 = arith.cmpi slt, %jit3A_2788, %sign3A_2800 : i32
    %sign3A_2802 = arith.extui %sign3A_2801 : i1 to i32
    %sign3A_2803 = arith.subi %sign3A_2799, %sign3A_2802 : i32
    %ne3A_2804 = arith.cmpi ne, %sign3A_2796, %sign3A_2803 : i32
    %rem3A_2805 = arith.remsi %add3A_2787, %jit3A_2788 : i32
    %ne3A_2806 = arith.constant 0 : i32
    %ne3A_2807 = arith.cmpi ne, %rem3A_2805, %ne3A_2806 : i32
    %and3A_2808 = arith.andi %ne3A_2804, %ne3A_2807 : i1
    %sub3A_2809 = arith.constant 1 : i32
    %sub3A_2810 = arith.subi %div3A_2789, %sub3A_2809 : i32
    %select_n3A_2811 = arith.select %and3A_2808, %sub3A_2810, %div3A_2789 : i32
    %jit3A_2812 = arith.constant 8 : i32
    %eq3A_2813 = arith.constant 0 : i32
    %eq3A_2814 = arith.cmpi eq, %jit3A_2812, %eq3A_2813 : i32
    %jit3A_2815 = arith.constant 1 : i32
    %select_n3A_2816 = arith.select %eq3A_2814, %jit3A_2815, %jit3A_2812 : i32
    %rem3A_2817 = arith.remsi %add3A_2787, %select_n3A_2816 : i32
    %ne3A_2818 = arith.constant 0 : i32
    %ne3A_2819 = arith.cmpi ne, %rem3A_2817, %ne3A_2818 : i32
    %lt3A_2820 = arith.constant 0 : i32
    %lt3A_2821 = arith.cmpi slt, %rem3A_2817, %lt3A_2820 : i32
    %lt3A_2822 = arith.constant 0 : i32
    %lt3A_2823 = arith.cmpi slt, %select_n3A_2816, %lt3A_2822 : i32
    %ne3A_2824 = arith.xori %lt3A_2821, %lt3A_2823 : i1
    %and3A_2825 = arith.andi %ne3A_2824, %ne3A_2819 : i1
    %add3A_2826 = arith.addi %rem3A_2817, %select_n3A_2816 : i32
    %select_n3A_2827 = arith.select %and3A_2825, %add3A_2826, %rem3A_2817 : i32
    %mul3A_2828 = arith.constant 2048 : i32
    %mul3A_2829 = arith.muli %select_n3A_2827, %mul3A_2828 : i32
    %mul3A_2830 = arith.constant 50 : i32
    %mul3A_2831 = arith.muli %arg0, %mul3A_2830 : i32
    %add3A_2832 = arith.addi %mul3A_2831, %select_n3A_2811 : i32
    %dma_start3A_2833 = tpu.memref_slice %arg3[%add3A_2832, %mul3A_2829] : memref<100x16384xi32, #tpu.memory_space<hbm>> -> memref<1x2048xi32, #tpu.memory_space<hbm>>
    %dma_start3A_2834 = tpu.memref_squeeze %dma_start3A_2833 : memref<1x2048xi32, #tpu.memory_space<hbm>> -> memref<2048xi32, #tpu.memory_space<hbm>>
    %dma_start3A_2835 = tpu.memref_slice %arg3[%add3A_2832, %mul3A_2829] : memref<100x16384xi32, #tpu.memory_space<hbm>> -> memref<1x2048xi32, #tpu.memory_space<hbm>>
    %dma_start3A_2836 = tpu.memref_squeeze %dma_start3A_2835 : memref<1x2048xi32, #tpu.memory_space<hbm>> -> memref<2048xi32, #tpu.memory_space<hbm>>
    tpu.enqueue_dma source(%dma_start3A_2836 : memref<2048xi32, #tpu.memory_space<hbm>>) target(%arg7 : memref<2048xi32, #tpu.memory_space<vmem>>) target_semaphore(%arg11 : memref<!tpu.dma_semaphore, #tpu.memory_space<semaphore_mem>>)
    %dma_wait3A_2837 = arith.constant 0 : i32
    %dma_wait3A_2838 = arith.constant 0 : i32
    %dma_wait3A_2839 = tpu.memref_slice %arg5[%select_n3A_2702, %dma_wait3A_2837, %dma_wait3A_2838] : memref<50x1024x16xf32, #tpu.memory_space<vmem_shared>> -> memref<1x1024x16xf32, #tpu.memory_space<vmem_shared>>
    %dma_wait3A_2840 = tpu.memref_squeeze %dma_wait3A_2839 : memref<1x1024x16xf32, #tpu.memory_space<vmem_shared>> -> memref<1024x16xf32, #tpu.memory_space<vmem_shared>>
    %dma_wait3A_2841 = arith.constant 0 : i32
    %dma_wait3A_2842 = arith.constant 0 : i32
    %dma_wait3A_2843 = tpu.memref_slice %dma_wait3A_2840[%dma_wait3A_2841, %dma_wait3A_2842] : memref<1024x16xf32, #tpu.memory_space<vmem_shared>> -> memref<1024x16xf32, #tpu.memory_space<vmem_shared>>
    tpu.wait_indirect_dma semaphore(%arg12 : memref<!tpu.dma_semaphore, #tpu.memory_space<semaphore_mem>>) src(%dma_wait3A_2843 : memref<1024x16xf32, #tpu.memory_space<vmem_shared>>) dst(%arg8 : memref<2048x16xf32, #tpu.memory_space<vmem>>)
    %mul3A_2844 = arith.constant 16 : i32
    %mul3A_2845 = arith.muli %add3A_2723, %mul3A_2844 : i32
    %dma_start3A_2846 = tpu.memref_slice %arg4[%mul3A_2720, %mul3A_2845] : memref<16384x1600xf32, #tpu.memory_space<hbm>> -> memref<2048x16xf32, #tpu.memory_space<hbm>>
    %dma_start3A_2847 = tpu.memref_slice %arg4[%mul3A_2720, %mul3A_2845] : memref<16384x1600xf32, #tpu.memory_space<hbm>> -> memref<2048x16xf32, #tpu.memory_space<hbm>>
    tpu.enqueue_dma source(%arg8 : memref<2048x16xf32, #tpu.memory_space<vmem>>) target(%dma_start3A_2847 : memref<2048x16xf32, #tpu.memory_space<hbm>>) target_semaphore(%arg14 : memref<!tpu.dma_semaphore, #tpu.memory_space<semaphore_mem>>)
    %add3A_2848 = arith.constant 272 : i32
    %add3A_2849 = arith.addi %arg1, %add3A_2848 : i32
    %jit3A_2850 = arith.constant 8 : i32
    %div3A_2851 = arith.divsi %add3A_2849, %jit3A_2850 : i32
    %sign3A_2852 = arith.constant 0 : i32
    %sign3A_2853 = arith.cmpi sgt, %add3A_2849, %sign3A_2852 : i32
    %sign3A_2854 = arith.extui %sign3A_2853 : i1 to i32
    %sign3A_2855 = arith.constant 0 : i32
    %sign3A_2856 = arith.cmpi slt, %add3A_2849, %sign3A_2855 : i32
    %sign3A_2857 = arith.extui %sign3A_2856 : i1 to i32
    %sign3A_2858 = arith.subi %sign3A_2854, %sign3A_2857 : i32
    %sign3A_2859 = arith.constant 0 : i32
    %sign3A_2860 = arith.cmpi sgt, %jit3A_2850, %sign3A_2859 : i32
    %sign3A_2861 = arith.extui %sign3A_2860 : i1 to i32
    %sign3A_2862 = arith.constant 0 : i32
    %sign3A_2863 = arith.cmpi slt, %jit3A_2850, %sign3A_2862 : i32
    %sign3A_2864 = arith.extui %sign3A_2863 : i1 to i32
    %sign3A_2865 = arith.subi %sign3A_2861, %sign3A_2864 : i32
    %ne3A_2866 = arith.cmpi ne, %sign3A_2858, %sign3A_2865 : i32
    %rem3A_2867 = arith.remsi %add3A_2849, %jit3A_2850 : i32
    %ne3A_2868 = arith.constant 0 : i32
    %ne3A_2869 = arith.cmpi ne, %rem3A_2867, %ne3A_2868 : i32
    %and3A_2870 = arith.andi %ne3A_2866, %ne3A_2869 : i1
    %sub3A_2871 = arith.constant 1 : i32
    %sub3A_2872 = arith.subi %div3A_2851, %sub3A_2871 : i32
    %select_n3A_2873 = arith.select %and3A_2870, %sub3A_2872, %div3A_2851 : i32
    %jit3A_2874 = arith.constant 8 : i32
    %eq3A_2875 = arith.constant 0 : i32
    %eq3A_2876 = arith.cmpi eq, %jit3A_2874, %eq3A_2875 : i32
    %jit3A_2877 = arith.constant 1 : i32
    %select_n3A_2878 = arith.select %eq3A_2876, %jit3A_2877, %jit3A_2874 : i32
    %rem3A_2879 = arith.remsi %add3A_2849, %select_n3A_2878 : i32
    %ne3A_2880 = arith.constant 0 : i32
    %ne3A_2881 = arith.cmpi ne, %rem3A_2879, %ne3A_2880 : i32
    %lt3A_2882 = arith.constant 0 : i32
    %lt3A_2883 = arith.cmpi slt, %rem3A_2879, %lt3A_2882 : i32
    %lt3A_2884 = arith.constant 0 : i32
    %lt3A_2885 = arith.cmpi slt, %select_n3A_2878, %lt3A_2884 : i32
    %ne3A_2886 = arith.xori %lt3A_2883, %lt3A_2885 : i1
    %and3A_2887 = arith.andi %ne3A_2886, %ne3A_2881 : i1
    %add3A_2888 = arith.addi %rem3A_2879, %select_n3A_2878 : i32
    %select_n3A_2889 = arith.select %and3A_2887, %add3A_2888, %rem3A_2879 : i32
    %mul3A_2890 = arith.constant 2048 : i32
    %mul3A_2891 = arith.muli %select_n3A_2889, %mul3A_2890 : i32
    %mul3A_2892 = arith.constant 50 : i32
    %mul3A_2893 = arith.muli %arg0, %mul3A_2892 : i32
    %add3A_2894 = arith.addi %mul3A_2893, %select_n3A_2873 : i32
    %dma_wait3A_2895 = tpu.memref_slice %arg3[%add3A_2894, %mul3A_2891] : memref<100x16384xi32, #tpu.memory_space<hbm>> -> memref<1x2048xi32, #tpu.memory_space<hbm>>
    %dma_wait3A_2896 = tpu.memref_squeeze %dma_wait3A_2895 : memref<1x2048xi32, #tpu.memory_space<hbm>> -> memref<2048xi32, #tpu.memory_space<hbm>>
    %dma_wait3A_2897 = tpu.memref_slice %arg3[%add3A_2894, %mul3A_2891] : memref<100x16384xi32, #tpu.memory_space<hbm>> -> memref<1x2048xi32, #tpu.memory_space<hbm>>
    %dma_wait3A_2898 = tpu.memref_squeeze %dma_wait3A_2897 : memref<1x2048xi32, #tpu.memory_space<hbm>> -> memref<2048xi32, #tpu.memory_space<hbm>>
    tpu.wait_dma2 semaphore(%arg11 : memref<!tpu.dma_semaphore, #tpu.memory_space<semaphore_mem>>) src(%dma_wait3A_2898 : memref<2048xi32, #tpu.memory_space<hbm>>) dst(%arg7 : memref<2048xi32, #tpu.memory_space<vmem>>)
    %add3A_2899 = arith.constant 240 : i32
    %add3A_2900 = arith.addi %arg1, %add3A_2899 : i32
    %jit3A_2901 = arith.constant 8 : i32
    %div3A_2902 = arith.divsi %add3A_2900, %jit3A_2901 : i32
    %sign3A_2903 = arith.constant 0 : i32
    %sign3A_2904 = arith.cmpi sgt, %add3A_2900, %sign3A_2903 : i32
    %sign3A_2905 = arith.extui %sign3A_2904 : i1 to i32
    %sign3A_2906 = arith.constant 0 : i32
    %sign3A_2907 = arith.cmpi slt, %add3A_2900, %sign3A_2906 : i32
    %sign3A_2908 = arith.extui %sign3A_2907 : i1 to i32
    %sign3A_2909 = arith.subi %sign3A_2905, %sign3A_2908 : i32
    %sign3A_2910 = arith.constant 0 : i32
    %sign3A_2911 = arith.cmpi sgt, %jit3A_2901, %sign3A_2910 : i32
    %sign3A_2912 = arith.extui %sign3A_2911 : i1 to i32
    %sign3A_2913 = arith.constant 0 : i32
    %sign3A_2914 = arith.cmpi slt, %jit3A_2901, %sign3A_2913 : i32
    %sign3A_2915 = arith.extui %sign3A_2914 : i1 to i32
    %sign3A_2916 = arith.subi %sign3A_2912, %sign3A_2915 : i32
    %ne3A_2917 = arith.cmpi ne, %sign3A_2909, %sign3A_2916 : i32
    %rem3A_2918 = arith.remsi %add3A_2900, %jit3A_2901 : i32
    %ne3A_2919 = arith.constant 0 : i32
    %ne3A_2920 = arith.cmpi ne, %rem3A_2918, %ne3A_2919 : i32
    %and3A_2921 = arith.andi %ne3A_2917, %ne3A_2920 : i1
    %sub3A_2922 = arith.constant 1 : i32
    %sub3A_2923 = arith.subi %div3A_2902, %sub3A_2922 : i32
    %select_n3A_2924 = arith.select %and3A_2921, %sub3A_2923, %div3A_2902 : i32
    %jit3A_2925 = arith.constant 8 : i32
    %eq3A_2926 = arith.constant 0 : i32
    %eq3A_2927 = arith.cmpi eq, %jit3A_2925, %eq3A_2926 : i32
    %jit3A_2928 = arith.constant 1 : i32
    %select_n3A_2929 = arith.select %eq3A_2927, %jit3A_2928, %jit3A_2925 : i32
    %rem3A_2930 = arith.remsi %add3A_2900, %select_n3A_2929 : i32
    %ne3A_2931 = arith.constant 0 : i32
    %ne3A_2932 = arith.cmpi ne, %rem3A_2930, %ne3A_2931 : i32
    %lt3A_2933 = arith.constant 0 : i32
    %lt3A_2934 = arith.cmpi slt, %rem3A_2930, %lt3A_2933 : i32
    %lt3A_2935 = arith.constant 0 : i32
    %lt3A_2936 = arith.cmpi slt, %select_n3A_2929, %lt3A_2935 : i32
    %ne3A_2937 = arith.xori %lt3A_2934, %lt3A_2936 : i1
    %and3A_2938 = arith.andi %ne3A_2937, %ne3A_2932 : i1
    %add3A_2939 = arith.addi %rem3A_2930, %select_n3A_2929 : i32
    %select_n3A_2940 = arith.select %and3A_2938, %add3A_2939, %rem3A_2930 : i32
    %mul3A_2941 = arith.constant 2048 : i32
    %mul3A_2942 = arith.muli %select_n3A_2940, %mul3A_2941 : i32
    %mul3A_2943 = arith.constant 50 : i32
    %mul3A_2944 = arith.muli %arg0, %mul3A_2943 : i32
    %add3A_2945 = arith.addi %mul3A_2944, %select_n3A_2924 : i32
    %mul3A_2946 = arith.constant 16 : i32
    %mul3A_2947 = arith.muli %add3A_2945, %mul3A_2946 : i32
    %dma_wait3A_2948 = tpu.memref_slice %arg4[%mul3A_2942, %mul3A_2947] : memref<16384x1600xf32, #tpu.memory_space<hbm>> -> memref<2048x16xf32, #tpu.memory_space<hbm>>
    %dma_wait3A_2949 = tpu.memref_slice %arg4[%mul3A_2942, %mul3A_2947] : memref<16384x1600xf32, #tpu.memory_space<hbm>> -> memref<2048x16xf32, #tpu.memory_space<hbm>>
    tpu.wait_dma2 semaphore(%arg15 : memref<!tpu.dma_semaphore, #tpu.memory_space<semaphore_mem>>) src(%arg9 : memref<2048x16xf32, #tpu.memory_space<vmem>>) dst(%dma_wait3A_2949 : memref<2048x16xf32, #tpu.memory_space<hbm>>)
    %dma_start3A_2950 = arith.constant 0 : i32
    %dma_start3A_2951 = arith.constant 0 : i32
    %dma_start3A_2952 = tpu.memref_slice %arg5[%select_n3A_2873, %dma_start3A_2950, %dma_start3A_2951] : memref<50x1024x16xf32, #tpu.memory_space<vmem_shared>> -> memref<1x1024x16xf32, #tpu.memory_space<vmem_shared>>
    %dma_start3A_2953 = tpu.memref_squeeze %dma_start3A_2952 : memref<1x1024x16xf32, #tpu.memory_space<vmem_shared>> -> memref<1024x16xf32, #tpu.memory_space<vmem_shared>>
    %dma_start3A_2954 = arith.constant 0 : i32
    %dma_start3A_2955 = arith.constant 0 : i32
    %dma_start3A_2956 = tpu.memref_slice %dma_start3A_2953[%dma_start3A_2954, %dma_start3A_2955] : memref<1024x16xf32, #tpu.memory_space<vmem_shared>> -> memref<1024x16xf32, #tpu.memory_space<vmem_shared>>
    tpu.enqueue_indirect_dma source(%dma_start3A_2956 : memref<1024x16xf32, #tpu.memory_space<vmem_shared>>) target(%arg9 : memref<2048x16xf32, #tpu.memory_space<vmem>>) offsets(%arg7 : memref<2048xi32, #tpu.memory_space<vmem>>) semaphore(%arg13 : memref<!tpu.dma_semaphore, #tpu.memory_space<semaphore_mem>>)
    %add3A_2957 = arith.constant 288 : i32
    %add3A_2958 = arith.addi %arg1, %add3A_2957 : i32
    %jit3A_2959 = arith.constant 8 : i32
    %div3A_2960 = arith.divsi %add3A_2958, %jit3A_2959 : i32
    %sign3A_2961 = arith.constant 0 : i32
    %sign3A_2962 = arith.cmpi sgt, %add3A_2958, %sign3A_2961 : i32
    %sign3A_2963 = arith.extui %sign3A_2962 : i1 to i32
    %sign3A_2964 = arith.constant 0 : i32
    %sign3A_2965 = arith.cmpi slt, %add3A_2958, %sign3A_2964 : i32
    %sign3A_2966 = arith.extui %sign3A_2965 : i1 to i32
    %sign3A_2967 = arith.subi %sign3A_2963, %sign3A_2966 : i32
    %sign3A_2968 = arith.constant 0 : i32
    %sign3A_2969 = arith.cmpi sgt, %jit3A_2959, %sign3A_2968 : i32
    %sign3A_2970 = arith.extui %sign3A_2969 : i1 to i32
    %sign3A_2971 = arith.constant 0 : i32
    %sign3A_2972 = arith.cmpi slt, %jit3A_2959, %sign3A_2971 : i32
    %sign3A_2973 = arith.extui %sign3A_2972 : i1 to i32
    %sign3A_2974 = arith.subi %sign3A_2970, %sign3A_2973 : i32
    %ne3A_2975 = arith.cmpi ne, %sign3A_2967, %sign3A_2974 : i32
    %rem3A_2976 = arith.remsi %add3A_2958, %jit3A_2959 : i32
    %ne3A_2977 = arith.constant 0 : i32
    %ne3A_2978 = arith.cmpi ne, %rem3A_2976, %ne3A_2977 : i32
    %and3A_2979 = arith.andi %ne3A_2975, %ne3A_2978 : i1
    %sub3A_2980 = arith.constant 1 : i32
    %sub3A_2981 = arith.subi %div3A_2960, %sub3A_2980 : i32
    %select_n3A_2982 = arith.select %and3A_2979, %sub3A_2981, %div3A_2960 : i32
    %jit3A_2983 = arith.constant 8 : i32
    %eq3A_2984 = arith.constant 0 : i32
    %eq3A_2985 = arith.cmpi eq, %jit3A_2983, %eq3A_2984 : i32
    %jit3A_2986 = arith.constant 1 : i32
    %select_n3A_2987 = arith.select %eq3A_2985, %jit3A_2986, %jit3A_2983 : i32
    %rem3A_2988 = arith.remsi %add3A_2958, %select_n3A_2987 : i32
    %ne3A_2989 = arith.constant 0 : i32
    %ne3A_2990 = arith.cmpi ne, %rem3A_2988, %ne3A_2989 : i32
    %lt3A_2991 = arith.constant 0 : i32
    %lt3A_2992 = arith.cmpi slt, %rem3A_2988, %lt3A_2991 : i32
    %lt3A_2993 = arith.constant 0 : i32
    %lt3A_2994 = arith.cmpi slt, %select_n3A_2987, %lt3A_2993 : i32
    %ne3A_2995 = arith.xori %lt3A_2992, %lt3A_2994 : i1
    %and3A_2996 = arith.andi %ne3A_2995, %ne3A_2990 : i1
    %add3A_2997 = arith.addi %rem3A_2988, %select_n3A_2987 : i32
    %select_n3A_2998 = arith.select %and3A_2996, %add3A_2997, %rem3A_2988 : i32
    %mul3A_2999 = arith.constant 2048 : i32
    %mul3A_3000 = arith.muli %select_n3A_2998, %mul3A_2999 : i32
    %mul3A_3001 = arith.constant 50 : i32
    %mul3A_3002 = arith.muli %arg0, %mul3A_3001 : i32
    %add3A_3003 = arith.addi %mul3A_3002, %select_n3A_2982 : i32
    %dma_start3A_3004 = tpu.memref_slice %arg3[%add3A_3003, %mul3A_3000] : memref<100x16384xi32, #tpu.memory_space<hbm>> -> memref<1x2048xi32, #tpu.memory_space<hbm>>
    %dma_start3A_3005 = tpu.memref_squeeze %dma_start3A_3004 : memref<1x2048xi32, #tpu.memory_space<hbm>> -> memref<2048xi32, #tpu.memory_space<hbm>>
    %dma_start3A_3006 = tpu.memref_slice %arg3[%add3A_3003, %mul3A_3000] : memref<100x16384xi32, #tpu.memory_space<hbm>> -> memref<1x2048xi32, #tpu.memory_space<hbm>>
    %dma_start3A_3007 = tpu.memref_squeeze %dma_start3A_3006 : memref<1x2048xi32, #tpu.memory_space<hbm>> -> memref<2048xi32, #tpu.memory_space<hbm>>
    tpu.enqueue_dma source(%dma_start3A_3007 : memref<2048xi32, #tpu.memory_space<hbm>>) target(%arg6 : memref<2048xi32, #tpu.memory_space<vmem>>) target_semaphore(%arg10 : memref<!tpu.dma_semaphore, #tpu.memory_space<semaphore_mem>>)
    %dma_wait3A_3008 = arith.constant 0 : i32
    %dma_wait3A_3009 = arith.constant 0 : i32
    %dma_wait3A_3010 = tpu.memref_slice %arg5[%select_n3A_2873, %dma_wait3A_3008, %dma_wait3A_3009] : memref<50x1024x16xf32, #tpu.memory_space<vmem_shared>> -> memref<1x1024x16xf32, #tpu.memory_space<vmem_shared>>
    %dma_wait3A_3011 = tpu.memref_squeeze %dma_wait3A_3010 : memref<1x1024x16xf32, #tpu.memory_space<vmem_shared>> -> memref<1024x16xf32, #tpu.memory_space<vmem_shared>>
    %dma_wait3A_3012 = arith.constant 0 : i32
    %dma_wait3A_3013 = arith.constant 0 : i32
    %dma_wait3A_3014 = tpu.memref_slice %dma_wait3A_3011[%dma_wait3A_3012, %dma_wait3A_3013] : memref<1024x16xf32, #tpu.memory_space<vmem_shared>> -> memref<1024x16xf32, #tpu.memory_space<vmem_shared>>
    tpu.wait_indirect_dma semaphore(%arg13 : memref<!tpu.dma_semaphore, #tpu.memory_space<semaphore_mem>>) src(%dma_wait3A_3014 : memref<1024x16xf32, #tpu.memory_space<vmem_shared>>) dst(%arg9 : memref<2048x16xf32, #tpu.memory_space<vmem>>)
    %mul3A_3015 = arith.constant 16 : i32
    %mul3A_3016 = arith.muli %add3A_2894, %mul3A_3015 : i32
    %dma_start3A_3017 = tpu.memref_slice %arg4[%mul3A_2891, %mul3A_3016] : memref<16384x1600xf32, #tpu.memory_space<hbm>> -> memref<2048x16xf32, #tpu.memory_space<hbm>>
    %dma_start3A_3018 = tpu.memref_slice %arg4[%mul3A_2891, %mul3A_3016] : memref<16384x1600xf32, #tpu.memory_space<hbm>> -> memref<2048x16xf32, #tpu.memory_space<hbm>>
    tpu.enqueue_dma source(%arg9 : memref<2048x16xf32, #tpu.memory_space<vmem>>) target(%dma_start3A_3018 : memref<2048x16xf32, #tpu.memory_space<hbm>>) target_semaphore(%arg15 : memref<!tpu.dma_semaphore, #tpu.memory_space<semaphore_mem>>)
    %add3A_3019 = arith.constant 288 : i32
    %add3A_3020 = arith.addi %arg1, %add3A_3019 : i32
    %jit3A_3021 = arith.constant 8 : i32
    %div3A_3022 = arith.divsi %add3A_3020, %jit3A_3021 : i32
    %sign3A_3023 = arith.constant 0 : i32
    %sign3A_3024 = arith.cmpi sgt, %add3A_3020, %sign3A_3023 : i32
    %sign3A_3025 = arith.extui %sign3A_3024 : i1 to i32
    %sign3A_3026 = arith.constant 0 : i32
    %sign3A_3027 = arith.cmpi slt, %add3A_3020, %sign3A_3026 : i32
    %sign3A_3028 = arith.extui %sign3A_3027 : i1 to i32
    %sign3A_3029 = arith.subi %sign3A_3025, %sign3A_3028 : i32
    %sign3A_3030 = arith.constant 0 : i32
    %sign3A_3031 = arith.cmpi sgt, %jit3A_3021, %sign3A_3030 : i32
    %sign3A_3032 = arith.extui %sign3A_3031 : i1 to i32
    %sign3A_3033 = arith.constant 0 : i32
    %sign3A_3034 = arith.cmpi slt, %jit3A_3021, %sign3A_3033 : i32
    %sign3A_3035 = arith.extui %sign3A_3034 : i1 to i32
    %sign3A_3036 = arith.subi %sign3A_3032, %sign3A_3035 : i32
    %ne3A_3037 = arith.cmpi ne, %sign3A_3029, %sign3A_3036 : i32
    %rem3A_3038 = arith.remsi %add3A_3020, %jit3A_3021 : i32
    %ne3A_3039 = arith.constant 0 : i32
    %ne3A_3040 = arith.cmpi ne, %rem3A_3038, %ne3A_3039 : i32
    %and3A_3041 = arith.andi %ne3A_3037, %ne3A_3040 : i1
    %sub3A_3042 = arith.constant 1 : i32
    %sub3A_3043 = arith.subi %div3A_3022, %sub3A_3042 : i32
    %select_n3A_3044 = arith.select %and3A_3041, %sub3A_3043, %div3A_3022 : i32
    %jit3A_3045 = arith.constant 8 : i32
    %eq3A_3046 = arith.constant 0 : i32
    %eq3A_3047 = arith.cmpi eq, %jit3A_3045, %eq3A_3046 : i32
    %jit3A_3048 = arith.constant 1 : i32
    %select_n3A_3049 = arith.select %eq3A_3047, %jit3A_3048, %jit3A_3045 : i32
    %rem3A_3050 = arith.remsi %add3A_3020, %select_n3A_3049 : i32
    %ne3A_3051 = arith.constant 0 : i32
    %ne3A_3052 = arith.cmpi ne, %rem3A_3050, %ne3A_3051 : i32
    %lt3A_3053 = arith.constant 0 : i32
    %lt3A_3054 = arith.cmpi slt, %rem3A_3050, %lt3A_3053 : i32
    %lt3A_3055 = arith.constant 0 : i32
    %lt3A_3056 = arith.cmpi slt, %select_n3A_3049, %lt3A_3055 : i32
    %ne3A_3057 = arith.xori %lt3A_3054, %lt3A_3056 : i1
    %and3A_3058 = arith.andi %ne3A_3057, %ne3A_3052 : i1
    %add3A_3059 = arith.addi %rem3A_3050, %select_n3A_3049 : i32
    %select_n3A_3060 = arith.select %and3A_3058, %add3A_3059, %rem3A_3050 : i32
    %mul3A_3061 = arith.constant 2048 : i32
    %mul3A_3062 = arith.muli %select_n3A_3060, %mul3A_3061 : i32
    %mul3A_3063 = arith.constant 50 : i32
    %mul3A_3064 = arith.muli %arg0, %mul3A_3063 : i32
    %add3A_3065 = arith.addi %mul3A_3064, %select_n3A_3044 : i32
    %dma_wait3A_3066 = tpu.memref_slice %arg3[%add3A_3065, %mul3A_3062] : memref<100x16384xi32, #tpu.memory_space<hbm>> -> memref<1x2048xi32, #tpu.memory_space<hbm>>
    %dma_wait3A_3067 = tpu.memref_squeeze %dma_wait3A_3066 : memref<1x2048xi32, #tpu.memory_space<hbm>> -> memref<2048xi32, #tpu.memory_space<hbm>>
    %dma_wait3A_3068 = tpu.memref_slice %arg3[%add3A_3065, %mul3A_3062] : memref<100x16384xi32, #tpu.memory_space<hbm>> -> memref<1x2048xi32, #tpu.memory_space<hbm>>
    %dma_wait3A_3069 = tpu.memref_squeeze %dma_wait3A_3068 : memref<1x2048xi32, #tpu.memory_space<hbm>> -> memref<2048xi32, #tpu.memory_space<hbm>>
    tpu.wait_dma2 semaphore(%arg10 : memref<!tpu.dma_semaphore, #tpu.memory_space<semaphore_mem>>) src(%dma_wait3A_3069 : memref<2048xi32, #tpu.memory_space<hbm>>) dst(%arg6 : memref<2048xi32, #tpu.memory_space<vmem>>)
    %add3A_3070 = arith.constant 256 : i32
    %add3A_3071 = arith.addi %arg1, %add3A_3070 : i32
    %jit3A_3072 = arith.constant 8 : i32
    %div3A_3073 = arith.divsi %add3A_3071, %jit3A_3072 : i32
    %sign3A_3074 = arith.constant 0 : i32
    %sign3A_3075 = arith.cmpi sgt, %add3A_3071, %sign3A_3074 : i32
    %sign3A_3076 = arith.extui %sign3A_3075 : i1 to i32
    %sign3A_3077 = arith.constant 0 : i32
    %sign3A_3078 = arith.cmpi slt, %add3A_3071, %sign3A_3077 : i32
    %sign3A_3079 = arith.extui %sign3A_3078 : i1 to i32
    %sign3A_3080 = arith.subi %sign3A_3076, %sign3A_3079 : i32
    %sign3A_3081 = arith.constant 0 : i32
    %sign3A_3082 = arith.cmpi sgt, %jit3A_3072, %sign3A_3081 : i32
    %sign3A_3083 = arith.extui %sign3A_3082 : i1 to i32
    %sign3A_3084 = arith.constant 0 : i32
    %sign3A_3085 = arith.cmpi slt, %jit3A_3072, %sign3A_3084 : i32
    %sign3A_3086 = arith.extui %sign3A_3085 : i1 to i32
    %sign3A_3087 = arith.subi %sign3A_3083, %sign3A_3086 : i32
    %ne3A_3088 = arith.cmpi ne, %sign3A_3080, %sign3A_3087 : i32
    %rem3A_3089 = arith.remsi %add3A_3071, %jit3A_3072 : i32
    %ne3A_3090 = arith.constant 0 : i32
    %ne3A_3091 = arith.cmpi ne, %rem3A_3089, %ne3A_3090 : i32
    %and3A_3092 = arith.andi %ne3A_3088, %ne3A_3091 : i1
    %sub3A_3093 = arith.constant 1 : i32
    %sub3A_3094 = arith.subi %div3A_3073, %sub3A_3093 : i32
    %select_n3A_3095 = arith.select %and3A_3092, %sub3A_3094, %div3A_3073 : i32
    %jit3A_3096 = arith.constant 8 : i32
    %eq3A_3097 = arith.constant 0 : i32
    %eq3A_3098 = arith.cmpi eq, %jit3A_3096, %eq3A_3097 : i32
    %jit3A_3099 = arith.constant 1 : i32
    %select_n3A_3100 = arith.select %eq3A_3098, %jit3A_3099, %jit3A_3096 : i32
    %rem3A_3101 = arith.remsi %add3A_3071, %select_n3A_3100 : i32
    %ne3A_3102 = arith.constant 0 : i32
    %ne3A_3103 = arith.cmpi ne, %rem3A_3101, %ne3A_3102 : i32
    %lt3A_3104 = arith.constant 0 : i32
    %lt3A_3105 = arith.cmpi slt, %rem3A_3101, %lt3A_3104 : i32
    %lt3A_3106 = arith.constant 0 : i32
    %lt3A_3107 = arith.cmpi slt, %select_n3A_3100, %lt3A_3106 : i32
    %ne3A_3108 = arith.xori %lt3A_3105, %lt3A_3107 : i1
    %and3A_3109 = arith.andi %ne3A_3108, %ne3A_3103 : i1
    %add3A_3110 = arith.addi %rem3A_3101, %select_n3A_3100 : i32
    %select_n3A_3111 = arith.select %and3A_3109, %add3A_3110, %rem3A_3101 : i32
    %mul3A_3112 = arith.constant 2048 : i32
    %mul3A_3113 = arith.muli %select_n3A_3111, %mul3A_3112 : i32
    %mul3A_3114 = arith.constant 50 : i32
    %mul3A_3115 = arith.muli %arg0, %mul3A_3114 : i32
    %add3A_3116 = arith.addi %mul3A_3115, %select_n3A_3095 : i32
    %mul3A_3117 = arith.constant 16 : i32
    %mul3A_3118 = arith.muli %add3A_3116, %mul3A_3117 : i32
    %dma_wait3A_3119 = tpu.memref_slice %arg4[%mul3A_3113, %mul3A_3118] : memref<16384x1600xf32, #tpu.memory_space<hbm>> -> memref<2048x16xf32, #tpu.memory_space<hbm>>
    %dma_wait3A_3120 = tpu.memref_slice %arg4[%mul3A_3113, %mul3A_3118] : memref<16384x1600xf32, #tpu.memory_space<hbm>> -> memref<2048x16xf32, #tpu.memory_space<hbm>>
    tpu.wait_dma2 semaphore(%arg14 : memref<!tpu.dma_semaphore, #tpu.memory_space<semaphore_mem>>) src(%arg8 : memref<2048x16xf32, #tpu.memory_space<vmem>>) dst(%dma_wait3A_3120 : memref<2048x16xf32, #tpu.memory_space<hbm>>)
    %dma_start3A_3121 = arith.constant 0 : i32
    %dma_start3A_3122 = arith.constant 0 : i32
    %dma_start3A_3123 = tpu.memref_slice %arg5[%select_n3A_3044, %dma_start3A_3121, %dma_start3A_3122] : memref<50x1024x16xf32, #tpu.memory_space<vmem_shared>> -> memref<1x1024x16xf32, #tpu.memory_space<vmem_shared>>
    %dma_start3A_3124 = tpu.memref_squeeze %dma_start3A_3123 : memref<1x1024x16xf32, #tpu.memory_space<vmem_shared>> -> memref<1024x16xf32, #tpu.memory_space<vmem_shared>>
    %dma_start3A_3125 = arith.constant 0 : i32
    %dma_start3A_3126 = arith.constant 0 : i32
    %dma_start3A_3127 = tpu.memref_slice %dma_start3A_3124[%dma_start3A_3125, %dma_start3A_3126] : memref<1024x16xf32, #tpu.memory_space<vmem_shared>> -> memref<1024x16xf32, #tpu.memory_space<vmem_shared>>
    tpu.enqueue_indirect_dma source(%dma_start3A_3127 : memref<1024x16xf32, #tpu.memory_space<vmem_shared>>) target(%arg8 : memref<2048x16xf32, #tpu.memory_space<vmem>>) offsets(%arg6 : memref<2048xi32, #tpu.memory_space<vmem>>) semaphore(%arg12 : memref<!tpu.dma_semaphore, #tpu.memory_space<semaphore_mem>>)
    %add3A_3128 = arith.constant 304 : i32
    %add3A_3129 = arith.addi %arg1, %add3A_3128 : i32
    %jit3A_3130 = arith.constant 8 : i32
    %div3A_3131 = arith.divsi %add3A_3129, %jit3A_3130 : i32
    %sign3A_3132 = arith.constant 0 : i32
    %sign3A_3133 = arith.cmpi sgt, %add3A_3129, %sign3A_3132 : i32
    %sign3A_3134 = arith.extui %sign3A_3133 : i1 to i32
    %sign3A_3135 = arith.constant 0 : i32
    %sign3A_3136 = arith.cmpi slt, %add3A_3129, %sign3A_3135 : i32
    %sign3A_3137 = arith.extui %sign3A_3136 : i1 to i32
    %sign3A_3138 = arith.subi %sign3A_3134, %sign3A_3137 : i32
    %sign3A_3139 = arith.constant 0 : i32
    %sign3A_3140 = arith.cmpi sgt, %jit3A_3130, %sign3A_3139 : i32
    %sign3A_3141 = arith.extui %sign3A_3140 : i1 to i32
    %sign3A_3142 = arith.constant 0 : i32
    %sign3A_3143 = arith.cmpi slt, %jit3A_3130, %sign3A_3142 : i32
    %sign3A_3144 = arith.extui %sign3A_3143 : i1 to i32
    %sign3A_3145 = arith.subi %sign3A_3141, %sign3A_3144 : i32
    %ne3A_3146 = arith.cmpi ne, %sign3A_3138, %sign3A_3145 : i32
    %rem3A_3147 = arith.remsi %add3A_3129, %jit3A_3130 : i32
    %ne3A_3148 = arith.constant 0 : i32
    %ne3A_3149 = arith.cmpi ne, %rem3A_3147, %ne3A_3148 : i32
    %and3A_3150 = arith.andi %ne3A_3146, %ne3A_3149 : i1
    %sub3A_3151 = arith.constant 1 : i32
    %sub3A_3152 = arith.subi %div3A_3131, %sub3A_3151 : i32
    %select_n3A_3153 = arith.select %and3A_3150, %sub3A_3152, %div3A_3131 : i32
    %jit3A_3154 = arith.constant 8 : i32
    %eq3A_3155 = arith.constant 0 : i32
    %eq3A_3156 = arith.cmpi eq, %jit3A_3154, %eq3A_3155 : i32
    %jit3A_3157 = arith.constant 1 : i32
    %select_n3A_3158 = arith.select %eq3A_3156, %jit3A_3157, %jit3A_3154 : i32
    %rem3A_3159 = arith.remsi %add3A_3129, %select_n3A_3158 : i32
    %ne3A_3160 = arith.constant 0 : i32
    %ne3A_3161 = arith.cmpi ne, %rem3A_3159, %ne3A_3160 : i32
    %lt3A_3162 = arith.constant 0 : i32
    %lt3A_3163 = arith.cmpi slt, %rem3A_3159, %lt3A_3162 : i32
    %lt3A_3164 = arith.constant 0 : i32
    %lt3A_3165 = arith.cmpi slt, %select_n3A_3158, %lt3A_3164 : i32
    %ne3A_3166 = arith.xori %lt3A_3163, %lt3A_3165 : i1
    %and3A_3167 = arith.andi %ne3A_3166, %ne3A_3161 : i1
    %add3A_3168 = arith.addi %rem3A_3159, %select_n3A_3158 : i32
    %select_n3A_3169 = arith.select %and3A_3167, %add3A_3168, %rem3A_3159 : i32
    %mul3A_3170 = arith.constant 2048 : i32
    %mul3A_3171 = arith.muli %select_n3A_3169, %mul3A_3170 : i32
    %mul3A_3172 = arith.constant 50 : i32
    %mul3A_3173 = arith.muli %arg0, %mul3A_3172 : i32
    %add3A_3174 = arith.addi %mul3A_3173, %select_n3A_3153 : i32
    %dma_start3A_3175 = tpu.memref_slice %arg3[%add3A_3174, %mul3A_3171] : memref<100x16384xi32, #tpu.memory_space<hbm>> -> memref<1x2048xi32, #tpu.memory_space<hbm>>
    %dma_start3A_3176 = tpu.memref_squeeze %dma_start3A_3175 : memref<1x2048xi32, #tpu.memory_space<hbm>> -> memref<2048xi32, #tpu.memory_space<hbm>>
    %dma_start3A_3177 = tpu.memref_slice %arg3[%add3A_3174, %mul3A_3171] : memref<100x16384xi32, #tpu.memory_space<hbm>> -> memref<1x2048xi32, #tpu.memory_space<hbm>>
    %dma_start3A_3178 = tpu.memref_squeeze %dma_start3A_3177 : memref<1x2048xi32, #tpu.memory_space<hbm>> -> memref<2048xi32, #tpu.memory_space<hbm>>
    tpu.enqueue_dma source(%dma_start3A_3178 : memref<2048xi32, #tpu.memory_space<hbm>>) target(%arg7 : memref<2048xi32, #tpu.memory_space<vmem>>) target_semaphore(%arg11 : memref<!tpu.dma_semaphore, #tpu.memory_space<semaphore_mem>>)
    %dma_wait3A_3179 = arith.constant 0 : i32
    %dma_wait3A_3180 = arith.constant 0 : i32
    %dma_wait3A_3181 = tpu.memref_slice %arg5[%select_n3A_3044, %dma_wait3A_3179, %dma_wait3A_3180] : memref<50x1024x16xf32, #tpu.memory_space<vmem_shared>> -> memref<1x1024x16xf32, #tpu.memory_space<vmem_shared>>
    %dma_wait3A_3182 = tpu.memref_squeeze %dma_wait3A_3181 : memref<1x1024x16xf32, #tpu.memory_space<vmem_shared>> -> memref<1024x16xf32, #tpu.memory_space<vmem_shared>>
    %dma_wait3A_3183 = arith.constant 0 : i32
    %dma_wait3A_3184 = arith.constant 0 : i32
    %dma_wait3A_3185 = tpu.memref_slice %dma_wait3A_3182[%dma_wait3A_3183, %dma_wait3A_3184] : memref<1024x16xf32, #tpu.memory_space<vmem_shared>> -> memref<1024x16xf32, #tpu.memory_space<vmem_shared>>
    tpu.wait_indirect_dma semaphore(%arg12 : memref<!tpu.dma_semaphore, #tpu.memory_space<semaphore_mem>>) src(%dma_wait3A_3185 : memref<1024x16xf32, #tpu.memory_space<vmem_shared>>) dst(%arg8 : memref<2048x16xf32, #tpu.memory_space<vmem>>)
    %mul3A_3186 = arith.constant 16 : i32
    %mul3A_3187 = arith.muli %add3A_3065, %mul3A_3186 : i32
    %dma_start3A_3188 = tpu.memref_slice %arg4[%mul3A_3062, %mul3A_3187] : memref<16384x1600xf32, #tpu.memory_space<hbm>> -> memref<2048x16xf32, #tpu.memory_space<hbm>>
    %dma_start3A_3189 = tpu.memref_slice %arg4[%mul3A_3062, %mul3A_3187] : memref<16384x1600xf32, #tpu.memory_space<hbm>> -> memref<2048x16xf32, #tpu.memory_space<hbm>>
    tpu.enqueue_dma source(%arg8 : memref<2048x16xf32, #tpu.memory_space<vmem>>) target(%dma_start3A_3189 : memref<2048x16xf32, #tpu.memory_space<hbm>>) target_semaphore(%arg14 : memref<!tpu.dma_semaphore, #tpu.memory_space<semaphore_mem>>)
    %add3A_3190 = arith.constant 304 : i32
    %add3A_3191 = arith.addi %arg1, %add3A_3190 : i32
    %jit3A_3192 = arith.constant 8 : i32
    %div3A_3193 = arith.divsi %add3A_3191, %jit3A_3192 : i32
    %sign3A_3194 = arith.constant 0 : i32
    %sign3A_3195 = arith.cmpi sgt, %add3A_3191, %sign3A_3194 : i32
    %sign3A_3196 = arith.extui %sign3A_3195 : i1 to i32
    %sign3A_3197 = arith.constant 0 : i32
    %sign3A_3198 = arith.cmpi slt, %add3A_3191, %sign3A_3197 : i32
    %sign3A_3199 = arith.extui %sign3A_3198 : i1 to i32
    %sign3A_3200 = arith.subi %sign3A_3196, %sign3A_3199 : i32
    %sign3A_3201 = arith.constant 0 : i32
    %sign3A_3202 = arith.cmpi sgt, %jit3A_3192, %sign3A_3201 : i32
    %sign3A_3203 = arith.extui %sign3A_3202 : i1 to i32
    %sign3A_3204 = arith.constant 0 : i32
    %sign3A_3205 = arith.cmpi slt, %jit3A_3192, %sign3A_3204 : i32
    %sign3A_3206 = arith.extui %sign3A_3205 : i1 to i32
    %sign3A_3207 = arith.subi %sign3A_3203, %sign3A_3206 : i32
    %ne3A_3208 = arith.cmpi ne, %sign3A_3200, %sign3A_3207 : i32
    %rem3A_3209 = arith.remsi %add3A_3191, %jit3A_3192 : i32
    %ne3A_3210 = arith.constant 0 : i32
    %ne3A_3211 = arith.cmpi ne, %rem3A_3209, %ne3A_3210 : i32
    %and3A_3212 = arith.andi %ne3A_3208, %ne3A_3211 : i1
    %sub3A_3213 = arith.constant 1 : i32
    %sub3A_3214 = arith.subi %div3A_3193, %sub3A_3213 : i32
    %select_n3A_3215 = arith.select %and3A_3212, %sub3A_3214, %div3A_3193 : i32
    %jit3A_3216 = arith.constant 8 : i32
    %eq3A_3217 = arith.constant 0 : i32
    %eq3A_3218 = arith.cmpi eq, %jit3A_3216, %eq3A_3217 : i32
    %jit3A_3219 = arith.constant 1 : i32
    %select_n3A_3220 = arith.select %eq3A_3218, %jit3A_3219, %jit3A_3216 : i32
    %rem3A_3221 = arith.remsi %add3A_3191, %select_n3A_3220 : i32
    %ne3A_3222 = arith.constant 0 : i32
    %ne3A_3223 = arith.cmpi ne, %rem3A_3221, %ne3A_3222 : i32
    %lt3A_3224 = arith.constant 0 : i32
    %lt3A_3225 = arith.cmpi slt, %rem3A_3221, %lt3A_3224 : i32
    %lt3A_3226 = arith.constant 0 : i32
    %lt3A_3227 = arith.cmpi slt, %select_n3A_3220, %lt3A_3226 : i32
    %ne3A_3228 = arith.xori %lt3A_3225, %lt3A_3227 : i1
    %and3A_3229 = arith.andi %ne3A_3228, %ne3A_3223 : i1
    %add3A_3230 = arith.addi %rem3A_3221, %select_n3A_3220 : i32
    %select_n3A_3231 = arith.select %and3A_3229, %add3A_3230, %rem3A_3221 : i32
    %mul3A_3232 = arith.constant 2048 : i32
    %mul3A_3233 = arith.muli %select_n3A_3231, %mul3A_3232 : i32
    %mul3A_3234 = arith.constant 50 : i32
    %mul3A_3235 = arith.muli %arg0, %mul3A_3234 : i32
    %add3A_3236 = arith.addi %mul3A_3235, %select_n3A_3215 : i32
    %dma_wait3A_3237 = tpu.memref_slice %arg3[%add3A_3236, %mul3A_3233] : memref<100x16384xi32, #tpu.memory_space<hbm>> -> memref<1x2048xi32, #tpu.memory_space<hbm>>
    %dma_wait3A_3238 = tpu.memref_squeeze %dma_wait3A_3237 : memref<1x2048xi32, #tpu.memory_space<hbm>> -> memref<2048xi32, #tpu.memory_space<hbm>>
    %dma_wait3A_3239 = tpu.memref_slice %arg3[%add3A_3236, %mul3A_3233] : memref<100x16384xi32, #tpu.memory_space<hbm>> -> memref<1x2048xi32, #tpu.memory_space<hbm>>
    %dma_wait3A_3240 = tpu.memref_squeeze %dma_wait3A_3239 : memref<1x2048xi32, #tpu.memory_space<hbm>> -> memref<2048xi32, #tpu.memory_space<hbm>>
    tpu.wait_dma2 semaphore(%arg11 : memref<!tpu.dma_semaphore, #tpu.memory_space<semaphore_mem>>) src(%dma_wait3A_3240 : memref<2048xi32, #tpu.memory_space<hbm>>) dst(%arg7 : memref<2048xi32, #tpu.memory_space<vmem>>)
    %add3A_3241 = arith.constant 272 : i32
    %add3A_3242 = arith.addi %arg1, %add3A_3241 : i32
    %jit3A_3243 = arith.constant 8 : i32
    %div3A_3244 = arith.divsi %add3A_3242, %jit3A_3243 : i32
    %sign3A_3245 = arith.constant 0 : i32
    %sign3A_3246 = arith.cmpi sgt, %add3A_3242, %sign3A_3245 : i32
    %sign3A_3247 = arith.extui %sign3A_3246 : i1 to i32
    %sign3A_3248 = arith.constant 0 : i32
    %sign3A_3249 = arith.cmpi slt, %add3A_3242, %sign3A_3248 : i32
    %sign3A_3250 = arith.extui %sign3A_3249 : i1 to i32
    %sign3A_3251 = arith.subi %sign3A_3247, %sign3A_3250 : i32
    %sign3A_3252 = arith.constant 0 : i32
    %sign3A_3253 = arith.cmpi sgt, %jit3A_3243, %sign3A_3252 : i32
    %sign3A_3254 = arith.extui %sign3A_3253 : i1 to i32
    %sign3A_3255 = arith.constant 0 : i32
    %sign3A_3256 = arith.cmpi slt, %jit3A_3243, %sign3A_3255 : i32
    %sign3A_3257 = arith.extui %sign3A_3256 : i1 to i32
    %sign3A_3258 = arith.subi %sign3A_3254, %sign3A_3257 : i32
    %ne3A_3259 = arith.cmpi ne, %sign3A_3251, %sign3A_3258 : i32
    %rem3A_3260 = arith.remsi %add3A_3242, %jit3A_3243 : i32
    %ne3A_3261 = arith.constant 0 : i32
    %ne3A_3262 = arith.cmpi ne, %rem3A_3260, %ne3A_3261 : i32
    %and3A_3263 = arith.andi %ne3A_3259, %ne3A_3262 : i1
    %sub3A_3264 = arith.constant 1 : i32
    %sub3A_3265 = arith.subi %div3A_3244, %sub3A_3264 : i32
    %select_n3A_3266 = arith.select %and3A_3263, %sub3A_3265, %div3A_3244 : i32
    %jit3A_3267 = arith.constant 8 : i32
    %eq3A_3268 = arith.constant 0 : i32
    %eq3A_3269 = arith.cmpi eq, %jit3A_3267, %eq3A_3268 : i32
    %jit3A_3270 = arith.constant 1 : i32
    %select_n3A_3271 = arith.select %eq3A_3269, %jit3A_3270, %jit3A_3267 : i32
    %rem3A_3272 = arith.remsi %add3A_3242, %select_n3A_3271 : i32
    %ne3A_3273 = arith.constant 0 : i32
    %ne3A_3274 = arith.cmpi ne, %rem3A_3272, %ne3A_3273 : i32
    %lt3A_3275 = arith.constant 0 : i32
    %lt3A_3276 = arith.cmpi slt, %rem3A_3272, %lt3A_3275 : i32
    %lt3A_3277 = arith.constant 0 : i32
    %lt3A_3278 = arith.cmpi slt, %select_n3A_3271, %lt3A_3277 : i32
    %ne3A_3279 = arith.xori %lt3A_3276, %lt3A_3278 : i1
    %and3A_3280 = arith.andi %ne3A_3279, %ne3A_3274 : i1
    %add3A_3281 = arith.addi %rem3A_3272, %select_n3A_3271 : i32
    %select_n3A_3282 = arith.select %and3A_3280, %add3A_3281, %rem3A_3272 : i32
    %mul3A_3283 = arith.constant 2048 : i32
    %mul3A_3284 = arith.muli %select_n3A_3282, %mul3A_3283 : i32
    %mul3A_3285 = arith.constant 50 : i32
    %mul3A_3286 = arith.muli %arg0, %mul3A_3285 : i32
    %add3A_3287 = arith.addi %mul3A_3286, %select_n3A_3266 : i32
    %mul3A_3288 = arith.constant 16 : i32
    %mul3A_3289 = arith.muli %add3A_3287, %mul3A_3288 : i32
    %dma_wait3A_3290 = tpu.memref_slice %arg4[%mul3A_3284, %mul3A_3289] : memref<16384x1600xf32, #tpu.memory_space<hbm>> -> memref<2048x16xf32, #tpu.memory_space<hbm>>
    %dma_wait3A_3291 = tpu.memref_slice %arg4[%mul3A_3284, %mul3A_3289] : memref<16384x1600xf32, #tpu.memory_space<hbm>> -> memref<2048x16xf32, #tpu.memory_space<hbm>>
    tpu.wait_dma2 semaphore(%arg15 : memref<!tpu.dma_semaphore, #tpu.memory_space<semaphore_mem>>) src(%arg9 : memref<2048x16xf32, #tpu.memory_space<vmem>>) dst(%dma_wait3A_3291 : memref<2048x16xf32, #tpu.memory_space<hbm>>)
    %dma_start3A_3292 = arith.constant 0 : i32
    %dma_start3A_3293 = arith.constant 0 : i32
    %dma_start3A_3294 = tpu.memref_slice %arg5[%select_n3A_3215, %dma_start3A_3292, %dma_start3A_3293] : memref<50x1024x16xf32, #tpu.memory_space<vmem_shared>> -> memref<1x1024x16xf32, #tpu.memory_space<vmem_shared>>
    %dma_start3A_3295 = tpu.memref_squeeze %dma_start3A_3294 : memref<1x1024x16xf32, #tpu.memory_space<vmem_shared>> -> memref<1024x16xf32, #tpu.memory_space<vmem_shared>>
    %dma_start3A_3296 = arith.constant 0 : i32
    %dma_start3A_3297 = arith.constant 0 : i32
    %dma_start3A_3298 = tpu.memref_slice %dma_start3A_3295[%dma_start3A_3296, %dma_start3A_3297] : memref<1024x16xf32, #tpu.memory_space<vmem_shared>> -> memref<1024x16xf32, #tpu.memory_space<vmem_shared>>
    tpu.enqueue_indirect_dma source(%dma_start3A_3298 : memref<1024x16xf32, #tpu.memory_space<vmem_shared>>) target(%arg9 : memref<2048x16xf32, #tpu.memory_space<vmem>>) offsets(%arg7 : memref<2048xi32, #tpu.memory_space<vmem>>) semaphore(%arg13 : memref<!tpu.dma_semaphore, #tpu.memory_space<semaphore_mem>>)
    %add3A_3299 = arith.constant 320 : i32
    %add3A_3300 = arith.addi %arg1, %add3A_3299 : i32
    %jit3A_3301 = arith.constant 8 : i32
    %div3A_3302 = arith.divsi %add3A_3300, %jit3A_3301 : i32
    %sign3A_3303 = arith.constant 0 : i32
    %sign3A_3304 = arith.cmpi sgt, %add3A_3300, %sign3A_3303 : i32
    %sign3A_3305 = arith.extui %sign3A_3304 : i1 to i32
    %sign3A_3306 = arith.constant 0 : i32
    %sign3A_3307 = arith.cmpi slt, %add3A_3300, %sign3A_3306 : i32
    %sign3A_3308 = arith.extui %sign3A_3307 : i1 to i32
    %sign3A_3309 = arith.subi %sign3A_3305, %sign3A_3308 : i32
    %sign3A_3310 = arith.constant 0 : i32
    %sign3A_3311 = arith.cmpi sgt, %jit3A_3301, %sign3A_3310 : i32
    %sign3A_3312 = arith.extui %sign3A_3311 : i1 to i32
    %sign3A_3313 = arith.constant 0 : i32
    %sign3A_3314 = arith.cmpi slt, %jit3A_3301, %sign3A_3313 : i32
    %sign3A_3315 = arith.extui %sign3A_3314 : i1 to i32
    %sign3A_3316 = arith.subi %sign3A_3312, %sign3A_3315 : i32
    %ne3A_3317 = arith.cmpi ne, %sign3A_3309, %sign3A_3316 : i32
    %rem3A_3318 = arith.remsi %add3A_3300, %jit3A_3301 : i32
    %ne3A_3319 = arith.constant 0 : i32
    %ne3A_3320 = arith.cmpi ne, %rem3A_3318, %ne3A_3319 : i32
    %and3A_3321 = arith.andi %ne3A_3317, %ne3A_3320 : i1
    %sub3A_3322 = arith.constant 1 : i32
    %sub3A_3323 = arith.subi %div3A_3302, %sub3A_3322 : i32
    %select_n3A_3324 = arith.select %and3A_3321, %sub3A_3323, %div3A_3302 : i32
    %jit3A_3325 = arith.constant 8 : i32
    %eq3A_3326 = arith.constant 0 : i32
    %eq3A_3327 = arith.cmpi eq, %jit3A_3325, %eq3A_3326 : i32
    %jit3A_3328 = arith.constant 1 : i32
    %select_n3A_3329 = arith.select %eq3A_3327, %jit3A_3328, %jit3A_3325 : i32
    %rem3A_3330 = arith.remsi %add3A_3300, %select_n3A_3329 : i32
    %ne3A_3331 = arith.constant 0 : i32
    %ne3A_3332 = arith.cmpi ne, %rem3A_3330, %ne3A_3331 : i32
    %lt3A_3333 = arith.constant 0 : i32
    %lt3A_3334 = arith.cmpi slt, %rem3A_3330, %lt3A_3333 : i32
    %lt3A_3335 = arith.constant 0 : i32
    %lt3A_3336 = arith.cmpi slt, %select_n3A_3329, %lt3A_3335 : i32
    %ne3A_3337 = arith.xori %lt3A_3334, %lt3A_3336 : i1
    %and3A_3338 = arith.andi %ne3A_3337, %ne3A_3332 : i1
    %add3A_3339 = arith.addi %rem3A_3330, %select_n3A_3329 : i32
    %select_n3A_3340 = arith.select %and3A_3338, %add3A_3339, %rem3A_3330 : i32
    %mul3A_3341 = arith.constant 2048 : i32
    %mul3A_3342 = arith.muli %select_n3A_3340, %mul3A_3341 : i32
    %mul3A_3343 = arith.constant 50 : i32
    %mul3A_3344 = arith.muli %arg0, %mul3A_3343 : i32
    %add3A_3345 = arith.addi %mul3A_3344, %select_n3A_3324 : i32
    %dma_start3A_3346 = tpu.memref_slice %arg3[%add3A_3345, %mul3A_3342] : memref<100x16384xi32, #tpu.memory_space<hbm>> -> memref<1x2048xi32, #tpu.memory_space<hbm>>
    %dma_start3A_3347 = tpu.memref_squeeze %dma_start3A_3346 : memref<1x2048xi32, #tpu.memory_space<hbm>> -> memref<2048xi32, #tpu.memory_space<hbm>>
    %dma_start3A_3348 = tpu.memref_slice %arg3[%add3A_3345, %mul3A_3342] : memref<100x16384xi32, #tpu.memory_space<hbm>> -> memref<1x2048xi32, #tpu.memory_space<hbm>>
    %dma_start3A_3349 = tpu.memref_squeeze %dma_start3A_3348 : memref<1x2048xi32, #tpu.memory_space<hbm>> -> memref<2048xi32, #tpu.memory_space<hbm>>
    tpu.enqueue_dma source(%dma_start3A_3349 : memref<2048xi32, #tpu.memory_space<hbm>>) target(%arg6 : memref<2048xi32, #tpu.memory_space<vmem>>) target_semaphore(%arg10 : memref<!tpu.dma_semaphore, #tpu.memory_space<semaphore_mem>>)
    %dma_wait3A_3350 = arith.constant 0 : i32
    %dma_wait3A_3351 = arith.constant 0 : i32
    %dma_wait3A_3352 = tpu.memref_slice %arg5[%select_n3A_3215, %dma_wait3A_3350, %dma_wait3A_3351] : memref<50x1024x16xf32, #tpu.memory_space<vmem_shared>> -> memref<1x1024x16xf32, #tpu.memory_space<vmem_shared>>
    %dma_wait3A_3353 = tpu.memref_squeeze %dma_wait3A_3352 : memref<1x1024x16xf32, #tpu.memory_space<vmem_shared>> -> memref<1024x16xf32, #tpu.memory_space<vmem_shared>>
    %dma_wait3A_3354 = arith.constant 0 : i32
    %dma_wait3A_3355 = arith.constant 0 : i32
    %dma_wait3A_3356 = tpu.memref_slice %dma_wait3A_3353[%dma_wait3A_3354, %dma_wait3A_3355] : memref<1024x16xf32, #tpu.memory_space<vmem_shared>> -> memref<1024x16xf32, #tpu.memory_space<vmem_shared>>
    tpu.wait_indirect_dma semaphore(%arg13 : memref<!tpu.dma_semaphore, #tpu.memory_space<semaphore_mem>>) src(%dma_wait3A_3356 : memref<1024x16xf32, #tpu.memory_space<vmem_shared>>) dst(%arg9 : memref<2048x16xf32, #tpu.memory_space<vmem>>)
    %mul3A_3357 = arith.constant 16 : i32
    %mul3A_3358 = arith.muli %add3A_3236, %mul3A_3357 : i32
    %dma_start3A_3359 = tpu.memref_slice %arg4[%mul3A_3233, %mul3A_3358] : memref<16384x1600xf32, #tpu.memory_space<hbm>> -> memref<2048x16xf32, #tpu.memory_space<hbm>>
    %dma_start3A_3360 = tpu.memref_slice %arg4[%mul3A_3233, %mul3A_3358] : memref<16384x1600xf32, #tpu.memory_space<hbm>> -> memref<2048x16xf32, #tpu.memory_space<hbm>>
    tpu.enqueue_dma source(%arg9 : memref<2048x16xf32, #tpu.memory_space<vmem>>) target(%dma_start3A_3360 : memref<2048x16xf32, #tpu.memory_space<hbm>>) target_semaphore(%arg15 : memref<!tpu.dma_semaphore, #tpu.memory_space<semaphore_mem>>)
    %add3A_3361 = arith.constant 320 : i32
    %add3A_3362 = arith.addi %arg1, %add3A_3361 : i32
    %jit3A_3363 = arith.constant 8 : i32
    %div3A_3364 = arith.divsi %add3A_3362, %jit3A_3363 : i32
    %sign3A_3365 = arith.constant 0 : i32
    %sign3A_3366 = arith.cmpi sgt, %add3A_3362, %sign3A_3365 : i32
    %sign3A_3367 = arith.extui %sign3A_3366 : i1 to i32
    %sign3A_3368 = arith.constant 0 : i32
    %sign3A_3369 = arith.cmpi slt, %add3A_3362, %sign3A_3368 : i32
    %sign3A_3370 = arith.extui %sign3A_3369 : i1 to i32
    %sign3A_3371 = arith.subi %sign3A_3367, %sign3A_3370 : i32
    %sign3A_3372 = arith.constant 0 : i32
    %sign3A_3373 = arith.cmpi sgt, %jit3A_3363, %sign3A_3372 : i32
    %sign3A_3374 = arith.extui %sign3A_3373 : i1 to i32
    %sign3A_3375 = arith.constant 0 : i32
    %sign3A_3376 = arith.cmpi slt, %jit3A_3363, %sign3A_3375 : i32
    %sign3A_3377 = arith.extui %sign3A_3376 : i1 to i32
    %sign3A_3378 = arith.subi %sign3A_3374, %sign3A_3377 : i32
    %ne3A_3379 = arith.cmpi ne, %sign3A_3371, %sign3A_3378 : i32
    %rem3A_3380 = arith.remsi %add3A_3362, %jit3A_3363 : i32
    %ne3A_3381 = arith.constant 0 : i32
    %ne3A_3382 = arith.cmpi ne, %rem3A_3380, %ne3A_3381 : i32
    %and3A_3383 = arith.andi %ne3A_3379, %ne3A_3382 : i1
    %sub3A_3384 = arith.constant 1 : i32
    %sub3A_3385 = arith.subi %div3A_3364, %sub3A_3384 : i32
    %select_n3A_3386 = arith.select %and3A_3383, %sub3A_3385, %div3A_3364 : i32
    %jit3A_3387 = arith.constant 8 : i32
    %eq3A_3388 = arith.constant 0 : i32
    %eq3A_3389 = arith.cmpi eq, %jit3A_3387, %eq3A_3388 : i32
    %jit3A_3390 = arith.constant 1 : i32
    %select_n3A_3391 = arith.select %eq3A_3389, %jit3A_3390, %jit3A_3387 : i32
    %rem3A_3392 = arith.remsi %add3A_3362, %select_n3A_3391 : i32
    %ne3A_3393 = arith.constant 0 : i32
    %ne3A_3394 = arith.cmpi ne, %rem3A_3392, %ne3A_3393 : i32
    %lt3A_3395 = arith.constant 0 : i32
    %lt3A_3396 = arith.cmpi slt, %rem3A_3392, %lt3A_3395 : i32
    %lt3A_3397 = arith.constant 0 : i32
    %lt3A_3398 = arith.cmpi slt, %select_n3A_3391, %lt3A_3397 : i32
    %ne3A_3399 = arith.xori %lt3A_3396, %lt3A_3398 : i1
    %and3A_3400 = arith.andi %ne3A_3399, %ne3A_3394 : i1
    %add3A_3401 = arith.addi %rem3A_3392, %select_n3A_3391 : i32
    %select_n3A_3402 = arith.select %and3A_3400, %add3A_3401, %rem3A_3392 : i32
    %mul3A_3403 = arith.constant 2048 : i32
    %mul3A_3404 = arith.muli %select_n3A_3402, %mul3A_3403 : i32
    %mul3A_3405 = arith.constant 50 : i32
    %mul3A_3406 = arith.muli %arg0, %mul3A_3405 : i32
    %add3A_3407 = arith.addi %mul3A_3406, %select_n3A_3386 : i32
    %dma_wait3A_3408 = tpu.memref_slice %arg3[%add3A_3407, %mul3A_3404] : memref<100x16384xi32, #tpu.memory_space<hbm>> -> memref<1x2048xi32, #tpu.memory_space<hbm>>
    %dma_wait3A_3409 = tpu.memref_squeeze %dma_wait3A_3408 : memref<1x2048xi32, #tpu.memory_space<hbm>> -> memref<2048xi32, #tpu.memory_space<hbm>>
    %dma_wait3A_3410 = tpu.memref_slice %arg3[%add3A_3407, %mul3A_3404] : memref<100x16384xi32, #tpu.memory_space<hbm>> -> memref<1x2048xi32, #tpu.memory_space<hbm>>
    %dma_wait3A_3411 = tpu.memref_squeeze %dma_wait3A_3410 : memref<1x2048xi32, #tpu.memory_space<hbm>> -> memref<2048xi32, #tpu.memory_space<hbm>>
    tpu.wait_dma2 semaphore(%arg10 : memref<!tpu.dma_semaphore, #tpu.memory_space<semaphore_mem>>) src(%dma_wait3A_3411 : memref<2048xi32, #tpu.memory_space<hbm>>) dst(%arg6 : memref<2048xi32, #tpu.memory_space<vmem>>)
    %add3A_3412 = arith.constant 288 : i32
    %add3A_3413 = arith.addi %arg1, %add3A_3412 : i32
    %jit3A_3414 = arith.constant 8 : i32
    %div3A_3415 = arith.divsi %add3A_3413, %jit3A_3414 : i32
    %sign3A_3416 = arith.constant 0 : i32
    %sign3A_3417 = arith.cmpi sgt, %add3A_3413, %sign3A_3416 : i32
    %sign3A_3418 = arith.extui %sign3A_3417 : i1 to i32
    %sign3A_3419 = arith.constant 0 : i32
    %sign3A_3420 = arith.cmpi slt, %add3A_3413, %sign3A_3419 : i32
    %sign3A_3421 = arith.extui %sign3A_3420 : i1 to i32
    %sign3A_3422 = arith.subi %sign3A_3418, %sign3A_3421 : i32
    %sign3A_3423 = arith.constant 0 : i32
    %sign3A_3424 = arith.cmpi sgt, %jit3A_3414, %sign3A_3423 : i32
    %sign3A_3425 = arith.extui %sign3A_3424 : i1 to i32
    %sign3A_3426 = arith.constant 0 : i32
    %sign3A_3427 = arith.cmpi slt, %jit3A_3414, %sign3A_3426 : i32
    %sign3A_3428 = arith.extui %sign3A_3427 : i1 to i32
    %sign3A_3429 = arith.subi %sign3A_3425, %sign3A_3428 : i32
    %ne3A_3430 = arith.cmpi ne, %sign3A_3422, %sign3A_3429 : i32
    %rem3A_3431 = arith.remsi %add3A_3413, %jit3A_3414 : i32
    %ne3A_3432 = arith.constant 0 : i32
    %ne3A_3433 = arith.cmpi ne, %rem3A_3431, %ne3A_3432 : i32
    %and3A_3434 = arith.andi %ne3A_3430, %ne3A_3433 : i1
    %sub3A_3435 = arith.constant 1 : i32
    %sub3A_3436 = arith.subi %div3A_3415, %sub3A_3435 : i32
    %select_n3A_3437 = arith.select %and3A_3434, %sub3A_3436, %div3A_3415 : i32
    %jit3A_3438 = arith.constant 8 : i32
    %eq3A_3439 = arith.constant 0 : i32
    %eq3A_3440 = arith.cmpi eq, %jit3A_3438, %eq3A_3439 : i32
    %jit3A_3441 = arith.constant 1 : i32
    %select_n3A_3442 = arith.select %eq3A_3440, %jit3A_3441, %jit3A_3438 : i32
    %rem3A_3443 = arith.remsi %add3A_3413, %select_n3A_3442 : i32
    %ne3A_3444 = arith.constant 0 : i32
    %ne3A_3445 = arith.cmpi ne, %rem3A_3443, %ne3A_3444 : i32
    %lt3A_3446 = arith.constant 0 : i32
    %lt3A_3447 = arith.cmpi slt, %rem3A_3443, %lt3A_3446 : i32
    %lt3A_3448 = arith.constant 0 : i32
    %lt3A_3449 = arith.cmpi slt, %select_n3A_3442, %lt3A_3448 : i32
    %ne3A_3450 = arith.xori %lt3A_3447, %lt3A_3449 : i1
    %and3A_3451 = arith.andi %ne3A_3450, %ne3A_3445 : i1
    %add3A_3452 = arith.addi %rem3A_3443, %select_n3A_3442 : i32
    %select_n3A_3453 = arith.select %and3A_3451, %add3A_3452, %rem3A_3443 : i32
    %mul3A_3454 = arith.constant 2048 : i32
    %mul3A_3455 = arith.muli %select_n3A_3453, %mul3A_3454 : i32
    %mul3A_3456 = arith.constant 50 : i32
    %mul3A_3457 = arith.muli %arg0, %mul3A_3456 : i32
    %add3A_3458 = arith.addi %mul3A_3457, %select_n3A_3437 : i32
    %mul3A_3459 = arith.constant 16 : i32
    %mul3A_3460 = arith.muli %add3A_3458, %mul3A_3459 : i32
    %dma_wait3A_3461 = tpu.memref_slice %arg4[%mul3A_3455, %mul3A_3460] : memref<16384x1600xf32, #tpu.memory_space<hbm>> -> memref<2048x16xf32, #tpu.memory_space<hbm>>
    %dma_wait3A_3462 = tpu.memref_slice %arg4[%mul3A_3455, %mul3A_3460] : memref<16384x1600xf32, #tpu.memory_space<hbm>> -> memref<2048x16xf32, #tpu.memory_space<hbm>>
    tpu.wait_dma2 semaphore(%arg14 : memref<!tpu.dma_semaphore, #tpu.memory_space<semaphore_mem>>) src(%arg8 : memref<2048x16xf32, #tpu.memory_space<vmem>>) dst(%dma_wait3A_3462 : memref<2048x16xf32, #tpu.memory_space<hbm>>)
    %dma_start3A_3463 = arith.constant 0 : i32
    %dma_start3A_3464 = arith.constant 0 : i32
    %dma_start3A_3465 = tpu.memref_slice %arg5[%select_n3A_3386, %dma_start3A_3463, %dma_start3A_3464] : memref<50x1024x16xf32, #tpu.memory_space<vmem_shared>> -> memref<1x1024x16xf32, #tpu.memory_space<vmem_shared>>
    %dma_start3A_3466 = tpu.memref_squeeze %dma_start3A_3465 : memref<1x1024x16xf32, #tpu.memory_space<vmem_shared>> -> memref<1024x16xf32, #tpu.memory_space<vmem_shared>>
    %dma_start3A_3467 = arith.constant 0 : i32
    %dma_start3A_3468 = arith.constant 0 : i32
    %dma_start3A_3469 = tpu.memref_slice %dma_start3A_3466[%dma_start3A_3467, %dma_start3A_3468] : memref<1024x16xf32, #tpu.memory_space<vmem_shared>> -> memref<1024x16xf32, #tpu.memory_space<vmem_shared>>
    tpu.enqueue_indirect_dma source(%dma_start3A_3469 : memref<1024x16xf32, #tpu.memory_space<vmem_shared>>) target(%arg8 : memref<2048x16xf32, #tpu.memory_space<vmem>>) offsets(%arg6 : memref<2048xi32, #tpu.memory_space<vmem>>) semaphore(%arg12 : memref<!tpu.dma_semaphore, #tpu.memory_space<semaphore_mem>>)
    %add3A_3470 = arith.constant 336 : i32
    %add3A_3471 = arith.addi %arg1, %add3A_3470 : i32
    %jit3A_3472 = arith.constant 8 : i32
    %div3A_3473 = arith.divsi %add3A_3471, %jit3A_3472 : i32
    %sign3A_3474 = arith.constant 0 : i32
    %sign3A_3475 = arith.cmpi sgt, %add3A_3471, %sign3A_3474 : i32
    %sign3A_3476 = arith.extui %sign3A_3475 : i1 to i32
    %sign3A_3477 = arith.constant 0 : i32
    %sign3A_3478 = arith.cmpi slt, %add3A_3471, %sign3A_3477 : i32
    %sign3A_3479 = arith.extui %sign3A_3478 : i1 to i32
    %sign3A_3480 = arith.subi %sign3A_3476, %sign3A_3479 : i32
    %sign3A_3481 = arith.constant 0 : i32
    %sign3A_3482 = arith.cmpi sgt, %jit3A_3472, %sign3A_3481 : i32
    %sign3A_3483 = arith.extui %sign3A_3482 : i1 to i32
    %sign3A_3484 = arith.constant 0 : i32
    %sign3A_3485 = arith.cmpi slt, %jit3A_3472, %sign3A_3484 : i32
    %sign3A_3486 = arith.extui %sign3A_3485 : i1 to i32
    %sign3A_3487 = arith.subi %sign3A_3483, %sign3A_3486 : i32
    %ne3A_3488 = arith.cmpi ne, %sign3A_3480, %sign3A_3487 : i32
    %rem3A_3489 = arith.remsi %add3A_3471, %jit3A_3472 : i32
    %ne3A_3490 = arith.constant 0 : i32
    %ne3A_3491 = arith.cmpi ne, %rem3A_3489, %ne3A_3490 : i32
    %and3A_3492 = arith.andi %ne3A_3488, %ne3A_3491 : i1
    %sub3A_3493 = arith.constant 1 : i32
    %sub3A_3494 = arith.subi %div3A_3473, %sub3A_3493 : i32
    %select_n3A_3495 = arith.select %and3A_3492, %sub3A_3494, %div3A_3473 : i32
    %jit3A_3496 = arith.constant 8 : i32
    %eq3A_3497 = arith.constant 0 : i32
    %eq3A_3498 = arith.cmpi eq, %jit3A_3496, %eq3A_3497 : i32
    %jit3A_3499 = arith.constant 1 : i32
    %select_n3A_3500 = arith.select %eq3A_3498, %jit3A_3499, %jit3A_3496 : i32
    %rem3A_3501 = arith.remsi %add3A_3471, %select_n3A_3500 : i32
    %ne3A_3502 = arith.constant 0 : i32
    %ne3A_3503 = arith.cmpi ne, %rem3A_3501, %ne3A_3502 : i32
    %lt3A_3504 = arith.constant 0 : i32
    %lt3A_3505 = arith.cmpi slt, %rem3A_3501, %lt3A_3504 : i32
    %lt3A_3506 = arith.constant 0 : i32
    %lt3A_3507 = arith.cmpi slt, %select_n3A_3500, %lt3A_3506 : i32
    %ne3A_3508 = arith.xori %lt3A_3505, %lt3A_3507 : i1
    %and3A_3509 = arith.andi %ne3A_3508, %ne3A_3503 : i1
    %add3A_3510 = arith.addi %rem3A_3501, %select_n3A_3500 : i32
    %select_n3A_3511 = arith.select %and3A_3509, %add3A_3510, %rem3A_3501 : i32
    %mul3A_3512 = arith.constant 2048 : i32
    %mul3A_3513 = arith.muli %select_n3A_3511, %mul3A_3512 : i32
    %mul3A_3514 = arith.constant 50 : i32
    %mul3A_3515 = arith.muli %arg0, %mul3A_3514 : i32
    %add3A_3516 = arith.addi %mul3A_3515, %select_n3A_3495 : i32
    %dma_start3A_3517 = tpu.memref_slice %arg3[%add3A_3516, %mul3A_3513] : memref<100x16384xi32, #tpu.memory_space<hbm>> -> memref<1x2048xi32, #tpu.memory_space<hbm>>
    %dma_start3A_3518 = tpu.memref_squeeze %dma_start3A_3517 : memref<1x2048xi32, #tpu.memory_space<hbm>> -> memref<2048xi32, #tpu.memory_space<hbm>>
    %dma_start3A_3519 = tpu.memref_slice %arg3[%add3A_3516, %mul3A_3513] : memref<100x16384xi32, #tpu.memory_space<hbm>> -> memref<1x2048xi32, #tpu.memory_space<hbm>>
    %dma_start3A_3520 = tpu.memref_squeeze %dma_start3A_3519 : memref<1x2048xi32, #tpu.memory_space<hbm>> -> memref<2048xi32, #tpu.memory_space<hbm>>
    tpu.enqueue_dma source(%dma_start3A_3520 : memref<2048xi32, #tpu.memory_space<hbm>>) target(%arg7 : memref<2048xi32, #tpu.memory_space<vmem>>) target_semaphore(%arg11 : memref<!tpu.dma_semaphore, #tpu.memory_space<semaphore_mem>>)
    %dma_wait3A_3521 = arith.constant 0 : i32
    %dma_wait3A_3522 = arith.constant 0 : i32
    %dma_wait3A_3523 = tpu.memref_slice %arg5[%select_n3A_3386, %dma_wait3A_3521, %dma_wait3A_3522] : memref<50x1024x16xf32, #tpu.memory_space<vmem_shared>> -> memref<1x1024x16xf32, #tpu.memory_space<vmem_shared>>
    %dma_wait3A_3524 = tpu.memref_squeeze %dma_wait3A_3523 : memref<1x1024x16xf32, #tpu.memory_space<vmem_shared>> -> memref<1024x16xf32, #tpu.memory_space<vmem_shared>>
    %dma_wait3A_3525 = arith.constant 0 : i32
    %dma_wait3A_3526 = arith.constant 0 : i32
    %dma_wait3A_3527 = tpu.memref_slice %dma_wait3A_3524[%dma_wait3A_3525, %dma_wait3A_3526] : memref<1024x16xf32, #tpu.memory_space<vmem_shared>> -> memref<1024x16xf32, #tpu.memory_space<vmem_shared>>
    tpu.wait_indirect_dma semaphore(%arg12 : memref<!tpu.dma_semaphore, #tpu.memory_space<semaphore_mem>>) src(%dma_wait3A_3527 : memref<1024x16xf32, #tpu.memory_space<vmem_shared>>) dst(%arg8 : memref<2048x16xf32, #tpu.memory_space<vmem>>)
    %mul3A_3528 = arith.constant 16 : i32
    %mul3A_3529 = arith.muli %add3A_3407, %mul3A_3528 : i32
    %dma_start3A_3530 = tpu.memref_slice %arg4[%mul3A_3404, %mul3A_3529] : memref<16384x1600xf32, #tpu.memory_space<hbm>> -> memref<2048x16xf32, #tpu.memory_space<hbm>>
    %dma_start3A_3531 = tpu.memref_slice %arg4[%mul3A_3404, %mul3A_3529] : memref<16384x1600xf32, #tpu.memory_space<hbm>> -> memref<2048x16xf32, #tpu.memory_space<hbm>>
    tpu.enqueue_dma source(%arg8 : memref<2048x16xf32, #tpu.memory_space<vmem>>) target(%dma_start3A_3531 : memref<2048x16xf32, #tpu.memory_space<hbm>>) target_semaphore(%arg14 : memref<!tpu.dma_semaphore, #tpu.memory_space<semaphore_mem>>)
    %add3A_3532 = arith.constant 336 : i32
    %add3A_3533 = arith.addi %arg1, %add3A_3532 : i32
    %jit3A_3534 = arith.constant 8 : i32
    %div3A_3535 = arith.divsi %add3A_3533, %jit3A_3534 : i32
    %sign3A_3536 = arith.constant 0 : i32
    %sign3A_3537 = arith.cmpi sgt, %add3A_3533, %sign3A_3536 : i32
    %sign3A_3538 = arith.extui %sign3A_3537 : i1 to i32
    %sign3A_3539 = arith.constant 0 : i32
    %sign3A_3540 = arith.cmpi slt, %add3A_3533, %sign3A_3539 : i32
    %sign3A_3541 = arith.extui %sign3A_3540 : i1 to i32
    %sign3A_3542 = arith.subi %sign3A_3538, %sign3A_3541 : i32
    %sign3A_3543 = arith.constant 0 : i32
    %sign3A_3544 = arith.cmpi sgt, %jit3A_3534, %sign3A_3543 : i32
    %sign3A_3545 = arith.extui %sign3A_3544 : i1 to i32
    %sign3A_3546 = arith.constant 0 : i32
    %sign3A_3547 = arith.cmpi slt, %jit3A_3534, %sign3A_3546 : i32
    %sign3A_3548 = arith.extui %sign3A_3547 : i1 to i32
    %sign3A_3549 = arith.subi %sign3A_3545, %sign3A_3548 : i32
    %ne3A_3550 = arith.cmpi ne, %sign3A_3542, %sign3A_3549 : i32
    %rem3A_3551 = arith.remsi %add3A_3533, %jit3A_3534 : i32
    %ne3A_3552 = arith.constant 0 : i32
    %ne3A_3553 = arith.cmpi ne, %rem3A_3551, %ne3A_3552 : i32
    %and3A_3554 = arith.andi %ne3A_3550, %ne3A_3553 : i1
    %sub3A_3555 = arith.constant 1 : i32
    %sub3A_3556 = arith.subi %div3A_3535, %sub3A_3555 : i32
    %select_n3A_3557 = arith.select %and3A_3554, %sub3A_3556, %div3A_3535 : i32
    %jit3A_3558 = arith.constant 8 : i32
    %eq3A_3559 = arith.constant 0 : i32
    %eq3A_3560 = arith.cmpi eq, %jit3A_3558, %eq3A_3559 : i32
    %jit3A_3561 = arith.constant 1 : i32
    %select_n3A_3562 = arith.select %eq3A_3560, %jit3A_3561, %jit3A_3558 : i32
    %rem3A_3563 = arith.remsi %add3A_3533, %select_n3A_3562 : i32
    %ne3A_3564 = arith.constant 0 : i32
    %ne3A_3565 = arith.cmpi ne, %rem3A_3563, %ne3A_3564 : i32
    %lt3A_3566 = arith.constant 0 : i32
    %lt3A_3567 = arith.cmpi slt, %rem3A_3563, %lt3A_3566 : i32
    %lt3A_3568 = arith.constant 0 : i32
    %lt3A_3569 = arith.cmpi slt, %select_n3A_3562, %lt3A_3568 : i32
    %ne3A_3570 = arith.xori %lt3A_3567, %lt3A_3569 : i1
    %and3A_3571 = arith.andi %ne3A_3570, %ne3A_3565 : i1
    %add3A_3572 = arith.addi %rem3A_3563, %select_n3A_3562 : i32
    %select_n3A_3573 = arith.select %and3A_3571, %add3A_3572, %rem3A_3563 : i32
    %mul3A_3574 = arith.constant 2048 : i32
    %mul3A_3575 = arith.muli %select_n3A_3573, %mul3A_3574 : i32
    %mul3A_3576 = arith.constant 50 : i32
    %mul3A_3577 = arith.muli %arg0, %mul3A_3576 : i32
    %add3A_3578 = arith.addi %mul3A_3577, %select_n3A_3557 : i32
    %dma_wait3A_3579 = tpu.memref_slice %arg3[%add3A_3578, %mul3A_3575] : memref<100x16384xi32, #tpu.memory_space<hbm>> -> memref<1x2048xi32, #tpu.memory_space<hbm>>
    %dma_wait3A_3580 = tpu.memref_squeeze %dma_wait3A_3579 : memref<1x2048xi32, #tpu.memory_space<hbm>> -> memref<2048xi32, #tpu.memory_space<hbm>>
    %dma_wait3A_3581 = tpu.memref_slice %arg3[%add3A_3578, %mul3A_3575] : memref<100x16384xi32, #tpu.memory_space<hbm>> -> memref<1x2048xi32, #tpu.memory_space<hbm>>
    %dma_wait3A_3582 = tpu.memref_squeeze %dma_wait3A_3581 : memref<1x2048xi32, #tpu.memory_space<hbm>> -> memref<2048xi32, #tpu.memory_space<hbm>>
    tpu.wait_dma2 semaphore(%arg11 : memref<!tpu.dma_semaphore, #tpu.memory_space<semaphore_mem>>) src(%dma_wait3A_3582 : memref<2048xi32, #tpu.memory_space<hbm>>) dst(%arg7 : memref<2048xi32, #tpu.memory_space<vmem>>)
    %add3A_3583 = arith.constant 304 : i32
    %add3A_3584 = arith.addi %arg1, %add3A_3583 : i32
    %jit3A_3585 = arith.constant 8 : i32
    %div3A_3586 = arith.divsi %add3A_3584, %jit3A_3585 : i32
    %sign3A_3587 = arith.constant 0 : i32
    %sign3A_3588 = arith.cmpi sgt, %add3A_3584, %sign3A_3587 : i32
    %sign3A_3589 = arith.extui %sign3A_3588 : i1 to i32
    %sign3A_3590 = arith.constant 0 : i32
    %sign3A_3591 = arith.cmpi slt, %add3A_3584, %sign3A_3590 : i32
    %sign3A_3592 = arith.extui %sign3A_3591 : i1 to i32
    %sign3A_3593 = arith.subi %sign3A_3589, %sign3A_3592 : i32
    %sign3A_3594 = arith.constant 0 : i32
    %sign3A_3595 = arith.cmpi sgt, %jit3A_3585, %sign3A_3594 : i32
    %sign3A_3596 = arith.extui %sign3A_3595 : i1 to i32
    %sign3A_3597 = arith.constant 0 : i32
    %sign3A_3598 = arith.cmpi slt, %jit3A_3585, %sign3A_3597 : i32
    %sign3A_3599 = arith.extui %sign3A_3598 : i1 to i32
    %sign3A_3600 = arith.subi %sign3A_3596, %sign3A_3599 : i32
    %ne3A_3601 = arith.cmpi ne, %sign3A_3593, %sign3A_3600 : i32
    %rem3A_3602 = arith.remsi %add3A_3584, %jit3A_3585 : i32
    %ne3A_3603 = arith.constant 0 : i32
    %ne3A_3604 = arith.cmpi ne, %rem3A_3602, %ne3A_3603 : i32
    %and3A_3605 = arith.andi %ne3A_3601, %ne3A_3604 : i1
    %sub3A_3606 = arith.constant 1 : i32
    %sub3A_3607 = arith.subi %div3A_3586, %sub3A_3606 : i32
    %select_n3A_3608 = arith.select %and3A_3605, %sub3A_3607, %div3A_3586 : i32
    %jit3A_3609 = arith.constant 8 : i32
    %eq3A_3610 = arith.constant 0 : i32
    %eq3A_3611 = arith.cmpi eq, %jit3A_3609, %eq3A_3610 : i32
    %jit3A_3612 = arith.constant 1 : i32
    %select_n3A_3613 = arith.select %eq3A_3611, %jit3A_3612, %jit3A_3609 : i32
    %rem3A_3614 = arith.remsi %add3A_3584, %select_n3A_3613 : i32
    %ne3A_3615 = arith.constant 0 : i32
    %ne3A_3616 = arith.cmpi ne, %rem3A_3614, %ne3A_3615 : i32
    %lt3A_3617 = arith.constant 0 : i32
    %lt3A_3618 = arith.cmpi slt, %rem3A_3614, %lt3A_3617 : i32
    %lt3A_3619 = arith.constant 0 : i32
    %lt3A_3620 = arith.cmpi slt, %select_n3A_3613, %lt3A_3619 : i32
    %ne3A_3621 = arith.xori %lt3A_3618, %lt3A_3620 : i1
    %and3A_3622 = arith.andi %ne3A_3621, %ne3A_3616 : i1
    %add3A_3623 = arith.addi %rem3A_3614, %select_n3A_3613 : i32
    %select_n3A_3624 = arith.select %and3A_3622, %add3A_3623, %rem3A_3614 : i32
    %mul3A_3625 = arith.constant 2048 : i32
    %mul3A_3626 = arith.muli %select_n3A_3624, %mul3A_3625 : i32
    %mul3A_3627 = arith.constant 50 : i32
    %mul3A_3628 = arith.muli %arg0, %mul3A_3627 : i32
    %add3A_3629 = arith.addi %mul3A_3628, %select_n3A_3608 : i32
    %mul3A_3630 = arith.constant 16 : i32
    %mul3A_3631 = arith.muli %add3A_3629, %mul3A_3630 : i32
    %dma_wait3A_3632 = tpu.memref_slice %arg4[%mul3A_3626, %mul3A_3631] : memref<16384x1600xf32, #tpu.memory_space<hbm>> -> memref<2048x16xf32, #tpu.memory_space<hbm>>
    %dma_wait3A_3633 = tpu.memref_slice %arg4[%mul3A_3626, %mul3A_3631] : memref<16384x1600xf32, #tpu.memory_space<hbm>> -> memref<2048x16xf32, #tpu.memory_space<hbm>>
    tpu.wait_dma2 semaphore(%arg15 : memref<!tpu.dma_semaphore, #tpu.memory_space<semaphore_mem>>) src(%arg9 : memref<2048x16xf32, #tpu.memory_space<vmem>>) dst(%dma_wait3A_3633 : memref<2048x16xf32, #tpu.memory_space<hbm>>)
    %dma_start3A_3634 = arith.constant 0 : i32
    %dma_start3A_3635 = arith.constant 0 : i32
    %dma_start3A_3636 = tpu.memref_slice %arg5[%select_n3A_3557, %dma_start3A_3634, %dma_start3A_3635] : memref<50x1024x16xf32, #tpu.memory_space<vmem_shared>> -> memref<1x1024x16xf32, #tpu.memory_space<vmem_shared>>
    %dma_start3A_3637 = tpu.memref_squeeze %dma_start3A_3636 : memref<1x1024x16xf32, #tpu.memory_space<vmem_shared>> -> memref<1024x16xf32, #tpu.memory_space<vmem_shared>>
    %dma_start3A_3638 = arith.constant 0 : i32
    %dma_start3A_3639 = arith.constant 0 : i32
    %dma_start3A_3640 = tpu.memref_slice %dma_start3A_3637[%dma_start3A_3638, %dma_start3A_3639] : memref<1024x16xf32, #tpu.memory_space<vmem_shared>> -> memref<1024x16xf32, #tpu.memory_space<vmem_shared>>
    tpu.enqueue_indirect_dma source(%dma_start3A_3640 : memref<1024x16xf32, #tpu.memory_space<vmem_shared>>) target(%arg9 : memref<2048x16xf32, #tpu.memory_space<vmem>>) offsets(%arg7 : memref<2048xi32, #tpu.memory_space<vmem>>) semaphore(%arg13 : memref<!tpu.dma_semaphore, #tpu.memory_space<semaphore_mem>>)
    %add3A_3641 = arith.constant 352 : i32
    %add3A_3642 = arith.addi %arg1, %add3A_3641 : i32
    %jit3A_3643 = arith.constant 8 : i32
    %div3A_3644 = arith.divsi %add3A_3642, %jit3A_3643 : i32
    %sign3A_3645 = arith.constant 0 : i32
    %sign3A_3646 = arith.cmpi sgt, %add3A_3642, %sign3A_3645 : i32
    %sign3A_3647 = arith.extui %sign3A_3646 : i1 to i32
    %sign3A_3648 = arith.constant 0 : i32
    %sign3A_3649 = arith.cmpi slt, %add3A_3642, %sign3A_3648 : i32
    %sign3A_3650 = arith.extui %sign3A_3649 : i1 to i32
    %sign3A_3651 = arith.subi %sign3A_3647, %sign3A_3650 : i32
    %sign3A_3652 = arith.constant 0 : i32
    %sign3A_3653 = arith.cmpi sgt, %jit3A_3643, %sign3A_3652 : i32
    %sign3A_3654 = arith.extui %sign3A_3653 : i1 to i32
    %sign3A_3655 = arith.constant 0 : i32
    %sign3A_3656 = arith.cmpi slt, %jit3A_3643, %sign3A_3655 : i32
    %sign3A_3657 = arith.extui %sign3A_3656 : i1 to i32
    %sign3A_3658 = arith.subi %sign3A_3654, %sign3A_3657 : i32
    %ne3A_3659 = arith.cmpi ne, %sign3A_3651, %sign3A_3658 : i32
    %rem3A_3660 = arith.remsi %add3A_3642, %jit3A_3643 : i32
    %ne3A_3661 = arith.constant 0 : i32
    %ne3A_3662 = arith.cmpi ne, %rem3A_3660, %ne3A_3661 : i32
    %and3A_3663 = arith.andi %ne3A_3659, %ne3A_3662 : i1
    %sub3A_3664 = arith.constant 1 : i32
    %sub3A_3665 = arith.subi %div3A_3644, %sub3A_3664 : i32
    %select_n3A_3666 = arith.select %and3A_3663, %sub3A_3665, %div3A_3644 : i32
    %jit3A_3667 = arith.constant 8 : i32
    %eq3A_3668 = arith.constant 0 : i32
    %eq3A_3669 = arith.cmpi eq, %jit3A_3667, %eq3A_3668 : i32
    %jit3A_3670 = arith.constant 1 : i32
    %select_n3A_3671 = arith.select %eq3A_3669, %jit3A_3670, %jit3A_3667 : i32
    %rem3A_3672 = arith.remsi %add3A_3642, %select_n3A_3671 : i32
    %ne3A_3673 = arith.constant 0 : i32
    %ne3A_3674 = arith.cmpi ne, %rem3A_3672, %ne3A_3673 : i32
    %lt3A_3675 = arith.constant 0 : i32
    %lt3A_3676 = arith.cmpi slt, %rem3A_3672, %lt3A_3675 : i32
    %lt3A_3677 = arith.constant 0 : i32
    %lt3A_3678 = arith.cmpi slt, %select_n3A_3671, %lt3A_3677 : i32
    %ne3A_3679 = arith.xori %lt3A_3676, %lt3A_3678 : i1
    %and3A_3680 = arith.andi %ne3A_3679, %ne3A_3674 : i1
    %add3A_3681 = arith.addi %rem3A_3672, %select_n3A_3671 : i32
    %select_n3A_3682 = arith.select %and3A_3680, %add3A_3681, %rem3A_3672 : i32
    %mul3A_3683 = arith.constant 2048 : i32
    %mul3A_3684 = arith.muli %select_n3A_3682, %mul3A_3683 : i32
    %mul3A_3685 = arith.constant 50 : i32
    %mul3A_3686 = arith.muli %arg0, %mul3A_3685 : i32
    %add3A_3687 = arith.addi %mul3A_3686, %select_n3A_3666 : i32
    %dma_start3A_3688 = tpu.memref_slice %arg3[%add3A_3687, %mul3A_3684] : memref<100x16384xi32, #tpu.memory_space<hbm>> -> memref<1x2048xi32, #tpu.memory_space<hbm>>
    %dma_start3A_3689 = tpu.memref_squeeze %dma_start3A_3688 : memref<1x2048xi32, #tpu.memory_space<hbm>> -> memref<2048xi32, #tpu.memory_space<hbm>>
    %dma_start3A_3690 = tpu.memref_slice %arg3[%add3A_3687, %mul3A_3684] : memref<100x16384xi32, #tpu.memory_space<hbm>> -> memref<1x2048xi32, #tpu.memory_space<hbm>>
    %dma_start3A_3691 = tpu.memref_squeeze %dma_start3A_3690 : memref<1x2048xi32, #tpu.memory_space<hbm>> -> memref<2048xi32, #tpu.memory_space<hbm>>
    tpu.enqueue_dma source(%dma_start3A_3691 : memref<2048xi32, #tpu.memory_space<hbm>>) target(%arg6 : memref<2048xi32, #tpu.memory_space<vmem>>) target_semaphore(%arg10 : memref<!tpu.dma_semaphore, #tpu.memory_space<semaphore_mem>>)
    %dma_wait3A_3692 = arith.constant 0 : i32
    %dma_wait3A_3693 = arith.constant 0 : i32
    %dma_wait3A_3694 = tpu.memref_slice %arg5[%select_n3A_3557, %dma_wait3A_3692, %dma_wait3A_3693] : memref<50x1024x16xf32, #tpu.memory_space<vmem_shared>> -> memref<1x1024x16xf32, #tpu.memory_space<vmem_shared>>
    %dma_wait3A_3695 = tpu.memref_squeeze %dma_wait3A_3694 : memref<1x1024x16xf32, #tpu.memory_space<vmem_shared>> -> memref<1024x16xf32, #tpu.memory_space<vmem_shared>>
    %dma_wait3A_3696 = arith.constant 0 : i32
    %dma_wait3A_3697 = arith.constant 0 : i32
    %dma_wait3A_3698 = tpu.memref_slice %dma_wait3A_3695[%dma_wait3A_3696, %dma_wait3A_3697] : memref<1024x16xf32, #tpu.memory_space<vmem_shared>> -> memref<1024x16xf32, #tpu.memory_space<vmem_shared>>
    tpu.wait_indirect_dma semaphore(%arg13 : memref<!tpu.dma_semaphore, #tpu.memory_space<semaphore_mem>>) src(%dma_wait3A_3698 : memref<1024x16xf32, #tpu.memory_space<vmem_shared>>) dst(%arg9 : memref<2048x16xf32, #tpu.memory_space<vmem>>)
    %mul3A_3699 = arith.constant 16 : i32
    %mul3A_3700 = arith.muli %add3A_3578, %mul3A_3699 : i32
    %dma_start3A_3701 = tpu.memref_slice %arg4[%mul3A_3575, %mul3A_3700] : memref<16384x1600xf32, #tpu.memory_space<hbm>> -> memref<2048x16xf32, #tpu.memory_space<hbm>>
    %dma_start3A_3702 = tpu.memref_slice %arg4[%mul3A_3575, %mul3A_3700] : memref<16384x1600xf32, #tpu.memory_space<hbm>> -> memref<2048x16xf32, #tpu.memory_space<hbm>>
    tpu.enqueue_dma source(%arg9 : memref<2048x16xf32, #tpu.memory_space<vmem>>) target(%dma_start3A_3702 : memref<2048x16xf32, #tpu.memory_space<hbm>>) target_semaphore(%arg15 : memref<!tpu.dma_semaphore, #tpu.memory_space<semaphore_mem>>)
    %add3A_3703 = arith.constant 352 : i32
    %add3A_3704 = arith.addi %arg1, %add3A_3703 : i32
    %jit3A_3705 = arith.constant 8 : i32
    %div3A_3706 = arith.divsi %add3A_3704, %jit3A_3705 : i32
    %sign3A_3707 = arith.constant 0 : i32
    %sign3A_3708 = arith.cmpi sgt, %add3A_3704, %sign3A_3707 : i32
    %sign3A_3709 = arith.extui %sign3A_3708 : i1 to i32
    %sign3A_3710 = arith.constant 0 : i32
    %sign3A_3711 = arith.cmpi slt, %add3A_3704, %sign3A_3710 : i32
    %sign3A_3712 = arith.extui %sign3A_3711 : i1 to i32
    %sign3A_3713 = arith.subi %sign3A_3709, %sign3A_3712 : i32
    %sign3A_3714 = arith.constant 0 : i32
    %sign3A_3715 = arith.cmpi sgt, %jit3A_3705, %sign3A_3714 : i32
    %sign3A_3716 = arith.extui %sign3A_3715 : i1 to i32
    %sign3A_3717 = arith.constant 0 : i32
    %sign3A_3718 = arith.cmpi slt, %jit3A_3705, %sign3A_3717 : i32
    %sign3A_3719 = arith.extui %sign3A_3718 : i1 to i32
    %sign3A_3720 = arith.subi %sign3A_3716, %sign3A_3719 : i32
    %ne3A_3721 = arith.cmpi ne, %sign3A_3713, %sign3A_3720 : i32
    %rem3A_3722 = arith.remsi %add3A_3704, %jit3A_3705 : i32
    %ne3A_3723 = arith.constant 0 : i32
    %ne3A_3724 = arith.cmpi ne, %rem3A_3722, %ne3A_3723 : i32
    %and3A_3725 = arith.andi %ne3A_3721, %ne3A_3724 : i1
    %sub3A_3726 = arith.constant 1 : i32
    %sub3A_3727 = arith.subi %div3A_3706, %sub3A_3726 : i32
    %select_n3A_3728 = arith.select %and3A_3725, %sub3A_3727, %div3A_3706 : i32
    %jit3A_3729 = arith.constant 8 : i32
    %eq3A_3730 = arith.constant 0 : i32
    %eq3A_3731 = arith.cmpi eq, %jit3A_3729, %eq3A_3730 : i32
    %jit3A_3732 = arith.constant 1 : i32
    %select_n3A_3733 = arith.select %eq3A_3731, %jit3A_3732, %jit3A_3729 : i32
    %rem3A_3734 = arith.remsi %add3A_3704, %select_n3A_3733 : i32
    %ne3A_3735 = arith.constant 0 : i32
    %ne3A_3736 = arith.cmpi ne, %rem3A_3734, %ne3A_3735 : i32
    %lt3A_3737 = arith.constant 0 : i32
    %lt3A_3738 = arith.cmpi slt, %rem3A_3734, %lt3A_3737 : i32
    %lt3A_3739 = arith.constant 0 : i32
    %lt3A_3740 = arith.cmpi slt, %select_n3A_3733, %lt3A_3739 : i32
    %ne3A_3741 = arith.xori %lt3A_3738, %lt3A_3740 : i1
    %and3A_3742 = arith.andi %ne3A_3741, %ne3A_3736 : i1
    %add3A_3743 = arith.addi %rem3A_3734, %select_n3A_3733 : i32
    %select_n3A_3744 = arith.select %and3A_3742, %add3A_3743, %rem3A_3734 : i32
    %mul3A_3745 = arith.constant 2048 : i32
    %mul3A_3746 = arith.muli %select_n3A_3744, %mul3A_3745 : i32
    %mul3A_3747 = arith.constant 50 : i32
    %mul3A_3748 = arith.muli %arg0, %mul3A_3747 : i32
    %add3A_3749 = arith.addi %mul3A_3748, %select_n3A_3728 : i32
    %dma_wait3A_3750 = tpu.memref_slice %arg3[%add3A_3749, %mul3A_3746] : memref<100x16384xi32, #tpu.memory_space<hbm>> -> memref<1x2048xi32, #tpu.memory_space<hbm>>
    %dma_wait3A_3751 = tpu.memref_squeeze %dma_wait3A_3750 : memref<1x2048xi32, #tpu.memory_space<hbm>> -> memref<2048xi32, #tpu.memory_space<hbm>>
    %dma_wait3A_3752 = tpu.memref_slice %arg3[%add3A_3749, %mul3A_3746] : memref<100x16384xi32, #tpu.memory_space<hbm>> -> memref<1x2048xi32, #tpu.memory_space<hbm>>
    %dma_wait3A_3753 = tpu.memref_squeeze %dma_wait3A_3752 : memref<1x2048xi32, #tpu.memory_space<hbm>> -> memref<2048xi32, #tpu.memory_space<hbm>>
    tpu.wait_dma2 semaphore(%arg10 : memref<!tpu.dma_semaphore, #tpu.memory_space<semaphore_mem>>) src(%dma_wait3A_3753 : memref<2048xi32, #tpu.memory_space<hbm>>) dst(%arg6 : memref<2048xi32, #tpu.memory_space<vmem>>)
    %add3A_3754 = arith.constant 320 : i32
    %add3A_3755 = arith.addi %arg1, %add3A_3754 : i32
    %jit3A_3756 = arith.constant 8 : i32
    %div3A_3757 = arith.divsi %add3A_3755, %jit3A_3756 : i32
    %sign3A_3758 = arith.constant 0 : i32
    %sign3A_3759 = arith.cmpi sgt, %add3A_3755, %sign3A_3758 : i32
    %sign3A_3760 = arith.extui %sign3A_3759 : i1 to i32
    %sign3A_3761 = arith.constant 0 : i32
    %sign3A_3762 = arith.cmpi slt, %add3A_3755, %sign3A_3761 : i32
    %sign3A_3763 = arith.extui %sign3A_3762 : i1 to i32
    %sign3A_3764 = arith.subi %sign3A_3760, %sign3A_3763 : i32
    %sign3A_3765 = arith.constant 0 : i32
    %sign3A_3766 = arith.cmpi sgt, %jit3A_3756, %sign3A_3765 : i32
    %sign3A_3767 = arith.extui %sign3A_3766 : i1 to i32
    %sign3A_3768 = arith.constant 0 : i32
    %sign3A_3769 = arith.cmpi slt, %jit3A_3756, %sign3A_3768 : i32
    %sign3A_3770 = arith.extui %sign3A_3769 : i1 to i32
    %sign3A_3771 = arith.subi %sign3A_3767, %sign3A_3770 : i32
    %ne3A_3772 = arith.cmpi ne, %sign3A_3764, %sign3A_3771 : i32
    %rem3A_3773 = arith.remsi %add3A_3755, %jit3A_3756 : i32
    %ne3A_3774 = arith.constant 0 : i32
    %ne3A_3775 = arith.cmpi ne, %rem3A_3773, %ne3A_3774 : i32
    %and3A_3776 = arith.andi %ne3A_3772, %ne3A_3775 : i1
    %sub3A_3777 = arith.constant 1 : i32
    %sub3A_3778 = arith.subi %div3A_3757, %sub3A_3777 : i32
    %select_n3A_3779 = arith.select %and3A_3776, %sub3A_3778, %div3A_3757 : i32
    %jit3A_3780 = arith.constant 8 : i32
    %eq3A_3781 = arith.constant 0 : i32
    %eq3A_3782 = arith.cmpi eq, %jit3A_3780, %eq3A_3781 : i32
    %jit3A_3783 = arith.constant 1 : i32
    %select_n3A_3784 = arith.select %eq3A_3782, %jit3A_3783, %jit3A_3780 : i32
    %rem3A_3785 = arith.remsi %add3A_3755, %select_n3A_3784 : i32
    %ne3A_3786 = arith.constant 0 : i32
    %ne3A_3787 = arith.cmpi ne, %rem3A_3785, %ne3A_3786 : i32
    %lt3A_3788 = arith.constant 0 : i32
    %lt3A_3789 = arith.cmpi slt, %rem3A_3785, %lt3A_3788 : i32
    %lt3A_3790 = arith.constant 0 : i32
    %lt3A_3791 = arith.cmpi slt, %select_n3A_3784, %lt3A_3790 : i32
    %ne3A_3792 = arith.xori %lt3A_3789, %lt3A_3791 : i1
    %and3A_3793 = arith.andi %ne3A_3792, %ne3A_3787 : i1
    %add3A_3794 = arith.addi %rem3A_3785, %select_n3A_3784 : i32
    %select_n3A_3795 = arith.select %and3A_3793, %add3A_3794, %rem3A_3785 : i32
    %mul3A_3796 = arith.constant 2048 : i32
    %mul3A_3797 = arith.muli %select_n3A_3795, %mul3A_3796 : i32
    %mul3A_3798 = arith.constant 50 : i32
    %mul3A_3799 = arith.muli %arg0, %mul3A_3798 : i32
    %add3A_3800 = arith.addi %mul3A_3799, %select_n3A_3779 : i32
    %mul3A_3801 = arith.constant 16 : i32
    %mul3A_3802 = arith.muli %add3A_3800, %mul3A_3801 : i32
    %dma_wait3A_3803 = tpu.memref_slice %arg4[%mul3A_3797, %mul3A_3802] : memref<16384x1600xf32, #tpu.memory_space<hbm>> -> memref<2048x16xf32, #tpu.memory_space<hbm>>
    %dma_wait3A_3804 = tpu.memref_slice %arg4[%mul3A_3797, %mul3A_3802] : memref<16384x1600xf32, #tpu.memory_space<hbm>> -> memref<2048x16xf32, #tpu.memory_space<hbm>>
    tpu.wait_dma2 semaphore(%arg14 : memref<!tpu.dma_semaphore, #tpu.memory_space<semaphore_mem>>) src(%arg8 : memref<2048x16xf32, #tpu.memory_space<vmem>>) dst(%dma_wait3A_3804 : memref<2048x16xf32, #tpu.memory_space<hbm>>)
    %dma_start3A_3805 = arith.constant 0 : i32
    %dma_start3A_3806 = arith.constant 0 : i32
    %dma_start3A_3807 = tpu.memref_slice %arg5[%select_n3A_3728, %dma_start3A_3805, %dma_start3A_3806] : memref<50x1024x16xf32, #tpu.memory_space<vmem_shared>> -> memref<1x1024x16xf32, #tpu.memory_space<vmem_shared>>
    %dma_start3A_3808 = tpu.memref_squeeze %dma_start3A_3807 : memref<1x1024x16xf32, #tpu.memory_space<vmem_shared>> -> memref<1024x16xf32, #tpu.memory_space<vmem_shared>>
    %dma_start3A_3809 = arith.constant 0 : i32
    %dma_start3A_3810 = arith.constant 0 : i32
    %dma_start3A_3811 = tpu.memref_slice %dma_start3A_3808[%dma_start3A_3809, %dma_start3A_3810] : memref<1024x16xf32, #tpu.memory_space<vmem_shared>> -> memref<1024x16xf32, #tpu.memory_space<vmem_shared>>
    tpu.enqueue_indirect_dma source(%dma_start3A_3811 : memref<1024x16xf32, #tpu.memory_space<vmem_shared>>) target(%arg8 : memref<2048x16xf32, #tpu.memory_space<vmem>>) offsets(%arg6 : memref<2048xi32, #tpu.memory_space<vmem>>) semaphore(%arg12 : memref<!tpu.dma_semaphore, #tpu.memory_space<semaphore_mem>>)
    %add3A_3812 = arith.constant 368 : i32
    %add3A_3813 = arith.addi %arg1, %add3A_3812 : i32
    %jit3A_3814 = arith.constant 8 : i32
    %div3A_3815 = arith.divsi %add3A_3813, %jit3A_3814 : i32
    %sign3A_3816 = arith.constant 0 : i32
    %sign3A_3817 = arith.cmpi sgt, %add3A_3813, %sign3A_3816 : i32
    %sign3A_3818 = arith.extui %sign3A_3817 : i1 to i32
    %sign3A_3819 = arith.constant 0 : i32
    %sign3A_3820 = arith.cmpi slt, %add3A_3813, %sign3A_3819 : i32
    %sign3A_3821 = arith.extui %sign3A_3820 : i1 to i32
    %sign3A_3822 = arith.subi %sign3A_3818, %sign3A_3821 : i32
    %sign3A_3823 = arith.constant 0 : i32
    %sign3A_3824 = arith.cmpi sgt, %jit3A_3814, %sign3A_3823 : i32
    %sign3A_3825 = arith.extui %sign3A_3824 : i1 to i32
    %sign3A_3826 = arith.constant 0 : i32
    %sign3A_3827 = arith.cmpi slt, %jit3A_3814, %sign3A_3826 : i32
    %sign3A_3828 = arith.extui %sign3A_3827 : i1 to i32
    %sign3A_3829 = arith.subi %sign3A_3825, %sign3A_3828 : i32
    %ne3A_3830 = arith.cmpi ne, %sign3A_3822, %sign3A_3829 : i32
    %rem3A_3831 = arith.remsi %add3A_3813, %jit3A_3814 : i32
    %ne3A_3832 = arith.constant 0 : i32
    %ne3A_3833 = arith.cmpi ne, %rem3A_3831, %ne3A_3832 : i32
    %and3A_3834 = arith.andi %ne3A_3830, %ne3A_3833 : i1
    %sub3A_3835 = arith.constant 1 : i32
    %sub3A_3836 = arith.subi %div3A_3815, %sub3A_3835 : i32
    %select_n3A_3837 = arith.select %and3A_3834, %sub3A_3836, %div3A_3815 : i32
    %jit3A_3838 = arith.constant 8 : i32
    %eq3A_3839 = arith.constant 0 : i32
    %eq3A_3840 = arith.cmpi eq, %jit3A_3838, %eq3A_3839 : i32
    %jit3A_3841 = arith.constant 1 : i32
    %select_n3A_3842 = arith.select %eq3A_3840, %jit3A_3841, %jit3A_3838 : i32
    %rem3A_3843 = arith.remsi %add3A_3813, %select_n3A_3842 : i32
    %ne3A_3844 = arith.constant 0 : i32
    %ne3A_3845 = arith.cmpi ne, %rem3A_3843, %ne3A_3844 : i32
    %lt3A_3846 = arith.constant 0 : i32
    %lt3A_3847 = arith.cmpi slt, %rem3A_3843, %lt3A_3846 : i32
    %lt3A_3848 = arith.constant 0 : i32
    %lt3A_3849 = arith.cmpi slt, %select_n3A_3842, %lt3A_3848 : i32
    %ne3A_3850 = arith.xori %lt3A_3847, %lt3A_3849 : i1
    %and3A_3851 = arith.andi %ne3A_3850, %ne3A_3845 : i1
    %add3A_3852 = arith.addi %rem3A_3843, %select_n3A_3842 : i32
    %select_n3A_3853 = arith.select %and3A_3851, %add3A_3852, %rem3A_3843 : i32
    %mul3A_3854 = arith.constant 2048 : i32
    %mul3A_3855 = arith.muli %select_n3A_3853, %mul3A_3854 : i32
    %mul3A_3856 = arith.constant 50 : i32
    %mul3A_3857 = arith.muli %arg0, %mul3A_3856 : i32
    %add3A_3858 = arith.addi %mul3A_3857, %select_n3A_3837 : i32
    %dma_start3A_3859 = tpu.memref_slice %arg3[%add3A_3858, %mul3A_3855] : memref<100x16384xi32, #tpu.memory_space<hbm>> -> memref<1x2048xi32, #tpu.memory_space<hbm>>
    %dma_start3A_3860 = tpu.memref_squeeze %dma_start3A_3859 : memref<1x2048xi32, #tpu.memory_space<hbm>> -> memref<2048xi32, #tpu.memory_space<hbm>>
    %dma_start3A_3861 = tpu.memref_slice %arg3[%add3A_3858, %mul3A_3855] : memref<100x16384xi32, #tpu.memory_space<hbm>> -> memref<1x2048xi32, #tpu.memory_space<hbm>>
    %dma_start3A_3862 = tpu.memref_squeeze %dma_start3A_3861 : memref<1x2048xi32, #tpu.memory_space<hbm>> -> memref<2048xi32, #tpu.memory_space<hbm>>
    tpu.enqueue_dma source(%dma_start3A_3862 : memref<2048xi32, #tpu.memory_space<hbm>>) target(%arg7 : memref<2048xi32, #tpu.memory_space<vmem>>) target_semaphore(%arg11 : memref<!tpu.dma_semaphore, #tpu.memory_space<semaphore_mem>>)
    %dma_wait3A_3863 = arith.constant 0 : i32
    %dma_wait3A_3864 = arith.constant 0 : i32
    %dma_wait3A_3865 = tpu.memref_slice %arg5[%select_n3A_3728, %dma_wait3A_3863, %dma_wait3A_3864] : memref<50x1024x16xf32, #tpu.memory_space<vmem_shared>> -> memref<1x1024x16xf32, #tpu.memory_space<vmem_shared>>
    %dma_wait3A_3866 = tpu.memref_squeeze %dma_wait3A_3865 : memref<1x1024x16xf32, #tpu.memory_space<vmem_shared>> -> memref<1024x16xf32, #tpu.memory_space<vmem_shared>>
    %dma_wait3A_3867 = arith.constant 0 : i32
    %dma_wait3A_3868 = arith.constant 0 : i32
    %dma_wait3A_3869 = tpu.memref_slice %dma_wait3A_3866[%dma_wait3A_3867, %dma_wait3A_3868] : memref<1024x16xf32, #tpu.memory_space<vmem_shared>> -> memref<1024x16xf32, #tpu.memory_space<vmem_shared>>
    tpu.wait_indirect_dma semaphore(%arg12 : memref<!tpu.dma_semaphore, #tpu.memory_space<semaphore_mem>>) src(%dma_wait3A_3869 : memref<1024x16xf32, #tpu.memory_space<vmem_shared>>) dst(%arg8 : memref<2048x16xf32, #tpu.memory_space<vmem>>)
    %mul3A_3870 = arith.constant 16 : i32
    %mul3A_3871 = arith.muli %add3A_3749, %mul3A_3870 : i32
    %dma_start3A_3872 = tpu.memref_slice %arg4[%mul3A_3746, %mul3A_3871] : memref<16384x1600xf32, #tpu.memory_space<hbm>> -> memref<2048x16xf32, #tpu.memory_space<hbm>>
    %dma_start3A_3873 = tpu.memref_slice %arg4[%mul3A_3746, %mul3A_3871] : memref<16384x1600xf32, #tpu.memory_space<hbm>> -> memref<2048x16xf32, #tpu.memory_space<hbm>>
    tpu.enqueue_dma source(%arg8 : memref<2048x16xf32, #tpu.memory_space<vmem>>) target(%dma_start3A_3873 : memref<2048x16xf32, #tpu.memory_space<hbm>>) target_semaphore(%arg14 : memref<!tpu.dma_semaphore, #tpu.memory_space<semaphore_mem>>)
    %add3A_3874 = arith.constant 368 : i32
    %add3A_3875 = arith.addi %arg1, %add3A_3874 : i32
    %jit3A_3876 = arith.constant 8 : i32
    %div3A_3877 = arith.divsi %add3A_3875, %jit3A_3876 : i32
    %sign3A_3878 = arith.constant 0 : i32
    %sign3A_3879 = arith.cmpi sgt, %add3A_3875, %sign3A_3878 : i32
    %sign3A_3880 = arith.extui %sign3A_3879 : i1 to i32
    %sign3A_3881 = arith.constant 0 : i32
    %sign3A_3882 = arith.cmpi slt, %add3A_3875, %sign3A_3881 : i32
    %sign3A_3883 = arith.extui %sign3A_3882 : i1 to i32
    %sign3A_3884 = arith.subi %sign3A_3880, %sign3A_3883 : i32
    %sign3A_3885 = arith.constant 0 : i32
    %sign3A_3886 = arith.cmpi sgt, %jit3A_3876, %sign3A_3885 : i32
    %sign3A_3887 = arith.extui %sign3A_3886 : i1 to i32
    %sign3A_3888 = arith.constant 0 : i32
    %sign3A_3889 = arith.cmpi slt, %jit3A_3876, %sign3A_3888 : i32
    %sign3A_3890 = arith.extui %sign3A_3889 : i1 to i32
    %sign3A_3891 = arith.subi %sign3A_3887, %sign3A_3890 : i32
    %ne3A_3892 = arith.cmpi ne, %sign3A_3884, %sign3A_3891 : i32
    %rem3A_3893 = arith.remsi %add3A_3875, %jit3A_3876 : i32
    %ne3A_3894 = arith.constant 0 : i32
    %ne3A_3895 = arith.cmpi ne, %rem3A_3893, %ne3A_3894 : i32
    %and3A_3896 = arith.andi %ne3A_3892, %ne3A_3895 : i1
    %sub3A_3897 = arith.constant 1 : i32
    %sub3A_3898 = arith.subi %div3A_3877, %sub3A_3897 : i32
    %select_n3A_3899 = arith.select %and3A_3896, %sub3A_3898, %div3A_3877 : i32
    %jit3A_3900 = arith.constant 8 : i32
    %eq3A_3901 = arith.constant 0 : i32
    %eq3A_3902 = arith.cmpi eq, %jit3A_3900, %eq3A_3901 : i32
    %jit3A_3903 = arith.constant 1 : i32
    %select_n3A_3904 = arith.select %eq3A_3902, %jit3A_3903, %jit3A_3900 : i32
    %rem3A_3905 = arith.remsi %add3A_3875, %select_n3A_3904 : i32
    %ne3A_3906 = arith.constant 0 : i32
    %ne3A_3907 = arith.cmpi ne, %rem3A_3905, %ne3A_3906 : i32
    %lt3A_3908 = arith.constant 0 : i32
    %lt3A_3909 = arith.cmpi slt, %rem3A_3905, %lt3A_3908 : i32
    %lt3A_3910 = arith.constant 0 : i32
    %lt3A_3911 = arith.cmpi slt, %select_n3A_3904, %lt3A_3910 : i32
    %ne3A_3912 = arith.xori %lt3A_3909, %lt3A_3911 : i1
    %and3A_3913 = arith.andi %ne3A_3912, %ne3A_3907 : i1
    %add3A_3914 = arith.addi %rem3A_3905, %select_n3A_3904 : i32
    %select_n3A_3915 = arith.select %and3A_3913, %add3A_3914, %rem3A_3905 : i32
    %mul3A_3916 = arith.constant 2048 : i32
    %mul3A_3917 = arith.muli %select_n3A_3915, %mul3A_3916 : i32
    %mul3A_3918 = arith.constant 50 : i32
    %mul3A_3919 = arith.muli %arg0, %mul3A_3918 : i32
    %add3A_3920 = arith.addi %mul3A_3919, %select_n3A_3899 : i32
    %dma_wait3A_3921 = tpu.memref_slice %arg3[%add3A_3920, %mul3A_3917] : memref<100x16384xi32, #tpu.memory_space<hbm>> -> memref<1x2048xi32, #tpu.memory_space<hbm>>
    %dma_wait3A_3922 = tpu.memref_squeeze %dma_wait3A_3921 : memref<1x2048xi32, #tpu.memory_space<hbm>> -> memref<2048xi32, #tpu.memory_space<hbm>>
    %dma_wait3A_3923 = tpu.memref_slice %arg3[%add3A_3920, %mul3A_3917] : memref<100x16384xi32, #tpu.memory_space<hbm>> -> memref<1x2048xi32, #tpu.memory_space<hbm>>
    %dma_wait3A_3924 = tpu.memref_squeeze %dma_wait3A_3923 : memref<1x2048xi32, #tpu.memory_space<hbm>> -> memref<2048xi32, #tpu.memory_space<hbm>>
    tpu.wait_dma2 semaphore(%arg11 : memref<!tpu.dma_semaphore, #tpu.memory_space<semaphore_mem>>) src(%dma_wait3A_3924 : memref<2048xi32, #tpu.memory_space<hbm>>) dst(%arg7 : memref<2048xi32, #tpu.memory_space<vmem>>)
    %add3A_3925 = arith.constant 336 : i32
    %add3A_3926 = arith.addi %arg1, %add3A_3925 : i32
    %jit3A_3927 = arith.constant 8 : i32
    %div3A_3928 = arith.divsi %add3A_3926, %jit3A_3927 : i32
    %sign3A_3929 = arith.constant 0 : i32
    %sign3A_3930 = arith.cmpi sgt, %add3A_3926, %sign3A_3929 : i32
    %sign3A_3931 = arith.extui %sign3A_3930 : i1 to i32
    %sign3A_3932 = arith.constant 0 : i32
    %sign3A_3933 = arith.cmpi slt, %add3A_3926, %sign3A_3932 : i32
    %sign3A_3934 = arith.extui %sign3A_3933 : i1 to i32
    %sign3A_3935 = arith.subi %sign3A_3931, %sign3A_3934 : i32
    %sign3A_3936 = arith.constant 0 : i32
    %sign3A_3937 = arith.cmpi sgt, %jit3A_3927, %sign3A_3936 : i32
    %sign3A_3938 = arith.extui %sign3A_3937 : i1 to i32
    %sign3A_3939 = arith.constant 0 : i32
    %sign3A_3940 = arith.cmpi slt, %jit3A_3927, %sign3A_3939 : i32
    %sign3A_3941 = arith.extui %sign3A_3940 : i1 to i32
    %sign3A_3942 = arith.subi %sign3A_3938, %sign3A_3941 : i32
    %ne3A_3943 = arith.cmpi ne, %sign3A_3935, %sign3A_3942 : i32
    %rem3A_3944 = arith.remsi %add3A_3926, %jit3A_3927 : i32
    %ne3A_3945 = arith.constant 0 : i32
    %ne3A_3946 = arith.cmpi ne, %rem3A_3944, %ne3A_3945 : i32
    %and3A_3947 = arith.andi %ne3A_3943, %ne3A_3946 : i1
    %sub3A_3948 = arith.constant 1 : i32
    %sub3A_3949 = arith.subi %div3A_3928, %sub3A_3948 : i32
    %select_n3A_3950 = arith.select %and3A_3947, %sub3A_3949, %div3A_3928 : i32
    %jit3A_3951 = arith.constant 8 : i32
    %eq3A_3952 = arith.constant 0 : i32
    %eq3A_3953 = arith.cmpi eq, %jit3A_3951, %eq3A_3952 : i32
    %jit3A_3954 = arith.constant 1 : i32
    %select_n3A_3955 = arith.select %eq3A_3953, %jit3A_3954, %jit3A_3951 : i32
    %rem3A_3956 = arith.remsi %add3A_3926, %select_n3A_3955 : i32
    %ne3A_3957 = arith.constant 0 : i32
    %ne3A_3958 = arith.cmpi ne, %rem3A_3956, %ne3A_3957 : i32
    %lt3A_3959 = arith.constant 0 : i32
    %lt3A_3960 = arith.cmpi slt, %rem3A_3956, %lt3A_3959 : i32
    %lt3A_3961 = arith.constant 0 : i32
    %lt3A_3962 = arith.cmpi slt, %select_n3A_3955, %lt3A_3961 : i32
    %ne3A_3963 = arith.xori %lt3A_3960, %lt3A_3962 : i1
    %and3A_3964 = arith.andi %ne3A_3963, %ne3A_3958 : i1
    %add3A_3965 = arith.addi %rem3A_3956, %select_n3A_3955 : i32
    %select_n3A_3966 = arith.select %and3A_3964, %add3A_3965, %rem3A_3956 : i32
    %mul3A_3967 = arith.constant 2048 : i32
    %mul3A_3968 = arith.muli %select_n3A_3966, %mul3A_3967 : i32
    %mul3A_3969 = arith.constant 50 : i32
    %mul3A_3970 = arith.muli %arg0, %mul3A_3969 : i32
    %add3A_3971 = arith.addi %mul3A_3970, %select_n3A_3950 : i32
    %mul3A_3972 = arith.constant 16 : i32
    %mul3A_3973 = arith.muli %add3A_3971, %mul3A_3972 : i32
    %dma_wait3A_3974 = tpu.memref_slice %arg4[%mul3A_3968, %mul3A_3973] : memref<16384x1600xf32, #tpu.memory_space<hbm>> -> memref<2048x16xf32, #tpu.memory_space<hbm>>
    %dma_wait3A_3975 = tpu.memref_slice %arg4[%mul3A_3968, %mul3A_3973] : memref<16384x1600xf32, #tpu.memory_space<hbm>> -> memref<2048x16xf32, #tpu.memory_space<hbm>>
    tpu.wait_dma2 semaphore(%arg15 : memref<!tpu.dma_semaphore, #tpu.memory_space<semaphore_mem>>) src(%arg9 : memref<2048x16xf32, #tpu.memory_space<vmem>>) dst(%dma_wait3A_3975 : memref<2048x16xf32, #tpu.memory_space<hbm>>)
    %dma_start3A_3976 = arith.constant 0 : i32
    %dma_start3A_3977 = arith.constant 0 : i32
    %dma_start3A_3978 = tpu.memref_slice %arg5[%select_n3A_3899, %dma_start3A_3976, %dma_start3A_3977] : memref<50x1024x16xf32, #tpu.memory_space<vmem_shared>> -> memref<1x1024x16xf32, #tpu.memory_space<vmem_shared>>
    %dma_start3A_3979 = tpu.memref_squeeze %dma_start3A_3978 : memref<1x1024x16xf32, #tpu.memory_space<vmem_shared>> -> memref<1024x16xf32, #tpu.memory_space<vmem_shared>>
    %dma_start3A_3980 = arith.constant 0 : i32
    %dma_start3A_3981 = arith.constant 0 : i32
    %dma_start3A_3982 = tpu.memref_slice %dma_start3A_3979[%dma_start3A_3980, %dma_start3A_3981] : memref<1024x16xf32, #tpu.memory_space<vmem_shared>> -> memref<1024x16xf32, #tpu.memory_space<vmem_shared>>
    tpu.enqueue_indirect_dma source(%dma_start3A_3982 : memref<1024x16xf32, #tpu.memory_space<vmem_shared>>) target(%arg9 : memref<2048x16xf32, #tpu.memory_space<vmem>>) offsets(%arg7 : memref<2048xi32, #tpu.memory_space<vmem>>) semaphore(%arg13 : memref<!tpu.dma_semaphore, #tpu.memory_space<semaphore_mem>>)
    %add3A_3983 = arith.constant 384 : i32
    %add3A_3984 = arith.addi %arg1, %add3A_3983 : i32
    %jit3A_3985 = arith.constant 8 : i32
    %div3A_3986 = arith.divsi %add3A_3984, %jit3A_3985 : i32
    %sign3A_3987 = arith.constant 0 : i32
    %sign3A_3988 = arith.cmpi sgt, %add3A_3984, %sign3A_3987 : i32
    %sign3A_3989 = arith.extui %sign3A_3988 : i1 to i32
    %sign3A_3990 = arith.constant 0 : i32
    %sign3A_3991 = arith.cmpi slt, %add3A_3984, %sign3A_3990 : i32
    %sign3A_3992 = arith.extui %sign3A_3991 : i1 to i32
    %sign3A_3993 = arith.subi %sign3A_3989, %sign3A_3992 : i32
    %sign3A_3994 = arith.constant 0 : i32
    %sign3A_3995 = arith.cmpi sgt, %jit3A_3985, %sign3A_3994 : i32
    %sign3A_3996 = arith.extui %sign3A_3995 : i1 to i32
    %sign3A_3997 = arith.constant 0 : i32
    %sign3A_3998 = arith.cmpi slt, %jit3A_3985, %sign3A_3997 : i32
    %sign3A_3999 = arith.extui %sign3A_3998 : i1 to i32
    %sign3A_4000 = arith.subi %sign3A_3996, %sign3A_3999 : i32
    %ne3A_4001 = arith.cmpi ne, %sign3A_3993, %sign3A_4000 : i32
    %rem3A_4002 = arith.remsi %add3A_3984, %jit3A_3985 : i32
    %ne3A_4003 = arith.constant 0 : i32
    %ne3A_4004 = arith.cmpi ne, %rem3A_4002, %ne3A_4003 : i32
    %and3A_4005 = arith.andi %ne3A_4001, %ne3A_4004 : i1
    %sub3A_4006 = arith.constant 1 : i32
    %sub3A_4007 = arith.subi %div3A_3986, %sub3A_4006 : i32
    %select_n3A_4008 = arith.select %and3A_4005, %sub3A_4007, %div3A_3986 : i32
    %jit3A_4009 = arith.constant 8 : i32
    %eq3A_4010 = arith.constant 0 : i32
    %eq3A_4011 = arith.cmpi eq, %jit3A_4009, %eq3A_4010 : i32
    %jit3A_4012 = arith.constant 1 : i32
    %select_n3A_4013 = arith.select %eq3A_4011, %jit3A_4012, %jit3A_4009 : i32
    %rem3A_4014 = arith.remsi %add3A_3984, %select_n3A_4013 : i32
    %ne3A_4015 = arith.constant 0 : i32
    %ne3A_4016 = arith.cmpi ne, %rem3A_4014, %ne3A_4015 : i32
    %lt3A_4017 = arith.constant 0 : i32
    %lt3A_4018 = arith.cmpi slt, %rem3A_4014, %lt3A_4017 : i32
    %lt3A_4019 = arith.constant 0 : i32
    %lt3A_4020 = arith.cmpi slt, %select_n3A_4013, %lt3A_4019 : i32
    %ne3A_4021 = arith.xori %lt3A_4018, %lt3A_4020 : i1
    %and3A_4022 = arith.andi %ne3A_4021, %ne3A_4016 : i1
    %add3A_4023 = arith.addi %rem3A_4014, %select_n3A_4013 : i32
    %select_n3A_4024 = arith.select %and3A_4022, %add3A_4023, %rem3A_4014 : i32
    %mul3A_4025 = arith.constant 2048 : i32
    %mul3A_4026 = arith.muli %select_n3A_4024, %mul3A_4025 : i32
    %mul3A_4027 = arith.constant 50 : i32
    %mul3A_4028 = arith.muli %arg0, %mul3A_4027 : i32
    %add3A_4029 = arith.addi %mul3A_4028, %select_n3A_4008 : i32
    %dma_start3A_4030 = tpu.memref_slice %arg3[%add3A_4029, %mul3A_4026] : memref<100x16384xi32, #tpu.memory_space<hbm>> -> memref<1x2048xi32, #tpu.memory_space<hbm>>
    %dma_start3A_4031 = tpu.memref_squeeze %dma_start3A_4030 : memref<1x2048xi32, #tpu.memory_space<hbm>> -> memref<2048xi32, #tpu.memory_space<hbm>>
    %dma_start3A_4032 = tpu.memref_slice %arg3[%add3A_4029, %mul3A_4026] : memref<100x16384xi32, #tpu.memory_space<hbm>> -> memref<1x2048xi32, #tpu.memory_space<hbm>>
    %dma_start3A_4033 = tpu.memref_squeeze %dma_start3A_4032 : memref<1x2048xi32, #tpu.memory_space<hbm>> -> memref<2048xi32, #tpu.memory_space<hbm>>
    tpu.enqueue_dma source(%dma_start3A_4033 : memref<2048xi32, #tpu.memory_space<hbm>>) target(%arg6 : memref<2048xi32, #tpu.memory_space<vmem>>) target_semaphore(%arg10 : memref<!tpu.dma_semaphore, #tpu.memory_space<semaphore_mem>>)
    %dma_wait3A_4034 = arith.constant 0 : i32
    %dma_wait3A_4035 = arith.constant 0 : i32
    %dma_wait3A_4036 = tpu.memref_slice %arg5[%select_n3A_3899, %dma_wait3A_4034, %dma_wait3A_4035] : memref<50x1024x16xf32, #tpu.memory_space<vmem_shared>> -> memref<1x1024x16xf32, #tpu.memory_space<vmem_shared>>
    %dma_wait3A_4037 = tpu.memref_squeeze %dma_wait3A_4036 : memref<1x1024x16xf32, #tpu.memory_space<vmem_shared>> -> memref<1024x16xf32, #tpu.memory_space<vmem_shared>>
    %dma_wait3A_4038 = arith.constant 0 : i32
    %dma_wait3A_4039 = arith.constant 0 : i32
    %dma_wait3A_4040 = tpu.memref_slice %dma_wait3A_4037[%dma_wait3A_4038, %dma_wait3A_4039] : memref<1024x16xf32, #tpu.memory_space<vmem_shared>> -> memref<1024x16xf32, #tpu.memory_space<vmem_shared>>
    tpu.wait_indirect_dma semaphore(%arg13 : memref<!tpu.dma_semaphore, #tpu.memory_space<semaphore_mem>>) src(%dma_wait3A_4040 : memref<1024x16xf32, #tpu.memory_space<vmem_shared>>) dst(%arg9 : memref<2048x16xf32, #tpu.memory_space<vmem>>)
    %mul3A_4041 = arith.constant 16 : i32
    %mul3A_4042 = arith.muli %add3A_3920, %mul3A_4041 : i32
    %dma_start3A_4043 = tpu.memref_slice %arg4[%mul3A_3917, %mul3A_4042] : memref<16384x1600xf32, #tpu.memory_space<hbm>> -> memref<2048x16xf32, #tpu.memory_space<hbm>>
    %dma_start3A_4044 = tpu.memref_slice %arg4[%mul3A_3917, %mul3A_4042] : memref<16384x1600xf32, #tpu.memory_space<hbm>> -> memref<2048x16xf32, #tpu.memory_space<hbm>>
    tpu.enqueue_dma source(%arg9 : memref<2048x16xf32, #tpu.memory_space<vmem>>) target(%dma_start3A_4044 : memref<2048x16xf32, #tpu.memory_space<hbm>>) target_semaphore(%arg15 : memref<!tpu.dma_semaphore, #tpu.memory_space<semaphore_mem>>)
    %add3A_4045 = arith.constant 384 : i32
    %add3A_4046 = arith.addi %arg1, %add3A_4045 : i32
    %jit3A_4047 = arith.constant 8 : i32
    %div3A_4048 = arith.divsi %add3A_4046, %jit3A_4047 : i32
    %sign3A_4049 = arith.constant 0 : i32
    %sign3A_4050 = arith.cmpi sgt, %add3A_4046, %sign3A_4049 : i32
    %sign3A_4051 = arith.extui %sign3A_4050 : i1 to i32
    %sign3A_4052 = arith.constant 0 : i32
    %sign3A_4053 = arith.cmpi slt, %add3A_4046, %sign3A_4052 : i32
    %sign3A_4054 = arith.extui %sign3A_4053 : i1 to i32
    %sign3A_4055 = arith.subi %sign3A_4051, %sign3A_4054 : i32
    %sign3A_4056 = arith.constant 0 : i32
    %sign3A_4057 = arith.cmpi sgt, %jit3A_4047, %sign3A_4056 : i32
    %sign3A_4058 = arith.extui %sign3A_4057 : i1 to i32
    %sign3A_4059 = arith.constant 0 : i32
    %sign3A_4060 = arith.cmpi slt, %jit3A_4047, %sign3A_4059 : i32
    %sign3A_4061 = arith.extui %sign3A_4060 : i1 to i32
    %sign3A_4062 = arith.subi %sign3A_4058, %sign3A_4061 : i32
    %ne3A_4063 = arith.cmpi ne, %sign3A_4055, %sign3A_4062 : i32
    %rem3A_4064 = arith.remsi %add3A_4046, %jit3A_4047 : i32
    %ne3A_4065 = arith.constant 0 : i32
    %ne3A_4066 = arith.cmpi ne, %rem3A_4064, %ne3A_4065 : i32
    %and3A_4067 = arith.andi %ne3A_4063, %ne3A_4066 : i1
    %sub3A_4068 = arith.constant 1 : i32
    %sub3A_4069 = arith.subi %div3A_4048, %sub3A_4068 : i32
    %select_n3A_4070 = arith.select %and3A_4067, %sub3A_4069, %div3A_4048 : i32
    %jit3A_4071 = arith.constant 8 : i32
    %eq3A_4072 = arith.constant 0 : i32
    %eq3A_4073 = arith.cmpi eq, %jit3A_4071, %eq3A_4072 : i32
    %jit3A_4074 = arith.constant 1 : i32
    %select_n3A_4075 = arith.select %eq3A_4073, %jit3A_4074, %jit3A_4071 : i32
    %rem3A_4076 = arith.remsi %add3A_4046, %select_n3A_4075 : i32
    %ne3A_4077 = arith.constant 0 : i32
    %ne3A_4078 = arith.cmpi ne, %rem3A_4076, %ne3A_4077 : i32
    %lt3A_4079 = arith.constant 0 : i32
    %lt3A_4080 = arith.cmpi slt, %rem3A_4076, %lt3A_4079 : i32
    %lt3A_4081 = arith.constant 0 : i32
    %lt3A_4082 = arith.cmpi slt, %select_n3A_4075, %lt3A_4081 : i32
    %ne3A_4083 = arith.xori %lt3A_4080, %lt3A_4082 : i1
    %and3A_4084 = arith.andi %ne3A_4083, %ne3A_4078 : i1
    %add3A_4085 = arith.addi %rem3A_4076, %select_n3A_4075 : i32
    %select_n3A_4086 = arith.select %and3A_4084, %add3A_4085, %rem3A_4076 : i32
    %mul3A_4087 = arith.constant 2048 : i32
    %mul3A_4088 = arith.muli %select_n3A_4086, %mul3A_4087 : i32
    %mul3A_4089 = arith.constant 50 : i32
    %mul3A_4090 = arith.muli %arg0, %mul3A_4089 : i32
    %add3A_4091 = arith.addi %mul3A_4090, %select_n3A_4070 : i32
    %dma_wait3A_4092 = tpu.memref_slice %arg3[%add3A_4091, %mul3A_4088] : memref<100x16384xi32, #tpu.memory_space<hbm>> -> memref<1x2048xi32, #tpu.memory_space<hbm>>
    %dma_wait3A_4093 = tpu.memref_squeeze %dma_wait3A_4092 : memref<1x2048xi32, #tpu.memory_space<hbm>> -> memref<2048xi32, #tpu.memory_space<hbm>>
    %dma_wait3A_4094 = tpu.memref_slice %arg3[%add3A_4091, %mul3A_4088] : memref<100x16384xi32, #tpu.memory_space<hbm>> -> memref<1x2048xi32, #tpu.memory_space<hbm>>
    %dma_wait3A_4095 = tpu.memref_squeeze %dma_wait3A_4094 : memref<1x2048xi32, #tpu.memory_space<hbm>> -> memref<2048xi32, #tpu.memory_space<hbm>>
    tpu.wait_dma2 semaphore(%arg10 : memref<!tpu.dma_semaphore, #tpu.memory_space<semaphore_mem>>) src(%dma_wait3A_4095 : memref<2048xi32, #tpu.memory_space<hbm>>) dst(%arg6 : memref<2048xi32, #tpu.memory_space<vmem>>)
    %add3A_4096 = arith.constant 352 : i32
    %add3A_4097 = arith.addi %arg1, %add3A_4096 : i32
    %jit3A_4098 = arith.constant 8 : i32
    %div3A_4099 = arith.divsi %add3A_4097, %jit3A_4098 : i32
    %sign3A_4100 = arith.constant 0 : i32
    %sign3A_4101 = arith.cmpi sgt, %add3A_4097, %sign3A_4100 : i32
    %sign3A_4102 = arith.extui %sign3A_4101 : i1 to i32
    %sign3A_4103 = arith.constant 0 : i32
    %sign3A_4104 = arith.cmpi slt, %add3A_4097, %sign3A_4103 : i32
    %sign3A_4105 = arith.extui %sign3A_4104 : i1 to i32
    %sign3A_4106 = arith.subi %sign3A_4102, %sign3A_4105 : i32
    %sign3A_4107 = arith.constant 0 : i32
    %sign3A_4108 = arith.cmpi sgt, %jit3A_4098, %sign3A_4107 : i32
    %sign3A_4109 = arith.extui %sign3A_4108 : i1 to i32
    %sign3A_4110 = arith.constant 0 : i32
    %sign3A_4111 = arith.cmpi slt, %jit3A_4098, %sign3A_4110 : i32
    %sign3A_4112 = arith.extui %sign3A_4111 : i1 to i32
    %sign3A_4113 = arith.subi %sign3A_4109, %sign3A_4112 : i32
    %ne3A_4114 = arith.cmpi ne, %sign3A_4106, %sign3A_4113 : i32
    %rem3A_4115 = arith.remsi %add3A_4097, %jit3A_4098 : i32
    %ne3A_4116 = arith.constant 0 : i32
    %ne3A_4117 = arith.cmpi ne, %rem3A_4115, %ne3A_4116 : i32
    %and3A_4118 = arith.andi %ne3A_4114, %ne3A_4117 : i1
    %sub3A_4119 = arith.constant 1 : i32
    %sub3A_4120 = arith.subi %div3A_4099, %sub3A_4119 : i32
    %select_n3A_4121 = arith.select %and3A_4118, %sub3A_4120, %div3A_4099 : i32
    %jit3A_4122 = arith.constant 8 : i32
    %eq3A_4123 = arith.constant 0 : i32
    %eq3A_4124 = arith.cmpi eq, %jit3A_4122, %eq3A_4123 : i32
    %jit3A_4125 = arith.constant 1 : i32
    %select_n3A_4126 = arith.select %eq3A_4124, %jit3A_4125, %jit3A_4122 : i32
    %rem3A_4127 = arith.remsi %add3A_4097, %select_n3A_4126 : i32
    %ne3A_4128 = arith.constant 0 : i32
    %ne3A_4129 = arith.cmpi ne, %rem3A_4127, %ne3A_4128 : i32
    %lt3A_4130 = arith.constant 0 : i32
    %lt3A_4131 = arith.cmpi slt, %rem3A_4127, %lt3A_4130 : i32
    %lt3A_4132 = arith.constant 0 : i32
    %lt3A_4133 = arith.cmpi slt, %select_n3A_4126, %lt3A_4132 : i32
    %ne3A_4134 = arith.xori %lt3A_4131, %lt3A_4133 : i1
    %and3A_4135 = arith.andi %ne3A_4134, %ne3A_4129 : i1
    %add3A_4136 = arith.addi %rem3A_4127, %select_n3A_4126 : i32
    %select_n3A_4137 = arith.select %and3A_4135, %add3A_4136, %rem3A_4127 : i32
    %mul3A_4138 = arith.constant 2048 : i32
    %mul3A_4139 = arith.muli %select_n3A_4137, %mul3A_4138 : i32
    %mul3A_4140 = arith.constant 50 : i32
    %mul3A_4141 = arith.muli %arg0, %mul3A_4140 : i32
    %add3A_4142 = arith.addi %mul3A_4141, %select_n3A_4121 : i32
    %mul3A_4143 = arith.constant 16 : i32
    %mul3A_4144 = arith.muli %add3A_4142, %mul3A_4143 : i32
    %dma_wait3A_4145 = tpu.memref_slice %arg4[%mul3A_4139, %mul3A_4144] : memref<16384x1600xf32, #tpu.memory_space<hbm>> -> memref<2048x16xf32, #tpu.memory_space<hbm>>
    %dma_wait3A_4146 = tpu.memref_slice %arg4[%mul3A_4139, %mul3A_4144] : memref<16384x1600xf32, #tpu.memory_space<hbm>> -> memref<2048x16xf32, #tpu.memory_space<hbm>>
    tpu.wait_dma2 semaphore(%arg14 : memref<!tpu.dma_semaphore, #tpu.memory_space<semaphore_mem>>) src(%arg8 : memref<2048x16xf32, #tpu.memory_space<vmem>>) dst(%dma_wait3A_4146 : memref<2048x16xf32, #tpu.memory_space<hbm>>)
    %dma_start3A_4147 = arith.constant 0 : i32
    %dma_start3A_4148 = arith.constant 0 : i32
    %dma_start3A_4149 = tpu.memref_slice %arg5[%select_n3A_4070, %dma_start3A_4147, %dma_start3A_4148] : memref<50x1024x16xf32, #tpu.memory_space<vmem_shared>> -> memref<1x1024x16xf32, #tpu.memory_space<vmem_shared>>
    %dma_start3A_4150 = tpu.memref_squeeze %dma_start3A_4149 : memref<1x1024x16xf32, #tpu.memory_space<vmem_shared>> -> memref<1024x16xf32, #tpu.memory_space<vmem_shared>>
    %dma_start3A_4151 = arith.constant 0 : i32
    %dma_start3A_4152 = arith.constant 0 : i32
    %dma_start3A_4153 = tpu.memref_slice %dma_start3A_4150[%dma_start3A_4151, %dma_start3A_4152] : memref<1024x16xf32, #tpu.memory_space<vmem_shared>> -> memref<1024x16xf32, #tpu.memory_space<vmem_shared>>
    tpu.enqueue_indirect_dma source(%dma_start3A_4153 : memref<1024x16xf32, #tpu.memory_space<vmem_shared>>) target(%arg8 : memref<2048x16xf32, #tpu.memory_space<vmem>>) offsets(%arg6 : memref<2048xi32, #tpu.memory_space<vmem>>) semaphore(%arg12 : memref<!tpu.dma_semaphore, #tpu.memory_space<semaphore_mem>>)
    %dma_wait3A_4154 = arith.constant 0 : i32
    %dma_wait3A_4155 = arith.constant 0 : i32
    %dma_wait3A_4156 = tpu.memref_slice %arg5[%select_n3A_4070, %dma_wait3A_4154, %dma_wait3A_4155] : memref<50x1024x16xf32, #tpu.memory_space<vmem_shared>> -> memref<1x1024x16xf32, #tpu.memory_space<vmem_shared>>
    %dma_wait3A_4157 = tpu.memref_squeeze %dma_wait3A_4156 : memref<1x1024x16xf32, #tpu.memory_space<vmem_shared>> -> memref<1024x16xf32, #tpu.memory_space<vmem_shared>>
    %dma_wait3A_4158 = arith.constant 0 : i32
    %dma_wait3A_4159 = arith.constant 0 : i32
    %dma_wait3A_4160 = tpu.memref_slice %dma_wait3A_4157[%dma_wait3A_4158, %dma_wait3A_4159] : memref<1024x16xf32, #tpu.memory_space<vmem_shared>> -> memref<1024x16xf32, #tpu.memory_space<vmem_shared>>
    tpu.wait_indirect_dma semaphore(%arg12 : memref<!tpu.dma_semaphore, #tpu.memory_space<semaphore_mem>>) src(%dma_wait3A_4160 : memref<1024x16xf32, #tpu.memory_space<vmem_shared>>) dst(%arg8 : memref<2048x16xf32, #tpu.memory_space<vmem>>)
    %mul3A_4161 = arith.constant 16 : i32
    %mul3A_4162 = arith.muli %add3A_4091, %mul3A_4161 : i32
    %dma_start3A_4163 = tpu.memref_slice %arg4[%mul3A_4088, %mul3A_4162] : memref<16384x1600xf32, #tpu.memory_space<hbm>> -> memref<2048x16xf32, #tpu.memory_space<hbm>>
    %dma_start3A_4164 = tpu.memref_slice %arg4[%mul3A_4088, %mul3A_4162] : memref<16384x1600xf32, #tpu.memory_space<hbm>> -> memref<2048x16xf32, #tpu.memory_space<hbm>>
    tpu.enqueue_dma source(%arg8 : memref<2048x16xf32, #tpu.memory_space<vmem>>) target(%dma_start3A_4164 : memref<2048x16xf32, #tpu.memory_space<hbm>>) target_semaphore(%arg14 : memref<!tpu.dma_semaphore, #tpu.memory_space<semaphore_mem>>)
    %add3A_4165 = arith.constant 368 : i32
    %add3A_4166 = arith.addi %arg1, %add3A_4165 : i32
    %jit3A_4167 = arith.constant 8 : i32
    %div3A_4168 = arith.divsi %add3A_4166, %jit3A_4167 : i32
    %sign3A_4169 = arith.constant 0 : i32
    %sign3A_4170 = arith.cmpi sgt, %add3A_4166, %sign3A_4169 : i32
    %sign3A_4171 = arith.extui %sign3A_4170 : i1 to i32
    %sign3A_4172 = arith.constant 0 : i32
    %sign3A_4173 = arith.cmpi slt, %add3A_4166, %sign3A_4172 : i32
    %sign3A_4174 = arith.extui %sign3A_4173 : i1 to i32
    %sign3A_4175 = arith.subi %sign3A_4171, %sign3A_4174 : i32
    %sign3A_4176 = arith.constant 0 : i32
    %sign3A_4177 = arith.cmpi sgt, %jit3A_4167, %sign3A_4176 : i32
    %sign3A_4178 = arith.extui %sign3A_4177 : i1 to i32
    %sign3A_4179 = arith.constant 0 : i32
    %sign3A_4180 = arith.cmpi slt, %jit3A_4167, %sign3A_4179 : i32
    %sign3A_4181 = arith.extui %sign3A_4180 : i1 to i32
    %sign3A_4182 = arith.subi %sign3A_4178, %sign3A_4181 : i32
    %ne3A_4183 = arith.cmpi ne, %sign3A_4175, %sign3A_4182 : i32
    %rem3A_4184 = arith.remsi %add3A_4166, %jit3A_4167 : i32
    %ne3A_4185 = arith.constant 0 : i32
    %ne3A_4186 = arith.cmpi ne, %rem3A_4184, %ne3A_4185 : i32
    %and3A_4187 = arith.andi %ne3A_4183, %ne3A_4186 : i1
    %sub3A_4188 = arith.constant 1 : i32
    %sub3A_4189 = arith.subi %div3A_4168, %sub3A_4188 : i32
    %select_n3A_4190 = arith.select %and3A_4187, %sub3A_4189, %div3A_4168 : i32
    %jit3A_4191 = arith.constant 8 : i32
    %eq3A_4192 = arith.constant 0 : i32
    %eq3A_4193 = arith.cmpi eq, %jit3A_4191, %eq3A_4192 : i32
    %jit3A_4194 = arith.constant 1 : i32
    %select_n3A_4195 = arith.select %eq3A_4193, %jit3A_4194, %jit3A_4191 : i32
    %rem3A_4196 = arith.remsi %add3A_4166, %select_n3A_4195 : i32
    %ne3A_4197 = arith.constant 0 : i32
    %ne3A_4198 = arith.cmpi ne, %rem3A_4196, %ne3A_4197 : i32
    %lt3A_4199 = arith.constant 0 : i32
    %lt3A_4200 = arith.cmpi slt, %rem3A_4196, %lt3A_4199 : i32
    %lt3A_4201 = arith.constant 0 : i32
    %lt3A_4202 = arith.cmpi slt, %select_n3A_4195, %lt3A_4201 : i32
    %ne3A_4203 = arith.xori %lt3A_4200, %lt3A_4202 : i1
    %and3A_4204 = arith.andi %ne3A_4203, %ne3A_4198 : i1
    %add3A_4205 = arith.addi %rem3A_4196, %select_n3A_4195 : i32
    %select_n3A_4206 = arith.select %and3A_4204, %add3A_4205, %rem3A_4196 : i32
    %mul3A_4207 = arith.constant 2048 : i32
    %mul3A_4208 = arith.muli %select_n3A_4206, %mul3A_4207 : i32
    %mul3A_4209 = arith.constant 50 : i32
    %mul3A_4210 = arith.muli %arg0, %mul3A_4209 : i32
    %add3A_4211 = arith.addi %mul3A_4210, %select_n3A_4190 : i32
    %mul3A_4212 = arith.constant 16 : i32
    %mul3A_4213 = arith.muli %add3A_4211, %mul3A_4212 : i32
    %dma_wait3A_4214 = tpu.memref_slice %arg4[%mul3A_4208, %mul3A_4213] : memref<16384x1600xf32, #tpu.memory_space<hbm>> -> memref<2048x16xf32, #tpu.memory_space<hbm>>
    %dma_wait3A_4215 = tpu.memref_slice %arg4[%mul3A_4208, %mul3A_4213] : memref<16384x1600xf32, #tpu.memory_space<hbm>> -> memref<2048x16xf32, #tpu.memory_space<hbm>>
    tpu.wait_dma2 semaphore(%arg15 : memref<!tpu.dma_semaphore, #tpu.memory_space<semaphore_mem>>) src(%arg9 : memref<2048x16xf32, #tpu.memory_space<vmem>>) dst(%dma_wait3A_4215 : memref<2048x16xf32, #tpu.memory_space<hbm>>)
    %add3A_4216 = arith.constant 384 : i32
    %add3A_4217 = arith.addi %arg1, %add3A_4216 : i32
    %jit3A_4218 = arith.constant 8 : i32
    %div3A_4219 = arith.divsi %add3A_4217, %jit3A_4218 : i32
    %sign3A_4220 = arith.constant 0 : i32
    %sign3A_4221 = arith.cmpi sgt, %add3A_4217, %sign3A_4220 : i32
    %sign3A_4222 = arith.extui %sign3A_4221 : i1 to i32
    %sign3A_4223 = arith.constant 0 : i32
    %sign3A_4224 = arith.cmpi slt, %add3A_4217, %sign3A_4223 : i32
    %sign3A_4225 = arith.extui %sign3A_4224 : i1 to i32
    %sign3A_4226 = arith.subi %sign3A_4222, %sign3A_4225 : i32
    %sign3A_4227 = arith.constant 0 : i32
    %sign3A_4228 = arith.cmpi sgt, %jit3A_4218, %sign3A_4227 : i32
    %sign3A_4229 = arith.extui %sign3A_4228 : i1 to i32
    %sign3A_4230 = arith.constant 0 : i32
    %sign3A_4231 = arith.cmpi slt, %jit3A_4218, %sign3A_4230 : i32
    %sign3A_4232 = arith.extui %sign3A_4231 : i1 to i32
    %sign3A_4233 = arith.subi %sign3A_4229, %sign3A_4232 : i32
    %ne3A_4234 = arith.cmpi ne, %sign3A_4226, %sign3A_4233 : i32
    %rem3A_4235 = arith.remsi %add3A_4217, %jit3A_4218 : i32
    %ne3A_4236 = arith.constant 0 : i32
    %ne3A_4237 = arith.cmpi ne, %rem3A_4235, %ne3A_4236 : i32
    %and3A_4238 = arith.andi %ne3A_4234, %ne3A_4237 : i1
    %sub3A_4239 = arith.constant 1 : i32
    %sub3A_4240 = arith.subi %div3A_4219, %sub3A_4239 : i32
    %select_n3A_4241 = arith.select %and3A_4238, %sub3A_4240, %div3A_4219 : i32
    %jit3A_4242 = arith.constant 8 : i32
    %eq3A_4243 = arith.constant 0 : i32
    %eq3A_4244 = arith.cmpi eq, %jit3A_4242, %eq3A_4243 : i32
    %jit3A_4245 = arith.constant 1 : i32
    %select_n3A_4246 = arith.select %eq3A_4244, %jit3A_4245, %jit3A_4242 : i32
    %rem3A_4247 = arith.remsi %add3A_4217, %select_n3A_4246 : i32
    %ne3A_4248 = arith.constant 0 : i32
    %ne3A_4249 = arith.cmpi ne, %rem3A_4247, %ne3A_4248 : i32
    %lt3A_4250 = arith.constant 0 : i32
    %lt3A_4251 = arith.cmpi slt, %rem3A_4247, %lt3A_4250 : i32
    %lt3A_4252 = arith.constant 0 : i32
    %lt3A_4253 = arith.cmpi slt, %select_n3A_4246, %lt3A_4252 : i32
    %ne3A_4254 = arith.xori %lt3A_4251, %lt3A_4253 : i1
    %and3A_4255 = arith.andi %ne3A_4254, %ne3A_4249 : i1
    %add3A_4256 = arith.addi %rem3A_4247, %select_n3A_4246 : i32
    %select_n3A_4257 = arith.select %and3A_4255, %add3A_4256, %rem3A_4247 : i32
    %mul3A_4258 = arith.constant 2048 : i32
    %mul3A_4259 = arith.muli %select_n3A_4257, %mul3A_4258 : i32
    %mul3A_4260 = arith.constant 50 : i32
    %mul3A_4261 = arith.muli %arg0, %mul3A_4260 : i32
    %add3A_4262 = arith.addi %mul3A_4261, %select_n3A_4241 : i32
    %mul3A_4263 = arith.constant 16 : i32
    %mul3A_4264 = arith.muli %add3A_4262, %mul3A_4263 : i32
    %dma_wait3A_4265 = tpu.memref_slice %arg4[%mul3A_4259, %mul3A_4264] : memref<16384x1600xf32, #tpu.memory_space<hbm>> -> memref<2048x16xf32, #tpu.memory_space<hbm>>
    %dma_wait3A_4266 = tpu.memref_slice %arg4[%mul3A_4259, %mul3A_4264] : memref<16384x1600xf32, #tpu.memory_space<hbm>> -> memref<2048x16xf32, #tpu.memory_space<hbm>>
    tpu.wait_dma2 semaphore(%arg14 : memref<!tpu.dma_semaphore, #tpu.memory_space<semaphore_mem>>) src(%arg8 : memref<2048x16xf32, #tpu.memory_space<vmem>>) dst(%dma_wait3A_4266 : memref<2048x16xf32, #tpu.memory_space<hbm>>)
    return
  }
}

</mosaic_0001>

<sc_bundles>
// kernel: kernel.3.cloned.1.call-start
scs
__scs_entry_jumppad:
0x0: {  	(pc) =	sbr.rel $0x88, $3  }
0x1: {  	(tag) =	ssettag $0x0;
	lr =	simm.s32 $0x1  }
0x2: {  	[smem:$0x3F9F] =	sst lr;
	_ =	strace $0xD0000000  }
0x3: {  	_ = 	snop  }
0x4: {  	_ = 	snop  }
0x5: {  	_ = 	snop  }
0x6: {  	_ = 	snop  }
0x7: {  	_ = 	snop  }
__scs_overlays_trampoline_lowered:
0x8: {  	[smem:$0x3FAE] =	sst s0  }
0x9: {  	[smem:$0x3FAF] =	sst s1  }
0xa: {  	[smem:$0x3FB0] =	sst s2  }
0xb: {  	[smem:$0x3FB1] =	sst s3  }
0xc: {  	[smem:$0x3FB2] =	sst s4  }
0xd: {  	[smem:$0x3FB3] =	sst s5  }
0xe: {  	[smem:$0x3FB4] =	sst s6  }
0xf: {  	[smem:$0x3FB5] =	sst s7  }
0x10: {  	[smem:$0x3FB6] =	sst s8  }
0x11: {  	[smem:$0x3FB7] =	sst s9;
	s0 =	simm.s32 @!p0 $0x0  }
0x12: {  	s1 =	sld [smem:$0x3F9D];
	s0 =	simm.s32 @p0 $0x1  }
0x13: {  	[smem:$0x3FB8] =	sst s0;
	s0 =	simm.s32 @!p1 $0x0  }
0x14: {  	s2 =	sld [smem:$0x3F9C];
	s0 =	simm.s32 @p1 $0x1  }
0x15: {  	[smem:$0x3FB9] =	sst s0;
	s0 =	simm.s32 @!p2 $0x0  }
0x16: {  	s3 =	sld [smem:$0x3FDB];
	s0 =	simm.s32 @p2 $0x1  }
0x17: {  	s4 =	simm.s32 $0x1BF5;
	[smem:$0x3FBB] =	sst s0  }
0x18: {  	s0 =	sld [smem:$0x3F9E];
	_ =	swait.ge [sflag:s4], $0x0  }
0x19: {  	s7 =	sld [smem:$0x3F9F]  }
0x1a: {  	s8 =	sadd.s32 $0xFFFFE003, lr  }
0x1b: {  	s9 =	sadd.s32 $0xFFFFFEF7, lr;
	s5 =	simm.s32 $0xFFFFFFFF;
	p2 =	slt.u32 s8, $0xFFFFF086  }
0x1c: {  	p1 =	slt.u32 s9, $0xF7A;
	s5 =	simm.s32 @!p2 $0x0  }
0x1d: {  	s5 =	simm.s32 @p1 $0x1;
	p0 =	seq.s32 s7, s2  }
0x1e: {  	s7 =	smul.u32 @!p0 $0xF7A, s2;
	p2 =	seq.s32 @!p0 s5, $0x0  }
0x1f: {  	s9 =	smul.u32 $0xF7A, s1;
	s8 =	simm.s32 @!p0 $0x1BF5;
	p2 =	por !p2, p0  }
0x20: {  	[sflag:s8] =	ssyncset.s32 @!p0 $0xFFFFF086;
	s6 =	sadd.s32 @!p0 s3, s7;
	s7 =	simm.s32 @!p0 $0x108  }
0x21: {  	s3 =	sadd.s32 s3, s9;
	s6 =	sadd.s32 @!p0 $0x88, s6;
	s7 =	simm.s32 @p2 $0x1082  }
0x22: {  	[simem:s7], [sflag:s8] =	dma.local @!p0 [hbm:s6], $0xF7A  }
0x23: {  	s9 =	sor.u32 $0xD0000000, s2;
	s6 =	simm.s32 $0x108;
	_ =	swait.ge @!p0 [sflag:s8], $0x0  }
0x24: {  	s3 =	sadd.s32 $0x88, s3;
	s6 =	simm.s32 @!p1 $0x1082;
	[sflag:s4] =	ssyncset.s32 $0xFFFFF086  }
0x25: {  	[simem:s6], [sflag:s4] =	dma.local [hbm:s3], $0xF7A  }
0x26: {  	[smem:$0x3F9F] =	sst s1;
	(tag) =	ssettag s2;
	_ =	strace s9  }
0x27: {  	s1 =	sld [smem:$0x3FAF]  }
0x28: {  	s2 =	sld [smem:$0x3FB0]  }
0x29: {  	s4 =	sld [smem:$0x3FB2]  }
0x2a: {  	p0 =	seq.s32 s5, $0x0;
	s5 =	sld [smem:$0x3FB3]  }
0x2b: {  	s6 =	sld [smem:$0x3FB4]  }
0x2c: {  	s7 =	sld [smem:$0x3FB5]  }
0x2d: {  	s3 =	simm.s32 $0x108;
	s8 =	sld [smem:$0x3FB6]  }
0x2e: {  	s3 =	simm.s32 @!p0 $0x1082;
	s9 =	sld [smem:$0x3FB7]  }
0x2f: {  	lr =	sadd.s32 s0, s3;
	s0 =	sld [smem:$0x3FAE]  }
0x30: {  	s3 =	sld [smem:$0x3FB1]  }
0x31: {  	[smem:$0x3FBA] =	sst s10  }
0x32: {  	s10 =	sld [smem:$0x3FB8];
	_ =	sdelay $0x3  }
0x33: {  	p0 =	seq.s32 s10, $0x1;
	s10 =	sld [smem:$0x3FBA];
	_ =	sdelay $0x3  }
0x34: {  	[smem:$0x3FBA] =	sst s10  }
0x35: {  	s10 =	sld [smem:$0x3FB9];
	_ =	sdelay $0x3  }
0x36: {  	p1 =	seq.s32 s10, $0x1;
	s10 =	sld [smem:$0x3FBA];
	_ =	sdelay $0x3  }
0x37: {  	[smem:$0x3FBA] =	sst s10  }
0x38: {  	s10 =	sld [smem:$0x3FBB]  }
0x39: {  	_ = 	snop;
	(pc) =	sbr.ind lr, $3  }
0x3a: {  	_ = 	snop  }
0x3b: {  	_ = 	snop  }
0x3c: {  	p2 =	seq.s32 s10, $0x1;
	s10 =	sld [smem:$0x3FBA]  }
0x3d: {  	_ =	shalt  }
0x3e: {  	_ =	shalt  }
0x3f: {  	_ =	shalt  }
0x40: {  	_ =	shalt  }
0x41: {  	_ =	shalt  }
0x42: {  	_ =	shalt  }
0x43: {  	_ =	shalt  }
0x44: {  	_ =	shalt  }
0x45: {  	_ =	shalt  }
0x46: {  	_ =	shalt  }
0x47: {  	_ =	shalt  }
0x48: {  	_ =	shalt  }
0x49: {  	_ =	shalt  }
0x4a: {  	_ =	shalt  }
0x4b: {  	_ =	shalt  }
0x4c: {  	_ =	shalt  }
0x4d: {  	_ =	shalt  }
0x4e: {  	_ =	shalt  }
0x4f: {  	_ =	shalt  }
0x50: {  	_ =	shalt  }
0x51: {  	_ =	shalt  }
0x52: {  	_ =	shalt  }
0x53: {  	_ =	shalt  }
0x54: {  	_ =	shalt  }
0x55: {  	_ =	shalt  }
0x56: {  	_ =	shalt  }
0x57: {  	_ =	shalt  }
0x58: {  	_ =	shalt  }
0x59: {  	_ =	shalt  }
0x5a: {  	_ =	shalt  }
0x5b: {  	_ =	shalt  }
0x5c: {  	_ =	shalt  }
0x5d: {  	_ =	shalt  }
0x5e: {  	_ =	shalt  }
0x5f: {  	_ =	shalt  }
0x60: {  	_ =	shalt  }
0x61: {  	_ =	shalt  }
0x62: {  	_ =	shalt  }
0x63: {  	_ =	shalt  }
0x64: {  	_ =	shalt  }
0x65: {  	_ =	shalt  }
0x66: {  	_ =	shalt  }
0x67: {  	_ =	shalt  }
0x68: {  	_ =	shalt  }
0x69: {  	_ =	shalt  }
0x6a: {  	_ =	shalt  }
0x6b: {  	_ =	shalt  }
0x6c: {  	_ =	shalt  }
0x6d: {  	_ =	shalt  }
0x6e: {  	_ =	shalt  }
0x6f: {  	_ =	shalt  }
0x70: {  	_ =	shalt  }
0x71: {  	_ =	shalt  }
0x72: {  	_ =	shalt  }
0x73: {  	_ =	shalt  }
0x74: {  	_ =	shalt  }
0x75: {  	_ =	shalt  }
0x76: {  	_ =	shalt  }
0x77: {  	_ =	shalt  }
0x78: {  	_ =	shalt  }
0x79: {  	_ =	shalt  }
0x7a: {  	_ =	shalt  }
0x7b: {  	_ =	shalt  }
0x7c: {  	_ =	shalt  }
0x7d: {  	_ =	shalt  }
0x7e: {  	_ =	shalt  }
0x7f: {  	_ =	shalt  }
0x80: {  	_ =	shalt  }
0x81: {  	_ =	shalt  }
0x82: {  	_ =	shalt  }
0x83: {  	_ =	shalt  }
0x84: {  	_ =	shalt  }
0x85: {  	_ =	shalt  }
0x86: {  	_ =	shalt  }
0x87: {  	_ =	shalt  }
.Lfunc_end0:
.L_simem_size_0:
called_computation.1_lowered:
.L_overlay_start_0:
0x88: {  	s2 =	sld [smem:$0x3FD9]  }
0x89: {  	s3 =	sld [smem:$0x3FFE];
	_ =	sdelay $0x1  }
0x8a: {  	s1 =	srdreg.scid  }
0x8b: {  	s0 =	sand.u32 $0x1, s1  }
0x8c: {  	s17 =	sshll.u32 s0, $0xA;
	s2 =	sadd.s32 s3, s2  }
0x8d: {  	s2 =	sadd.s32 s2, s17  }
0x8e: {  	[smem:$0x3FC6] =	sst s2  }
0x8f: {  	_ = 	snop  }
0x90: {  	s2 =	sld [smem:$0x3FD0];
	(tm) =	ssettm $0x1  }
0x91: {  	s18 =	sld [smem:$0x3FFB];
	_ =	sdelay $0x3  }
0x92: {  	_ =	strace s18  }
0x93: {  	s3 =	sld [smem:$0x3FFC];
	_ =	sdelay $0x3  }
0x94: {  	_ =	strace s3  }
0x95: {  	s3 =	sld [smem:$0x3FFD];
	_ =	sdelay $0x3  }
0x96: {  	_ =	strace s3  }
0x97: {  	_ =	strace $0x8FFFFFFF  }
0x98: {  	s19 =	sld [smem:$0x3FDB];
	_ =	sdelay $0x1  }
0x99: {  	s4 =	simm.s32 $_scs_section_size  }
0x9a: {  	s5 =	simm.s32 $_size__tile_overlayer_lowered;
	s6 =	simm.s32 $_tile_overlayer_lowered  }
0x9b: {  	s22 =	simm.s32 $0x1BFF;
	s21 =	sshll.u32 s6, $0x1;
	s3 =	sadd.s32 s4, s19  }
0x9c: {  	s7 =	simm.s32 $0x0;
	s20 =	sshll.u32 s5, $0x1;
	s5 =	sadd.s32 s21, s3  }
0x9d: {  	[timem:s7], [sflag:s22] =	dma.local [hbm:s5], s20  }
0x9e: {  	_ =	swait.ge [sflag:s22], s20  }
0x9f: {  	s4 =	ssub.s32 $0x0, s20;
	[sflag:s22] =	ssyncset.done $0x0  }
0xa0: {  	[sflag:s22] =	ssyncadd.s32 s4;
	_ =	sdelay $0x1  }
0xa1: {  	s23 =	simm.s32 $0x1B8B  }
0xa2: {  	_ =	swait.ge [sflag:s23], $0x1  }
0xa3: {  	[sflag:s23] =	ssyncset.done $0x0  }
0xa4: {  	s25 =	simm.s32 $0x1B8E;
	s24 =	sld [smem:$0x3FFE];
	[sflag:s23] =	ssyncadd.s32 $0xFFFFFFFF  }
0xa5: {  	s26 =	simm.s32 $execute0_lowered;
	[smem:$0x3FD2] =	sst s25  }
0xa6: {  	s5 =	sshll.u32 s26, $0x1;
	_ =	strace $0x80000046;
	[dreg:$0x1] =	wrdreg $0xFFFFFFFF  }
0xa7: {  	s28 =	simm.s32 $_size_execute0_lowered;
	s3 =	sadd.s32 s3, s5;
	[dreg:$0x0] =	wrdreg $0x0  }
0xa8: {  	s5 =	sshll.u32 s28, $0x1;
	[dreg:$0x2] =	wrdreg s3  }
0xa9: {  	[dreg:$0x3] =	wrdreg s5  }
0xaa: {  	[dreg:$0x4] =	wrdreg $0xC0  }
0xab: {  	_ =	task [dreg:s7], $0x5FFFF  }
0xac: {  	[dreg:$0x1] =	wrdreg $0xFFFFFFFF  }
0xad: {  	[dreg:$0x0] =	wrdreg $0x60  }
0xae: {  	[dreg:$0x2] =	wrdreg s24  }
0xaf: {  	[dreg:$0x3] =	wrdreg s2  }
0xb0: {  	[dreg:$0x4] =	wrdreg $0x0  }
0xb1: {  	[dreg:$0x5] =	wrdreg $0x9  }
0xb2: {  	_ =	task.clear_ibuf [dreg:s7], $0x6FFFF;
	_ =	strace $0x90000046  }
0xb3: {  	s29 =	simm.s32 $0x9;
	_ =	strace $0x80000048  }
0xb4: {  	_ =	swait.ge [sflag:s29], $0x1  }
0xb5: {  	[sflag:s29] =	ssyncadd.s32 $0xFFFFFFFF  }
0xb6: {  	_ =	strace $0x90000048  }
0xb7: {  	_ =	sfence  }
0xb8: {  	s30 =	sld [smem:$0x0];
	_ =	sdelay $0x2  }
0xb9: {  	s31 =	sshll.u32 s1, $0xD;
	s1 =	sshrl.u32 s1, $0x2  }
0xba: {  	s3 =	sand.u32 $0x4000, s31;
	s1 =	sadd.s32 s1, s30  }
0xbb: {  	s0 =	sor.u32 s3, s0;
	s1 =	sshll.u32 s1, $0x11  }
0xbc: {  	s0 =	sor.u32 s1, s0  }
0xbd: {  	s0 =	sadd.s32 $0x8F2B, s0  }
0xbe: {  	[sflag:s0] =	ssyncadd.remote.s32 $0x1  }
0xbf: {  	_ =	sfence.sel $0xFFFF  }
0xc0: {  	[dreg:$0x0] =	wrdreg $0xFFFFFFFF;
	(pc) =	sbr.abs _section_cstart, $3  }
0xc1: {  	[dreg:$0x1] =	wrdreg $0xFFFFFFFF  }
0xc2: {  	_ =	task.clear_ibuf [dreg:s7], $0x2FFFF;
	_ =	strace $0x9FFFFFFF  }
0xc3: {  	(tm) =	ssettm $0x7FFFFFFF  }
tec
execute0_lowered:
.L_overlay_start_1:
0x0: {  	(tag) =	ssettag $0x1  }
0x1: {  	s0 =	rddreg [dreg:$0x0]  }
0x2: {  	s2 =	srdreg.scid;
	s1 =	rddreg [dreg:$0x1]  }
0x3: {  	s29 =	stileid.u32;
	s3 =	rddreg [dreg:$0x2];
	s30 =	simm.s32 $0x7  }
0x4: {  	p0 =	por $0x0, $0x0;
	s28 =	simm.s32 $0x2;
	s5 =	sand.u32 $0x1, s2  }
0x5: {  	s4 =	sshll.u32 s29, $0xA;
	s2 =	simm.s32 $0x0;
	s7 =	sadd.s32 $0x800, s0  }
0x6: {  	s9 =	sshrl.u32 s29, $0x3;
	s17 =	sand.u32 $0x7, s29;
	s18 =	sshll.u32 s29, $0x6  }
0x7: {  	s22 =	sshll.u32 s29, $0xB;
	s6 =	smul.u32 $0xC8000, s5;
	[smem:$0x7FF] =	sst s2  }
0x8: {  	s15 =	ssub.s32 $0x2, s5;
	s10 =	sshll.u32 s17, $0x8;
	s20 =	sor.u32 $0x2, s9  }
0x9: {  	s21 =	sshll.u32 s9, $0xE;
	s25 =	sor.u32 $0x4, s9;
	s6 =	sor.u32 s4, s6  }
0xa: {  	_ =	strace $0x80000047;
	s10 =	sadd.s32 s7, s10;
	s6 =	sshrl.u32 s6, $0x3  }
0xb: {  	s13 =	sshrl.u32 s15, $0x1;
	s8 =	sadd.s32 s6, s0;
	s6 =	smul.u32 $0x32, s5  }
0xc: {  	s5 =	smul.u32 $0x320000, s17;
	s0 =	sshll.u32 s20, $0xE;
	s16 =	sadd.s32 $0x32800, s8  }
0xd: {  	s17 =	sor.u32 $0x6, s9;
	s8 =	sor.u32 $0x1C07, s18;
	[dreg:$0x4] =	wrdreg s16  }
0xe: {  	s0 =	sadd.s32 s0, s3;
	s12 =	sor.u32 s9, s6;
	[dreg:$0x5] =	wrdreg s8  }
0xf: {  	s23 =	sadd.s32 s6, s20;
	s8 =	sadd.s32 s21, s3;
	s26 =	sadd.s32 s6, s25  }
0x10: {  	[dreg:$0xa] =	wrdreg s0;
	s11 =	sshll.u32 s12, $0xB;
	s14 =	sshll.u32 s23, $0xE  }
0x11: {  	s12 =	sshll.u32 s12, $0x4;
	[dreg:$0x7] =	wrdreg s8;
	s16 =	sshll.u32 s23, $0x4  }
0x12: {  	s23 =	sor.u32 $0x8, s9;
	s19 =	sadd.s32 s11, s10;
	s11 =	ssub.s32 s15, s13  }
0x13: {  	s10 =	sand.u32 $0x3800, s22;
	s5 =	sor.u32 s5, s12;
	s12 =	sshll.u32 s26, $0xE  }
0x14: {  	s13 =	sshll.u32 s17, $0xE;
	[dreg:$0x6] =	wrdreg s19;
	s14 =	sor.u32 s10, s14  }
0x15: {  	s5 =	sshrl.u32 s5, $0x3;
	s19 =	sadd.s32 s6, s17;
	s13 =	sadd.s32 s13, s3  }
0x16: {  	s17 =	sor.u32 $0xA, s9;
	s24 =	sshrl.u32 s14, $0x3;
	s5 =	sadd.s32 s1, s5  }
0x17: {  	s14 =	sshll.u32 s25, $0xE;
	s25 =	sadd.s32 s6, s23;
	[dreg:$0x10] =	wrdreg s13  }
0x18: {  	s13 =	sshll.u32 s17, $0xE;
	s8 =	sadd.s32 s7, s24;
	[dreg:$0x9] =	wrdreg s5  }
0x19: {  	s5 =	sor.u32 s10, s12;
	s12 =	smul.u32 $0x640, s10;
	s20 =	sadd.s32 s14, s3  }
0x1a: {  	s14 =	sshll.u32 s23, $0xE;
	[dreg:$0x8] =	wrdreg s8;
	s15 =	sshrl.u32 s5, $0x3  }
0x1b: {  	[dreg:$0xd] =	wrdreg s20;
	s8 =	sshll.u32 s26, $0x4;
	s26 =	sshll.u32 s25, $0xE  }
0x1c: {  	s0 =	sadd.s32 s7, s15;
	s5 =	sor.u32 s12, s16;
	s15 =	sshll.u32 s19, $0xE  }
0x1d: {  	s8 =	sor.u32 s12, s8;
	[dreg:$0xb] =	wrdreg s0;
	s18 =	sshrl.u32 s5, $0x3  }
0x1e: {  	s21 =	sor.u32 s10, s15;
	s24 =	sshrl.u32 s8, $0x3;
	s15 =	sor.u32 s10, s26  }
0x1f: {  	s5 =	sshll.u32 s19, $0x4;
	s19 =	sadd.s32 s6, s17;
	s8 =	sshll.u32 s25, $0x4  }
0x20: {  	s0 =	sadd.s32 s1, s18;
	s22 =	sshrl.u32 s21, $0x3;
	s16 =	sshrl.u32 s15, $0x3  }
0x21: {  	s5 =	sor.u32 s12, s5;
	s20 =	sshll.u32 s19, $0xE;
	s21 =	sadd.s32 s14, s3  }
0x22: {  	s8 =	sor.u32 s12, s8;
	[dreg:$0xc] =	wrdreg s0;
	s0 =	sadd.s32 s7, s22  }
0x23: {  	s18 =	sshrl.u32 s5, $0x3;
	s22 =	sor.u32 s10, s20;
	[dreg:$0x13] =	wrdreg s21  }
0x24: {  	s25 =	sshrl.u32 s8, $0x3;
	s5 =	sshll.u32 s19, $0x4;
	s19 =	sor.u32 $0xE, s9  }
0x25: {  	[dreg:$0xe] =	wrdreg s0;
	s0 =	sadd.s32 s1, s24;
	s23 =	sshrl.u32 s22, $0x3  }
0x26: {  	s24 =	sor.u32 $0xC, s9;
	s5 =	sor.u32 s12, s5;
	s21 =	sadd.s32 s6, s19  }
0x27: {  	[dreg:$0xf] =	wrdreg s0;
	s0 =	sadd.s32 s7, s16;
	s8 =	sadd.s32 s6, s24  }
0x28: {  	s16 =	sadd.s32 s13, s3;
	s20 =	sshrl.u32 s5, $0x3;
	s14 =	sshll.u32 s24, $0xE  }
0x29: {  	s22 =	sshll.u32 s21, $0xE;
	s13 =	sshll.u32 s19, $0xE;
	s5 =	sshll.u32 s21, $0x4  }
0x2a: {  	s21 =	sor.u32 $0x12, s9;
	[dreg:$0x11] =	wrdreg s0;
	s0 =	sadd.s32 s1, s18  }
0x2b: {  	s26 =	sshll.u32 s8, $0xE;
	[dreg:$0x16] =	wrdreg s16;
	s24 =	sor.u32 s10, s22  }
0x2c: {  	s8 =	sshll.u32 s8, $0x4;
	s5 =	sor.u32 s12, s5;
	[dreg:$0x12] =	wrdreg s0  }
0x2d: {  	s0 =	sadd.s32 s7, s23;
	s17 =	sor.u32 s10, s26;
	s23 =	sadd.s32 s14, s3  }
0x2e: {  	s8 =	sor.u32 s12, s8;
	s26 =	sor.u32 $0x10, s9;
	s22 =	sshrl.u32 s5, $0x3  }
0x2f: {  	[dreg:$0x14] =	wrdreg s0;
	s0 =	sadd.s32 s1, s25;
	s18 =	sshrl.u32 s17, $0x3  }
0x30: {  	[dreg:$0x19] =	wrdreg s23;
	s25 =	sshrl.u32 s24, $0x3;
	s15 =	sshrl.u32 s8, $0x3  }
0x31: {  	s16 =	sadd.s32 s6, s26;
	s23 =	sadd.s32 s6, s21;
	s14 =	sshll.u32 s26, $0xE  }
0x32: {  	[dreg:$0x15] =	wrdreg s0;
	s0 =	sadd.s32 s7, s18;
	s17 =	sshll.u32 s16, $0xE  }
0x33: {  	s18 =	sadd.s32 s13, s3;
	s24 =	sshll.u32 s23, $0xE;
	s8 =	sshll.u32 s16, $0x4  }
0x34: {  	s16 =	sor.u32 $0x14, s9;
	s13 =	sshll.u32 s21, $0xE;
	s5 =	sshll.u32 s23, $0x4  }
0x35: {  	s23 =	sor.u32 $0x16, s9;
	[dreg:$0x17] =	wrdreg s0;
	s0 =	sadd.s32 s1, s20  }
0x36: {  	s19 =	sor.u32 s10, s17;
	[dreg:$0x1c] =	wrdreg s18;
	s26 =	sor.u32 s10, s24  }
0x37: {  	s8 =	sor.u32 s12, s8;
	s18 =	sadd.s32 s6, s16;
	s5 =	sor.u32 s12, s5  }
0x38: {  	[dreg:$0x18] =	wrdreg s0;
	s0 =	sadd.s32 s7, s25;
	s20 =	sshrl.u32 s19, $0x3  }
0x39: {  	s25 =	sadd.s32 s14, s3;
	s17 =	sshrl.u32 s8, $0x3;
	s19 =	sshll.u32 s18, $0xE  }
0x3a: {  	s24 =	sshrl.u32 s5, $0x3;
	s14 =	sshll.u32 s16, $0xE;
	[dreg:$0x1a] =	wrdreg s0  }
0x3b: {  	s8 =	sshll.u32 s18, $0x4;
	s0 =	sadd.s32 s1, s15;
	[dreg:$0x1f] =	wrdreg s25  }
0x3c: {  	s15 =	sshrl.u32 s26, $0x3;
	s21 =	sor.u32 s10, s19;
	s25 =	sadd.s32 s6, s23  }
0x3d: {  	s14 =	sadd.s32 s14, s3;
	s8 =	sor.u32 s12, s8;
	[dreg:$0x1b] =	wrdreg s0  }
0x3e: {  	s0 =	sadd.s32 s7, s20;
	s20 =	sadd.s32 s13, s3;
	s26 =	sshll.u32 s25, $0xE  }
0x3f: {  	[smem:$0x7DB] =	sst s14;
	s18 =	sshrl.u32 s8, $0x3;
	s13 =	sshll.u32 s23, $0xE  }
0x40: {  	s5 =	sshll.u32 s25, $0x4;
	[dreg:$0x1d] =	wrdreg s0;
	s0 =	sadd.s32 s1, s22  }
0x41: {  	[smem:$0x7D8] =	sst s20;
	s22 =	sshrl.u32 s21, $0x3;
	s21 =	sadd.s32 s13, s3  }
0x42: {  	s5 =	sor.u32 s12, s5;
	[dreg:$0x1e] =	wrdreg s0;
	s0 =	sadd.s32 s7, s15  }
0x43: {  	s15 =	sor.u32 s10, s26;
	[smem:$0x7DE] =	sst s21;
	s25 =	sshrl.u32 s5, $0x3  }
0x44: {  	[smem:$0x7D6] =	sst s0;
	s0 =	sadd.s32 s1, s17;
	s16 =	sshrl.u32 s15, $0x3  }
0x45: {  	s17 =	sor.u32 $0x18, s9;
	[smem:$0x7D7] =	sst s0;
	s0 =	sadd.s32 s7, s22  }
0x46: {  	s19 =	sadd.s32 s6, s17;
	s14 =	sshll.u32 s17, $0xE;
	[smem:$0x7D9] =	sst s0  }
0x47: {  	s0 =	sadd.s32 s1, s24;
	s20 =	sshll.u32 s19, $0xE;
	s24 =	sor.u32 $0x1A, s9  }
0x48: {  	s8 =	sshll.u32 s19, $0x4;
	s19 =	sor.u32 $0x1C, s9;
	[smem:$0x7DA] =	sst s0  }
0x49: {  	s0 =	sadd.s32 s7, s16;
	s22 =	sor.u32 s10, s20;
	s5 =	sadd.s32 s6, s24  }
0x4a: {  	s16 =	sadd.s32 s14, s3;
	s8 =	sor.u32 s12, s8;
	s21 =	sadd.s32 s6, s19  }
0x4b: {  	s13 =	sshll.u32 s24, $0xE;
	s14 =	sshll.u32 s19, $0xE;
	[smem:$0x7DC] =	sst s0  }
0x4c: {  	s0 =	sadd.s32 s1, s18;
	s23 =	sshrl.u32 s22, $0x3;
	s26 =	sshll.u32 s5, $0xE  }
0x4d: {  	[smem:$0x7E1] =	sst s16;
	s20 =	sshrl.u32 s8, $0x3;
	s22 =	sshll.u32 s21, $0xE  }
0x4e: {  	s5 =	sshll.u32 s5, $0x4;
	s8 =	sshll.u32 s21, $0x4;
	s21 =	sor.u32 $0x20, s9  }
0x4f: {  	[smem:$0x7DD] =	sst s0;
	s0 =	sadd.s32 s7, s23;
	s17 =	sor.u32 s10, s26  }
0x50: {  	s23 =	sadd.s32 s13, s3;
	s24 =	sor.u32 s10, s22;
	s5 =	sor.u32 s12, s5  }
0x51: {  	s26 =	sor.u32 $0x1E, s9;
	s8 =	sor.u32 s12, s8;
	[smem:$0x7DF] =	sst s0  }
0x52: {  	s0 =	sadd.s32 s1, s25;
	s18 =	sshrl.u32 s17, $0x3;
	[smem:$0x7E4] =	sst s23  }
0x53: {  	s25 =	sshrl.u32 s24, $0x3;
	s15 =	sshrl.u32 s5, $0x3;
	s16 =	sadd.s32 s6, s26  }
0x54: {  	s22 =	sshrl.u32 s8, $0x3;
	s23 =	sadd.s32 s6, s21;
	s13 =	sshll.u32 s26, $0xE  }
0x55: {  	[smem:$0x7E0] =	sst s0;
	s0 =	sadd.s32 s7, s18;
	s17 =	sshll.u32 s16, $0xE  }
0x56: {  	s18 =	sadd.s32 s14, s3;
	s24 =	sshll.u32 s23, $0xE;
	s5 =	sshll.u32 s16, $0x4  }
0x57: {  	s16 =	sor.u32 $0x22, s9;
	s14 =	sshll.u32 s21, $0xE;
	s8 =	sshll.u32 s23, $0x4  }
0x58: {  	s23 =	sor.u32 $0x24, s9;
	[smem:$0x7E2] =	sst s0;
	s0 =	sadd.s32 s1, s20  }
0x59: {  	s19 =	sor.u32 s10, s17;
	[smem:$0x7E7] =	sst s18;
	s26 =	sor.u32 s10, s24  }
0x5a: {  	s5 =	sor.u32 s12, s5;
	s18 =	sadd.s32 s6, s16;
	s8 =	sor.u32 s12, s8  }
0x5b: {  	[smem:$0x7E3] =	sst s0;
	s0 =	sadd.s32 s7, s25;
	s20 =	sshrl.u32 s19, $0x3  }
0x5c: {  	s25 =	sadd.s32 s13, s3;
	s17 =	sshrl.u32 s5, $0x3;
	s19 =	sshll.u32 s18, $0xE  }
0x5d: {  	s24 =	sshrl.u32 s8, $0x3;
	s13 =	sshll.u32 s16, $0xE;
	[smem:$0x7E5] =	sst s0  }
0x5e: {  	s5 =	sshll.u32 s18, $0x4;
	s0 =	sadd.s32 s1, s15;
	[smem:$0x7EA] =	sst s25  }
0x5f: {  	s15 =	sshrl.u32 s26, $0x3;
	s21 =	sor.u32 s10, s19;
	s25 =	sadd.s32 s6, s23  }
0x60: {  	s13 =	sadd.s32 s13, s3;
	s5 =	sor.u32 s12, s5;
	[smem:$0x7E6] =	sst s0  }
0x61: {  	s0 =	sadd.s32 s7, s20;
	s20 =	sadd.s32 s14, s3;
	s26 =	sshll.u32 s25, $0xE  }
0x62: {  	[smem:$0x7F0] =	sst s13;
	s19 =	sshrl.u32 s5, $0x3;
	s14 =	sshll.u32 s23, $0xE  }
0x63: {  	s8 =	sshll.u32 s25, $0x4;
	s25 =	sor.u32 $0x28, s9;
	[smem:$0x7E8] =	sst s0  }
0x64: {  	s0 =	sadd.s32 s1, s22;
	[smem:$0x7ED] =	sst s20;
	s22 =	sshrl.u32 s21, $0x3  }
0x65: {  	s8 =	sor.u32 s12, s8;
	[smem:$0x7E9] =	sst s0;
	s0 =	sadd.s32 s7, s15  }
0x66: {  	s15 =	sor.u32 s10, s26;
	s18 =	sshrl.u32 s8, $0x3;
	[smem:$0x7EB] =	sst s0  }
0x67: {  	s0 =	sadd.s32 s1, s17;
	s16 =	sshrl.u32 s15, $0x3;
	s17 =	sor.u32 $0x26, s9  }
0x68: {  	[smem:$0x7EC] =	sst s0;
	s0 =	sadd.s32 s7, s22;
	s20 =	sadd.s32 s6, s17  }
0x69: {  	s22 =	sadd.s32 s14, s3;
	s13 =	sshll.u32 s17, $0xE;
	[smem:$0x7EE] =	sst s0  }
0x6a: {  	s14 =	sshll.u32 s25, $0xE;
	s0 =	sadd.s32 s1, s24;
	[smem:$0x7F3] =	sst s22  }
0x6b: {  	s21 =	sshll.u32 s20, $0xE;
	s13 =	sadd.s32 s13, s3;
	[smem:$0x7EF] =	sst s0  }
0x6c: {  	s5 =	sshll.u32 s20, $0x4;
	s0 =	sadd.s32 s7, s16;
	[smem:$0x7F6] =	sst s13  }
0x6d: {  	s23 =	sor.u32 s10, s21;
	s5 =	sor.u32 s12, s5;
	[smem:$0x7F1] =	sst s0  }
0x6e: {  	s0 =	sadd.s32 s1, s19;
	s24 =	sshrl.u32 s23, $0x3;
	s19 =	sadd.s32 s6, s25  }
0x6f: {  	s20 =	sshrl.u32 s5, $0x3;
	s23 =	sadd.s32 s14, s3;
	[smem:$0x7F2] =	sst s0  }
0x70: {  	s0 =	sadd.s32 s7, s24;
	s26 =	sshll.u32 s19, $0xE;
	[smem:$0x7F9] =	sst s23  }
0x71: {  	[smem:$0x7F4] =	sst s0;
	s0 =	sadd.s32 s1, s18;
	s16 =	sor.u32 s10, s26  }
0x72: {  	s18 =	sor.u32 $0x2A, s9;
	s26 =	sshll.u32 s19, $0x4;
	s19 =	sor.u32 $0x2C, s9  }
0x73: {  	[smem:$0x7F5] =	sst s0;
	s17 =	sshrl.u32 s16, $0x3;
	s21 =	sadd.s32 s6, s18  }
0x74: {  	s8 =	sshll.u32 s18, $0xE;
	s16 =	sor.u32 $0x2E, s9;
	s0 =	sadd.s32 s7, s17  }
0x75: {  	s22 =	sshll.u32 s21, $0xE;
	s17 =	sadd.s32 s4, s3;
	s4 =	sor.u32 s12, s26  }
0x76: {  	s31 =	sadd.s32 s8, s3;
	s5 =	sshll.u32 s21, $0x4;
	s18 =	sadd.s32 s6, s16  }
0x77: {  	s21 =	sshll.u32 s19, $0xE;
	s8 =	sshll.u32 s16, $0xE;
	[smem:$0x7F7] =	sst s0  }
0x78: {  	s0 =	sadd.s32 s1, s20;
	s24 =	sor.u32 s10, s22;
	s20 =	sadd.s32 s6, s19  }
0x79: {  	s15 =	sor.u32 s12, s5;
	s22 =	sshll.u32 s18, $0xE;
	s5 =	sadd.s32 s21, s3  }
0x7a: {  	s19 =	sor.u32 $0x30, s9;
	s21 =	sshll.u32 s18, $0x4;
	[smem:$0x7F8] =	sst s0  }
0x7b: {  	s25 =	sshrl.u32 s24, $0x3;
	s13 =	sshll.u32 s20, $0xE;
	s23 =	sor.u32 s10, s22  }
0x7c: {  	s24 =	sshll.u32 s20, $0x4;
	s26 =	sadd.s32 s6, s19;
	s6 =	sadd.s32 s8, s3  }
0x7d: {  	s20 =	simm.s32 $0x5;
	s0 =	sadd.s32 s7, s25;
	s14 =	sor.u32 s10, s13  }
0x7e: {  	s25 =	sor.u32 s12, s24;
	s13 =	sshll.u32 s26, $0xE;
	s22 =	sshll.u32 s26, $0x4  }
0x7f: {  	s26 =	smax.u32 s11, $0x1;
	s11 =	simm.s32 $0x800;
	[smem:$0x7FA] =	sst s0  }
0x80: {  	s0 =	sshrl.u32 s4, $0x3;
	s24 =	sor.u32 s12, s22;
	p1 =	sne.s32 s26, $0x1  }
0x81: {  	s22 =	simm.s32 $0x640;
	s0 =	sadd.s32 s1, s0;
	s18 =	sshrl.u32 s24, $0x3  }
0x82: {  	s24 =	simm.s32 $0xD000;
	[smem:$0x7FB] =	sst s0;
	s0 =	sshrl.u32 s14, $0x3  }
0x83: {  	s14 =	sor.u32 s10, s13;
	s4 =	sadd.s32 s7, s0;
	s0 =	sshrl.u32 s15, $0x3  }
0x84: {  	s15 =	sadd.s32 s1, s0;
	s0 =	sshrl.u32 s23, $0x3;
	s23 =	sor.u32 s12, s21  }
0x85: {  	s21 =	simm.s32 $0x1;
	s12 =	simm.s32 $0xD800;
	s9 =	sadd.s32 s7, s0  }
0x86: {  	s0 =	sshrl.u32 s25, $0x3;
	s25 =	sshll.u32 s19, $0xE;
	s19 =	simm.s32 $0x10  }
0x87: {  	s16 =	sadd.s32 s1, s0;
	s0 =	sshrl.u32 s14, $0x3;
	s8 =	sadd.s32 s25, s3  }
.Ltmp0:
0x88: {  	s3 =	sadd.s32 s1, s18;
	s14 =	sshrl.u32 s17, $0x3;
	(pc) =	sbr.rel @!p1 .LBB2_1-.Ltmp0, $4  }
0x89: {  	s17 =	simm.s32 $0xC800;
	s18 =	simm.s32 $0x3;
	s25 =	simm.s32 $0x15800  }
0x8a: {  	s13 =	sadd.s32 s7, s0;
	s0 =	sshrl.u32 s23, $0x3;
	[smem:$0x7FD] =	sst s16  }
0x8b: {  	s23 =	simm.s32 $0x6;
	s7 =	sadd.s32 s1, s0;
	s0 =	rddreg [dreg:$0x4]  }
0x8c: {  	s1 =	sadd.s32 $0xFFFFFFFF, s26;
	s26 =	simm.s32 $0x4;
	[smem:$0x7FC] =	sst s7  }
0x8d: {  	s29 =	smov.u32 s1;
	s1 =	rddreg [dreg:$0x5];
	s10 =	smov.u32 s9  }
0x8e: {  	s9 =	smov.u32 s4;
	s4 =	smov.u32 s3;
	s3 =	simm.s32 $0x8  }
0x8f: {  	[spmem:s14@s11], [sflag:s1] =	dma.strided [hbm:s0@s11], $0x1900, s3, $0x10   }
0x90: {  	_ =	swait.ge [sflag:s30], $0x1900  }
0x91: {  	[sflag:s30] =	ssyncset.done $0x0  }
0x92: {  	[sflag:s30] =	ssyncadd.s32 $0xFFFFE700  }
0x93: {  	[bflag:$0x0] =	sbarrier.arrive $0xFFFF  }
0x94: {  	s3 =	rddreg [dreg:$0x6]  }
0x95: {  	[tilespmem:s17], [sflag:$0x1] =	stream.linear.gather [hbm4b:s3+s2], $0x800, $0x38;
	[tilespmem:$0x1D800] =	vst v63  }
0x96: {  	_ =	swait.ge [sflag:s21], $0x800  }
0x97: {  	[sflag:s21] =	ssyncset.done $0x0  }
0x98: {  	s1 =	rddreg [dreg:$0x7];
	[sflag:s21] =	ssyncadd.s32 $0xFFFFF800  }
0x99: {  	[tilespmem:s12], [sflag:$0x3] =	stream.indirect.gather [spmem:s1], $0x10, s17, s11, $0xb8;
	[tilespmem:$0x1D800] =	vst v63  }
0x9a: {  	s3 =	rddreg [dreg:$0x8]  }
0x9b: {  	[tilespmem:s24], [sflag:$0x2] =	stream.linear.gather [hbm4b:s3+s2], $0x800, $0x38;
	[tilespmem:$0x1D800] =	vst v63  }
0x9c: {  	_ =	swait.ge [sflag:s18], $0x8000  }
0x9d: {  	[sflag:s18] =	ssyncset.done $0x0  }
0x9e: {  	s3 =	rddreg [dreg:$0x9];
	[sflag:s18] =	ssyncadd.s32 $0xFFFF8000  }
0x9f: {  	[hbm4b:s3+s19] =	stream.strided.scatter [tilespmem:s12], [sflag:$0x5], $0x8000, s22, s19, $0x38;
	[tilespmem:$0x1D800] =	vst v63  }
0xa0: {  	_ =	swait.ge [sflag:s28], $0x800  }
0xa1: {  	[sflag:s28] =	ssyncset.done $0x0  }
0xa2: {  	s1 =	rddreg [dreg:$0xa];
	[sflag:s28] =	ssyncadd.s32 $0xFFFFF800  }
0xa3: {  	[tilespmem:s25], [sflag:$0x4] =	stream.indirect.gather [spmem:s1], $0x10, s24, s11, $0xb8;
	[tilespmem:$0x1D800] =	vst v63  }
0xa4: {  	s3 =	rddreg [dreg:$0xb]  }
0xa5: {  	[tilespmem:s17], [sflag:$0x1] =	stream.linear.gather [hbm4b:s3+s2], $0x800, $0x38;
	[tilespmem:$0x1D800] =	vst v63  }
0xa6: {  	_ =	swait.ge [sflag:s26], $0x8000  }
0xa7: {  	[sflag:s26] =	ssyncset.done $0x0  }
0xa8: {  	s3 =	rddreg [dreg:$0xc];
	[sflag:s26] =	ssyncadd.s32 $0xFFFF8000  }
0xa9: {  	[hbm4b:s3+s19] =	stream.strided.scatter [tilespmem:s25], [sflag:$0x6], $0x8000, s22, s19, $0x38;
	[tilespmem:$0x1D800] =	vst v63  }
0xaa: {  	_ =	swait.ge [sflag:s21], $0x800  }
0xab: {  	[sflag:s21] =	ssyncset.done $0x0  }
0xac: {  	[sflag:s21] =	ssyncadd.s32 $0xFFFFF800  }
0xad: {  	_ =	swait.ge [sflag:s20], $0x8000  }
0xae: {  	[sflag:s20] =	ssyncset.done $0x0  }
0xaf: {  	s1 =	rddreg [dreg:$0xd];
	[sflag:s20] =	ssyncadd.s32 $0xFFFF8000  }
0xb0: {  	[tilespmem:s12], [sflag:$0x3] =	stream.indirect.gather [spmem:s1], $0x10, s17, s11, $0xb8;
	[tilespmem:$0x1D800] =	vst v63  }
0xb1: {  	s3 =	rddreg [dreg:$0xe]  }
0xb2: {  	[tilespmem:s24], [sflag:$0x2] =	stream.linear.gather [hbm4b:s3+s2], $0x800, $0x38;
	[tilespmem:$0x1D800] =	vst v63  }
0xb3: {  	_ =	swait.ge [sflag:s18], $0x8000  }
0xb4: {  	[sflag:s18] =	ssyncset.done $0x0  }
0xb5: {  	s3 =	rddreg [dreg:$0xf];
	[sflag:s18] =	ssyncadd.s32 $0xFFFF8000  }
0xb6: {  	[hbm4b:s3+s19] =	stream.strided.scatter [tilespmem:s12], [sflag:$0x5], $0x8000, s22, s19, $0x38;
	[tilespmem:$0x1D800] =	vst v63  }
0xb7: {  	_ =	swait.ge [sflag:s28], $0x800  }
0xb8: {  	[sflag:s28] =	ssyncset.done $0x0  }
0xb9: {  	[sflag:s28] =	ssyncadd.s32 $0xFFFFF800  }
0xba: {  	_ =	swait.ge [sflag:s23], $0x8000  }
0xbb: {  	[sflag:s23] =	ssyncset.done $0x0  }
0xbc: {  	s1 =	rddreg [dreg:$0x10];
	[sflag:s23] =	ssyncadd.s32 $0xFFFF8000  }
0xbd: {  	[tilespmem:s25], [sflag:$0x4] =	stream.indirect.gather [spmem:s1], $0x10, s24, s11, $0xb8;
	[tilespmem:$0x1D800] =	vst v63  }
0xbe: {  	s3 =	rddreg [dreg:$0x11]  }
0xbf: {  	[tilespmem:s17], [sflag:$0x1] =	stream.linear.gather [hbm4b:s3+s2], $0x800, $0x38;
	[tilespmem:$0x1D800] =	vst v63  }
0xc0: {  	_ =	swait.ge [sflag:s26], $0x8000  }
0xc1: {  	[sflag:s26] =	ssyncset.done $0x0  }
0xc2: {  	s3 =	rddreg [dreg:$0x12];
	[sflag:s26] =	ssyncadd.s32 $0xFFFF8000  }
0xc3: {  	[hbm4b:s3+s19] =	stream.strided.scatter [tilespmem:s25], [sflag:$0x6], $0x8000, s22, s19, $0x38;
	[tilespmem:$0x1D800] =	vst v63  }
0xc4: {  	_ =	swait.ge [sflag:s21], $0x800  }
0xc5: {  	[sflag:s21] =	ssyncset.done $0x0  }
0xc6: {  	[sflag:s21] =	ssyncadd.s32 $0xFFFFF800  }
0xc7: {  	_ =	swait.ge [sflag:s20], $0x8000  }
0xc8: {  	[sflag:s20] =	ssyncset.done $0x0  }
0xc9: {  	s1 =	rddreg [dreg:$0x13];
	[sflag:s20] =	ssyncadd.s32 $0xFFFF8000  }
0xca: {  	[tilespmem:s12], [sflag:$0x3] =	stream.indirect.gather [spmem:s1], $0x10, s17, s11, $0xb8;
	[tilespmem:$0x1D800] =	vst v63  }
0xcb: {  	s3 =	rddreg [dreg:$0x14]  }
0xcc: {  	[tilespmem:s24], [sflag:$0x2] =	stream.linear.gather [hbm4b:s3+s2], $0x800, $0x38;
	[tilespmem:$0x1D800] =	vst v63  }
0xcd: {  	_ =	swait.ge [sflag:s18], $0x8000  }
0xce: {  	[sflag:s18] =	ssyncset.done $0x0  }
0xcf: {  	s3 =	rddreg [dreg:$0x15];
	[sflag:s18] =	ssyncadd.s32 $0xFFFF8000  }
0xd0: {  	[hbm4b:s3+s19] =	stream.strided.scatter [tilespmem:s12], [sflag:$0x5], $0x8000, s22, s19, $0x38;
	[tilespmem:$0x1D800] =	vst v63  }
0xd1: {  	_ =	swait.ge [sflag:s28], $0x800  }
0xd2: {  	[sflag:s28] =	ssyncset.done $0x0  }
0xd3: {  	[sflag:s28] =	ssyncadd.s32 $0xFFFFF800  }
0xd4: {  	_ =	swait.ge [sflag:s23], $0x8000  }
0xd5: {  	[sflag:s23] =	ssyncset.done $0x0  }
0xd6: {  	s1 =	rddreg [dreg:$0x16];
	[sflag:s23] =	ssyncadd.s32 $0xFFFF8000  }
0xd7: {  	[tilespmem:s25], [sflag:$0x4] =	stream.indirect.gather [spmem:s1], $0x10, s24, s11, $0xb8;
	[tilespmem:$0x1D800] =	vst v63  }
0xd8: {  	s3 =	rddreg [dreg:$0x17]  }
0xd9: {  	[tilespmem:s17], [sflag:$0x1] =	stream.linear.gather [hbm4b:s3+s2], $0x800, $0x38;
	[tilespmem:$0x1D800] =	vst v63  }
0xda: {  	_ =	swait.ge [sflag:s26], $0x8000  }
0xdb: {  	[sflag:s26] =	ssyncset.done $0x0  }
0xdc: {  	s3 =	rddreg [dreg:$0x18];
	[sflag:s26] =	ssyncadd.s32 $0xFFFF8000  }
0xdd: {  	[hbm4b:s3+s19] =	stream.strided.scatter [tilespmem:s25], [sflag:$0x6], $0x8000, s22, s19, $0x38;
	[tilespmem:$0x1D800] =	vst v63  }
0xde: {  	_ =	swait.ge [sflag:s21], $0x800  }
0xdf: {  	[sflag:s21] =	ssyncset.done $0x0  }
0xe0: {  	[sflag:s21] =	ssyncadd.s32 $0xFFFFF800  }
0xe1: {  	_ =	swait.ge [sflag:s20], $0x8000  }
0xe2: {  	[sflag:s20] =	ssyncset.done $0x0  }
0xe3: {  	s1 =	rddreg [dreg:$0x19];
	[sflag:s20] =	ssyncadd.s32 $0xFFFF8000  }
0xe4: {  	[tilespmem:s12], [sflag:$0x3] =	stream.indirect.gather [spmem:s1], $0x10, s17, s11, $0xb8;
	[tilespmem:$0x1D800] =	vst v63  }
0xe5: {  	s3 =	rddreg [dreg:$0x1a]  }
0xe6: {  	[tilespmem:s24], [sflag:$0x2] =	stream.linear.gather [hbm4b:s3+s2], $0x800, $0x38;
	[tilespmem:$0x1D800] =	vst v63  }
0xe7: {  	_ =	swait.ge [sflag:s18], $0x8000  }
0xe8: {  	[sflag:s18] =	ssyncset.done $0x0  }
0xe9: {  	s3 =	rddreg [dreg:$0x1b];
	[sflag:s18] =	ssyncadd.s32 $0xFFFF8000  }
0xea: {  	[hbm4b:s3+s19] =	stream.strided.scatter [tilespmem:s12], [sflag:$0x5], $0x8000, s22, s19, $0x38;
	[tilespmem:$0x1D800] =	vst v63  }
0xeb: {  	_ =	swait.ge [sflag:s28], $0x800  }
0xec: {  	[sflag:s28] =	ssyncset.done $0x0  }
0xed: {  	[sflag:s28] =	ssyncadd.s32 $0xFFFFF800  }
0xee: {  	_ =	swait.ge [sflag:s23], $0x8000  }
0xef: {  	[sflag:s23] =	ssyncset.done $0x0  }
0xf0: {  	s1 =	rddreg [dreg:$0x1c];
	[sflag:s23] =	ssyncadd.s32 $0xFFFF8000  }
0xf1: {  	[tilespmem:s25], [sflag:$0x4] =	stream.indirect.gather [spmem:s1], $0x10, s24, s11, $0xb8;
	[tilespmem:$0x1D800] =	vst v63  }
0xf2: {  	s3 =	rddreg [dreg:$0x1d]  }
0xf3: {  	[tilespmem:s17], [sflag:$0x1] =	stream.linear.gather [hbm4b:s3+s2], $0x800, $0x38;
	[tilespmem:$0x1D800] =	vst v63  }
0xf4: {  	_ =	swait.ge [sflag:s26], $0x8000  }
0xf5: {  	[sflag:s26] =	ssyncset.done $0x0  }
0xf6: {  	s3 =	rddreg [dreg:$0x1e];
	[sflag:s26] =	ssyncadd.s32 $0xFFFF8000  }
0xf7: {  	[hbm4b:s3+s19] =	stream.strided.scatter [tilespmem:s25], [sflag:$0x6], $0x8000, s22, s19, $0x38;
	[tilespmem:$0x1D800] =	vst v63  }
0xf8: {  	_ =	swait.ge [sflag:s21], $0x800  }
0xf9: {  	[sflag:s21] =	ssyncset.done $0x0  }
0xfa: {  	[sflag:s21] =	ssyncadd.s32 $0xFFFFF800  }
0xfb: {  	_ =	swait.ge [sflag:s20], $0x8000  }
0xfc: {  	s1 =	rddreg [dreg:$0x1f];
	[sflag:s20] =	ssyncset.done $0x0  }
0xfd: {  	s3 =	sld [smem:$0x7D6];
	[sflag:s20] =	ssyncadd.s32 $0xFFFF8000  }
0xfe: {  	[tilespmem:s12], [sflag:$0x3] =	stream.indirect.gather [spmem:s1], $0x10, s17, s11, $0xb8;
	[tilespmem:$0x1D800] =	vst v63  }
0xff: {  	_ = 	snop  }
0x100: {  	[tilespmem:s24], [sflag:$0x2] =	stream.linear.gather [hbm4b:s3+s2], $0x800, $0x38;
	[tilespmem:$0x1D800] =	vst v63  }
0x101: {  	_ =	swait.ge [sflag:s18], $0x8000  }
0x102: {  	s3 =	sld [smem:$0x7D7]  }
0x103: {  	[sflag:s18] =	ssyncset.done $0x0  }
0x104: {  	[sflag:s18] =	ssyncadd.s32 $0xFFFF8000  }
0x105: {  	[hbm4b:s3+s19] =	stream.strided.scatter [tilespmem:s12], [sflag:$0x5], $0x8000, s22, s19, $0x38;
	[tilespmem:$0x1D800] =	vst v63  }
0x106: {  	_ =	swait.ge [sflag:s28], $0x800  }
0x107: {  	[sflag:s28] =	ssyncset.done $0x0  }
0x108: {  	[sflag:s28] =	ssyncadd.s32 $0xFFFFF800  }
0x109: {  	_ =	swait.ge [sflag:s23], $0x8000  }
0x10a: {  	s1 =	sld [smem:$0x7D8]  }
0x10b: {  	[sflag:s23] =	ssyncset.done $0x0  }
0x10c: {  	s3 =	sld [smem:$0x7D9];
	[sflag:s23] =	ssyncadd.s32 $0xFFFF8000  }
0x10d: {  	[tilespmem:s25], [sflag:$0x4] =	stream.indirect.gather [spmem:s1], $0x10, s24, s11, $0xb8;
	[tilespmem:$0x1D800] =	vst v63  }
0x10e: {  	_ = 	snop  }
0x10f: {  	[tilespmem:s17], [sflag:$0x1] =	stream.linear.gather [hbm4b:s3+s2], $0x800, $0x38;
	[tilespmem:$0x1D800] =	vst v63  }
0x110: {  	_ =	swait.ge [sflag:s26], $0x8000  }
0x111: {  	s3 =	sld [smem:$0x7DA]  }
0x112: {  	[sflag:s26] =	ssyncset.done $0x0  }
0x113: {  	[sflag:s26] =	ssyncadd.s32 $0xFFFF8000  }
0x114: {  	[hbm4b:s3+s19] =	stream.strided.scatter [tilespmem:s25], [sflag:$0x6], $0x8000, s22, s19, $0x38;
	[tilespmem:$0x1D800] =	vst v63  }
0x115: {  	_ =	swait.ge [sflag:s21], $0x800  }
0x116: {  	[sflag:s21] =	ssyncset.done $0x0  }
0x117: {  	[sflag:s21] =	ssyncadd.s32 $0xFFFFF800  }
0x118: {  	_ =	swait.ge [sflag:s20], $0x8000  }
0x119: {  	s1 =	sld [smem:$0x7DB]  }
0x11a: {  	[sflag:s20] =	ssyncset.done $0x0  }
0x11b: {  	s3 =	sld [smem:$0x7DC];
	[sflag:s20] =	ssyncadd.s32 $0xFFFF8000  }
0x11c: {  	[tilespmem:s12], [sflag:$0x3] =	stream.indirect.gather [spmem:s1], $0x10, s17, s11, $0xb8;
	[tilespmem:$0x1D800] =	vst v63  }
0x11d: {  	_ = 	snop  }
0x11e: {  	[tilespmem:s24], [sflag:$0x2] =	stream.linear.gather [hbm4b:s3+s2], $0x800, $0x38;
	[tilespmem:$0x1D800] =	vst v63  }
0x11f: {  	_ =	swait.ge [sflag:s18], $0x8000  }
0x120: {  	s3 =	sld [smem:$0x7DD]  }
0x121: {  	[sflag:s18] =	ssyncset.done $0x0  }
0x122: {  	[sflag:s18] =	ssyncadd.s32 $0xFFFF8000  }
0x123: {  	[hbm4b:s3+s19] =	stream.strided.scatter [tilespmem:s12], [sflag:$0x5], $0x8000, s22, s19, $0x38;
	[tilespmem:$0x1D800] =	vst v63  }
0x124: {  	_ =	swait.ge [sflag:s28], $0x800  }
0x125: {  	[sflag:s28] =	ssyncset.done $0x0  }
0x126: {  	[sflag:s28] =	ssyncadd.s32 $0xFFFFF800  }
0x127: {  	_ =	swait.ge [sflag:s23], $0x8000  }
0x128: {  	s1 =	sld [smem:$0x7DE]  }
0x129: {  	[sflag:s23] =	ssyncset.done $0x0  }
0x12a: {  	s3 =	sld [smem:$0x7DF];
	[sflag:s23] =	ssyncadd.s32 $0xFFFF8000  }
0x12b: {  	[tilespmem:s25], [sflag:$0x4] =	stream.indirect.gather [spmem:s1], $0x10, s24, s11, $0xb8;
	[tilespmem:$0x1D800] =	vst v63  }
0x12c: {  	_ = 	snop  }
0x12d: {  	[tilespmem:s17], [sflag:$0x1] =	stream.linear.gather [hbm4b:s3+s2], $0x800, $0x38;
	[tilespmem:$0x1D800] =	vst v63  }
0x12e: {  	_ =	swait.ge [sflag:s26], $0x8000  }
0x12f: {  	s3 =	sld [smem:$0x7E0]  }
0x130: {  	[sflag:s26] =	ssyncset.done $0x0  }
0x131: {  	[sflag:s26] =	ssyncadd.s32 $0xFFFF8000  }
0x132: {  	[hbm4b:s3+s19] =	stream.strided.scatter [tilespmem:s25], [sflag:$0x6], $0x8000, s22, s19, $0x38;
	[tilespmem:$0x1D800] =	vst v63  }
0x133: {  	_ =	swait.ge [sflag:s21], $0x800  }
0x134: {  	[sflag:s21] =	ssyncset.done $0x0  }
0x135: {  	[sflag:s21] =	ssyncadd.s32 $0xFFFFF800  }
0x136: {  	_ =	swait.ge [sflag:s20], $0x8000  }
0x137: {  	s1 =	sld [smem:$0x7E1]  }
0x138: {  	[sflag:s20] =	ssyncset.done $0x0  }
0x139: {  	s3 =	sld [smem:$0x7E2];
	[sflag:s20] =	ssyncadd.s32 $0xFFFF8000  }
0x13a: {  	[tilespmem:s12], [sflag:$0x3] =	stream.indirect.gather [spmem:s1], $0x10, s17, s11, $0xb8;
	[tilespmem:$0x1D800] =	vst v63  }
0x13b: {  	_ = 	snop  }
0x13c: {  	[tilespmem:s24], [sflag:$0x2] =	stream.linear.gather [hbm4b:s3+s2], $0x800, $0x38;
	[tilespmem:$0x1D800] =	vst v63  }
0x13d: {  	_ =	swait.ge [sflag:s18], $0x8000  }
0x13e: {  	s3 =	sld [smem:$0x7E3]  }
0x13f: {  	[sflag:s18] =	ssyncset.done $0x0  }
0x140: {  	[sflag:s18] =	ssyncadd.s32 $0xFFFF8000  }
0x141: {  	[hbm4b:s3+s19] =	stream.strided.scatter [tilespmem:s12], [sflag:$0x5], $0x8000, s22, s19, $0x38;
	[tilespmem:$0x1D800] =	vst v63  }
0x142: {  	_ =	swait.ge [sflag:s28], $0x800  }
0x143: {  	[sflag:s28] =	ssyncset.done $0x0  }
0x144: {  	[sflag:s28] =	ssyncadd.s32 $0xFFFFF800  }
0x145: {  	_ =	swait.ge [sflag:s23], $0x8000  }
0x146: {  	s1 =	sld [smem:$0x7E4]  }
0x147: {  	[sflag:s23] =	ssyncset.done $0x0  }
0x148: {  	s3 =	sld [smem:$0x7E5];
	[sflag:s23] =	ssyncadd.s32 $0xFFFF8000  }
0x149: {  	[tilespmem:s25], [sflag:$0x4] =	stream.indirect.gather [spmem:s1], $0x10, s24, s11, $0xb8;
	[tilespmem:$0x1D800] =	vst v63  }
0x14a: {  	_ = 	snop  }
0x14b: {  	[tilespmem:s17], [sflag:$0x1] =	stream.linear.gather [hbm4b:s3+s2], $0x800, $0x38;
	[tilespmem:$0x1D800] =	vst v63  }
0x14c: {  	_ =	swait.ge [sflag:s26], $0x8000  }
0x14d: {  	s3 =	sld [smem:$0x7E6]  }
0x14e: {  	[sflag:s26] =	ssyncset.done $0x0  }
0x14f: {  	[sflag:s26] =	ssyncadd.s32 $0xFFFF8000  }
0x150: {  	[hbm4b:s3+s19] =	stream.strided.scatter [tilespmem:s25], [sflag:$0x6], $0x8000, s22, s19, $0x38;
	[tilespmem:$0x1D800] =	vst v63  }
0x151: {  	_ =	swait.ge [sflag:s21], $0x800  }
0x152: {  	[sflag:s21] =	ssyncset.done $0x0  }
0x153: {  	[sflag:s21] =	ssyncadd.s32 $0xFFFFF800  }
0x154: {  	_ =	swait.ge [sflag:s20], $0x8000  }
0x155: {  	s1 =	sld [smem:$0x7E7]  }
0x156: {  	[sflag:s20] =	ssyncset.done $0x0  }
0x157: {  	s3 =	sld [smem:$0x7E8];
	[sflag:s20] =	ssyncadd.s32 $0xFFFF8000  }
0x158: {  	[tilespmem:s12], [sflag:$0x3] =	stream.indirect.gather [spmem:s1], $0x10, s17, s11, $0xb8;
	[tilespmem:$0x1D800] =	vst v63  }
0x159: {  	_ = 	snop  }
0x15a: {  	[tilespmem:s24], [sflag:$0x2] =	stream.linear.gather [hbm4b:s3+s2], $0x800, $0x38;
	[tilespmem:$0x1D800] =	vst v63  }
0x15b: {  	_ =	swait.ge [sflag:s18], $0x8000  }
0x15c: {  	s3 =	sld [smem:$0x7E9]  }
0x15d: {  	[sflag:s18] =	ssyncset.done $0x0  }
0x15e: {  	[sflag:s18] =	ssyncadd.s32 $0xFFFF8000  }
0x15f: {  	[hbm4b:s3+s19] =	stream.strided.scatter [tilespmem:s12], [sflag:$0x5], $0x8000, s22, s19, $0x38;
	[tilespmem:$0x1D800] =	vst v63  }
0x160: {  	_ =	swait.ge [sflag:s28], $0x800  }
0x161: {  	[sflag:s28] =	ssyncset.done $0x0  }
0x162: {  	[sflag:s28] =	ssyncadd.s32 $0xFFFFF800  }
0x163: {  	_ =	swait.ge [sflag:s23], $0x8000  }
0x164: {  	s1 =	sld [smem:$0x7EA]  }
0x165: {  	[sflag:s23] =	ssyncset.done $0x0  }
0x166: {  	s3 =	sld [smem:$0x7EB];
	[sflag:s23] =	ssyncadd.s32 $0xFFFF8000  }
0x167: {  	[tilespmem:s25], [sflag:$0x4] =	stream.indirect.gather [spmem:s1], $0x10, s24, s11, $0xb8;
	[tilespmem:$0x1D800] =	vst v63  }
0x168: {  	_ = 	snop  }
0x169: {  	[tilespmem:s17], [sflag:$0x1] =	stream.linear.gather [hbm4b:s3+s2], $0x800, $0x38;
	[tilespmem:$0x1D800] =	vst v63  }
0x16a: {  	_ =	swait.ge [sflag:s26], $0x8000  }
0x16b: {  	s3 =	sld [smem:$0x7EC]  }
0x16c: {  	[sflag:s26] =	ssyncset.done $0x0  }
0x16d: {  	[sflag:s26] =	ssyncadd.s32 $0xFFFF8000  }
0x16e: {  	[hbm4b:s3+s19] =	stream.strided.scatter [tilespmem:s25], [sflag:$0x6], $0x8000, s22, s19, $0x38;
	[tilespmem:$0x1D800] =	vst v63  }
0x16f: {  	_ =	swait.ge [sflag:s21], $0x800  }
0x170: {  	[sflag:s21] =	ssyncset.done $0x0  }
0x171: {  	[sflag:s21] =	ssyncadd.s32 $0xFFFFF800  }
0x172: {  	_ =	swait.ge [sflag:s20], $0x8000  }
0x173: {  	s1 =	sld [smem:$0x7ED]  }
0x174: {  	[sflag:s20] =	ssyncset.done $0x0  }
0x175: {  	s3 =	sld [smem:$0x7EE];
	[sflag:s20] =	ssyncadd.s32 $0xFFFF8000  }
0x176: {  	[tilespmem:s12], [sflag:$0x3] =	stream.indirect.gather [spmem:s1], $0x10, s17, s11, $0xb8;
	[tilespmem:$0x1D800] =	vst v63  }
0x177: {  	_ = 	snop  }
0x178: {  	[tilespmem:s24], [sflag:$0x2] =	stream.linear.gather [hbm4b:s3+s2], $0x800, $0x38;
	[tilespmem:$0x1D800] =	vst v63  }
0x179: {  	_ =	swait.ge [sflag:s18], $0x8000  }
0x17a: {  	s3 =	sld [smem:$0x7EF]  }
0x17b: {  	[sflag:s18] =	ssyncset.done $0x0  }
0x17c: {  	[sflag:s18] =	ssyncadd.s32 $0xFFFF8000  }
0x17d: {  	[hbm4b:s3+s19] =	stream.strided.scatter [tilespmem:s12], [sflag:$0x5], $0x8000, s22, s19, $0x38;
	[tilespmem:$0x1D800] =	vst v63  }
0x17e: {  	_ =	swait.ge [sflag:s28], $0x800  }
0x17f: {  	[sflag:s28] =	ssyncset.done $0x0  }
0x180: {  	[sflag:s28] =	ssyncadd.s32 $0xFFFFF800  }
0x181: {  	_ =	swait.ge [sflag:s23], $0x8000  }
0x182: {  	s1 =	sld [smem:$0x7F0]  }
0x183: {  	[sflag:s23] =	ssyncset.done $0x0  }
0x184: {  	s3 =	sld [smem:$0x7F1];
	[sflag:s23] =	ssyncadd.s32 $0xFFFF8000  }
0x185: {  	[tilespmem:s25], [sflag:$0x4] =	stream.indirect.gather [spmem:s1], $0x10, s24, s11, $0xb8;
	[tilespmem:$0x1D800] =	vst v63  }
0x186: {  	_ = 	snop  }
0x187: {  	[tilespmem:s17], [sflag:$0x1] =	stream.linear.gather [hbm4b:s3+s2], $0x800, $0x38;
	[tilespmem:$0x1D800] =	vst v63  }
0x188: {  	_ =	swait.ge [sflag:s26], $0x8000  }
0x189: {  	s3 =	sld [smem:$0x7F2]  }
0x18a: {  	[sflag:s26] =	ssyncset.done $0x0  }
0x18b: {  	[sflag:s26] =	ssyncadd.s32 $0xFFFF8000  }
0x18c: {  	[hbm4b:s3+s19] =	stream.strided.scatter [tilespmem:s25], [sflag:$0x6], $0x8000, s22, s19, $0x38;
	[tilespmem:$0x1D800] =	vst v63  }
0x18d: {  	_ =	swait.ge [sflag:s21], $0x800  }
0x18e: {  	[sflag:s21] =	ssyncset.done $0x0  }
0x18f: {  	[sflag:s21] =	ssyncadd.s32 $0xFFFFF800  }
0x190: {  	_ =	swait.ge [sflag:s20], $0x8000  }
0x191: {  	s1 =	sld [smem:$0x7F3]  }
0x192: {  	[sflag:s20] =	ssyncset.done $0x0  }
0x193: {  	s3 =	sld [smem:$0x7F4];
	[sflag:s20] =	ssyncadd.s32 $0xFFFF8000  }
0x194: {  	[tilespmem:s12], [sflag:$0x3] =	stream.indirect.gather [spmem:s1], $0x10, s17, s11, $0xb8;
	[tilespmem:$0x1D800] =	vst v63  }
0x195: {  	_ = 	snop  }
0x196: {  	[tilespmem:s24], [sflag:$0x2] =	stream.linear.gather [hbm4b:s3+s2], $0x800, $0x38;
	[tilespmem:$0x1D800] =	vst v63  }
0x197: {  	_ =	swait.ge [sflag:s18], $0x8000  }
0x198: {  	s3 =	sld [smem:$0x7F5]  }
0x199: {  	[sflag:s18] =	ssyncset.done $0x0  }
0x19a: {  	[sflag:s18] =	ssyncadd.s32 $0xFFFF8000  }
0x19b: {  	[hbm4b:s3+s19] =	stream.strided.scatter [tilespmem:s12], [sflag:$0x5], $0x8000, s22, s19, $0x38;
	[tilespmem:$0x1D800] =	vst v63  }
0x19c: {  	_ =	swait.ge [sflag:s28], $0x800  }
0x19d: {  	[sflag:s28] =	ssyncset.done $0x0  }
0x19e: {  	[sflag:s28] =	ssyncadd.s32 $0xFFFFF800  }
0x19f: {  	_ =	swait.ge [sflag:s23], $0x8000  }
0x1a0: {  	s1 =	sld [smem:$0x7F6]  }
0x1a1: {  	[sflag:s23] =	ssyncset.done $0x0  }
0x1a2: {  	s3 =	sld [smem:$0x7F7];
	[sflag:s23] =	ssyncadd.s32 $0xFFFF8000  }
0x1a3: {  	[tilespmem:s25], [sflag:$0x4] =	stream.indirect.gather [spmem:s1], $0x10, s24, s11, $0xb8;
	[tilespmem:$0x1D800] =	vst v63  }
0x1a4: {  	_ = 	snop  }
0x1a5: {  	[tilespmem:s17], [sflag:$0x1] =	stream.linear.gather [hbm4b:s3+s2], $0x800, $0x38;
	[tilespmem:$0x1D800] =	vst v63  }
0x1a6: {  	_ =	swait.ge [sflag:s26], $0x8000  }
0x1a7: {  	s3 =	sld [smem:$0x7F8]  }
0x1a8: {  	[sflag:s26] =	ssyncset.done $0x0  }
0x1a9: {  	[sflag:s26] =	ssyncadd.s32 $0xFFFF8000  }
0x1aa: {  	[hbm4b:s3+s19] =	stream.strided.scatter [tilespmem:s25], [sflag:$0x6], $0x8000, s22, s19, $0x38;
	[tilespmem:$0x1D800] =	vst v63  }
0x1ab: {  	_ =	swait.ge [sflag:s21], $0x800  }
0x1ac: {  	[sflag:s21] =	ssyncset.done $0x0  }
0x1ad: {  	[sflag:s21] =	ssyncadd.s32 $0xFFFFF800  }
0x1ae: {  	_ =	swait.ge [sflag:s20], $0x8000  }
0x1af: {  	s1 =	sld [smem:$0x7F9]  }
0x1b0: {  	[sflag:s20] =	ssyncset.done $0x0  }
0x1b1: {  	s3 =	sld [smem:$0x7FA];
	[sflag:s20] =	ssyncadd.s32 $0xFFFF8000  }
0x1b2: {  	[tilespmem:s12], [sflag:$0x3] =	stream.indirect.gather [spmem:s1], $0x10, s17, s11, $0xb8;
	[tilespmem:$0x1D800] =	vst v63  }
0x1b3: {  	_ = 	snop  }
0x1b4: {  	[tilespmem:s24], [sflag:$0x2] =	stream.linear.gather [hbm4b:s3+s2], $0x800, $0x38;
	[tilespmem:$0x1D800] =	vst v63  }
0x1b5: {  	_ =	swait.ge [sflag:s18], $0x8000  }
0x1b6: {  	s3 =	sld [smem:$0x7FB]  }
0x1b7: {  	[sflag:s18] =	ssyncset.done $0x0  }
0x1b8: {  	[sflag:s18] =	ssyncadd.s32 $0xFFFF8000  }
0x1b9: {  	[hbm4b:s3+s19] =	stream.strided.scatter [tilespmem:s12], [sflag:$0x5], $0x8000, s22, s19, $0x38;
	[tilespmem:$0x1D800] =	vst v63  }
0x1ba: {  	_ =	swait.ge [sflag:s28], $0x800  }
0x1bb: {  	[sflag:s28] =	ssyncset.done $0x0  }
0x1bc: {  	[sflag:s28] =	ssyncadd.s32 $0xFFFFF800  }
0x1bd: {  	_ =	swait.ge [sflag:s23], $0x8000  }
0x1be: {  	[sflag:s23] =	ssyncset.done $0x0  }
0x1bf: {  	[sflag:s23] =	ssyncadd.s32 $0xFFFF8000  }
0x1c0: {  	[tilespmem:s25], [sflag:$0x4] =	stream.indirect.gather [spmem:s31], $0x10, s24, s11, $0xb8;
	[tilespmem:$0x1D800] =	vst v63  }
0x1c1: {  	_ = 	snop  }
0x1c2: {  	[tilespmem:s17], [sflag:$0x1] =	stream.linear.gather [hbm4b:s9+s2], $0x800, $0x38;
	[tilespmem:$0x1D800] =	vst v63  }
0x1c3: {  	_ =	swait.ge [sflag:s26], $0x8000  }
0x1c4: {  	[sflag:s26] =	ssyncset.done $0x0  }
0x1c5: {  	[sflag:s26] =	ssyncadd.s32 $0xFFFF8000  }
0x1c6: {  	[hbm4b:s15+s19] =	stream.strided.scatter [tilespmem:s25], [sflag:$0x6], $0x8000, s22, s19, $0x38;
	[tilespmem:$0x1D800] =	vst v63  }
0x1c7: {  	_ =	swait.ge [sflag:s21], $0x800  }
0x1c8: {  	[sflag:s21] =	ssyncset.done $0x0  }
0x1c9: {  	[sflag:s21] =	ssyncadd.s32 $0xFFFFF800  }
0x1ca: {  	_ =	swait.ge [sflag:s20], $0x8000  }
0x1cb: {  	[sflag:s20] =	ssyncset.done $0x0  }
0x1cc: {  	[sflag:s20] =	ssyncadd.s32 $0xFFFF8000  }
0x1cd: {  	[tilespmem:s12], [sflag:$0x3] =	stream.indirect.gather [spmem:s5], $0x10, s17, s11, $0xb8;
	[tilespmem:$0x1D800] =	vst v63  }
0x1ce: {  	_ = 	snop  }
0x1cf: {  	[tilespmem:s24], [sflag:$0x2] =	stream.linear.gather [hbm4b:s10+s2], $0x800, $0x38;
	[tilespmem:$0x1D800] =	vst v63  }
0x1d0: {  	_ =	swait.ge [sflag:s18], $0x8000  }
0x1d1: {  	[sflag:s18] =	ssyncset.done $0x0  }
0x1d2: {  	[sflag:s18] =	ssyncadd.s32 $0xFFFF8000  }
0x1d3: {  	[hbm4b:s16+s19] =	stream.strided.scatter [tilespmem:s12], [sflag:$0x5], $0x8000, s22, s19, $0x38;
	[tilespmem:$0x1D800] =	vst v63  }
0x1d4: {  	_ =	swait.ge [sflag:s28], $0x800  }
0x1d5: {  	[sflag:s28] =	ssyncset.done $0x0  }
0x1d6: {  	[sflag:s28] =	ssyncadd.s32 $0xFFFFF800  }
0x1d7: {  	_ =	swait.ge [sflag:s23], $0x8000  }
0x1d8: {  	[sflag:s23] =	ssyncset.done $0x0  }
0x1d9: {  	[sflag:s23] =	ssyncadd.s32 $0xFFFF8000  }
0x1da: {  	[tilespmem:s25], [sflag:$0x4] =	stream.indirect.gather [spmem:s6], $0x10, s24, s11, $0xb8;
	[tilespmem:$0x1D800] =	vst v63  }
0x1db: {  	_ = 	snop  }
0x1dc: {  	[tilespmem:s17], [sflag:$0x1] =	stream.linear.gather [hbm4b:s13+s2], $0x800, $0x38;
	[tilespmem:$0x1D800] =	vst v63  }
0x1dd: {  	_ =	swait.ge [sflag:s26], $0x8000  }
0x1de: {  	[sflag:s26] =	ssyncset.done $0x0  }
0x1df: {  	[sflag:s26] =	ssyncadd.s32 $0xFFFF8000  }
0x1e0: {  	[hbm4b:s7+s19] =	stream.strided.scatter [tilespmem:s25], [sflag:$0x6], $0x8000, s22, s19, $0x38;
	[tilespmem:$0x1D800] =	vst v63  }
0x1e1: {  	_ =	swait.ge [sflag:s21], $0x800  }
0x1e2: {  	[sflag:s21] =	ssyncset.done $0x0  }
0x1e3: {  	[sflag:s21] =	ssyncadd.s32 $0xFFFFF800  }
0x1e4: {  	_ =	swait.ge [sflag:s20], $0x8000  }
0x1e5: {  	[sflag:s20] =	ssyncset.done $0x0  }
0x1e6: {  	[sflag:s20] =	ssyncadd.s32 $0xFFFF8000  }
0x1e7: {  	[tilespmem:s12], [sflag:$0x3] =	stream.indirect.gather [spmem:s8], $0x10, s17, s11, $0xb8;
	[tilespmem:$0x1D800] =	vst v63  }
0x1e8: {  	_ =	swait.ge [sflag:s18], $0x8000  }
0x1e9: {  	[sflag:s18] =	ssyncset.done $0x0  }
0x1ea: {  	p1 =	sne.s32 s29, $0x1;
	[sflag:s18] =	ssyncadd.s32 $0xFFFF8000  }
0x1eb: {  	[hbm4b:s4+s19] =	stream.strided.scatter [tilespmem:s12], [sflag:$0x5], $0x8000, s22, s19, $0x38;
	[tilespmem:$0x1D800] =	vst v63  }
.Ltmp1:
0x1ec: {  	_ =	swait.ge [sflag:s23], $0x8000;
	(pc) =	sbr.rel @!p1 .LBB2_3-.Ltmp1, $4  }
0x1ed: {  	p0 =	por $0x1, $0x1;
	[sflag:s23] =	ssyncset.done $0x0  }
0x1ee: {  	s1 =	sadd.s32 $0xFFFFFFFF, s29;
	s29 =	smov.u32 s7;
	[sflag:s23] =	ssyncadd.s32 $0xFFFF8000  }
0x1ef: {  	s7 =	smov.u32 s6;
	s6 =	smov.u32 s5;
	_ =	swait.ge [sflag:s20], $0x8000  }
0x1f0: {  	s5 =	smov.u32 s31;
	s0 =	rddreg [dreg:$0x4];
	[sflag:s20] =	ssyncset.done $0x0  }
.LBB2_4:
0x1f1: {  	s31 =	rddreg [dreg:$0x5];
	[sflag:s20] =	ssyncadd.s32 $0xFFFF8000;
	s3 =	simm.s32 $0x8  }
0x1f2: {  	[spmem:s14@s11], [sflag:s31] =	dma.strided [hbm:s0@s11], $0x1900, s3, $0x10   }
0x1f3: {  	_ =	swait.ge [sflag:s30], $0x1900  }
0x1f4: {  	[sflag:s30] =	ssyncset.done $0x0  }
0x1f5: {  	[sflag:s30] =	ssyncadd.s32 $0xFFFFE700  }
0x1f6: {  	[bflag:$0x0] =	sbarrier.arrive $0xFFFF  }
0x1f7: {  	s31 =	rddreg [dreg:$0x6]  }
0x1f8: {  	[tilespmem:s17], [sflag:$0x1] =	stream.linear.gather [hbm4b:s31+s2], $0x800, $0x38;
	[tilespmem:$0x1D800] =	vst v63  }
0x1f9: {  	_ =	swait.ge [sflag:s21], $0x800  }
0x1fa: {  	[sflag:s21] =	ssyncset.done $0x0  }
0x1fb: {  	s0 =	rddreg [dreg:$0x7];
	[sflag:s21] =	ssyncadd.s32 $0xFFFFF800  }
0x1fc: {  	[tilespmem:s12], [sflag:$0x3] =	stream.indirect.gather [spmem:s0], $0x10, s17, s11, $0xb8;
	[tilespmem:$0x1D800] =	vst v63  }
0x1fd: {  	s3 =	rddreg [dreg:$0x8]  }
0x1fe: {  	[tilespmem:s24], [sflag:$0x2] =	stream.linear.gather [hbm4b:s3+s2], $0x800, $0x38;
	[tilespmem:$0x1D800] =	vst v63  }
0x1ff: {  	_ =	swait.ge [sflag:s18], $0x8000  }
0x200: {  	[sflag:s18] =	ssyncset.done $0x0  }
0x201: {  	s31 =	rddreg [dreg:$0x9];
	[sflag:s18] =	ssyncadd.s32 $0xFFFF8000  }
0x202: {  	[hbm4b:s31+s19] =	stream.strided.scatter [tilespmem:s12], [sflag:$0x5], $0x8000, s22, s19, $0x38;
	[tilespmem:$0x1D800] =	vst v63  }
0x203: {  	_ =	swait.ge [sflag:s28], $0x800  }
0x204: {  	[sflag:s28] =	ssyncset.done $0x0  }
0x205: {  	s0 =	rddreg [dreg:$0xa];
	[sflag:s28] =	ssyncadd.s32 $0xFFFFF800  }
0x206: {  	[tilespmem:s25], [sflag:$0x4] =	stream.indirect.gather [spmem:s0], $0x10, s24, s11, $0xb8;
	[tilespmem:$0x1D800] =	vst v63  }
0x207: {  	s3 =	rddreg [dreg:$0xb]  }
0x208: {  	[tilespmem:s17], [sflag:$0x1] =	stream.linear.gather [hbm4b:s3+s2], $0x800, $0x38;
	[tilespmem:$0x1D800] =	vst v63  }
0x209: {  	_ =	swait.ge [sflag:s26], $0x8000  }
0x20a: {  	[sflag:s26] =	ssyncset.done $0x0  }
0x20b: {  	s31 =	rddreg [dreg:$0xc];
	[sflag:s26] =	ssyncadd.s32 $0xFFFF8000  }
0x20c: {  	[hbm4b:s31+s19] =	stream.strided.scatter [tilespmem:s25], [sflag:$0x6], $0x8000, s22, s19, $0x38;
	[tilespmem:$0x1D800] =	vst v63  }
0x20d: {  	_ =	swait.ge [sflag:s21], $0x800  }
0x20e: {  	[sflag:s21] =	ssyncset.done $0x0  }
0x20f: {  	[sflag:s21] =	ssyncadd.s32 $0xFFFFF800  }
0x210: {  	_ =	swait.ge [sflag:s20], $0x8000  }
0x211: {  	[sflag:s20] =	ssyncset.done $0x0  }
0x212: {  	s0 =	rddreg [dreg:$0xd];
	[sflag:s20] =	ssyncadd.s32 $0xFFFF8000  }
0x213: {  	[tilespmem:s12], [sflag:$0x3] =	stream.indirect.gather [spmem:s0], $0x10, s17, s11, $0xb8;
	[tilespmem:$0x1D800] =	vst v63  }
0x214: {  	s3 =	rddreg [dreg:$0xe]  }
0x215: {  	[tilespmem:s24], [sflag:$0x2] =	stream.linear.gather [hbm4b:s3+s2], $0x800, $0x38;
	[tilespmem:$0x1D800] =	vst v63  }
0x216: {  	_ =	swait.ge [sflag:s18], $0x8000  }
0x217: {  	[sflag:s18] =	ssyncset.done $0x0  }
0x218: {  	s31 =	rddreg [dreg:$0xf];
	[sflag:s18] =	ssyncadd.s32 $0xFFFF8000  }
0x219: {  	[hbm4b:s31+s19] =	stream.strided.scatter [tilespmem:s12], [sflag:$0x5], $0x8000, s22, s19, $0x38;
	[tilespmem:$0x1D800] =	vst v63  }
0x21a: {  	_ =	swait.ge [sflag:s28], $0x800  }
0x21b: {  	[sflag:s28] =	ssyncset.done $0x0  }
0x21c: {  	[sflag:s28] =	ssyncadd.s32 $0xFFFFF800  }
0x21d: {  	_ =	swait.ge [sflag:s23], $0x8000  }
0x21e: {  	[sflag:s23] =	ssyncset.done $0x0  }
0x21f: {  	s0 =	rddreg [dreg:$0x10];
	[sflag:s23] =	ssyncadd.s32 $0xFFFF8000  }
0x220: {  	[tilespmem:s25], [sflag:$0x4] =	stream.indirect.gather [spmem:s0], $0x10, s24, s11, $0xb8;
	[tilespmem:$0x1D800] =	vst v63  }
0x221: {  	s3 =	rddreg [dreg:$0x11]  }
0x222: {  	[tilespmem:s17], [sflag:$0x1] =	stream.linear.gather [hbm4b:s3+s2], $0x800, $0x38;
	[tilespmem:$0x1D800] =	vst v63  }
0x223: {  	_ =	swait.ge [sflag:s26], $0x8000  }
0x224: {  	[sflag:s26] =	ssyncset.done $0x0  }
0x225: {  	s31 =	rddreg [dreg:$0x12];
	[sflag:s26] =	ssyncadd.s32 $0xFFFF8000  }
0x226: {  	[hbm4b:s31+s19] =	stream.strided.scatter [tilespmem:s25], [sflag:$0x6], $0x8000, s22, s19, $0x38;
	[tilespmem:$0x1D800] =	vst v63  }
0x227: {  	_ =	swait.ge [sflag:s21], $0x800  }
0x228: {  	[sflag:s21] =	ssyncset.done $0x0  }
0x229: {  	[sflag:s21] =	ssyncadd.s32 $0xFFFFF800  }
0x22a: {  	_ =	swait.ge [sflag:s20], $0x8000  }
0x22b: {  	[sflag:s20] =	ssyncset.done $0x0  }
0x22c: {  	s0 =	rddreg [dreg:$0x13];
	[sflag:s20] =	ssyncadd.s32 $0xFFFF8000  }
0x22d: {  	[tilespmem:s12], [sflag:$0x3] =	stream.indirect.gather [spmem:s0], $0x10, s17, s11, $0xb8;
	[tilespmem:$0x1D800] =	vst v63  }
0x22e: {  	s3 =	rddreg [dreg:$0x14]  }
0x22f: {  	[tilespmem:s24], [sflag:$0x2] =	stream.linear.gather [hbm4b:s3+s2], $0x800, $0x38;
	[tilespmem:$0x1D800] =	vst v63  }
0x230: {  	_ =	swait.ge [sflag:s18], $0x8000  }
0x231: {  	[sflag:s18] =	ssyncset.done $0x0  }
0x232: {  	s31 =	rddreg [dreg:$0x15];
	[sflag:s18] =	ssyncadd.s32 $0xFFFF8000  }
0x233: {  	[hbm4b:s31+s19] =	stream.strided.scatter [tilespmem:s12], [sflag:$0x5], $0x8000, s22, s19, $0x38;
	[tilespmem:$0x1D800] =	vst v63  }
0x234: {  	_ =	swait.ge [sflag:s28], $0x800  }
0x235: {  	[sflag:s28] =	ssyncset.done $0x0  }
0x236: {  	[sflag:s28] =	ssyncadd.s32 $0xFFFFF800  }
0x237: {  	_ =	swait.ge [sflag:s23], $0x8000  }
0x238: {  	[sflag:s23] =	ssyncset.done $0x0  }
0x239: {  	s0 =	rddreg [dreg:$0x16];
	[sflag:s23] =	ssyncadd.s32 $0xFFFF8000  }
0x23a: {  	[tilespmem:s25], [sflag:$0x4] =	stream.indirect.gather [spmem:s0], $0x10, s24, s11, $0xb8;
	[tilespmem:$0x1D800] =	vst v63  }
0x23b: {  	s3 =	rddreg [dreg:$0x17]  }
0x23c: {  	[tilespmem:s17], [sflag:$0x1] =	stream.linear.gather [hbm4b:s3+s2], $0x800, $0x38;
	[tilespmem:$0x1D800] =	vst v63  }
0x23d: {  	_ =	swait.ge [sflag:s26], $0x8000  }
0x23e: {  	[sflag:s26] =	ssyncset.done $0x0  }
0x23f: {  	s31 =	rddreg [dreg:$0x18];
	[sflag:s26] =	ssyncadd.s32 $0xFFFF8000  }
0x240: {  	[hbm4b:s31+s19] =	stream.strided.scatter [tilespmem:s25], [sflag:$0x6], $0x8000, s22, s19, $0x38;
	[tilespmem:$0x1D800] =	vst v63  }
0x241: {  	_ =	swait.ge [sflag:s21], $0x800  }
0x242: {  	[sflag:s21] =	ssyncset.done $0x0  }
0x243: {  	[sflag:s21] =	ssyncadd.s32 $0xFFFFF800  }
0x244: {  	_ =	swait.ge [sflag:s20], $0x8000  }
0x245: {  	[sflag:s20] =	ssyncset.done $0x0  }
0x246: {  	s0 =	rddreg [dreg:$0x19];
	[sflag:s20] =	ssyncadd.s32 $0xFFFF8000  }
0x247: {  	[tilespmem:s12], [sflag:$0x3] =	stream.indirect.gather [spmem:s0], $0x10, s17, s11, $0xb8;
	[tilespmem:$0x1D800] =	vst v63  }
0x248: {  	s3 =	rddreg [dreg:$0x1a]  }
0x249: {  	[tilespmem:s24], [sflag:$0x2] =	stream.linear.gather [hbm4b:s3+s2], $0x800, $0x38;
	[tilespmem:$0x1D800] =	vst v63  }
0x24a: {  	_ =	swait.ge [sflag:s18], $0x8000  }
0x24b: {  	[sflag:s18] =	ssyncset.done $0x0  }
0x24c: {  	s31 =	rddreg [dreg:$0x1b];
	[sflag:s18] =	ssyncadd.s32 $0xFFFF8000  }
0x24d: {  	[hbm4b:s31+s19] =	stream.strided.scatter [tilespmem:s12], [sflag:$0x5], $0x8000, s22, s19, $0x38;
	[tilespmem:$0x1D800] =	vst v63  }
0x24e: {  	_ =	swait.ge [sflag:s28], $0x800  }
0x24f: {  	[sflag:s28] =	ssyncset.done $0x0  }
0x250: {  	[sflag:s28] =	ssyncadd.s32 $0xFFFFF800  }
0x251: {  	_ =	swait.ge [sflag:s23], $0x8000  }
0x252: {  	[sflag:s23] =	ssyncset.done $0x0  }
0x253: {  	s0 =	rddreg [dreg:$0x1c];
	[sflag:s23] =	ssyncadd.s32 $0xFFFF8000  }
0x254: {  	[tilespmem:s25], [sflag:$0x4] =	stream.indirect.gather [spmem:s0], $0x10, s24, s11, $0xb8;
	[tilespmem:$0x1D800] =	vst v63  }
0x255: {  	s3 =	rddreg [dreg:$0x1d]  }
0x256: {  	[tilespmem:s17], [sflag:$0x1] =	stream.linear.gather [hbm4b:s3+s2], $0x800, $0x38;
	[tilespmem:$0x1D800] =	vst v63  }
0x257: {  	_ =	swait.ge [sflag:s26], $0x8000  }
0x258: {  	[sflag:s26] =	ssyncset.done $0x0  }
0x259: {  	s31 =	rddreg [dreg:$0x1e];
	[sflag:s26] =	ssyncadd.s32 $0xFFFF8000  }
0x25a: {  	[hbm4b:s31+s19] =	stream.strided.scatter [tilespmem:s25], [sflag:$0x6], $0x8000, s22, s19, $0x38;
	[tilespmem:$0x1D800] =	vst v63  }
0x25b: {  	_ =	swait.ge [sflag:s21], $0x800  }
0x25c: {  	[sflag:s21] =	ssyncset.done $0x0  }
0x25d: {  	[sflag:s21] =	ssyncadd.s32 $0xFFFFF800  }
0x25e: {  	_ =	swait.ge [sflag:s20], $0x8000  }
0x25f: {  	s0 =	rddreg [dreg:$0x1f];
	[sflag:s20] =	ssyncset.done $0x0  }
0x260: {  	s3 =	sld [smem:$0x7D6];
	[sflag:s20] =	ssyncadd.s32 $0xFFFF8000  }
0x261: {  	[tilespmem:s12], [sflag:$0x3] =	stream.indirect.gather [spmem:s0], $0x10, s17, s11, $0xb8;
	[tilespmem:$0x1D800] =	vst v63  }
0x262: {  	_ = 	snop  }
0x263: {  	[tilespmem:s24], [sflag:$0x2] =	stream.linear.gather [hbm4b:s3+s2], $0x800, $0x38;
	[tilespmem:$0x1D800] =	vst v63  }
0x264: {  	_ =	swait.ge [sflag:s18], $0x8000  }
0x265: {  	s31 =	sld [smem:$0x7D7]  }
0x266: {  	[sflag:s18] =	ssyncset.done $0x0  }
0x267: {  	[sflag:s18] =	ssyncadd.s32 $0xFFFF8000  }
0x268: {  	[hbm4b:s31+s19] =	stream.strided.scatter [tilespmem:s12], [sflag:$0x5], $0x8000, s22, s19, $0x38;
	[tilespmem:$0x1D800] =	vst v63  }
0x269: {  	_ =	swait.ge [sflag:s28], $0x800  }
0x26a: {  	[sflag:s28] =	ssyncset.done $0x0  }
0x26b: {  	[sflag:s28] =	ssyncadd.s32 $0xFFFFF800  }
0x26c: {  	_ =	swait.ge [sflag:s23], $0x8000  }
0x26d: {  	s0 =	sld [smem:$0x7D8]  }
0x26e: {  	[sflag:s23] =	ssyncset.done $0x0  }
0x26f: {  	s3 =	sld [smem:$0x7D9];
	[sflag:s23] =	ssyncadd.s32 $0xFFFF8000  }
0x270: {  	[tilespmem:s25], [sflag:$0x4] =	stream.indirect.gather [spmem:s0], $0x10, s24, s11, $0xb8;
	[tilespmem:$0x1D800] =	vst v63  }
0x271: {  	_ = 	snop  }
0x272: {  	[tilespmem:s17], [sflag:$0x1] =	stream.linear.gather [hbm4b:s3+s2], $0x800, $0x38;
	[tilespmem:$0x1D800] =	vst v63  }
0x273: {  	_ =	swait.ge [sflag:s26], $0x8000  }
0x274: {  	s31 =	sld [smem:$0x7DA]  }
0x275: {  	[sflag:s26] =	ssyncset.done $0x0  }
0x276: {  	[sflag:s26] =	ssyncadd.s32 $0xFFFF8000  }
0x277: {  	[hbm4b:s31+s19] =	stream.strided.scatter [tilespmem:s25], [sflag:$0x6], $0x8000, s22, s19, $0x38;
	[tilespmem:$0x1D800] =	vst v63  }
0x278: {  	_ =	swait.ge [sflag:s21], $0x800  }
0x279: {  	[sflag:s21] =	ssyncset.done $0x0  }
0x27a: {  	[sflag:s21] =	ssyncadd.s32 $0xFFFFF800  }
0x27b: {  	_ =	swait.ge [sflag:s20], $0x8000  }
0x27c: {  	s0 =	sld [smem:$0x7DB]  }
0x27d: {  	[sflag:s20] =	ssyncset.done $0x0  }
0x27e: {  	s3 =	sld [smem:$0x7DC];
	[sflag:s20] =	ssyncadd.s32 $0xFFFF8000  }
0x27f: {  	[tilespmem:s12], [sflag:$0x3] =	stream.indirect.gather [spmem:s0], $0x10, s17, s11, $0xb8;
	[tilespmem:$0x1D800] =	vst v63  }
0x280: {  	_ = 	snop  }
0x281: {  	[tilespmem:s24], [sflag:$0x2] =	stream.linear.gather [hbm4b:s3+s2], $0x800, $0x38;
	[tilespmem:$0x1D800] =	vst v63  }
0x282: {  	_ =	swait.ge [sflag:s18], $0x8000  }
0x283: {  	s31 =	sld [smem:$0x7DD]  }
0x284: {  	[sflag:s18] =	ssyncset.done $0x0  }
0x285: {  	[sflag:s18] =	ssyncadd.s32 $0xFFFF8000  }
0x286: {  	[hbm4b:s31+s19] =	stream.strided.scatter [tilespmem:s12], [sflag:$0x5], $0x8000, s22, s19, $0x38;
	[tilespmem:$0x1D800] =	vst v63  }
0x287: {  	_ =	swait.ge [sflag:s28], $0x800  }
0x288: {  	[sflag:s28] =	ssyncset.done $0x0  }
0x289: {  	[sflag:s28] =	ssyncadd.s32 $0xFFFFF800  }
0x28a: {  	_ =	swait.ge [sflag:s23], $0x8000  }
0x28b: {  	s0 =	sld [smem:$0x7DE]  }
0x28c: {  	[sflag:s23] =	ssyncset.done $0x0  }
0x28d: {  	s3 =	sld [smem:$0x7DF];
	[sflag:s23] =	ssyncadd.s32 $0xFFFF8000  }
0x28e: {  	[tilespmem:s25], [sflag:$0x4] =	stream.indirect.gather [spmem:s0], $0x10, s24, s11, $0xb8;
	[tilespmem:$0x1D800] =	vst v63  }
0x28f: {  	_ = 	snop  }
0x290: {  	[tilespmem:s17], [sflag:$0x1] =	stream.linear.gather [hbm4b:s3+s2], $0x800, $0x38;
	[tilespmem:$0x1D800] =	vst v63  }
0x291: {  	_ =	swait.ge [sflag:s26], $0x8000  }
0x292: {  	s31 =	sld [smem:$0x7E0]  }
0x293: {  	[sflag:s26] =	ssyncset.done $0x0  }
0x294: {  	[sflag:s26] =	ssyncadd.s32 $0xFFFF8000  }
0x295: {  	[hbm4b:s31+s19] =	stream.strided.scatter [tilespmem:s25], [sflag:$0x6], $0x8000, s22, s19, $0x38;
	[tilespmem:$0x1D800] =	vst v63  }
0x296: {  	_ =	swait.ge [sflag:s21], $0x800  }
0x297: {  	[sflag:s21] =	ssyncset.done $0x0  }
0x298: {  	[sflag:s21] =	ssyncadd.s32 $0xFFFFF800  }
0x299: {  	_ =	swait.ge [sflag:s20], $0x8000  }
0x29a: {  	s0 =	sld [smem:$0x7E1]  }
0x29b: {  	[sflag:s20] =	ssyncset.done $0x0  }
0x29c: {  	s3 =	sld [smem:$0x7E2];
	[sflag:s20] =	ssyncadd.s32 $0xFFFF8000  }
0x29d: {  	[tilespmem:s12], [sflag:$0x3] =	stream.indirect.gather [spmem:s0], $0x10, s17, s11, $0xb8;
	[tilespmem:$0x1D800] =	vst v63  }
0x29e: {  	_ = 	snop  }
0x29f: {  	[tilespmem:s24], [sflag:$0x2] =	stream.linear.gather [hbm4b:s3+s2], $0x800, $0x38;
	[tilespmem:$0x1D800] =	vst v63  }
0x2a0: {  	_ =	swait.ge [sflag:s18], $0x8000  }
0x2a1: {  	s31 =	sld [smem:$0x7E3]  }
0x2a2: {  	[sflag:s18] =	ssyncset.done $0x0  }
0x2a3: {  	[sflag:s18] =	ssyncadd.s32 $0xFFFF8000  }
0x2a4: {  	[hbm4b:s31+s19] =	stream.strided.scatter [tilespmem:s12], [sflag:$0x5], $0x8000, s22, s19, $0x38;
	[tilespmem:$0x1D800] =	vst v63  }
0x2a5: {  	_ =	swait.ge [sflag:s28], $0x800  }
0x2a6: {  	[sflag:s28] =	ssyncset.done $0x0  }
0x2a7: {  	[sflag:s28] =	ssyncadd.s32 $0xFFFFF800  }
0x2a8: {  	_ =	swait.ge [sflag:s23], $0x8000  }
0x2a9: {  	s0 =	sld [smem:$0x7E4]  }
0x2aa: {  	[sflag:s23] =	ssyncset.done $0x0  }
0x2ab: {  	s3 =	sld [smem:$0x7E5];
	[sflag:s23] =	ssyncadd.s32 $0xFFFF8000  }
0x2ac: {  	[tilespmem:s25], [sflag:$0x4] =	stream.indirect.gather [spmem:s0], $0x10, s24, s11, $0xb8;
	[tilespmem:$0x1D800] =	vst v63  }
0x2ad: {  	_ = 	snop  }
0x2ae: {  	[tilespmem:s17], [sflag:$0x1] =	stream.linear.gather [hbm4b:s3+s2], $0x800, $0x38;
	[tilespmem:$0x1D800] =	vst v63  }
0x2af: {  	_ =	swait.ge [sflag:s26], $0x8000  }
0x2b0: {  	s31 =	sld [smem:$0x7E6]  }
0x2b1: {  	[sflag:s26] =	ssyncset.done $0x0  }
0x2b2: {  	[sflag:s26] =	ssyncadd.s32 $0xFFFF8000  }
0x2b3: {  	[hbm4b:s31+s19] =	stream.strided.scatter [tilespmem:s25], [sflag:$0x6], $0x8000, s22, s19, $0x38;
	[tilespmem:$0x1D800] =	vst v63  }
0x2b4: {  	_ =	swait.ge [sflag:s21], $0x800  }
0x2b5: {  	[sflag:s21] =	ssyncset.done $0x0  }
0x2b6: {  	[sflag:s21] =	ssyncadd.s32 $0xFFFFF800  }
0x2b7: {  	_ =	swait.ge [sflag:s20], $0x8000  }
0x2b8: {  	s0 =	sld [smem:$0x7E7]  }
0x2b9: {  	[sflag:s20] =	ssyncset.done $0x0  }
0x2ba: {  	s3 =	sld [smem:$0x7E8];
	[sflag:s20] =	ssyncadd.s32 $0xFFFF8000  }
0x2bb: {  	[tilespmem:s12], [sflag:$0x3] =	stream.indirect.gather [spmem:s0], $0x10, s17, s11, $0xb8;
	[tilespmem:$0x1D800] =	vst v63  }
0x2bc: {  	_ = 	snop  }
0x2bd: {  	[tilespmem:s24], [sflag:$0x2] =	stream.linear.gather [hbm4b:s3+s2], $0x800, $0x38;
	[tilespmem:$0x1D800] =	vst v63  }
0x2be: {  	_ =	swait.ge [sflag:s18], $0x8000  }
0x2bf: {  	s31 =	sld [smem:$0x7E9]  }
0x2c0: {  	[sflag:s18] =	ssyncset.done $0x0  }
0x2c1: {  	[sflag:s18] =	ssyncadd.s32 $0xFFFF8000  }
0x2c2: {  	[hbm4b:s31+s19] =	stream.strided.scatter [tilespmem:s12], [sflag:$0x5], $0x8000, s22, s19, $0x38;
	[tilespmem:$0x1D800] =	vst v63  }
0x2c3: {  	_ =	swait.ge [sflag:s28], $0x800  }
0x2c4: {  	[sflag:s28] =	ssyncset.done $0x0  }
0x2c5: {  	[sflag:s28] =	ssyncadd.s32 $0xFFFFF800  }
0x2c6: {  	_ =	swait.ge [sflag:s23], $0x8000  }
0x2c7: {  	s0 =	sld [smem:$0x7EA]  }
0x2c8: {  	[sflag:s23] =	ssyncset.done $0x0  }
0x2c9: {  	s3 =	sld [smem:$0x7EB];
	[sflag:s23] =	ssyncadd.s32 $0xFFFF8000  }
0x2ca: {  	[tilespmem:s25], [sflag:$0x4] =	stream.indirect.gather [spmem:s0], $0x10, s24, s11, $0xb8;
	[tilespmem:$0x1D800] =	vst v63  }
0x2cb: {  	_ = 	snop  }
0x2cc: {  	[tilespmem:s17], [sflag:$0x1] =	stream.linear.gather [hbm4b:s3+s2], $0x800, $0x38;
	[tilespmem:$0x1D800] =	vst v63  }
0x2cd: {  	_ =	swait.ge [sflag:s26], $0x8000  }
0x2ce: {  	s31 =	sld [smem:$0x7EC]  }
0x2cf: {  	[sflag:s26] =	ssyncset.done $0x0  }
0x2d0: {  	[sflag:s26] =	ssyncadd.s32 $0xFFFF8000  }
0x2d1: {  	[hbm4b:s31+s19] =	stream.strided.scatter [tilespmem:s25], [sflag:$0x6], $0x8000, s22, s19, $0x38;
	[tilespmem:$0x1D800] =	vst v63  }
0x2d2: {  	_ =	swait.ge [sflag:s21], $0x800  }
0x2d3: {  	[sflag:s21] =	ssyncset.done $0x0  }
0x2d4: {  	[sflag:s21] =	ssyncadd.s32 $0xFFFFF800  }
0x2d5: {  	_ =	swait.ge [sflag:s20], $0x8000  }
0x2d6: {  	s0 =	sld [smem:$0x7ED]  }
0x2d7: {  	[sflag:s20] =	ssyncset.done $0x0  }
0x2d8: {  	s3 =	sld [smem:$0x7EE];
	[sflag:s20] =	ssyncadd.s32 $0xFFFF8000  }
0x2d9: {  	[tilespmem:s12], [sflag:$0x3] =	stream.indirect.gather [spmem:s0], $0x10, s17, s11, $0xb8;
	[tilespmem:$0x1D800] =	vst v63  }
0x2da: {  	_ = 	snop  }
0x2db: {  	[tilespmem:s24], [sflag:$0x2] =	stream.linear.gather [hbm4b:s3+s2], $0x800, $0x38;
	[tilespmem:$0x1D800] =	vst v63  }
0x2dc: {  	_ =	swait.ge [sflag:s18], $0x8000  }
0x2dd: {  	s31 =	sld [smem:$0x7EF]  }
0x2de: {  	[sflag:s18] =	ssyncset.done $0x0  }
0x2df: {  	[sflag:s18] =	ssyncadd.s32 $0xFFFF8000  }
0x2e0: {  	[hbm4b:s31+s19] =	stream.strided.scatter [tilespmem:s12], [sflag:$0x5], $0x8000, s22, s19, $0x38;
	[tilespmem:$0x1D800] =	vst v63  }
0x2e1: {  	_ =	swait.ge [sflag:s28], $0x800  }
0x2e2: {  	[sflag:s28] =	ssyncset.done $0x0  }
0x2e3: {  	[sflag:s28] =	ssyncadd.s32 $0xFFFFF800  }
0x2e4: {  	_ =	swait.ge [sflag:s23], $0x8000  }
0x2e5: {  	s0 =	sld [smem:$0x7F0]  }
0x2e6: {  	[sflag:s23] =	ssyncset.done $0x0  }
0x2e7: {  	s3 =	sld [smem:$0x7F1];
	[sflag:s23] =	ssyncadd.s32 $0xFFFF8000  }
0x2e8: {  	[tilespmem:s25], [sflag:$0x4] =	stream.indirect.gather [spmem:s0], $0x10, s24, s11, $0xb8;
	[tilespmem:$0x1D800] =	vst v63  }
0x2e9: {  	_ = 	snop  }
0x2ea: {  	[tilespmem:s17], [sflag:$0x1] =	stream.linear.gather [hbm4b:s3+s2], $0x800, $0x38;
	[tilespmem:$0x1D800] =	vst v63  }
0x2eb: {  	_ =	swait.ge [sflag:s26], $0x8000  }
0x2ec: {  	s31 =	sld [smem:$0x7F2]  }
0x2ed: {  	[sflag:s26] =	ssyncset.done $0x0  }
0x2ee: {  	[sflag:s26] =	ssyncadd.s32 $0xFFFF8000  }
0x2ef: {  	[hbm4b:s31+s19] =	stream.strided.scatter [tilespmem:s25], [sflag:$0x6], $0x8000, s22, s19, $0x38;
	[tilespmem:$0x1D800] =	vst v63  }
0x2f0: {  	_ =	swait.ge [sflag:s21], $0x800  }
0x2f1: {  	[sflag:s21] =	ssyncset.done $0x0  }
0x2f2: {  	[sflag:s21] =	ssyncadd.s32 $0xFFFFF800  }
0x2f3: {  	_ =	swait.ge [sflag:s20], $0x8000  }
0x2f4: {  	s0 =	sld [smem:$0x7F3]  }
0x2f5: {  	[sflag:s20] =	ssyncset.done $0x0  }
0x2f6: {  	s3 =	sld [smem:$0x7F4];
	[sflag:s20] =	ssyncadd.s32 $0xFFFF8000  }
0x2f7: {  	[tilespmem:s12], [sflag:$0x3] =	stream.indirect.gather [spmem:s0], $0x10, s17, s11, $0xb8;
	[tilespmem:$0x1D800] =	vst v63  }
0x2f8: {  	_ = 	snop  }
0x2f9: {  	[tilespmem:s24], [sflag:$0x2] =	stream.linear.gather [hbm4b:s3+s2], $0x800, $0x38;
	[tilespmem:$0x1D800] =	vst v63  }
0x2fa: {  	_ =	swait.ge [sflag:s18], $0x8000  }
0x2fb: {  	s31 =	sld [smem:$0x7F5]  }
0x2fc: {  	[sflag:s18] =	ssyncset.done $0x0  }
0x2fd: {  	[sflag:s18] =	ssyncadd.s32 $0xFFFF8000  }
0x2fe: {  	[hbm4b:s31+s19] =	stream.strided.scatter [tilespmem:s12], [sflag:$0x5], $0x8000, s22, s19, $0x38;
	[tilespmem:$0x1D800] =	vst v63  }
0x2ff: {  	_ =	swait.ge [sflag:s28], $0x800  }
0x300: {  	[sflag:s28] =	ssyncset.done $0x0  }
0x301: {  	[sflag:s28] =	ssyncadd.s32 $0xFFFFF800  }
0x302: {  	_ =	swait.ge [sflag:s23], $0x8000  }
0x303: {  	s0 =	sld [smem:$0x7F6]  }
0x304: {  	[sflag:s23] =	ssyncset.done $0x0  }
0x305: {  	s3 =	sld [smem:$0x7F7];
	[sflag:s23] =	ssyncadd.s32 $0xFFFF8000  }
0x306: {  	[tilespmem:s25], [sflag:$0x4] =	stream.indirect.gather [spmem:s0], $0x10, s24, s11, $0xb8;
	[tilespmem:$0x1D800] =	vst v63  }
0x307: {  	_ = 	snop  }
0x308: {  	[tilespmem:s17], [sflag:$0x1] =	stream.linear.gather [hbm4b:s3+s2], $0x800, $0x38;
	[tilespmem:$0x1D800] =	vst v63  }
0x309: {  	_ =	swait.ge [sflag:s26], $0x8000  }
0x30a: {  	s31 =	sld [smem:$0x7F8]  }
0x30b: {  	[sflag:s26] =	ssyncset.done $0x0  }
0x30c: {  	[sflag:s26] =	ssyncadd.s32 $0xFFFF8000  }
0x30d: {  	[hbm4b:s31+s19] =	stream.strided.scatter [tilespmem:s25], [sflag:$0x6], $0x8000, s22, s19, $0x38;
	[tilespmem:$0x1D800] =	vst v63  }
0x30e: {  	_ =	swait.ge [sflag:s21], $0x800  }
0x30f: {  	[sflag:s21] =	ssyncset.done $0x0  }
0x310: {  	[sflag:s21] =	ssyncadd.s32 $0xFFFFF800  }
0x311: {  	_ =	swait.ge [sflag:s20], $0x8000  }
0x312: {  	s0 =	sld [smem:$0x7F9]  }
0x313: {  	[sflag:s20] =	ssyncset.done $0x0  }
0x314: {  	s3 =	sld [smem:$0x7FA];
	[sflag:s20] =	ssyncadd.s32 $0xFFFF8000  }
0x315: {  	[tilespmem:s12], [sflag:$0x3] =	stream.indirect.gather [spmem:s0], $0x10, s17, s11, $0xb8;
	[tilespmem:$0x1D800] =	vst v63  }
0x316: {  	_ = 	snop  }
0x317: {  	[tilespmem:s24], [sflag:$0x2] =	stream.linear.gather [hbm4b:s3+s2], $0x800, $0x38;
	[tilespmem:$0x1D800] =	vst v63  }
0x318: {  	_ =	swait.ge [sflag:s18], $0x8000  }
0x319: {  	s31 =	sld [smem:$0x7FB]  }
0x31a: {  	[sflag:s18] =	ssyncset.done $0x0  }
0x31b: {  	[sflag:s18] =	ssyncadd.s32 $0xFFFF8000  }
0x31c: {  	[hbm4b:s31+s19] =	stream.strided.scatter [tilespmem:s12], [sflag:$0x5], $0x8000, s22, s19, $0x38;
	[tilespmem:$0x1D800] =	vst v63  }
0x31d: {  	_ =	swait.ge [sflag:s28], $0x800  }
0x31e: {  	[sflag:s28] =	ssyncset.done $0x0  }
0x31f: {  	[sflag:s28] =	ssyncadd.s32 $0xFFFFF800  }
0x320: {  	_ =	swait.ge [sflag:s23], $0x8000  }
0x321: {  	[sflag:s23] =	ssyncset.done $0x0  }
0x322: {  	[sflag:s23] =	ssyncadd.s32 $0xFFFF8000  }
0x323: {  	[tilespmem:s25], [sflag:$0x4] =	stream.indirect.gather [spmem:s5], $0x10, s24, s11, $0xb8;
	[tilespmem:$0x1D800] =	vst v63  }
0x324: {  	_ = 	snop  }
0x325: {  	[tilespmem:s17], [sflag:$0x1] =	stream.linear.gather [hbm4b:s9+s2], $0x800, $0x38;
	[tilespmem:$0x1D800] =	vst v63  }
0x326: {  	_ =	swait.ge [sflag:s26], $0x8000  }
0x327: {  	[sflag:s26] =	ssyncset.done $0x0  }
0x328: {  	[sflag:s26] =	ssyncadd.s32 $0xFFFF8000  }
0x329: {  	[hbm4b:s15+s19] =	stream.strided.scatter [tilespmem:s25], [sflag:$0x6], $0x8000, s22, s19, $0x38;
	[tilespmem:$0x1D800] =	vst v63  }
0x32a: {  	_ =	swait.ge [sflag:s21], $0x800  }
0x32b: {  	[sflag:s21] =	ssyncset.done $0x0  }
0x32c: {  	[sflag:s21] =	ssyncadd.s32 $0xFFFFF800  }
0x32d: {  	_ =	swait.ge [sflag:s20], $0x8000  }
0x32e: {  	[sflag:s20] =	ssyncset.done $0x0  }
0x32f: {  	[sflag:s20] =	ssyncadd.s32 $0xFFFF8000  }
0x330: {  	[tilespmem:s12], [sflag:$0x3] =	stream.indirect.gather [spmem:s6], $0x10, s17, s11, $0xb8;
	[tilespmem:$0x1D800] =	vst v63  }
0x331: {  	_ = 	snop  }
0x332: {  	[tilespmem:s24], [sflag:$0x2] =	stream.linear.gather [hbm4b:s10+s2], $0x800, $0x38;
	[tilespmem:$0x1D800] =	vst v63  }
0x333: {  	_ =	swait.ge [sflag:s18], $0x8000  }
0x334: {  	[sflag:s18] =	ssyncset.done $0x0  }
0x335: {  	[sflag:s18] =	ssyncadd.s32 $0xFFFF8000  }
0x336: {  	[hbm4b:s16+s19] =	stream.strided.scatter [tilespmem:s12], [sflag:$0x5], $0x8000, s22, s19, $0x38;
	[tilespmem:$0x1D800] =	vst v63  }
0x337: {  	_ =	swait.ge [sflag:s28], $0x800  }
0x338: {  	[sflag:s28] =	ssyncset.done $0x0  }
0x339: {  	[sflag:s28] =	ssyncadd.s32 $0xFFFFF800  }
0x33a: {  	_ =	swait.ge [sflag:s23], $0x8000  }
0x33b: {  	[sflag:s23] =	ssyncset.done $0x0  }
0x33c: {  	[sflag:s23] =	ssyncadd.s32 $0xFFFF8000  }
0x33d: {  	[tilespmem:s25], [sflag:$0x4] =	stream.indirect.gather [spmem:s7], $0x10, s24, s11, $0xb8;
	[tilespmem:$0x1D800] =	vst v63  }
0x33e: {  	_ = 	snop  }
0x33f: {  	[tilespmem:s17], [sflag:$0x1] =	stream.linear.gather [hbm4b:s13+s2], $0x800, $0x38;
	[tilespmem:$0x1D800] =	vst v63  }
0x340: {  	_ =	swait.ge [sflag:s26], $0x8000  }
0x341: {  	[sflag:s26] =	ssyncset.done $0x0  }
0x342: {  	[sflag:s26] =	ssyncadd.s32 $0xFFFF8000  }
0x343: {  	[hbm4b:s29+s19] =	stream.strided.scatter [tilespmem:s25], [sflag:$0x6], $0x8000, s22, s19, $0x38;
	[tilespmem:$0x1D800] =	vst v63  }
0x344: {  	_ =	swait.ge [sflag:s21], $0x800  }
0x345: {  	[sflag:s21] =	ssyncset.done $0x0  }
0x346: {  	[sflag:s21] =	ssyncadd.s32 $0xFFFFF800  }
0x347: {  	_ =	swait.ge [sflag:s20], $0x8000  }
0x348: {  	[sflag:s20] =	ssyncset.done $0x0  }
0x349: {  	[sflag:s20] =	ssyncadd.s32 $0xFFFF8000  }
0x34a: {  	[tilespmem:s12], [sflag:$0x3] =	stream.indirect.gather [spmem:s8], $0x10, s17, s11, $0xb8;
	[tilespmem:$0x1D800] =	vst v63  }
0x34b: {  	_ =	swait.ge [sflag:s18], $0x8000  }
0x34c: {  	[sflag:s18] =	ssyncset.done $0x0  }
0x34d: {  	p1 =	sne.s32 s1, $0x1;
	[sflag:s18] =	ssyncadd.s32 $0xFFFF8000  }
0x34e: {  	[hbm4b:s4+s19] =	stream.strided.scatter [tilespmem:s12], [sflag:$0x5], $0x8000, s22, s19, $0x38;
	[tilespmem:$0x1D800] =	vst v63  }
.Ltmp2:
0x34f: {  	_ =	swait.ge [sflag:s23], $0x8000;
	(pc) =	sbr.rel @p1 .LBB2_4-.Ltmp2, $4  }
0x350: {  	[sflag:s23] =	ssyncset.done $0x0  }
0x351: {  	[sflag:s23] =	ssyncadd.s32 $0xFFFF8000  }
0x352: {  	_ =	swait.ge [sflag:s20], $0x8000  }
0x353: {  	s1 =	sadd.s32 $0xFFFFFFFF, s1;
	s0 =	rddreg [dreg:$0x4];
	[sflag:s20] =	ssyncset.done $0x0  }
0x354: {  	s3 =	smov.u32 s4;
	s16 =	sld [smem:$0x7FB];
	s31 =	simm.s32 $0x8  }
0x355: {  	s29 =	stileid.u32;
	s4 =	smov.u32 s9;
	s9 =	smov.u32 s10  }
.LBB2_6:
0x356: {  	s1 =	rddreg [dreg:$0x5];
	[sflag:s20] =	ssyncadd.s32 @p0 $0xFFFF8000  }
0x357: {  	[spmem:s14@s11], [sflag:s1] =	dma.strided [hbm:s0@s11], $0x1900, s31, $0x10   }
0x358: {  	_ =	swait.ge [sflag:s30], $0x1900  }
0x359: {  	[sflag:s30] =	ssyncset.done $0x0  }
0x35a: {  	[sflag:s30] =	ssyncadd.s32 $0xFFFFE700  }
0x35b: {  	[bflag:$0x0] =	sbarrier.arrive $0xFFFF  }
0x35c: {  	s31 =	rddreg [dreg:$0x6]  }
0x35d: {  	[tilespmem:s17], [sflag:$0x1] =	stream.linear.gather [hbm4b:s31+s2], $0x800, $0x38;
	[tilespmem:$0x1D800] =	vst v63  }
0x35e: {  	_ =	swait.ge [sflag:s21], $0x800  }
0x35f: {  	[sflag:s21] =	ssyncset.done $0x0  }
0x360: {  	s1 =	rddreg [dreg:$0x7];
	[sflag:s21] =	ssyncadd.s32 $0xFFFFF800  }
0x361: {  	[tilespmem:s12], [sflag:$0x3] =	stream.indirect.gather [spmem:s1], $0x10, s17, s11, $0xb8;
	[tilespmem:$0x1D800] =	vst v63  }
0x362: {  	s10 =	rddreg [dreg:$0x8]  }
0x363: {  	[tilespmem:s24], [sflag:$0x2] =	stream.linear.gather [hbm4b:s10+s2], $0x800, $0x38;
	[tilespmem:$0x1D800] =	vst v63  }
0x364: {  	_ =	swait.ge [sflag:s18], $0x8000  }
0x365: {  	[sflag:s18] =	ssyncset.done $0x0  }
0x366: {  	s14 =	rddreg [dreg:$0x9];
	[sflag:s18] =	ssyncadd.s32 $0xFFFF8000  }
0x367: {  	[hbm4b:s14+s19] =	stream.strided.scatter [tilespmem:s12], [sflag:$0x5], $0x8000, s22, s19, $0x38;
	[tilespmem:$0x1D800] =	vst v63  }
0x368: {  	_ =	swait.ge [sflag:s28], $0x800  }
0x369: {  	[sflag:s28] =	ssyncset.done $0x0  }
0x36a: {  	s30 =	rddreg [dreg:$0xa];
	[sflag:s28] =	ssyncadd.s32 $0xFFFFF800  }
0x36b: {  	[tilespmem:s25], [sflag:$0x4] =	stream.indirect.gather [spmem:s30], $0x10, s24, s11, $0xb8;
	[tilespmem:$0x1D800] =	vst v63  }
0x36c: {  	s31 =	rddreg [dreg:$0xb]  }
0x36d: {  	[tilespmem:s17], [sflag:$0x1] =	stream.linear.gather [hbm4b:s31+s2], $0x800, $0x38;
	[tilespmem:$0x1D800] =	vst v63  }
0x36e: {  	_ =	swait.ge [sflag:s26], $0x8000  }
0x36f: {  	[sflag:s26] =	ssyncset.done $0x0  }
0x370: {  	s10 =	rddreg [dreg:$0xc];
	[sflag:s26] =	ssyncadd.s32 $0xFFFF8000  }
0x371: {  	[hbm4b:s10+s19] =	stream.strided.scatter [tilespmem:s25], [sflag:$0x6], $0x8000, s22, s19, $0x38;
	[tilespmem:$0x1D800] =	vst v63  }
0x372: {  	_ =	swait.ge [sflag:s21], $0x800  }
0x373: {  	[sflag:s21] =	ssyncset.done $0x0  }
0x374: {  	[sflag:s21] =	ssyncadd.s32 $0xFFFFF800  }
0x375: {  	_ =	swait.ge [sflag:s20], $0x8000  }
0x376: {  	[sflag:s20] =	ssyncset.done $0x0  }
0x377: {  	s14 =	rddreg [dreg:$0xd];
	[sflag:s20] =	ssyncadd.s32 $0xFFFF8000  }
0x378: {  	[tilespmem:s12], [sflag:$0x3] =	stream.indirect.gather [spmem:s14], $0x10, s17, s11, $0xb8;
	[tilespmem:$0x1D800] =	vst v63  }
0x379: {  	s30 =	rddreg [dreg:$0xe]  }
0x37a: {  	[tilespmem:s24], [sflag:$0x2] =	stream.linear.gather [hbm4b:s30+s2], $0x800, $0x38;
	[tilespmem:$0x1D800] =	vst v63  }
0x37b: {  	_ =	swait.ge [sflag:s18], $0x8000  }
0x37c: {  	[sflag:s18] =	ssyncset.done $0x0  }
0x37d: {  	s31 =	rddreg [dreg:$0xf];
	[sflag:s18] =	ssyncadd.s32 $0xFFFF8000  }
0x37e: {  	[hbm4b:s31+s19] =	stream.strided.scatter [tilespmem:s12], [sflag:$0x5], $0x8000, s22, s19, $0x38;
	[tilespmem:$0x1D800] =	vst v63  }
0x37f: {  	_ =	swait.ge [sflag:s28], $0x800  }
0x380: {  	[sflag:s28] =	ssyncset.done $0x0  }
0x381: {  	[sflag:s28] =	ssyncadd.s32 $0xFFFFF800  }
0x382: {  	_ =	swait.ge [sflag:s23], $0x8000  }
0x383: {  	[sflag:s23] =	ssyncset.done $0x0  }
0x384: {  	s1 =	rddreg [dreg:$0x10];
	[sflag:s23] =	ssyncadd.s32 $0xFFFF8000  }
0x385: {  	[tilespmem:s25], [sflag:$0x4] =	stream.indirect.gather [spmem:s1], $0x10, s24, s11, $0xb8;
	[tilespmem:$0x1D800] =	vst v63  }
0x386: {  	s10 =	rddreg [dreg:$0x11]  }
0x387: {  	[tilespmem:s17], [sflag:$0x1] =	stream.linear.gather [hbm4b:s10+s2], $0x800, $0x38;
	[tilespmem:$0x1D800] =	vst v63  }
0x388: {  	_ =	swait.ge [sflag:s26], $0x8000  }
0x389: {  	[sflag:s26] =	ssyncset.done $0x0  }
0x38a: {  	s14 =	rddreg [dreg:$0x12];
	[sflag:s26] =	ssyncadd.s32 $0xFFFF8000  }
0x38b: {  	[hbm4b:s14+s19] =	stream.strided.scatter [tilespmem:s25], [sflag:$0x6], $0x8000, s22, s19, $0x38;
	[tilespmem:$0x1D800] =	vst v63  }
0x38c: {  	_ =	swait.ge [sflag:s21], $0x800  }
0x38d: {  	[sflag:s21] =	ssyncset.done $0x0  }
0x38e: {  	[sflag:s21] =	ssyncadd.s32 $0xFFFFF800  }
0x38f: {  	_ =	swait.ge [sflag:s20], $0x8000  }
0x390: {  	[sflag:s20] =	ssyncset.done $0x0  }
0x391: {  	s30 =	rddreg [dreg:$0x13];
	[sflag:s20] =	ssyncadd.s32 $0xFFFF8000  }
0x392: {  	[tilespmem:s12], [sflag:$0x3] =	stream.indirect.gather [spmem:s30], $0x10, s17, s11, $0xb8;
	[tilespmem:$0x1D800] =	vst v63  }
0x393: {  	s31 =	rddreg [dreg:$0x14]  }
0x394: {  	[tilespmem:s24], [sflag:$0x2] =	stream.linear.gather [hbm4b:s31+s2], $0x800, $0x38;
	[tilespmem:$0x1D800] =	vst v63  }
0x395: {  	_ =	swait.ge [sflag:s18], $0x8000  }
0x396: {  	[sflag:s18] =	ssyncset.done $0x0  }
0x397: {  	s10 =	rddreg [dreg:$0x15];
	[sflag:s18] =	ssyncadd.s32 $0xFFFF8000  }
0x398: {  	[hbm4b:s10+s19] =	stream.strided.scatter [tilespmem:s12], [sflag:$0x5], $0x8000, s22, s19, $0x38;
	[tilespmem:$0x1D800] =	vst v63  }
0x399: {  	_ =	swait.ge [sflag:s28], $0x800  }
0x39a: {  	[sflag:s28] =	ssyncset.done $0x0  }
0x39b: {  	[sflag:s28] =	ssyncadd.s32 $0xFFFFF800  }
0x39c: {  	_ =	swait.ge [sflag:s23], $0x8000  }
0x39d: {  	[sflag:s23] =	ssyncset.done $0x0  }
0x39e: {  	s14 =	rddreg [dreg:$0x16];
	[sflag:s23] =	ssyncadd.s32 $0xFFFF8000  }
0x39f: {  	[tilespmem:s25], [sflag:$0x4] =	stream.indirect.gather [spmem:s14], $0x10, s24, s11, $0xb8;
	[tilespmem:$0x1D800] =	vst v63  }
0x3a0: {  	s30 =	rddreg [dreg:$0x17]  }
0x3a1: {  	[tilespmem:s17], [sflag:$0x1] =	stream.linear.gather [hbm4b:s30+s2], $0x800, $0x38;
	[tilespmem:$0x1D800] =	vst v63  }
0x3a2: {  	_ =	swait.ge [sflag:s26], $0x8000  }
0x3a3: {  	[sflag:s26] =	ssyncset.done $0x0  }
0x3a4: {  	s31 =	rddreg [dreg:$0x18];
	[sflag:s26] =	ssyncadd.s32 $0xFFFF8000  }
0x3a5: {  	[hbm4b:s31+s19] =	stream.strided.scatter [tilespmem:s25], [sflag:$0x6], $0x8000, s22, s19, $0x38;
	[tilespmem:$0x1D800] =	vst v63  }
0x3a6: {  	_ =	swait.ge [sflag:s21], $0x800  }
0x3a7: {  	[sflag:s21] =	ssyncset.done $0x0  }
0x3a8: {  	[sflag:s21] =	ssyncadd.s32 $0xFFFFF800  }
0x3a9: {  	_ =	swait.ge [sflag:s20], $0x8000  }
0x3aa: {  	[sflag:s20] =	ssyncset.done $0x0  }
0x3ab: {  	s1 =	rddreg [dreg:$0x19];
	[sflag:s20] =	ssyncadd.s32 $0xFFFF8000  }
0x3ac: {  	[tilespmem:s12], [sflag:$0x3] =	stream.indirect.gather [spmem:s1], $0x10, s17, s11, $0xb8;
	[tilespmem:$0x1D800] =	vst v63  }
0x3ad: {  	s10 =	rddreg [dreg:$0x1a]  }
0x3ae: {  	[tilespmem:s24], [sflag:$0x2] =	stream.linear.gather [hbm4b:s10+s2], $0x800, $0x38;
	[tilespmem:$0x1D800] =	vst v63  }
0x3af: {  	_ =	swait.ge [sflag:s18], $0x8000  }
0x3b0: {  	[sflag:s18] =	ssyncset.done $0x0  }
0x3b1: {  	s14 =	rddreg [dreg:$0x1b];
	[sflag:s18] =	ssyncadd.s32 $0xFFFF8000  }
0x3b2: {  	[hbm4b:s14+s19] =	stream.strided.scatter [tilespmem:s12], [sflag:$0x5], $0x8000, s22, s19, $0x38;
	[tilespmem:$0x1D800] =	vst v63  }
0x3b3: {  	_ =	swait.ge [sflag:s28], $0x800  }
0x3b4: {  	[sflag:s28] =	ssyncset.done $0x0  }
0x3b5: {  	[sflag:s28] =	ssyncadd.s32 $0xFFFFF800  }
0x3b6: {  	_ =	swait.ge [sflag:s23], $0x8000  }
0x3b7: {  	[sflag:s23] =	ssyncset.done $0x0  }
0x3b8: {  	s30 =	rddreg [dreg:$0x1c];
	[sflag:s23] =	ssyncadd.s32 $0xFFFF8000  }
0x3b9: {  	[tilespmem:s25], [sflag:$0x4] =	stream.indirect.gather [spmem:s30], $0x10, s24, s11, $0xb8;
	[tilespmem:$0x1D800] =	vst v63  }
0x3ba: {  	s31 =	rddreg [dreg:$0x1d]  }
0x3bb: {  	[tilespmem:s17], [sflag:$0x1] =	stream.linear.gather [hbm4b:s31+s2], $0x800, $0x38;
	[tilespmem:$0x1D800] =	vst v63  }
0x3bc: {  	_ =	swait.ge [sflag:s26], $0x8000  }
0x3bd: {  	[sflag:s26] =	ssyncset.done $0x0  }
0x3be: {  	s10 =	rddreg [dreg:$0x1e];
	[sflag:s26] =	ssyncadd.s32 $0xFFFF8000  }
0x3bf: {  	[hbm4b:s10+s19] =	stream.strided.scatter [tilespmem:s25], [sflag:$0x6], $0x8000, s22, s19, $0x38;
	[tilespmem:$0x1D800] =	vst v63  }
0x3c0: {  	_ =	swait.ge [sflag:s21], $0x800  }
0x3c1: {  	[sflag:s21] =	ssyncset.done $0x0  }
0x3c2: {  	[sflag:s21] =	ssyncadd.s32 $0xFFFFF800  }
0x3c3: {  	_ =	swait.ge [sflag:s20], $0x8000  }
0x3c4: {  	s14 =	rddreg [dreg:$0x1f];
	[sflag:s20] =	ssyncset.done $0x0  }
0x3c5: {  	s30 =	sld [smem:$0x7D6];
	[sflag:s20] =	ssyncadd.s32 $0xFFFF8000  }
0x3c6: {  	[tilespmem:s12], [sflag:$0x3] =	stream.indirect.gather [spmem:s14], $0x10, s17, s11, $0xb8;
	[tilespmem:$0x1D800] =	vst v63  }
0x3c7: {  	_ = 	snop  }
0x3c8: {  	[tilespmem:s24], [sflag:$0x2] =	stream.linear.gather [hbm4b:s30+s2], $0x800, $0x38;
	[tilespmem:$0x1D800] =	vst v63  }
0x3c9: {  	_ =	swait.ge [sflag:s18], $0x8000  }
0x3ca: {  	s31 =	sld [smem:$0x7D7]  }
0x3cb: {  	[sflag:s18] =	ssyncset.done $0x0  }
0x3cc: {  	[sflag:s18] =	ssyncadd.s32 $0xFFFF8000  }
0x3cd: {  	[hbm4b:s31+s19] =	stream.strided.scatter [tilespmem:s12], [sflag:$0x5], $0x8000, s22, s19, $0x38;
	[tilespmem:$0x1D800] =	vst v63  }
0x3ce: {  	_ =	swait.ge [sflag:s28], $0x800  }
0x3cf: {  	[sflag:s28] =	ssyncset.done $0x0  }
0x3d0: {  	[sflag:s28] =	ssyncadd.s32 $0xFFFFF800  }
0x3d1: {  	_ =	swait.ge [sflag:s23], $0x8000  }
0x3d2: {  	s1 =	sld [smem:$0x7D8]  }
0x3d3: {  	[sflag:s23] =	ssyncset.done $0x0  }
0x3d4: {  	s10 =	sld [smem:$0x7D9];
	[sflag:s23] =	ssyncadd.s32 $0xFFFF8000  }
0x3d5: {  	[tilespmem:s25], [sflag:$0x4] =	stream.indirect.gather [spmem:s1], $0x10, s24, s11, $0xb8;
	[tilespmem:$0x1D800] =	vst v63  }
0x3d6: {  	_ = 	snop  }
0x3d7: {  	[tilespmem:s17], [sflag:$0x1] =	stream.linear.gather [hbm4b:s10+s2], $0x800, $0x38;
	[tilespmem:$0x1D800] =	vst v63  }
0x3d8: {  	_ =	swait.ge [sflag:s26], $0x8000  }
0x3d9: {  	s14 =	sld [smem:$0x7DA]  }
0x3da: {  	[sflag:s26] =	ssyncset.done $0x0  }
0x3db: {  	[sflag:s26] =	ssyncadd.s32 $0xFFFF8000  }
0x3dc: {  	[hbm4b:s14+s19] =	stream.strided.scatter [tilespmem:s25], [sflag:$0x6], $0x8000, s22, s19, $0x38;
	[tilespmem:$0x1D800] =	vst v63  }
0x3dd: {  	_ =	swait.ge [sflag:s21], $0x800  }
0x3de: {  	[sflag:s21] =	ssyncset.done $0x0  }
0x3df: {  	[sflag:s21] =	ssyncadd.s32 $0xFFFFF800  }
0x3e0: {  	_ =	swait.ge [sflag:s20], $0x8000  }
0x3e1: {  	s30 =	sld [smem:$0x7DB]  }
0x3e2: {  	[sflag:s20] =	ssyncset.done $0x0  }
0x3e3: {  	s31 =	sld [smem:$0x7DC];
	[sflag:s20] =	ssyncadd.s32 $0xFFFF8000  }
0x3e4: {  	[tilespmem:s12], [sflag:$0x3] =	stream.indirect.gather [spmem:s30], $0x10, s17, s11, $0xb8;
	[tilespmem:$0x1D800] =	vst v63  }
0x3e5: {  	_ = 	snop  }
0x3e6: {  	[tilespmem:s24], [sflag:$0x2] =	stream.linear.gather [hbm4b:s31+s2], $0x800, $0x38;
	[tilespmem:$0x1D800] =	vst v63  }
0x3e7: {  	_ =	swait.ge [sflag:s18], $0x8000  }
0x3e8: {  	s10 =	sld [smem:$0x7DD]  }
0x3e9: {  	[sflag:s18] =	ssyncset.done $0x0  }
0x3ea: {  	[sflag:s18] =	ssyncadd.s32 $0xFFFF8000  }
0x3eb: {  	[hbm4b:s10+s19] =	stream.strided.scatter [tilespmem:s12], [sflag:$0x5], $0x8000, s22, s19, $0x38;
	[tilespmem:$0x1D800] =	vst v63  }
0x3ec: {  	_ =	swait.ge [sflag:s28], $0x800  }
0x3ed: {  	[sflag:s28] =	ssyncset.done $0x0  }
0x3ee: {  	[sflag:s28] =	ssyncadd.s32 $0xFFFFF800  }
0x3ef: {  	_ =	swait.ge [sflag:s23], $0x8000  }
0x3f0: {  	s14 =	sld [smem:$0x7DE]  }
0x3f1: {  	[sflag:s23] =	ssyncset.done $0x0  }
0x3f2: {  	s30 =	sld [smem:$0x7DF];
	[sflag:s23] =	ssyncadd.s32 $0xFFFF8000  }
0x3f3: {  	[tilespmem:s25], [sflag:$0x4] =	stream.indirect.gather [spmem:s14], $0x10, s24, s11, $0xb8;
	[tilespmem:$0x1D800] =	vst v63  }
0x3f4: {  	_ = 	snop  }
0x3f5: {  	[tilespmem:s17], [sflag:$0x1] =	stream.linear.gather [hbm4b:s30+s2], $0x800, $0x38;
	[tilespmem:$0x1D800] =	vst v63  }
0x3f6: {  	_ =	swait.ge [sflag:s26], $0x8000  }
0x3f7: {  	s31 =	sld [smem:$0x7E0]  }
0x3f8: {  	[sflag:s26] =	ssyncset.done $0x0  }
0x3f9: {  	[sflag:s26] =	ssyncadd.s32 $0xFFFF8000  }
0x3fa: {  	[hbm4b:s31+s19] =	stream.strided.scatter [tilespmem:s25], [sflag:$0x6], $0x8000, s22, s19, $0x38;
	[tilespmem:$0x1D800] =	vst v63  }
0x3fb: {  	_ =	swait.ge [sflag:s21], $0x800  }
0x3fc: {  	[sflag:s21] =	ssyncset.done $0x0  }
0x3fd: {  	[sflag:s21] =	ssyncadd.s32 $0xFFFFF800  }
0x3fe: {  	_ =	swait.ge [sflag:s20], $0x8000  }
0x3ff: {  	s1 =	sld [smem:$0x7E1]  }
0x400: {  	[sflag:s20] =	ssyncset.done $0x0  }
0x401: {  	s10 =	sld [smem:$0x7E2];
	[sflag:s20] =	ssyncadd.s32 $0xFFFF8000  }
0x402: {  	[tilespmem:s12], [sflag:$0x3] =	stream.indirect.gather [spmem:s1], $0x10, s17, s11, $0xb8;
	[tilespmem:$0x1D800] =	vst v63  }
0x403: {  	_ = 	snop  }
0x404: {  	[tilespmem:s24], [sflag:$0x2] =	stream.linear.gather [hbm4b:s10+s2], $0x800, $0x38;
	[tilespmem:$0x1D800] =	vst v63  }
0x405: {  	_ =	swait.ge [sflag:s18], $0x8000  }
0x406: {  	s14 =	sld [smem:$0x7E3]  }
0x407: {  	[sflag:s18] =	ssyncset.done $0x0  }
0x408: {  	[sflag:s18] =	ssyncadd.s32 $0xFFFF8000  }
0x409: {  	[hbm4b:s14+s19] =	stream.strided.scatter [tilespmem:s12], [sflag:$0x5], $0x8000, s22, s19, $0x38;
	[tilespmem:$0x1D800] =	vst v63  }
0x40a: {  	_ =	swait.ge [sflag:s28], $0x800  }
0x40b: {  	[sflag:s28] =	ssyncset.done $0x0  }
0x40c: {  	[sflag:s28] =	ssyncadd.s32 $0xFFFFF800  }
0x40d: {  	_ =	swait.ge [sflag:s23], $0x8000  }
0x40e: {  	s30 =	sld [smem:$0x7E4]  }
0x40f: {  	[sflag:s23] =	ssyncset.done $0x0  }
0x410: {  	s31 =	sld [smem:$0x7E5];
	[sflag:s23] =	ssyncadd.s32 $0xFFFF8000  }
0x411: {  	[tilespmem:s25], [sflag:$0x4] =	stream.indirect.gather [spmem:s30], $0x10, s24, s11, $0xb8;
	[tilespmem:$0x1D800] =	vst v63  }
0x412: {  	_ = 	snop  }
0x413: {  	[tilespmem:s17], [sflag:$0x1] =	stream.linear.gather [hbm4b:s31+s2], $0x800, $0x38;
	[tilespmem:$0x1D800] =	vst v63  }
0x414: {  	_ =	swait.ge [sflag:s26], $0x8000  }
0x415: {  	s10 =	sld [smem:$0x7E6]  }
0x416: {  	[sflag:s26] =	ssyncset.done $0x0  }
0x417: {  	[sflag:s26] =	ssyncadd.s32 $0xFFFF8000  }
0x418: {  	[hbm4b:s10+s19] =	stream.strided.scatter [tilespmem:s25], [sflag:$0x6], $0x8000, s22, s19, $0x38;
	[tilespmem:$0x1D800] =	vst v63  }
0x419: {  	_ =	swait.ge [sflag:s21], $0x800  }
0x41a: {  	[sflag:s21] =	ssyncset.done $0x0  }
0x41b: {  	[sflag:s21] =	ssyncadd.s32 $0xFFFFF800  }
0x41c: {  	_ =	swait.ge [sflag:s20], $0x8000  }
0x41d: {  	s14 =	sld [smem:$0x7E7]  }
0x41e: {  	[sflag:s20] =	ssyncset.done $0x0  }
0x41f: {  	s30 =	sld [smem:$0x7E8];
	[sflag:s20] =	ssyncadd.s32 $0xFFFF8000  }
0x420: {  	[tilespmem:s12], [sflag:$0x3] =	stream.indirect.gather [spmem:s14], $0x10, s17, s11, $0xb8;
	[tilespmem:$0x1D800] =	vst v63  }
0x421: {  	_ = 	snop  }
0x422: {  	[tilespmem:s24], [sflag:$0x2] =	stream.linear.gather [hbm4b:s30+s2], $0x800, $0x38;
	[tilespmem:$0x1D800] =	vst v63  }
0x423: {  	_ =	swait.ge [sflag:s18], $0x8000  }
0x424: {  	s31 =	sld [smem:$0x7E9]  }
0x425: {  	[sflag:s18] =	ssyncset.done $0x0  }
0x426: {  	[sflag:s18] =	ssyncadd.s32 $0xFFFF8000  }
0x427: {  	[hbm4b:s31+s19] =	stream.strided.scatter [tilespmem:s12], [sflag:$0x5], $0x8000, s22, s19, $0x38;
	[tilespmem:$0x1D800] =	vst v63  }
0x428: {  	_ =	swait.ge [sflag:s28], $0x800  }
0x429: {  	[sflag:s28] =	ssyncset.done $0x0  }
0x42a: {  	[sflag:s28] =	ssyncadd.s32 $0xFFFFF800  }
0x42b: {  	_ =	swait.ge [sflag:s23], $0x8000  }
0x42c: {  	s1 =	sld [smem:$0x7EA]  }
0x42d: {  	[sflag:s23] =	ssyncset.done $0x0  }
0x42e: {  	s10 =	sld [smem:$0x7EB];
	[sflag:s23] =	ssyncadd.s32 $0xFFFF8000  }
0x42f: {  	[tilespmem:s25], [sflag:$0x4] =	stream.indirect.gather [spmem:s1], $0x10, s24, s11, $0xb8;
	[tilespmem:$0x1D800] =	vst v63  }
0x430: {  	_ = 	snop  }
0x431: {  	[tilespmem:s17], [sflag:$0x1] =	stream.linear.gather [hbm4b:s10+s2], $0x800, $0x38;
	[tilespmem:$0x1D800] =	vst v63  }
0x432: {  	_ =	swait.ge [sflag:s26], $0x8000  }
0x433: {  	s14 =	sld [smem:$0x7EC]  }
0x434: {  	[sflag:s26] =	ssyncset.done $0x0  }
0x435: {  	[sflag:s26] =	ssyncadd.s32 $0xFFFF8000  }
0x436: {  	[hbm4b:s14+s19] =	stream.strided.scatter [tilespmem:s25], [sflag:$0x6], $0x8000, s22, s19, $0x38;
	[tilespmem:$0x1D800] =	vst v63  }
0x437: {  	_ =	swait.ge [sflag:s21], $0x800  }
0x438: {  	[sflag:s21] =	ssyncset.done $0x0  }
0x439: {  	[sflag:s21] =	ssyncadd.s32 $0xFFFFF800  }
0x43a: {  	_ =	swait.ge [sflag:s20], $0x8000  }
0x43b: {  	s30 =	sld [smem:$0x7ED]  }
0x43c: {  	[sflag:s20] =	ssyncset.done $0x0  }
0x43d: {  	s31 =	sld [smem:$0x7EE];
	[sflag:s20] =	ssyncadd.s32 $0xFFFF8000  }
0x43e: {  	[tilespmem:s12], [sflag:$0x3] =	stream.indirect.gather [spmem:s30], $0x10, s17, s11, $0xb8;
	[tilespmem:$0x1D800] =	vst v63  }
0x43f: {  	_ = 	snop  }
0x440: {  	[tilespmem:s24], [sflag:$0x2] =	stream.linear.gather [hbm4b:s31+s2], $0x800, $0x38;
	[tilespmem:$0x1D800] =	vst v63  }
0x441: {  	_ =	swait.ge [sflag:s18], $0x8000  }
0x442: {  	s10 =	sld [smem:$0x7EF]  }
0x443: {  	[sflag:s18] =	ssyncset.done $0x0  }
0x444: {  	[sflag:s18] =	ssyncadd.s32 $0xFFFF8000  }
0x445: {  	[hbm4b:s10+s19] =	stream.strided.scatter [tilespmem:s12], [sflag:$0x5], $0x8000, s22, s19, $0x38;
	[tilespmem:$0x1D800] =	vst v63  }
0x446: {  	_ =	swait.ge [sflag:s28], $0x800  }
0x447: {  	[sflag:s28] =	ssyncset.done $0x0  }
0x448: {  	[sflag:s28] =	ssyncadd.s32 $0xFFFFF800  }
0x449: {  	_ =	swait.ge [sflag:s23], $0x8000  }
0x44a: {  	s14 =	sld [smem:$0x7F0]  }
0x44b: {  	[sflag:s23] =	ssyncset.done $0x0  }
0x44c: {  	s30 =	sld [smem:$0x7F1];
	[sflag:s23] =	ssyncadd.s32 $0xFFFF8000  }
0x44d: {  	[tilespmem:s25], [sflag:$0x4] =	stream.indirect.gather [spmem:s14], $0x10, s24, s11, $0xb8;
	[tilespmem:$0x1D800] =	vst v63  }
0x44e: {  	_ = 	snop  }
0x44f: {  	[tilespmem:s17], [sflag:$0x1] =	stream.linear.gather [hbm4b:s30+s2], $0x800, $0x38;
	[tilespmem:$0x1D800] =	vst v63  }
0x450: {  	_ =	swait.ge [sflag:s26], $0x8000  }
0x451: {  	s31 =	sld [smem:$0x7F2]  }
0x452: {  	[sflag:s26] =	ssyncset.done $0x0  }
0x453: {  	[sflag:s26] =	ssyncadd.s32 $0xFFFF8000  }
0x454: {  	[hbm4b:s31+s19] =	stream.strided.scatter [tilespmem:s25], [sflag:$0x6], $0x8000, s22, s19, $0x38;
	[tilespmem:$0x1D800] =	vst v63  }
0x455: {  	_ =	swait.ge [sflag:s21], $0x800  }
0x456: {  	[sflag:s21] =	ssyncset.done $0x0  }
0x457: {  	[sflag:s21] =	ssyncadd.s32 $0xFFFFF800  }
0x458: {  	_ =	swait.ge [sflag:s20], $0x8000  }
0x459: {  	s1 =	sld [smem:$0x7F3]  }
0x45a: {  	[sflag:s20] =	ssyncset.done $0x0  }
0x45b: {  	s10 =	sld [smem:$0x7F4];
	[sflag:s20] =	ssyncadd.s32 $0xFFFF8000  }
0x45c: {  	[tilespmem:s12], [sflag:$0x3] =	stream.indirect.gather [spmem:s1], $0x10, s17, s11, $0xb8;
	[tilespmem:$0x1D800] =	vst v63  }
0x45d: {  	_ = 	snop  }
0x45e: {  	[tilespmem:s24], [sflag:$0x2] =	stream.linear.gather [hbm4b:s10+s2], $0x800, $0x38;
	[tilespmem:$0x1D800] =	vst v63  }
0x45f: {  	_ =	swait.ge [sflag:s18], $0x8000  }
0x460: {  	s14 =	sld [smem:$0x7F5]  }
0x461: {  	[sflag:s18] =	ssyncset.done $0x0  }
0x462: {  	[sflag:s18] =	ssyncadd.s32 $0xFFFF8000  }
0x463: {  	[hbm4b:s14+s19] =	stream.strided.scatter [tilespmem:s12], [sflag:$0x5], $0x8000, s22, s19, $0x38;
	[tilespmem:$0x1D800] =	vst v63  }
0x464: {  	_ =	swait.ge [sflag:s28], $0x800  }
0x465: {  	[sflag:s28] =	ssyncset.done $0x0  }
0x466: {  	[sflag:s28] =	ssyncadd.s32 $0xFFFFF800  }
0x467: {  	_ =	swait.ge [sflag:s23], $0x8000  }
0x468: {  	s30 =	sld [smem:$0x7F6]  }
0x469: {  	[sflag:s23] =	ssyncset.done $0x0  }
0x46a: {  	s31 =	sld [smem:$0x7F7];
	[sflag:s23] =	ssyncadd.s32 $0xFFFF8000  }
0x46b: {  	[tilespmem:s25], [sflag:$0x4] =	stream.indirect.gather [spmem:s30], $0x10, s24, s11, $0xb8;
	[tilespmem:$0x1D800] =	vst v63  }
0x46c: {  	_ = 	snop  }
0x46d: {  	[tilespmem:s17], [sflag:$0x1] =	stream.linear.gather [hbm4b:s31+s2], $0x800, $0x38;
	[tilespmem:$0x1D800] =	vst v63  }
0x46e: {  	_ =	swait.ge [sflag:s26], $0x8000  }
0x46f: {  	s1 =	sld [smem:$0x7F8]  }
0x470: {  	[sflag:s26] =	ssyncset.done $0x0  }
0x471: {  	[sflag:s26] =	ssyncadd.s32 $0xFFFF8000  }
0x472: {  	[hbm4b:s1+s19] =	stream.strided.scatter [tilespmem:s25], [sflag:$0x6], $0x8000, s22, s19, $0x38;
	[tilespmem:$0x1D800] =	vst v63  }
0x473: {  	_ =	swait.ge [sflag:s21], $0x800  }
0x474: {  	[sflag:s21] =	ssyncset.done $0x0  }
0x475: {  	[sflag:s21] =	ssyncadd.s32 $0xFFFFF800  }
0x476: {  	_ =	swait.ge [sflag:s20], $0x8000  }
0x477: {  	s10 =	sld [smem:$0x7F9]  }
0x478: {  	[sflag:s20] =	ssyncset.done $0x0  }
0x479: {  	s14 =	sld [smem:$0x7FA];
	[sflag:s20] =	ssyncadd.s32 $0xFFFF8000  }
0x47a: {  	[tilespmem:s12], [sflag:$0x3] =	stream.indirect.gather [spmem:s10], $0x10, s17, s11, $0xb8;
	[tilespmem:$0x1D800] =	vst v63  }
0x47b: {  	_ = 	snop  }
0x47c: {  	[tilespmem:s24], [sflag:$0x2] =	stream.linear.gather [hbm4b:s14+s2], $0x800, $0x38;
	[tilespmem:$0x1D800] =	vst v63  }
0x47d: {  	_ =	swait.ge [sflag:s18], $0x8000  }
0x47e: {  	[sflag:s18] =	ssyncset.done $0x0  }
0x47f: {  	[sflag:s18] =	ssyncadd.s32 $0xFFFF8000  }
0x480: {  	[hbm4b:s16+s19] =	stream.strided.scatter [tilespmem:s12], [sflag:$0x5], $0x8000, s22, s19, $0x38;
	[tilespmem:$0x1D800] =	vst v63  }
0x481: {  	_ =	swait.ge [sflag:s28], $0x800  }
0x482: {  	[sflag:s28] =	ssyncset.done $0x0  }
0x483: {  	[sflag:s28] =	ssyncadd.s32 $0xFFFFF800  }
0x484: {  	_ =	swait.ge [sflag:s23], $0x8000  }
0x485: {  	[sflag:s23] =	ssyncset.done $0x0  }
0x486: {  	[sflag:s23] =	ssyncadd.s32 $0xFFFF8000  }
0x487: {  	[tilespmem:s25], [sflag:$0x4] =	stream.indirect.gather [spmem:s5], $0x10, s24, s11, $0xb8;
	[tilespmem:$0x1D800] =	vst v63  }
0x488: {  	_ = 	snop  }
0x489: {  	[tilespmem:s17], [sflag:$0x1] =	stream.linear.gather [hbm4b:s4+s2], $0x800, $0x38;
	[tilespmem:$0x1D800] =	vst v63  }
0x48a: {  	_ =	swait.ge [sflag:s26], $0x8000  }
0x48b: {  	[sflag:s26] =	ssyncset.done $0x0  }
0x48c: {  	[sflag:s26] =	ssyncadd.s32 $0xFFFF8000  }
0x48d: {  	[hbm4b:s15+s19] =	stream.strided.scatter [tilespmem:s25], [sflag:$0x6], $0x8000, s22, s19, $0x38;
	[tilespmem:$0x1D800] =	vst v63  }
0x48e: {  	_ =	swait.ge [sflag:s21], $0x800  }
0x48f: {  	[sflag:s21] =	ssyncset.done $0x0  }
0x490: {  	[sflag:s21] =	ssyncadd.s32 $0xFFFFF800  }
0x491: {  	_ =	swait.ge [sflag:s20], $0x8000  }
0x492: {  	[sflag:s20] =	ssyncset.done $0x0  }
0x493: {  	[sflag:s20] =	ssyncadd.s32 $0xFFFF8000  }
0x494: {  	[tilespmem:s12], [sflag:$0x3] =	stream.indirect.gather [spmem:s6], $0x10, s17, s11, $0xb8;
	[tilespmem:$0x1D800] =	vst v63  }
0x495: {  	_ = 	snop  }
0x496: {  	[tilespmem:s24], [sflag:$0x2] =	stream.linear.gather [hbm4b:s9+s2], $0x800, $0x38;
	[tilespmem:$0x1D800] =	vst v63  }
0x497: {  	_ =	swait.ge [sflag:s18], $0x8000  }
0x498: {  	s30 =	sld [smem:$0x7FD]  }
0x499: {  	[sflag:s18] =	ssyncset.done $0x0  }
0x49a: {  	[sflag:s18] =	ssyncadd.s32 $0xFFFF8000  }
0x49b: {  	[hbm4b:s30+s19] =	stream.strided.scatter [tilespmem:s12], [sflag:$0x5], $0x8000, s22, s19, $0x38;
	[tilespmem:$0x1D800] =	vst v63  }
0x49c: {  	_ =	swait.ge [sflag:s28], $0x800  }
0x49d: {  	[sflag:s28] =	ssyncset.done $0x0  }
0x49e: {  	[sflag:s28] =	ssyncadd.s32 $0xFFFFF800  }
0x49f: {  	_ =	swait.ge [sflag:s23], $0x8000  }
0x4a0: {  	[sflag:s23] =	ssyncset.done $0x0  }
0x4a1: {  	[sflag:s23] =	ssyncadd.s32 $0xFFFF8000  }
0x4a2: {  	[tilespmem:s25], [sflag:$0x4] =	stream.indirect.gather [spmem:s7], $0x10, s24, s11, $0xb8;
	[tilespmem:$0x1D800] =	vst v63  }
0x4a3: {  	_ = 	snop  }
0x4a4: {  	[tilespmem:s17], [sflag:$0x1] =	stream.linear.gather [hbm4b:s13+s2], $0x800, $0x38;
	[tilespmem:$0x1D800] =	vst v63  }
0x4a5: {  	_ =	swait.ge [sflag:s26], $0x8000  }
0x4a6: {  	s31 =	sld [smem:$0x7FC]  }
0x4a7: {  	[sflag:s26] =	ssyncset.done $0x0  }
0x4a8: {  	[sflag:s26] =	ssyncadd.s32 $0xFFFF8000  }
0x4a9: {  	[hbm4b:s31+s19] =	stream.strided.scatter [tilespmem:s25], [sflag:$0x6], $0x8000, s22, s19, $0x38;
	[tilespmem:$0x1D800] =	vst v63  }
0x4aa: {  	_ =	swait.ge [sflag:s21], $0x800  }
0x4ab: {  	[sflag:s21] =	ssyncset.done $0x0  }
0x4ac: {  	[sflag:s21] =	ssyncadd.s32 $0xFFFFF800  }
0x4ad: {  	_ =	swait.ge [sflag:s20], $0x8000  }
0x4ae: {  	[sflag:s20] =	ssyncset.done $0x0  }
0x4af: {  	[sflag:s20] =	ssyncadd.s32 $0xFFFF8000  }
0x4b0: {  	[tilespmem:s12], [sflag:$0x3] =	stream.indirect.gather [spmem:s8], $0x10, s17, s11, $0xb8;
	[tilespmem:$0x1D800] =	vst v63  }
0x4b1: {  	_ =	swait.ge [sflag:s18], $0x8000  }
0x4b2: {  	[sflag:s18] =	ssyncset.done $0x0  }
0x4b3: {  	[sflag:s18] =	ssyncadd.s32 $0xFFFF8000  }
0x4b4: {  	[hbm4b:s3+s19] =	stream.strided.scatter [tilespmem:s12], [sflag:$0x5], $0x8000, s22, s19, $0x38;
	[tilespmem:$0x1D800] =	vst v63  }
0x4b5: {  	_ =	swait.ge [sflag:s23], $0x8000  }
0x4b6: {  	[sflag:s23] =	ssyncset.done $0x0  }
0x4b7: {  	[sflag:s23] =	ssyncadd.s32 $0xFFFF8000  }
0x4b8: {  	_ =	swait.ge [sflag:s20], $0x8000  }
0x4b9: {  	[sflag:s20] =	ssyncset.done $0x0  }
0x4ba: {  	[sflag:s20] =	ssyncadd.s32 $0xFFFF8000  }
0x4bb: {  	_ =	sfence.sel $0x180000  }
0x4bc: {  	[bflag:$0x0] =	sbarrier.arrive $0xFFFF  }
0x4bd: {  	_ =	strace $0x90000047  }
0x4be: {  	[bflag:$0x2] =	sbarrier.arrive $0xFFFF  }
0x4bf: {  	p0 =	sne.s32 s29, $0x0;
	s0 =	rddreg [dreg:$0x3]  }
0x4c0: {  	s0 =	sadd.s32 @!p0 $0x100000, s0  }
0x4c1: {  	[sflag:s0] =	ssyncadd.tile.s32 @!p0 $0x1;
	_ =	shalt  }
.LBB2_1:
.Ltmp3:
0x4c2: {  	(pc) =	sbr.rel .LBB2_6-.Ltmp3, $3  }
0x4c3: {  	_ =	sdelay $0x1  }
0x4c4: {  	s16 =	sld [smem:$0x7FB];
	s7 =	smov.u32 s6  }
0x4c5: {  	s6 =	smov.u32 s5;
	s5 =	smov.u32 s31;
	s31 =	simm.s32 $0x8  }
.LBB2_3:
.Ltmp4:
0x4c6: {  	(pc) =	sbr.rel .LBB2_6-.Ltmp4, $3  }
0x4c7: {  	_ =	sdelay $0x1  }
0x4c8: {  	s3 =	smov.u32 s4;
	s16 =	sld [smem:$0x7FB];
	s31 =	simm.s32 $0x8  }
0x4c9: {  	s29 =	stileid.u32;
	s4 =	smov.u32 s9;
	s9 =	smov.u32 s10  }
.Lfunc_end2:
_tile_overlayer_lowered:
.L_overlay_start_2:
0x4ca: {  	(tag) =	ssettag $0x2  }
0x4cb: {  	s0 =	rddreg [dreg:$0x0];
	s2 =	stileid.u32  }
0x4cc: {  	s1 =	rddreg [dreg:$0x1];
	p0 =	sne.s32 s2, $0x0  }
0x4cd: {  	s3 =	rddreg [dreg:$0x2];
	[bflag:$0x3] =	sbarrier.arrive $0xFFFF;
	s2 =	simm.s32 @!p0 $0x1C07  }
0x4ce: {  	[timem:s3], [sflag:s2] =	dma.local @!p0 [hbm:s0], s1  }
0x4cf: {  	s0 =	simm.s32 @!p0 $0x7  }
0x4d0: {  	_ =	swait.ge @!p0 [sflag:s0], s1  }
0x4d1: {  	s1 =	ssub.s32 @!p0 $0x0, s1;
	[sflag:s0] =	ssyncset.done @!p0 $0x0  }
0x4d2: {  	[sflag:s0] =	ssyncadd.s32 @!p0 s1  }
0x4d3: {  	[bflag:$0x3] =	sbarrier.arrive $0xFFFF  }
0x4d4: {  	_ =	shalt  }

// kernel: sparse-core-data-format-call.cloned.1.call-start
scs
called_computation_lowered:
.L_overlay_start_0:
0x0: {  	s2 =	sld [smem:$0x3FD9]  }
0x1: {  	s3 =	sld [smem:$0x3FFE];
	_ =	sdelay $0x1  }
0x2: {  	s1 =	srdreg.scid  }
0x3: {  	s0 =	sand.u32 $0x1, s1  }
0x4: {  	s18 =	sshll.u32 s0, $0xA;
	s2 =	sadd.s32 s3, s2  }
0x5: {  	s2 =	sadd.s32 s2, s18  }
0x6: {  	[smem:$0x3FC6] =	sst s2  }
0x7: {  	_ = 	snop  }
0x8: {  	s2 =	sld [smem:$0x3FD0];
	(tm) =	ssettm $0x1  }
0x9: {  	s19 =	sld [smem:$0x3FFB];
	_ =	sdelay $0x3  }
0xa: {  	_ =	strace s19  }
0xb: {  	s3 =	sld [smem:$0x3FFC];
	_ =	sdelay $0x3  }
0xc: {  	_ =	strace s3  }
0xd: {  	s3 =	sld [smem:$0x3FFD];
	_ =	sdelay $0x3  }
0xe: {  	_ =	strace s3  }
0xf: {  	_ =	strace $0x8FFFFFFF  }
0x10: {  	s20 =	sld [smem:$0x3FDB];
	_ =	sdelay $0x1  }
0x11: {  	s4 =	simm.s32 $_scs_section_size  }
0x12: {  	s5 =	simm.s32 $_size__tile_overlayer_lowered;
	s6 =	simm.s32 $_tile_overlayer_lowered  }
0x13: {  	s23 =	simm.s32 $0x1BFF;
	s22 =	sshll.u32 s6, $0x1;
	s3 =	sadd.s32 s4, s20  }
0x14: {  	s7 =	simm.s32 $0x0;
	s21 =	sshll.u32 s5, $0x1;
	s5 =	sadd.s32 s22, s3  }
0x15: {  	[timem:s7], [sflag:s23] =	dma.local [hbm:s5], s21  }
0x16: {  	_ =	swait.ge [sflag:s23], s21  }
0x17: {  	s4 =	ssub.s32 $0x0, s21;
	[sflag:s23] =	ssyncset.done $0x0  }
0x18: {  	[sflag:s23] =	ssyncadd.s32 s4;
	_ =	sdelay $0x1  }
0x19: {  	s24 =	simm.s32 $0x1B8B  }
0x1a: {  	_ =	swait.ge [sflag:s24], $0x1  }
0x1b: {  	[sflag:s24] =	ssyncset.done $0x0  }
0x1c: {  	s26 =	simm.s32 $0x1B8E;
	s25 =	sld [smem:$0x3FFE];
	[sflag:s24] =	ssyncadd.s32 $0xFFFFFFFF  }
0x1d: {  	s27 =	simm.s32 $execute0_lowered;
	[smem:$0x3FD2] =	sst s26  }
0x1e: {  	s5 =	sshll.u32 s27, $0x1;
	_ =	strace $0x80000049;
	[dreg:$0x1] =	wrdreg $0xFFFFFFFF  }
0x1f: {  	s28 =	simm.s32 $_size_execute0_lowered;
	s3 =	sadd.s32 s3, s5;
	[dreg:$0x0] =	wrdreg $0x0  }
0x20: {  	s5 =	sshll.u32 s28, $0x1;
	[dreg:$0x2] =	wrdreg s3  }
0x21: {  	[dreg:$0x3] =	wrdreg s5  }
0x22: {  	[dreg:$0x4] =	wrdreg $0xC0  }
0x23: {  	_ =	task [dreg:s7], $0x5FFFF  }
0x24: {  	[dreg:$0x1] =	wrdreg $0xFFFFFFFF  }
0x25: {  	[dreg:$0x0] =	wrdreg $0x60  }
0x26: {  	[dreg:$0x2] =	wrdreg s25  }
0x27: {  	[dreg:$0x3] =	wrdreg s2  }
0x28: {  	[dreg:$0x4] =	wrdreg $0x9  }
0x29: {  	_ =	task.clear_ibuf [dreg:s7], $0x5FFFF;
	_ =	strace $0x90000049  }
0x2a: {  	s29 =	simm.s32 $0x9;
	_ =	strace $0x8000004B  }
0x2b: {  	_ =	swait.ge [sflag:s29], $0x1  }
0x2c: {  	[sflag:s29] =	ssyncadd.s32 $0xFFFFFFFF  }
0x2d: {  	_ =	strace $0x9000004B  }
0x2e: {  	_ =	sfence  }
0x2f: {  	s30 =	sld [smem:$0x0];
	_ =	sdelay $0x2  }
0x30: {  	s31 =	sshll.u32 s1, $0xD;
	s1 =	sshrl.u32 s1, $0x2  }
0x31: {  	s3 =	sand.u32 $0x4000, s31;
	s1 =	sadd.s32 s1, s30  }
0x32: {  	s0 =	sor.u32 s3, s0;
	s1 =	sshll.u32 s1, $0x11  }
0x33: {  	s0 =	sor.u32 s1, s0  }
0x34: {  	s0 =	sadd.s32 $0x8F2B, s0  }
0x35: {  	[sflag:s0] =	ssyncadd.remote.s32 $0x1  }
0x36: {  	_ =	sfence.sel $0xFFFF  }
0x37: {  	[dreg:$0x0] =	wrdreg $0xFFFFFFFF;
	(pc) =	sbr.abs _section_cstart, $3  }
0x38: {  	[dreg:$0x1] =	wrdreg $0xFFFFFFFF  }
0x39: {  	_ =	task.clear_ibuf [dreg:s7], $0x2FFFF;
	_ =	strace $0x9FFFFFFF  }
0x3a: {  	(tm) =	ssettm $0x7FFFFFFF  }
0x3b: {  	_ =	shalt  }
tec
execute0_lowered:
.L_overlay_start_1:
0x0: {  	(tag) =	ssettag $0x1  }
0x1: {  	s0 =	srdreg.scid  }
0x2: {  	s1 =	sshll.u32 s0, $0x4  }
0x3: {  	s6 =	rddreg [dreg:$0x0];
	s0 =	stileid.u32;
	s1 =	sand.u32 $0x10, s1  }
0x4: {  	s3 =	rddreg [dreg:$0x1];
	s1 =	sor.u32 s0, s1  }
0x5: {  	s5 =	simm.s32 $0x1;
	s31 =	simm.s32 $0x2;
	s2 =	sshll.u32 s1, $0x7  }
0x6: {  	s15 =	simm.s32 $0x0;
	s8 =	simm.s32 $0x20000;
	s4 =	ssub.s32 $0x4000, s2  }
0x7: {  	s14 =	simm.s32 $0x0;
	s9 =	simm.s32 $0x0;
	s30 =	sand.u32 $0xF80, s4  }
0x8: {  	s10 =	simm.s32 $0x0;
	s11 =	simm.s32 $0x0;
	p0 =	sne.s32 s30, $0x0  }
.Ltmp0:
0x9: {  	s7 =	sshrl.u32 s4, $0xC;
	s5 =	simm.s32 @!p0 $0x0;
	(pc) =	sbr.rel .LBB1_1-.Ltmp0, $4  }
0xa: {  	s13 =	simm.s32 $0x0;
	s1 =	rddreg [dreg:$0x2];
	s5 =	sadd.s32 s5, s7  }
0xb: {  	_ =	strace $0x8000004A;
	s4 =	simm.s32 $0x1;
	s5 =	smul.u32 $0xD, s5  }
0xc: {  	s6 =	sadd.s32 $0x800, s6;
	s12 =	smov.u32 s2;
	[sflag:s4] =	ssyncpa.u1 $0x0  }
0xd: {  	[sflag:s31] =	ssyncpa.u1 $0x0;
	p0 =	por $0x0, $0x0;
	s7 =	sadd.s32 $0x1, s5  }
.LBB1_4:
0xe: {  	s20 =	sshra.s32 s20, $0x2  }
0xf: {  	s28 =	sand.u32 $0x78, s10;
	s21 =	sshll.u32 s9, $0xE;
	s22 =	sshll.u32 s10, $0x3  }
0x10: {  	s24 =	sshll.u32 s9, $0x7;
	p1 =	sgt.s32 s9, $0x5C0;
	s30 =	sshra.s32 s9, $0x1F  }
0x11: {  	s26 =	sshra.s32 s10, $0x1F;
	s19 =	sadd.s32 s20, s19;
	s21 =	sand.u32 $0xFFFE0000, s21  }
0x12: {  	v5 =	vld [tilespmem:s17+$0xFFFFFFD0];
	[tilespmem:s18+$0x2040 ss:$0x81] =	vst.msk $0xffff, v4;
	s23 =	sand.u32 $0xFFFFFC00, s22;
	s29 =	sand.u32 $0x380, s24;
	s22 =	sand.u32 $0x3C00, s22  }
0x13: {  	v58 =	vld [tilespmem:s17+$0xFFFFFFE0];
	[tilespmem:s18+$0x2850 ss:$0x81] =	vst.msk $0xffff, v3;
	s21 =	sadd.s32 s23, s21;
	s20 =	sor.u32 s28, s22;
	s22 =	smov.u32 s9  }
0x14: {  	v59 =	vld [tilespmem:s17+$0xFFFFFFF0];
	[tilespmem:s18+$0x3060 ss:$0x81] =	vst.msk $0xffff, v2;
	s24 =	sand.u32 s30, s9;
	s21 =	sshrl.u32 s21, $0xE;
	s22 =	simm.s32 @!p1 $0x5C0  }
0x15: {  	v60 =	vld [tilespmem:s17+$0x0];
	[tilespmem:s18+$0x0 ss:$0x81] =	vst.msk $0xffff, v1;
	p1 =	sgt.s32 s10, $0x3F80;
	s31 =	ssub.s32 s22, s24;
	s22 =	smov.u32 s10  }
0x16: {  	v61 =	vld [tilespmem:s17+$0x10];
	[tilespmem:s19+$0x3870 ss:$0x81] =	vst.msk $0xffff, v0;
	s25 =	smulhi.u32 $0x28F5C3, s21;
	s24 =	sand.u32 s26, s10;
	s22 =	simm.s32 @!p1 $0x3F80  }
0x17: {  	v62 =	vld [tilespmem:s17+$0x20];
	s20 =	sor.u32 s29, s20;
	[tilespmem:s19+$0x810 ss:$0x81] =	vst.msk $0xffff, v5;
	s27 =	sadd.s32 $0xFFFFFA40, s31;
	s22 =	ssub.s32 s22, s24  }
0x18: {  	v63 =	vld [tilespmem:s17+$0xFFFFFFC0];
	[tilespmem:s19+$0x1020 ss:$0x81] =	vst.msk $0xffff, v58;
	s18 =	ssub.s32 $0x640, s31;
	s28 =	smul.u32 $0x640, s25;
	s29 =	sadd.s32 $0xFFFFC080, s22  }
0x19: {  	[tilespmem:s19+$0x1830 ss:$0x81] =	vst.msk $0xffff, v59;
	p1 =	sgt.s32 s27, $0x7F;
	s22 =	ssub.s32 $0x4000, s22;
	p2 =	sgt.s32 s29, $0x7F  }
0x1a: {  	s30 =	sand.u32 $0x7, s10;
	[tilespmem:s19+$0x2040 ss:$0x81] =	vst.msk $0xffff, v60;
	s18 =	simm.s32 @p1 $0x0;
	s22 =	simm.s32 @p2 $0x0  }
0x1b: {  	s20 =	sshrl.u32 s20, $0x3;
	[tilespmem:s19+$0x2850 ss:$0x81] =	vst.msk $0xffff, v61;
	s17 =	ssub.s32 s21, s28;
	s18 =	smul.u32 s22, s18  }
0x1c: {  	[tilespmem:s19+$0x3060 ss:$0x81] =	vst.msk $0xffff, v62;
	s20 =	sadd.s32 s3, s20;
	s21 =	sshll.u32 s30, $0x12;
	s17 =	sshll.u32 s17, $0xB  }
0x1d: {  	[tilespmem:s19+$0x0 ss:$0x81] =	vst.msk $0xffff, v63;
	s31 =	sor.u32 $0x400, s21;
	s17 =	sadd.s32 s17, s20;
	s18 =	sand.u32 $0x3FFFFFFF, s18  }
0x1e: {  	[hbm4b:s17+s31] =	stream.strided.scatter [tilespmem:s16], [sflag:$0x2], s18, s8, s31, $0x20;
	[tilespmem:$0x10100] =	vst v63  }
.LBB1_5:
0x1f: {  	p1 =	slt.u32 s13, $0x2  }
0x20: {  	s17 =	smov.u32 s15;
	p2 =	sgt.s32 @!p1 s15, $0x5C0;
	s16 =	sshra.s32 @!p1 s15, $0x1F  }
0x21: {  	p3 =	sgt.s32 @!p1 s14, $0x3F80;
	s18 =	sshra.s32 @!p1 s14, $0x1F;
	p2 =	por !p2, p1  }
0x22: {  	s15 =	sand.u32 @!p1 s16, s15;
	p3 =	por !p3, p1;
	s16 =	smov.u32 s14  }
0x23: {  	s14 =	sand.u32 @!p1 s18, s14;
	s17 =	simm.s32 @p2 $0x5C0;
	s16 =	simm.s32 @p3 $0x3F80  }
0x24: {  	s15 =	ssub.s32 @!p1 s17, s15;
	s14 =	ssub.s32 @!p1 s16, s14  }
0x25: {  	s18 =	smov.u32 s12;
	s16 =	sadd.s32 @!p1 $0xFFFFFA40, s15;
	s17 =	sadd.s32 @!p1 $0xFFFFC080, s14  }
0x26: {  	s15 =	ssub.s32 @!p1 $0x640, s15;
	p2 =	sgt.s32 @!p1 s16, $0x7F;
	p3 =	sgt.s32 @!p1 s17, $0x7F  }
0x27: {  	s14 =	ssub.s32 @!p1 $0x4000, s14;
	p2 =	por !p2, p1;
	p3 =	por !p3, p1  }
0x28: {  	s16 =	sadd.s32 $0x80, s11;
	s15 =	simm.s32 @!p2 $0x0;
	s14 =	simm.s32 @!p3 $0x0  }
0x29: {  	p2 =	sgt.s32 s16, $0x63F;
	s14 =	smul.u32 @!p1 s14, s15;
	s15 =	sadd.s32 $0x1000, s12  }
0x2a: {  	s18 =	smov.u32 @p2 s15  }
0x2b: {  	s16 =	simm.s32 @p2 $0x0;
	p2 =	sgt.s32 s18, $0x3FFF  }
0x2c: {  	s18 =	smov.u32 @p2 s2;
	p2 =	sne.s32 s13, s7  }
.Ltmp1:
0x2d: {  	p0 =	por !p0, !p0;
	s17 =	simm.s32 @!p1 $0x2;
	(pc) =	sbr.rel @!p2 .LBB1_6-.Ltmp1, $4  }
0x2e: {  	s15 =	smov.u32 s9;
	s9 =	smov.u32 s11;
	s14 =	sand.u32 @!p1 $0x3FFFFFFF, s14  }
0x2f: {  	s11 =	smov.u32 s16;
	_ =	swait.ge @!p1 [sflag:s17], s14;
	s19 =	ssub.s32 @!p1 $0x0, s14  }
0x30: {  	s14 =	smov.u32 s10;
	s13 =	sadd.s32 $0x1, s13;
	[sflag:s17] =	ssyncset.done @!p1 $0x0  }
0x31: {  	s10 =	smov.u32 s12;
	s12 =	smov.u32 s18;
	[sflag:s17] =	ssyncadd.s32 @!p1 s19  }
.LBB1_1:
0x32: {  	p1 =	sge.u32 s13, s5  }
0x33: {  	s16 =	sshrl.u32 @!p1 s12, $0x3  }
0x34: {  	s17 =	sshll.u32 @!p1 s11, $0x3;
	s16 =	smul.u32 @!p1 $0x3400, s16  }
0x35: {  	s18 =	sshll.u32 @!p1 s12, $0x7;
	s17 =	sand.u32 @!p1 $0xFFFFFC00, s17  }
0x36: {  	s16 =	sadd.s32 @!p1 s16, s17;
	s17 =	sand.u32 @!p1 $0x380, s18  }
0x37: {  	s18 =	sand.u32 @!p1 $0x7F, s11;
	s16 =	sor.u32 @!p1 s17, s16  }
0x38: {  	s17 =	sor.u32 @!p1 s18, s16  }
0x39: {  	s18 =	smulhi.u32 @!p1 $0x4EC4EC4F, s17;
	_ =	sdelay $0x1  }
0x3a: {  	s16 =	smulhi.u32 @!p1 $0x4EC4EC4F, s16;
	s18 =	sshrl.u32 @!p1 s18, $0x9  }
0x3b: {  	s18 =	smul.u32 @!p1 $0x680, s18  }
0x3c: {  	s31 =	sadd.s32 $0xFFFFFFFF, s13;
	s19 =	sxor.u32 @!p1 $0xFFFFFFFF, s13;
	s16 =	sshrl.u32 @!p1 s16, $0x9  }
0x3d: {  	s19 =	sshll.u32 @!p1 s19, $0xE;
	s16 =	sand.u32 @!p1 $0x3FFF, s16;
	s17 =	ssub.s32 @!p1 s17, s18  }
0x3e: {  	s16 =	smul.u32 @!p1 $0xD0, s16;
	s18 =	sshrl.u32 @!p1 s17, $0x3;
	s17 =	sand.u32 @!p1 $0x7, s17  }
0x3f: {  	s19 =	sand.u32 @!p1 $0x4000, s19;
	s18 =	sadd.s32 @!p1 s6, s18;
	s17 =	sshll.u32 @!p1 s17, $0x12  }
0x40: {  	s16 =	sadd.s32 @!p1 s16, s18;
	s17 =	sor.u32 @!p1 $0x400, s17;
	s18 =	simm.s32 @!p1 $0x3400  }
0x41: {  	[tilespmem:s19], [sflag:$0x1] =	stream.strided.gather @!p1 [hbm4b:s16+s17], $0x4000, s18, s17, $0x38;
	[tilespmem:$0x10100] =	vst v63  }
0x42: {  	p1 =	sge.u32 s31, s5  }
.Ltmp2:
0x43: {  	_ = 	snop;
	(pc) =	sbr.rel @p1 .LBB1_5-.Ltmp2, $1  }
0x44: {  	_ =	sdelay $0x3  }
0x45: {  	s16 =	simm.s32 $0x1  }
0x46: {  	_ =	swait.ge [sflag:s4], $0x4000;
	s16 =	simm.s32 @!p0 $0x0  }
0x47: {  	[sflag:s4] =	ssyncset.done $0x0;
	s17 =	sshll.u32 s16, $0xE  }
0x48: {  	[sflag:s4] =	ssyncadd.s32 $0xFFFFC000;
	s17 =	sor.u32 $0x40, s17  }
0x49: {  	s16 =	smul.u32 $0x10200, s16;
	v0 =	vld [tilespmem:s17+$0x30]  }
0x4a: {  	v1 =	vld [tilespmem:s17+$0xFFFFFFD0]  }
0x4b: {  	s16 =	sshrl.u32 s16, $0x2;
	v5 =	vld [tilespmem:s17+$0xFFFFFFE0]  }
0x4c: {  	v6 =	vld [tilespmem:s17+$0xFFFFFFF0];
	s19 =	sor.u32 $0x8000, s16  }
0x4d: {  	s31 =	sand.u32 $0x1, s13;
	v4 =	vld [tilespmem:s17+$0x0];
	s18 =	sadd.s32 $0x0, s19  }
0x4e: {  	v3 =	vld [tilespmem:s17+$0x10];
	s16 =	smul.u32 $0x10200, s31;
	[tilespmem:s18+$0x3870 ss:$0x81] =	vst.msk $0xffff, v0  }
0x4f: {  	v2 =	vld [tilespmem:s17+$0x20];
	[tilespmem:s18+$0x810 ss:$0x81] =	vst.msk $0xffff, v1  }
0x50: {  	s16 =	sshrl.u32 s16, $0x2;
	v1 =	vld [tilespmem:s17+$0xFFFFFFC0];
	[tilespmem:s18+$0x1020 ss:$0x81] =	vst.msk $0xffff, v5;
	s17 =	sadd.s32 $0x80, s17  }
0x51: {  	s20 =	simm.s32 $0x4;
	s21 =	simm.s32 $0x8;
	s16 =	sor.u32 $0x8000, s16;
	[tilespmem:s18+$0x1830 ss:$0x81] =	vst.msk $0xffff, v6;
	v0 =	vld [tilespmem:s17+$0x30]  }
.LBB1_3:
0x52: {  	p1 =	sne.s32 s21, $0x1FC;
	v5 =	vld [tilespmem:s17+$0xFFFFFFD0];
	[tilespmem:s18+$0x2040 ss:$0x81] =	vst.msk $0xffff, v4  }
0x53: {  	v6 =	vld [tilespmem:s17+$0xFFFFFFE0];
	[tilespmem:s18+$0x2850 ss:$0x81] =	vst.msk $0xffff, v3  }
0x54: {  	s22 =	sshra.s32 s20, $0x2;
	s20 =	smov.u32 s21;
	v7 =	vld [tilespmem:s17+$0xFFFFFFF0];
	[tilespmem:s18+$0x3060 ss:$0x81] =	vst.msk $0xffff, v2  }
.Ltmp3:
0x55: {  	v4 =	vld [tilespmem:s17+$0x0];
	[tilespmem:s18+$0x0 ss:$0x81] =	vst.msk $0xffff, v1;
	s18 =	sadd.s32 s22, s19;
	(pc) =	sbr.rel @p1 .LBB1_3-.Ltmp3, $4  }
0x56: {  	v3 =	vld [tilespmem:s17+$0x10];
	[tilespmem:s18+$0x3870 ss:$0x81] =	vst.msk $0xffff, v0  }
0x57: {  	[tilespmem:s18+$0x810 ss:$0x81] =	vst.msk $0xffff, v5;
	v2 =	vld [tilespmem:s17+$0x20]  }
0x58: {  	v1 =	vld [tilespmem:s17+$0xFFFFFFC0];
	[tilespmem:s18+$0x1020 ss:$0x81] =	vst.msk $0xffff, v6;
	s17 =	sadd.s32 $0x80, s17  }
0x59: {  	s21 =	sadd.s32 $0x4, s21;
	v0 =	vld [tilespmem:s17+$0x30];
	[tilespmem:s18+$0x1830 ss:$0x81] =	vst.msk $0xffff, v7  }
.Ltmp4:
0x5a: {  	_ = 	snop;
	(pc) =	sbr.rel .LBB1_4-.Ltmp4, $1  }
0x5b: {  	_ =	sdelay $0x3  }
.LBB1_6:
0x5c: {  	_ =	sfence.sel $0x180000  }
0x5d: {  	s2 =	simm.s32 $0x1;
	[bflag:$0x0] =	sbarrier.arrive $0xFFFF  }
0x5e: {  	s31 =	simm.s32 $0x2;
	[sflag:s2] =	ssyncpa.u1 $0x1  }
0x5f: {  	[sflag:s31] =	ssyncpa.u1 $0x1  }
0x60: {  	p0 =	sne.s32 s0, $0x0;
	_ =	strace $0x9000004A  }
0x61: {  	s0 =	sadd.s32 @!p0 $0x100000, s1;
	[bflag:$0x2] =	sbarrier.arrive $0xFFFF  }
0x62: {  	[sflag:s0] =	ssyncadd.tile.s32 @!p0 $0x1;
	_ =	shalt  }
.Lfunc_end1:
_tile_overlayer_lowered:
.L_overlay_start_2:
0x63: {  	(tag) =	ssettag $0x2  }
0x64: {  	s0 =	rddreg [dreg:$0x0];
	s2 =	stileid.u32  }
0x65: {  	s1 =	rddreg [dreg:$0x1];
	p0 =	sne.s32 s2, $0x0  }
0x66: {  	s3 =	rddreg [dreg:$0x2];
	[bflag:$0x3] =	sbarrier.arrive $0xFFFF;
	s2 =	simm.s32 @!p0 $0x1C01  }
0x67: {  	[timem:s3], [sflag:s2] =	dma.local @!p0 [hbm:s0], s1  }
0x68: {  	s0 =	simm.s32 @!p0 $0x1  }
0x69: {  	_ =	swait.ge @!p0 [sflag:s0], s1  }
0x6a: {  	s1 =	ssub.s32 @!p0 $0x0, s1;
	[sflag:s0] =	ssyncset.done @!p0 $0x0  }
0x6b: {  	[sflag:s0] =	ssyncadd.s32 @!p0 s1  }
0x6c: {  	[bflag:$0x3] =	sbarrier.arrive $0xFFFF  }
0x6d: {  	_ =	shalt  }

</sc_bundles>
